<compile_context>
chip_gen: v7x
topology: tpu7x:2x2x1
jax: 0.10.2.dev20260603
libtpu: 0.0.44.dev20260713+nightly
codegen_flags: <defaults>
</compile_context>

<pallas_src>
import functools

import jax
import jax.numpy as jnp
from jax import lax
from jax.experimental import pallas as pl
from jax.experimental.pallas import tpu as pltpu
from jax.experimental.pallas import tpu_sc as plsc

NUM_CORES = 2
NUM_SUBCORES = 16
K = 80
NBUF = 4
PREF = 3
LOOK = PREF - 1
BN_EPS = 1e-5


def _make_sc_aggregate(n, d, e):
    nw = NUM_CORES * NUM_SUBCORES
    assert e % (nw * K) == 0 and n % NUM_SUBCORES == 0
    epw = e // nw
    n_chunks = epw // K
    rpt = n // NUM_SUBCORES
    assert n_chunks > 2 * NBUF and 1 <= LOOK < PREF < NBUF

    mesh = plsc.VectorSubcoreMesh(
        core_axis_name="c", subcore_axis_name="s",
        num_cores=NUM_CORES, num_subcores=NUM_SUBCORES)

    @functools.partial(
        pl.kernel,
        out_type=jax.ShapeDtypeStruct((NUM_CORES, n, d), jnp.float32),
        mesh=mesh,
        scratch_types=[
            pltpu.VMEM_SHARED((n, d), jnp.float32),
            pltpu.VMEM((NBUF, K), jnp.int32),
            pltpu.VMEM((NBUF, K), jnp.int32),
            pltpu.VMEM((NBUF, K, d), jnp.float32),
            pltpu.SemaphoreType.DMA((NBUF,)),
            pltpu.SemaphoreType.DMA((NBUF,)),
            pltpu.SemaphoreType.DMA((NBUF,)),
        ],
        compiler_params=pltpu.CompilerParams(use_tc_tiling_on_sc=False),
    )
    def agg(h_hbm, ei_hbm, part_hbm,
            accum, srci, dsti, rows, gsem, dsem, ssem):
        c = lax.axis_index("c")
        s = lax.axis_index("s")
        row0 = s * rpt
        e_base = (c * NUM_SUBCORES + s) * epw

        @pl.when(c == 0)
        def _():
            pltpu.sync_copy(h_hbm.at[pl.ds(row0, rpt)], accum.at[pl.ds(row0, rpt)])

        @pl.when(c != 0)
        def _():
            zv = jnp.zeros((16,), jnp.float32)

            def zero_vec(i, _):
                rows[0, i // (d // 16), pl.ds((i % (d // 16)) * 16, 16)] = zv
                return 0
            lax.fori_loop(0, K * d // 16, zero_vec, 0)
            nfull = rpt // K
            for q in range(nfull):
                pltpu.sync_copy(rows.at[0], accum.at[pl.ds(row0 + q * K, K)])
            rem = rpt - nfull * K
            if rem:
                pltpu.sync_copy(rows.at[0].at[pl.ds(0, rem)],
                                accum.at[pl.ds(row0 + nfull * K, rem)])

        plsc.subcore_barrier()

        def issue_pref(j, b):
            pltpu.async_copy(ei_hbm.at[0, pl.ds(e_base + j * K, K)],
                             srci.at[b], dsem.at[b])
            pltpu.async_copy(ei_hbm.at[1, pl.ds(e_base + j * K, K)],
                             dsti.at[b], dsem.at[b])

        def issue_gather(j, b):
            pltpu.async_copy(h_hbm.at[srci.at[b]], rows.at[b], gsem.at[b])

        def wait_pref(b):
            pltpu.make_async_copy(ei_hbm.at[0, pl.ds(0, K)], srci.at[b],
                                  dsem.at[b]).wait()
            pltpu.make_async_copy(ei_hbm.at[1, pl.ds(0, K)], dsti.at[b],
                                  dsem.at[b]).wait()

        def wait_gather(b):
            pltpu.make_async_copy(h_hbm.at[pl.ds(0, K)], rows.at[b],
                                  gsem.at[b]).wait()

        def issue_scatter(b):
            pltpu.async_copy(rows.at[b], accum.at[dsti.at[b]], ssem.at[b],
                             add=True)

        def wait_scatter(b):
            pltpu.make_async_copy(rows.at[b], accum.at[pl.ds(0, K)],
                                  ssem.at[b]).wait()

        def iteration(j, b, bp, bg, wait_s, do_pref, do_gather):
            wait_gather(b)
            issue_scatter(b)
            if wait_s:
                wait_scatter(bp)
            if do_pref:
                issue_pref(j + PREF, bp)
            if do_gather:
                wait_pref(bg)
                issue_gather(j + LOOK, bg)

        for j in range(PREF):
            issue_pref(j, j)
        for j in range(LOOK):
            wait_pref(j)
            issue_gather(j, j)
        for j in range(NBUF - PREF):
            iteration(j, j % NBUF, (j + PREF) % NBUF, (j + LOOK) % NBUF,
                      False, True, True)

        def body(j, _):
            iteration(j, lax.rem(j, NBUF), lax.rem(j + PREF, NBUF),
                      lax.rem(j + LOOK, NBUF), True, True, True)
            return 0
        lax.fori_loop(NBUF - PREF, n_chunks - PREF, body, 0)

        for j in range(n_chunks - PREF, n_chunks - LOOK):
            iteration(j, j % NBUF, (j + PREF) % NBUF, (j + LOOK) % NBUF,
                      False, False, True)
        for j in range(n_chunks - LOOK, n_chunks):
            iteration(j, j % NBUF, 0, 0, False, False, False)
        for j in range(n_chunks - NBUF, n_chunks):
            wait_scatter(j % NBUF)

        plsc.subcore_barrier()

        pltpu.sync_copy(accum.at[pl.ds(row0, rpt)], part_hbm.at[c, pl.ds(row0, rpt)])

    return agg


def _mlp_block(p_ref, w1_ref, g1_ref, b1_ref, e1_ref,
               w2_ref, g2_ref, b2_ref, e2_ref, o_ref):
    inv = 1.0 / jnp.sqrt(1.0 + BN_EPS)
    z = p_ref[0] + p_ref[1]
    s1 = g1_ref[...] * inv
    h1 = jnp.dot(z, w1_ref[...], preferred_element_type=jnp.float32) * s1
    h1 = jnp.maximum(h1 + (b1_ref[...] * s1 + e1_ref[...]), 0.0)
    s2 = g2_ref[...] * inv
    h2 = jnp.dot(h1, w2_ref[...], preferred_element_type=jnp.float32) * s2
    o_ref[...] = jnp.maximum(h2 + (b2_ref[...] * s2 + e2_ref[...]), 0.0)


def _make_tc_mlp(n, d, block_rows):
    assert n % block_rows == 0
    grid = (n // block_rows,)
    mat = pl.BlockSpec((d, d), lambda i: (0, 0))
    vec = pl.BlockSpec((1, d), lambda i: (0, 0))
    return pl.pallas_call(
        _mlp_block,
        grid=grid,
        in_specs=[pl.BlockSpec((2, block_rows, d), lambda i: (0, i, 0)),
                  mat, vec, vec, vec, mat, vec, vec, vec],
        out_specs=pl.BlockSpec((block_rows, d), lambda i: (i, 0)),
        out_shape=jax.ShapeDtypeStruct((n, d), jnp.float32),
    )


def kernel(x, edge_index, params):
    n, d = x.shape
    e = edge_index.shape[1]
    ei = edge_index.astype(jnp.int32)

    agg = _make_sc_aggregate(n, d, e)
    mlp = _make_tc_mlp(n, d, 2000)

    h = x
    for i in range(3):
        part = agg(h, ei)
        h = mlp(part,
                params[f"W1_{i}"], params[f"g1_{i}"].reshape(1, d),
                params[f"b1_{i}"].reshape(1, d), params[f"be1_{i}"].reshape(1, d),
                params[f"W2_{i}"], params[f"g2_{i}"].reshape(1, d),
                params[f"b2_{i}"].reshape(1, d), params[f"be2_{i}"].reshape(1, d))
    return h

# --- scband reference (transcript-rebuilt; emitter-appended) ---
"""Pipeline reference for scband-ginencoder-33225867002147 (READ-ONLY COPY).

The authoritative reference and input builder live on the scoring server;
editing this copy changes nothing except your own understanding.
"""

import jax, jax.numpy as jnp
import numpy as np

N = 10000
E = 320000
D = 128
H = 128
L = 3
BN_EPS = 1e-5


def setup_inputs(seed: int = 0) -> dict:
    key = jax.random.key(seed)
    kx, ke, kp = jax.random.split(key, 3)
    x = jax.random.normal(kx, (N, D), dtype=jnp.float32)
    edge_index = jax.random.randint(ke, (2, E), 0, N, dtype=jnp.int32).astype(jnp.int64)
    params = {}
    k = kp
    for i in range(L):
        in_d = D if i == 0 else H
        k, k1, k2 = jax.random.split(k, 3)
        lim1 = 1.0 / np.sqrt(in_d)
        lim2 = 1.0 / np.sqrt(H)
        params[f"W1_{i}"] = jax.random.uniform(k1, (in_d, H), minval=-lim1, maxval=lim1, dtype=jnp.float32)
        params[f"b1_{i}"] = jnp.zeros((H,), jnp.float32)
        params[f"g1_{i}"] = jnp.ones((H,), jnp.float32)
        params[f"be1_{i}"] = jnp.zeros((H,), jnp.float32)
        params[f"W2_{i}"] = jax.random.uniform(k2, (H, H), minval=-lim2, maxval=lim2, dtype=jnp.float32)
        params[f"b2_{i}"] = jnp.zeros((H,), jnp.float32)
        params[f"g2_{i}"] = jnp.ones((H,), jnp.float32)
        params[f"be2_{i}"] = jnp.zeros((H,), jnp.float32)
    return {"x": x, "edge_index": edge_index, "params": params}


def _bn_eval(z, g, b):
    # BatchNorm1d in eval mode with running_mean=0, running_var=1
    return g * z / jnp.sqrt(1.0 + BN_EPS) + b


def _forward(x, params, edge_index):
    src = edge_index[0]
    dst = edge_index[1]
    h = x
    for i in range(L):
        # GINConv: (1 + eps) * x + sum_{j in N(i)} x_j, eps = 0
        msg = jnp.take(h, src, axis=0)
        aggr = jnp.zeros(h.shape, h.dtype).at[dst].add(msg)
        z = h + aggr
        # MLP: Linear -> BN -> ReLU -> Linear
        z = z @ params[f"W1_{i}"] + params[f"b1_{i}"]
        z = _bn_eval(z, params[f"g1_{i}"], params[f"be1_{i}"])
        z = jax.nn.relu(z)
        z = z @ params[f"W2_{i}"] + params[f"b2_{i}"]
        # outer BN + ReLU
        h = _bn_eval(z, params[f"g2_{i}"], params[f"be2_{i}"])
        h = jax.nn.relu(h)
        # dropout is identity in eval mode
    return h


def reference(x, edge_index, params):
    return _forward(x, params, edge_index)

if __name__ == "__main__":
    import jax
    _d = setup_inputs()
    print(jax.jit(kernel)(*tuple(_d.values())))

</pallas_src>

<mosaic_0001>
#map = affine_map<(d0, d1) -> (0, 0)>
#map1 = affine_map<(d0, d1) -> (0, 0, 0)>
module attributes {stable_mosaic.version = 14 : i64} {
  func.func @agg(%arg0: i32, %arg1: i32, %arg2: memref<10000x128xf32, #tpu.memory_space<hbm>>, %arg3: memref<2x320000xi32, #tpu.memory_space<hbm>>, %arg4: memref<2x10000x128xf32, #tpu.memory_space<hbm>>, %arg5: memref<10000x128xf32, #tpu.memory_space<vmem_shared>>, %arg6: memref<4x80xi32, #tpu.memory_space<vmem>>, %arg7: memref<4x80xi32, #tpu.memory_space<vmem>>, %arg8: memref<4x80x128xf32, #tpu.memory_space<vmem>>, %arg9: memref<4x!tpu.dma_semaphore, #tpu.memory_space<semaphore_mem>>, %arg10: memref<4x!tpu.dma_semaphore, #tpu.memory_space<semaphore_mem>>, %arg11: memref<4x!tpu.dma_semaphore, #tpu.memory_space<semaphore_mem>>) attributes {dimension_semantics = [#tpu.dimension_semantics<core_parallel>, #tpu.dimension_semantics<subcore_parallel>], iteration_bounds = array<i64: 2, 16>, scalar_prefetch = 0 : i64, scratch_operands = 7 : i64, tpu.core_type = #tpu.core_type<sc_vector_subcore>, window_params = [{transform_indices = #map}, {transform_indices = #map}, {transform_indices = #map1}]} {
    %mul3A = arith.constant 625 : i32
    %mul3A_0 = arith.muli %arg1, %mul3A : i32
    %mul3A_1 = arith.constant 16 : i32
    %mul3A_2 = arith.muli %arg0, %mul3A_1 : i32
    %add3A = arith.addi %mul3A_2, %arg1 : i32
    %mul3A_3 = arith.constant 10000 : i32
    %mul3A_4 = arith.muli %add3A, %mul3A_3 : i32
    %eq3A = arith.constant 0 : i32
    %eq3A_5 = arith.cmpi eq, %arg0, %eq3A : i32
    %convert_element_type3A = arith.extui %eq3A_5 : i1 to i32
    %cond3A = arith.constant 0 : i32
    %cond3A_6 = arith.cmpi ne, %convert_element_type3A, %cond3A : i32
    scf.if %cond3A_6 {
      "tpu.region"() ({
        %run_scoped3A = tpu.sem_alloc : memref<!tpu.dma_semaphore, #tpu.memory_space<semaphore_mem>>
        %dma_start3A_552 = arith.constant 0 : i32
        %dma_start3A_553 = tpu.memref_slice %arg5[%mul3A_0, %dma_start3A_552] : memref<10000x128xf32, #tpu.memory_space<vmem_shared>> -> memref<625x128xf32, #tpu.memory_space<vmem_shared>>
        %dma_start3A_554 = arith.constant 0 : i32
        %dma_start3A_555 = tpu.memref_slice %arg2[%mul3A_0, %dma_start3A_554] : memref<10000x128xf32, #tpu.memory_space<hbm>> -> memref<625x128xf32, #tpu.memory_space<hbm>>
        tpu.enqueue_dma source(%dma_start3A_555 : memref<625x128xf32, #tpu.memory_space<hbm>>) target(%dma_start3A_553 : memref<625x128xf32, #tpu.memory_space<vmem_shared>>) target_semaphore(%run_scoped3A : memref<!tpu.dma_semaphore, #tpu.memory_space<semaphore_mem>>)
        %dma_wait3A_556 = arith.constant 0 : i32
        %dma_wait3A_557 = tpu.memref_slice %arg5[%mul3A_0, %dma_wait3A_556] : memref<10000x128xf32, #tpu.memory_space<vmem_shared>> -> memref<625x128xf32, #tpu.memory_space<vmem_shared>>
        %dma_wait3A_558 = arith.constant 0 : i32
        %dma_wait3A_559 = tpu.memref_slice %arg2[%mul3A_0, %dma_wait3A_558] : memref<10000x128xf32, #tpu.memory_space<hbm>> -> memref<625x128xf32, #tpu.memory_space<hbm>>
        tpu.wait_dma2 semaphore(%run_scoped3A : memref<!tpu.dma_semaphore, #tpu.memory_space<semaphore_mem>>) src(%dma_wait3A_559 : memref<625x128xf32, #tpu.memory_space<hbm>>) dst(%dma_wait3A_557 : memref<625x128xf32, #tpu.memory_space<vmem_shared>>)
        tpu.yield
      }) : () -> ()
    } else {
    }
    %ne3A = arith.constant 0 : i32
    %ne3A_7 = arith.cmpi ne, %arg0, %ne3A : i32
    %convert_element_type3A_8 = arith.extui %ne3A_7 : i1 to i32
    %cond3A_9 = arith.constant 0 : i32
    %cond3A_10 = arith.cmpi ne, %convert_element_type3A_8, %cond3A_9 : i32
    scf.if %cond3A_10 {
      %broadcast_in_dim3A = arith.constant 0.000000e+00 : f32
      %broadcast_in_dim3A_552 = vector.broadcast %broadcast_in_dim3A : f32 to vector<16xf32>
      %scan3A_553 = arith.constant 0 : i32
      %scan3A_554 = arith.constant 0 : i32
      %scan3A_555 = arith.constant 640 : i32
      %scan3A_556 = arith.addi %scan3A_554, %scan3A_555 : i32
      %scan3A_557 = arith.constant 1 : i32
      %scan3A_558 = scf.for %scan3A_583 = %scan3A_554 to %scan3A_556 step %scan3A_557 iter_args(%scan3A_584 = %scan3A_553) -> (i32)  : i32 {
        %jit3A = arith.constant 8 : i32
        %div3A = arith.divsi %scan3A_583, %jit3A : i32
        %sign3A = arith.constant 0 : i32
        %sign3A_585 = arith.cmpi sgt, %scan3A_583, %sign3A : i32
        %sign3A_586 = arith.extui %sign3A_585 : i1 to i32
        %sign3A_587 = arith.constant 0 : i32
        %sign3A_588 = arith.cmpi slt, %scan3A_583, %sign3A_587 : i32
        %sign3A_589 = arith.extui %sign3A_588 : i1 to i32
        %sign3A_590 = arith.subi %sign3A_586, %sign3A_589 : i32
        %sign3A_591 = arith.constant 0 : i32
        %sign3A_592 = arith.cmpi sgt, %jit3A, %sign3A_591 : i32
        %sign3A_593 = arith.extui %sign3A_592 : i1 to i32
        %sign3A_594 = arith.constant 0 : i32
        %sign3A_595 = arith.cmpi slt, %jit3A, %sign3A_594 : i32
        %sign3A_596 = arith.extui %sign3A_595 : i1 to i32
        %sign3A_597 = arith.subi %sign3A_593, %sign3A_596 : i32
        %ne3A_598 = arith.cmpi ne, %sign3A_590, %sign3A_597 : i32
        %rem3A = arith.remsi %scan3A_583, %jit3A : i32
        %ne3A_599 = arith.constant 0 : i32
        %ne3A_600 = arith.cmpi ne, %rem3A, %ne3A_599 : i32
        %and3A = arith.andi %ne3A_598, %ne3A_600 : i1
        %sub3A = arith.constant 1 : i32
        %sub3A_601 = arith.subi %div3A, %sub3A : i32
        %select_n3A = arith.select %and3A, %sub3A_601, %div3A : i32
        %jit3A_602 = arith.constant 8 : i32
        %eq3A_603 = arith.constant 0 : i32
        %eq3A_604 = arith.cmpi eq, %jit3A_602, %eq3A_603 : i32
        %jit3A_605 = arith.constant 1 : i32
        %select_n3A_606 = arith.select %eq3A_604, %jit3A_605, %jit3A_602 : i32
        %rem3A_607 = arith.remsi %scan3A_583, %select_n3A_606 : i32
        %ne3A_608 = arith.constant 0 : i32
        %ne3A_609 = arith.cmpi ne, %rem3A_607, %ne3A_608 : i32
        %lt3A = arith.constant 0 : i32
        %lt3A_610 = arith.cmpi slt, %rem3A_607, %lt3A : i32
        %lt3A_611 = arith.constant 0 : i32
        %lt3A_612 = arith.cmpi slt, %select_n3A_606, %lt3A_611 : i32
        %ne3A_613 = arith.xori %lt3A_610, %lt3A_612 : i1
        %and3A_614 = arith.andi %ne3A_613, %ne3A_609 : i1
        %add3A_615 = arith.addi %rem3A_607, %select_n3A_606 : i32
        %select_n3A_616 = arith.select %and3A_614, %add3A_615, %rem3A_607 : i32
        %mul3A_617 = arith.constant 16 : i32
        %mul3A_618 = arith.muli %select_n3A_616, %mul3A_617 : i32
        %swap3A = arith.constant 0 : i32
        %swap3A_619 = arith.index_cast %swap3A : i32 to index
        %swap3A_620 = arith.index_cast %select_n3A : i32 to index
        %swap3A_621 = arith.index_cast %mul3A_618 : i32 to index
        %swap3A_622 = tpu.vector_load %arg8[%swap3A_619, %swap3A_620, %swap3A_621] {strides = array<i32>} : memref<4x80x128xf32, #tpu.memory_space<vmem>>, vector<1x1x16xf32>,
        %swap3A_623 = vector.shape_cast %swap3A_622 : vector<1x1x16xf32> to vector<16xf32>
        %swap3A_624 = vector.shape_cast %broadcast_in_dim3A_552 : vector<16xf32> to vector<1x1x16xf32>
        tpu.vector_store %arg8[%swap3A_619, %swap3A_620, %swap3A_621], %swap3A_624 {strides = array<i32>} : memref<4x80x128xf32, #tpu.memory_space<vmem>>, vector<1x1x16xf32>,
        %scan3A_625 = arith.constant 0 : i32
        scf.yield %scan3A_625 : i32
      }
      %scan3A_559 = arith.constant 640 : i32
      %add3A_560 = arith.constant 0 : i32
      %add3A_561 = arith.addi %mul3A_0, %add3A_560 : i32
      %run_scoped3A = arith.constant 0 : i32
      "tpu.region"() ({
        %run_scoped3A_583 = tpu.sem_alloc : memref<!tpu.dma_semaphore, #tpu.memory_space<semaphore_mem>>
        %dma_start3A_584 = arith.constant 0 : i32
        %dma_start3A_585 = arith.constant 0 : i32
        %dma_start3A_586 = tpu.memref_slice %arg8[%run_scoped3A, %dma_start3A_584, %dma_start3A_585] : memref<4x80x128xf32, #tpu.memory_space<vmem>> -> memref<1x80x128xf32, #tpu.memory_space<vmem>>
        %dma_start3A_587 = tpu.memref_squeeze %dma_start3A_586 : memref<1x80x128xf32, #tpu.memory_space<vmem>> -> memref<80x128xf32, #tpu.memory_space<vmem>>
        %dma_start3A_588 = arith.constant 0 : i32
        %dma_start3A_589 = tpu.memref_slice %arg5[%add3A_561, %dma_start3A_588] : memref<10000x128xf32, #tpu.memory_space<vmem_shared>> -> memref<80x128xf32, #tpu.memory_space<vmem_shared>>
        %dma_start3A_590 = arith.constant 0 : i32
        %dma_start3A_591 = tpu.memref_slice %arg5[%add3A_561, %dma_start3A_590] : memref<10000x128xf32, #tpu.memory_space<vmem_shared>> -> memref<80x128xf32, #tpu.memory_space<vmem_shared>>
        %dma_start3A_592 = arith.constant 0 : i32
        %dma_start3A_593 = arith.constant 0 : i32
        %dma_start3A_594 = tpu.memref_slice %arg8[%run_scoped3A, %dma_start3A_592, %dma_start3A_593] : memref<4x80x128xf32, #tpu.memory_space<vmem>> -> memref<1x80x128xf32, #tpu.memory_space<vmem>>
        %dma_start3A_595 = tpu.memref_squeeze %dma_start3A_594 : memref<1x80x128xf32, #tpu.memory_space<vmem>> -> memref<80x128xf32, #tpu.memory_space<vmem>>
        tpu.enqueue_dma source(%dma_start3A_595 : memref<80x128xf32, #tpu.memory_space<vmem>>) target(%dma_start3A_591 : memref<80x128xf32, #tpu.memory_space<vmem_shared>>) target_semaphore(%run_scoped3A_583 : memref<!tpu.dma_semaphore, #tpu.memory_space<semaphore_mem>>)
        %dma_wait3A_596 = arith.constant 0 : i32
        %dma_wait3A_597 = arith.constant 0 : i32
        %dma_wait3A_598 = tpu.memref_slice %arg8[%run_scoped3A, %dma_wait3A_596, %dma_wait3A_597] : memref<4x80x128xf32, #tpu.memory_space<vmem>> -> memref<1x80x128xf32, #tpu.memory_space<vmem>>
        %dma_wait3A_599 = tpu.memref_squeeze %dma_wait3A_598 : memref<1x80x128xf32, #tpu.memory_space<vmem>> -> memref<80x128xf32, #tpu.memory_space<vmem>>
        %dma_wait3A_600 = arith.constant 0 : i32
        %dma_wait3A_601 = tpu.memref_slice %arg5[%add3A_561, %dma_wait3A_600] : memref<10000x128xf32, #tpu.memory_space<vmem_shared>> -> memref<80x128xf32, #tpu.memory_space<vmem_shared>>
        %dma_wait3A_602 = arith.constant 0 : i32
        %dma_wait3A_603 = tpu.memref_slice %arg5[%add3A_561, %dma_wait3A_602] : memref<10000x128xf32, #tpu.memory_space<vmem_shared>> -> memref<80x128xf32, #tpu.memory_space<vmem_shared>>
        %dma_wait3A_604 = arith.constant 0 : i32
        %dma_wait3A_605 = arith.constant 0 : i32
        %dma_wait3A_606 = tpu.memref_slice %arg8[%run_scoped3A, %dma_wait3A_604, %dma_wait3A_605] : memref<4x80x128xf32, #tpu.memory_space<vmem>> -> memref<1x80x128xf32, #tpu.memory_space<vmem>>
        %dma_wait3A_607 = tpu.memref_squeeze %dma_wait3A_606 : memref<1x80x128xf32, #tpu.memory_space<vmem>> -> memref<80x128xf32, #tpu.memory_space<vmem>>
        tpu.wait_dma2 semaphore(%run_scoped3A_583 : memref<!tpu.dma_semaphore, #tpu.memory_space<semaphore_mem>>) src(%dma_wait3A_607 : memref<80x128xf32, #tpu.memory_space<vmem>>) dst(%dma_wait3A_603 : memref<80x128xf32, #tpu.memory_space<vmem_shared>>)
        tpu.yield
      }) : () -> ()
      %add3A_562 = arith.constant 80 : i32
      %add3A_563 = arith.addi %mul3A_0, %add3A_562 : i32
      %run_scoped3A_564 = arith.constant 0 : i32
      "tpu.region"() ({
        %run_scoped3A_583 = tpu.sem_alloc : memref<!tpu.dma_semaphore, #tpu.memory_space<semaphore_mem>>
        %dma_start3A_584 = arith.constant 0 : i32
        %dma_start3A_585 = arith.constant 0 : i32
        %dma_start3A_586 = tpu.memref_slice %arg8[%run_scoped3A_564, %dma_start3A_584, %dma_start3A_585] : memref<4x80x128xf32, #tpu.memory_space<vmem>> -> memref<1x80x128xf32, #tpu.memory_space<vmem>>
        %dma_start3A_587 = tpu.memref_squeeze %dma_start3A_586 : memref<1x80x128xf32, #tpu.memory_space<vmem>> -> memref<80x128xf32, #tpu.memory_space<vmem>>
        %dma_start3A_588 = arith.constant 0 : i32
        %dma_start3A_589 = tpu.memref_slice %arg5[%add3A_563, %dma_start3A_588] : memref<10000x128xf32, #tpu.memory_space<vmem_shared>> -> memref<80x128xf32, #tpu.memory_space<vmem_shared>>
        %dma_start3A_590 = arith.constant 0 : i32
        %dma_start3A_591 = tpu.memref_slice %arg5[%add3A_563, %dma_start3A_590] : memref<10000x128xf32, #tpu.memory_space<vmem_shared>> -> memref<80x128xf32, #tpu.memory_space<vmem_shared>>
        %dma_start3A_592 = arith.constant 0 : i32
        %dma_start3A_593 = arith.constant 0 : i32
        %dma_start3A_594 = tpu.memref_slice %arg8[%run_scoped3A_564, %dma_start3A_592, %dma_start3A_593] : memref<4x80x128xf32, #tpu.memory_space<vmem>> -> memref<1x80x128xf32, #tpu.memory_space<vmem>>
        %dma_start3A_595 = tpu.memref_squeeze %dma_start3A_594 : memref<1x80x128xf32, #tpu.memory_space<vmem>> -> memref<80x128xf32, #tpu.memory_space<vmem>>
        tpu.enqueue_dma source(%dma_start3A_595 : memref<80x128xf32, #tpu.memory_space<vmem>>) target(%dma_start3A_591 : memref<80x128xf32, #tpu.memory_space<vmem_shared>>) target_semaphore(%run_scoped3A_583 : memref<!tpu.dma_semaphore, #tpu.memory_space<semaphore_mem>>)
        %dma_wait3A_596 = arith.constant 0 : i32
        %dma_wait3A_597 = arith.constant 0 : i32
        %dma_wait3A_598 = tpu.memref_slice %arg8[%run_scoped3A_564, %dma_wait3A_596, %dma_wait3A_597] : memref<4x80x128xf32, #tpu.memory_space<vmem>> -> memref<1x80x128xf32, #tpu.memory_space<vmem>>
        %dma_wait3A_599 = tpu.memref_squeeze %dma_wait3A_598 : memref<1x80x128xf32, #tpu.memory_space<vmem>> -> memref<80x128xf32, #tpu.memory_space<vmem>>
        %dma_wait3A_600 = arith.constant 0 : i32
        %dma_wait3A_601 = tpu.memref_slice %arg5[%add3A_563, %dma_wait3A_600] : memref<10000x128xf32, #tpu.memory_space<vmem_shared>> -> memref<80x128xf32, #tpu.memory_space<vmem_shared>>
        %dma_wait3A_602 = arith.constant 0 : i32
        %dma_wait3A_603 = tpu.memref_slice %arg5[%add3A_563, %dma_wait3A_602] : memref<10000x128xf32, #tpu.memory_space<vmem_shared>> -> memref<80x128xf32, #tpu.memory_space<vmem_shared>>
        %dma_wait3A_604 = arith.constant 0 : i32
        %dma_wait3A_605 = arith.constant 0 : i32
        %dma_wait3A_606 = tpu.memref_slice %arg8[%run_scoped3A_564, %dma_wait3A_604, %dma_wait3A_605] : memref<4x80x128xf32, #tpu.memory_space<vmem>> -> memref<1x80x128xf32, #tpu.memory_space<vmem>>
        %dma_wait3A_607 = tpu.memref_squeeze %dma_wait3A_606 : memref<1x80x128xf32, #tpu.memory_space<vmem>> -> memref<80x128xf32, #tpu.memory_space<vmem>>
        tpu.wait_dma2 semaphore(%run_scoped3A_583 : memref<!tpu.dma_semaphore, #tpu.memory_space<semaphore_mem>>) src(%dma_wait3A_607 : memref<80x128xf32, #tpu.memory_space<vmem>>) dst(%dma_wait3A_603 : memref<80x128xf32, #tpu.memory_space<vmem_shared>>)
        tpu.yield
      }) : () -> ()
      %add3A_565 = arith.constant 160 : i32
      %add3A_566 = arith.addi %mul3A_0, %add3A_565 : i32
      %run_scoped3A_567 = arith.constant 0 : i32
      "tpu.region"() ({
        %run_scoped3A_583 = tpu.sem_alloc : memref<!tpu.dma_semaphore, #tpu.memory_space<semaphore_mem>>
        %dma_start3A_584 = arith.constant 0 : i32
        %dma_start3A_585 = arith.constant 0 : i32
        %dma_start3A_586 = tpu.memref_slice %arg8[%run_scoped3A_567, %dma_start3A_584, %dma_start3A_585] : memref<4x80x128xf32, #tpu.memory_space<vmem>> -> memref<1x80x128xf32, #tpu.memory_space<vmem>>
        %dma_start3A_587 = tpu.memref_squeeze %dma_start3A_586 : memref<1x80x128xf32, #tpu.memory_space<vmem>> -> memref<80x128xf32, #tpu.memory_space<vmem>>
        %dma_start3A_588 = arith.constant 0 : i32
        %dma_start3A_589 = tpu.memref_slice %arg5[%add3A_566, %dma_start3A_588] : memref<10000x128xf32, #tpu.memory_space<vmem_shared>> -> memref<80x128xf32, #tpu.memory_space<vmem_shared>>
        %dma_start3A_590 = arith.constant 0 : i32
        %dma_start3A_591 = tpu.memref_slice %arg5[%add3A_566, %dma_start3A_590] : memref<10000x128xf32, #tpu.memory_space<vmem_shared>> -> memref<80x128xf32, #tpu.memory_space<vmem_shared>>
        %dma_start3A_592 = arith.constant 0 : i32
        %dma_start3A_593 = arith.constant 0 : i32
        %dma_start3A_594 = tpu.memref_slice %arg8[%run_scoped3A_567, %dma_start3A_592, %dma_start3A_593] : memref<4x80x128xf32, #tpu.memory_space<vmem>> -> memref<1x80x128xf32, #tpu.memory_space<vmem>>
        %dma_start3A_595 = tpu.memref_squeeze %dma_start3A_594 : memref<1x80x128xf32, #tpu.memory_space<vmem>> -> memref<80x128xf32, #tpu.memory_space<vmem>>
        tpu.enqueue_dma source(%dma_start3A_595 : memref<80x128xf32, #tpu.memory_space<vmem>>) target(%dma_start3A_591 : memref<80x128xf32, #tpu.memory_space<vmem_shared>>) target_semaphore(%run_scoped3A_583 : memref<!tpu.dma_semaphore, #tpu.memory_space<semaphore_mem>>)
        %dma_wait3A_596 = arith.constant 0 : i32
        %dma_wait3A_597 = arith.constant 0 : i32
        %dma_wait3A_598 = tpu.memref_slice %arg8[%run_scoped3A_567, %dma_wait3A_596, %dma_wait3A_597] : memref<4x80x128xf32, #tpu.memory_space<vmem>> -> memref<1x80x128xf32, #tpu.memory_space<vmem>>
        %dma_wait3A_599 = tpu.memref_squeeze %dma_wait3A_598 : memref<1x80x128xf32, #tpu.memory_space<vmem>> -> memref<80x128xf32, #tpu.memory_space<vmem>>
        %dma_wait3A_600 = arith.constant 0 : i32
        %dma_wait3A_601 = tpu.memref_slice %arg5[%add3A_566, %dma_wait3A_600] : memref<10000x128xf32, #tpu.memory_space<vmem_shared>> -> memref<80x128xf32, #tpu.memory_space<vmem_shared>>
        %dma_wait3A_602 = arith.constant 0 : i32
        %dma_wait3A_603 = tpu.memref_slice %arg5[%add3A_566, %dma_wait3A_602] : memref<10000x128xf32, #tpu.memory_space<vmem_shared>> -> memref<80x128xf32, #tpu.memory_space<vmem_shared>>
        %dma_wait3A_604 = arith.constant 0 : i32
        %dma_wait3A_605 = arith.constant 0 : i32
        %dma_wait3A_606 = tpu.memref_slice %arg8[%run_scoped3A_567, %dma_wait3A_604, %dma_wait3A_605] : memref<4x80x128xf32, #tpu.memory_space<vmem>> -> memref<1x80x128xf32, #tpu.memory_space<vmem>>
        %dma_wait3A_607 = tpu.memref_squeeze %dma_wait3A_606 : memref<1x80x128xf32, #tpu.memory_space<vmem>> -> memref<80x128xf32, #tpu.memory_space<vmem>>
        tpu.wait_dma2 semaphore(%run_scoped3A_583 : memref<!tpu.dma_semaphore, #tpu.memory_space<semaphore_mem>>) src(%dma_wait3A_607 : memref<80x128xf32, #tpu.memory_space<vmem>>) dst(%dma_wait3A_603 : memref<80x128xf32, #tpu.memory_space<vmem_shared>>)
        tpu.yield
      }) : () -> ()
      %add3A_568 = arith.constant 240 : i32
      %add3A_569 = arith.addi %mul3A_0, %add3A_568 : i32
      %run_scoped3A_570 = arith.constant 0 : i32
      "tpu.region"() ({
        %run_scoped3A_583 = tpu.sem_alloc : memref<!tpu.dma_semaphore, #tpu.memory_space<semaphore_mem>>
        %dma_start3A_584 = arith.constant 0 : i32
        %dma_start3A_585 = arith.constant 0 : i32
        %dma_start3A_586 = tpu.memref_slice %arg8[%run_scoped3A_570, %dma_start3A_584, %dma_start3A_585] : memref<4x80x128xf32, #tpu.memory_space<vmem>> -> memref<1x80x128xf32, #tpu.memory_space<vmem>>
        %dma_start3A_587 = tpu.memref_squeeze %dma_start3A_586 : memref<1x80x128xf32, #tpu.memory_space<vmem>> -> memref<80x128xf32, #tpu.memory_space<vmem>>
        %dma_start3A_588 = arith.constant 0 : i32
        %dma_start3A_589 = tpu.memref_slice %arg5[%add3A_569, %dma_start3A_588] : memref<10000x128xf32, #tpu.memory_space<vmem_shared>> -> memref<80x128xf32, #tpu.memory_space<vmem_shared>>
        %dma_start3A_590 = arith.constant 0 : i32
        %dma_start3A_591 = tpu.memref_slice %arg5[%add3A_569, %dma_start3A_590] : memref<10000x128xf32, #tpu.memory_space<vmem_shared>> -> memref<80x128xf32, #tpu.memory_space<vmem_shared>>
        %dma_start3A_592 = arith.constant 0 : i32
        %dma_start3A_593 = arith.constant 0 : i32
        %dma_start3A_594 = tpu.memref_slice %arg8[%run_scoped3A_570, %dma_start3A_592, %dma_start3A_593] : memref<4x80x128xf32, #tpu.memory_space<vmem>> -> memref<1x80x128xf32, #tpu.memory_space<vmem>>
        %dma_start3A_595 = tpu.memref_squeeze %dma_start3A_594 : memref<1x80x128xf32, #tpu.memory_space<vmem>> -> memref<80x128xf32, #tpu.memory_space<vmem>>
        tpu.enqueue_dma source(%dma_start3A_595 : memref<80x128xf32, #tpu.memory_space<vmem>>) target(%dma_start3A_591 : memref<80x128xf32, #tpu.memory_space<vmem_shared>>) target_semaphore(%run_scoped3A_583 : memref<!tpu.dma_semaphore, #tpu.memory_space<semaphore_mem>>)
        %dma_wait3A_596 = arith.constant 0 : i32
        %dma_wait3A_597 = arith.constant 0 : i32
        %dma_wait3A_598 = tpu.memref_slice %arg8[%run_scoped3A_570, %dma_wait3A_596, %dma_wait3A_597] : memref<4x80x128xf32, #tpu.memory_space<vmem>> -> memref<1x80x128xf32, #tpu.memory_space<vmem>>
        %dma_wait3A_599 = tpu.memref_squeeze %dma_wait3A_598 : memref<1x80x128xf32, #tpu.memory_space<vmem>> -> memref<80x128xf32, #tpu.memory_space<vmem>>
        %dma_wait3A_600 = arith.constant 0 : i32
        %dma_wait3A_601 = tpu.memref_slice %arg5[%add3A_569, %dma_wait3A_600] : memref<10000x128xf32, #tpu.memory_space<vmem_shared>> -> memref<80x128xf32, #tpu.memory_space<vmem_shared>>
        %dma_wait3A_602 = arith.constant 0 : i32
        %dma_wait3A_603 = tpu.memref_slice %arg5[%add3A_569, %dma_wait3A_602] : memref<10000x128xf32, #tpu.memory_space<vmem_shared>> -> memref<80x128xf32, #tpu.memory_space<vmem_shared>>
        %dma_wait3A_604 = arith.constant 0 : i32
        %dma_wait3A_605 = arith.constant 0 : i32
        %dma_wait3A_606 = tpu.memref_slice %arg8[%run_scoped3A_570, %dma_wait3A_604, %dma_wait3A_605] : memref<4x80x128xf32, #tpu.memory_space<vmem>> -> memref<1x80x128xf32, #tpu.memory_space<vmem>>
        %dma_wait3A_607 = tpu.memref_squeeze %dma_wait3A_606 : memref<1x80x128xf32, #tpu.memory_space<vmem>> -> memref<80x128xf32, #tpu.memory_space<vmem>>
        tpu.wait_dma2 semaphore(%run_scoped3A_583 : memref<!tpu.dma_semaphore, #tpu.memory_space<semaphore_mem>>) src(%dma_wait3A_607 : memref<80x128xf32, #tpu.memory_space<vmem>>) dst(%dma_wait3A_603 : memref<80x128xf32, #tpu.memory_space<vmem_shared>>)
        tpu.yield
      }) : () -> ()
      %add3A_571 = arith.constant 320 : i32
      %add3A_572 = arith.addi %mul3A_0, %add3A_571 : i32
      %run_scoped3A_573 = arith.constant 0 : i32
      "tpu.region"() ({
        %run_scoped3A_583 = tpu.sem_alloc : memref<!tpu.dma_semaphore, #tpu.memory_space<semaphore_mem>>
        %dma_start3A_584 = arith.constant 0 : i32
        %dma_start3A_585 = arith.constant 0 : i32
        %dma_start3A_586 = tpu.memref_slice %arg8[%run_scoped3A_573, %dma_start3A_584, %dma_start3A_585] : memref<4x80x128xf32, #tpu.memory_space<vmem>> -> memref<1x80x128xf32, #tpu.memory_space<vmem>>
        %dma_start3A_587 = tpu.memref_squeeze %dma_start3A_586 : memref<1x80x128xf32, #tpu.memory_space<vmem>> -> memref<80x128xf32, #tpu.memory_space<vmem>>
        %dma_start3A_588 = arith.constant 0 : i32
        %dma_start3A_589 = tpu.memref_slice %arg5[%add3A_572, %dma_start3A_588] : memref<10000x128xf32, #tpu.memory_space<vmem_shared>> -> memref<80x128xf32, #tpu.memory_space<vmem_shared>>
        %dma_start3A_590 = arith.constant 0 : i32
        %dma_start3A_591 = tpu.memref_slice %arg5[%add3A_572, %dma_start3A_590] : memref<10000x128xf32, #tpu.memory_space<vmem_shared>> -> memref<80x128xf32, #tpu.memory_space<vmem_shared>>
        %dma_start3A_592 = arith.constant 0 : i32
        %dma_start3A_593 = arith.constant 0 : i32
        %dma_start3A_594 = tpu.memref_slice %arg8[%run_scoped3A_573, %dma_start3A_592, %dma_start3A_593] : memref<4x80x128xf32, #tpu.memory_space<vmem>> -> memref<1x80x128xf32, #tpu.memory_space<vmem>>
        %dma_start3A_595 = tpu.memref_squeeze %dma_start3A_594 : memref<1x80x128xf32, #tpu.memory_space<vmem>> -> memref<80x128xf32, #tpu.memory_space<vmem>>
        tpu.enqueue_dma source(%dma_start3A_595 : memref<80x128xf32, #tpu.memory_space<vmem>>) target(%dma_start3A_591 : memref<80x128xf32, #tpu.memory_space<vmem_shared>>) target_semaphore(%run_scoped3A_583 : memref<!tpu.dma_semaphore, #tpu.memory_space<semaphore_mem>>)
        %dma_wait3A_596 = arith.constant 0 : i32
        %dma_wait3A_597 = arith.constant 0 : i32
        %dma_wait3A_598 = tpu.memref_slice %arg8[%run_scoped3A_573, %dma_wait3A_596, %dma_wait3A_597] : memref<4x80x128xf32, #tpu.memory_space<vmem>> -> memref<1x80x128xf32, #tpu.memory_space<vmem>>
        %dma_wait3A_599 = tpu.memref_squeeze %dma_wait3A_598 : memref<1x80x128xf32, #tpu.memory_space<vmem>> -> memref<80x128xf32, #tpu.memory_space<vmem>>
        %dma_wait3A_600 = arith.constant 0 : i32
        %dma_wait3A_601 = tpu.memref_slice %arg5[%add3A_572, %dma_wait3A_600] : memref<10000x128xf32, #tpu.memory_space<vmem_shared>> -> memref<80x128xf32, #tpu.memory_space<vmem_shared>>
        %dma_wait3A_602 = arith.constant 0 : i32
        %dma_wait3A_603 = tpu.memref_slice %arg5[%add3A_572, %dma_wait3A_602] : memref<10000x128xf32, #tpu.memory_space<vmem_shared>> -> memref<80x128xf32, #tpu.memory_space<vmem_shared>>
        %dma_wait3A_604 = arith.constant 0 : i32
        %dma_wait3A_605 = arith.constant 0 : i32
        %dma_wait3A_606 = tpu.memref_slice %arg8[%run_scoped3A_573, %dma_wait3A_604, %dma_wait3A_605] : memref<4x80x128xf32, #tpu.memory_space<vmem>> -> memref<1x80x128xf32, #tpu.memory_space<vmem>>
        %dma_wait3A_607 = tpu.memref_squeeze %dma_wait3A_606 : memref<1x80x128xf32, #tpu.memory_space<vmem>> -> memref<80x128xf32, #tpu.memory_space<vmem>>
        tpu.wait_dma2 semaphore(%run_scoped3A_583 : memref<!tpu.dma_semaphore, #tpu.memory_space<semaphore_mem>>) src(%dma_wait3A_607 : memref<80x128xf32, #tpu.memory_space<vmem>>) dst(%dma_wait3A_603 : memref<80x128xf32, #tpu.memory_space<vmem_shared>>)
        tpu.yield
      }) : () -> ()
      %add3A_574 = arith.constant 400 : i32
      %add3A_575 = arith.addi %mul3A_0, %add3A_574 : i32
      %run_scoped3A_576 = arith.constant 0 : i32
      "tpu.region"() ({
        %run_scoped3A_583 = tpu.sem_alloc : memref<!tpu.dma_semaphore, #tpu.memory_space<semaphore_mem>>
        %dma_start3A_584 = arith.constant 0 : i32
        %dma_start3A_585 = arith.constant 0 : i32
        %dma_start3A_586 = tpu.memref_slice %arg8[%run_scoped3A_576, %dma_start3A_584, %dma_start3A_585] : memref<4x80x128xf32, #tpu.memory_space<vmem>> -> memref<1x80x128xf32, #tpu.memory_space<vmem>>
        %dma_start3A_587 = tpu.memref_squeeze %dma_start3A_586 : memref<1x80x128xf32, #tpu.memory_space<vmem>> -> memref<80x128xf32, #tpu.memory_space<vmem>>
        %dma_start3A_588 = arith.constant 0 : i32
        %dma_start3A_589 = tpu.memref_slice %arg5[%add3A_575, %dma_start3A_588] : memref<10000x128xf32, #tpu.memory_space<vmem_shared>> -> memref<80x128xf32, #tpu.memory_space<vmem_shared>>
        %dma_start3A_590 = arith.constant 0 : i32
        %dma_start3A_591 = tpu.memref_slice %arg5[%add3A_575, %dma_start3A_590] : memref<10000x128xf32, #tpu.memory_space<vmem_shared>> -> memref<80x128xf32, #tpu.memory_space<vmem_shared>>
        %dma_start3A_592 = arith.constant 0 : i32
        %dma_start3A_593 = arith.constant 0 : i32
        %dma_start3A_594 = tpu.memref_slice %arg8[%run_scoped3A_576, %dma_start3A_592, %dma_start3A_593] : memref<4x80x128xf32, #tpu.memory_space<vmem>> -> memref<1x80x128xf32, #tpu.memory_space<vmem>>
        %dma_start3A_595 = tpu.memref_squeeze %dma_start3A_594 : memref<1x80x128xf32, #tpu.memory_space<vmem>> -> memref<80x128xf32, #tpu.memory_space<vmem>>
        tpu.enqueue_dma source(%dma_start3A_595 : memref<80x128xf32, #tpu.memory_space<vmem>>) target(%dma_start3A_591 : memref<80x128xf32, #tpu.memory_space<vmem_shared>>) target_semaphore(%run_scoped3A_583 : memref<!tpu.dma_semaphore, #tpu.memory_space<semaphore_mem>>)
        %dma_wait3A_596 = arith.constant 0 : i32
        %dma_wait3A_597 = arith.constant 0 : i32
        %dma_wait3A_598 = tpu.memref_slice %arg8[%run_scoped3A_576, %dma_wait3A_596, %dma_wait3A_597] : memref<4x80x128xf32, #tpu.memory_space<vmem>> -> memref<1x80x128xf32, #tpu.memory_space<vmem>>
        %dma_wait3A_599 = tpu.memref_squeeze %dma_wait3A_598 : memref<1x80x128xf32, #tpu.memory_space<vmem>> -> memref<80x128xf32, #tpu.memory_space<vmem>>
        %dma_wait3A_600 = arith.constant 0 : i32
        %dma_wait3A_601 = tpu.memref_slice %arg5[%add3A_575, %dma_wait3A_600] : memref<10000x128xf32, #tpu.memory_space<vmem_shared>> -> memref<80x128xf32, #tpu.memory_space<vmem_shared>>
        %dma_wait3A_602 = arith.constant 0 : i32
        %dma_wait3A_603 = tpu.memref_slice %arg5[%add3A_575, %dma_wait3A_602] : memref<10000x128xf32, #tpu.memory_space<vmem_shared>> -> memref<80x128xf32, #tpu.memory_space<vmem_shared>>
        %dma_wait3A_604 = arith.constant 0 : i32
        %dma_wait3A_605 = arith.constant 0 : i32
        %dma_wait3A_606 = tpu.memref_slice %arg8[%run_scoped3A_576, %dma_wait3A_604, %dma_wait3A_605] : memref<4x80x128xf32, #tpu.memory_space<vmem>> -> memref<1x80x128xf32, #tpu.memory_space<vmem>>
        %dma_wait3A_607 = tpu.memref_squeeze %dma_wait3A_606 : memref<1x80x128xf32, #tpu.memory_space<vmem>> -> memref<80x128xf32, #tpu.memory_space<vmem>>
        tpu.wait_dma2 semaphore(%run_scoped3A_583 : memref<!tpu.dma_semaphore, #tpu.memory_space<semaphore_mem>>) src(%dma_wait3A_607 : memref<80x128xf32, #tpu.memory_space<vmem>>) dst(%dma_wait3A_603 : memref<80x128xf32, #tpu.memory_space<vmem_shared>>)
        tpu.yield
      }) : () -> ()
      %add3A_577 = arith.constant 480 : i32
      %add3A_578 = arith.addi %mul3A_0, %add3A_577 : i32
      %run_scoped3A_579 = arith.constant 0 : i32
      "tpu.region"() ({
        %run_scoped3A_583 = tpu.sem_alloc : memref<!tpu.dma_semaphore, #tpu.memory_space<semaphore_mem>>
        %dma_start3A_584 = arith.constant 0 : i32
        %dma_start3A_585 = arith.constant 0 : i32
        %dma_start3A_586 = tpu.memref_slice %arg8[%run_scoped3A_579, %dma_start3A_584, %dma_start3A_585] : memref<4x80x128xf32, #tpu.memory_space<vmem>> -> memref<1x80x128xf32, #tpu.memory_space<vmem>>
        %dma_start3A_587 = tpu.memref_squeeze %dma_start3A_586 : memref<1x80x128xf32, #tpu.memory_space<vmem>> -> memref<80x128xf32, #tpu.memory_space<vmem>>
        %dma_start3A_588 = arith.constant 0 : i32
        %dma_start3A_589 = tpu.memref_slice %arg5[%add3A_578, %dma_start3A_588] : memref<10000x128xf32, #tpu.memory_space<vmem_shared>> -> memref<80x128xf32, #tpu.memory_space<vmem_shared>>
        %dma_start3A_590 = arith.constant 0 : i32
        %dma_start3A_591 = tpu.memref_slice %arg5[%add3A_578, %dma_start3A_590] : memref<10000x128xf32, #tpu.memory_space<vmem_shared>> -> memref<80x128xf32, #tpu.memory_space<vmem_shared>>
        %dma_start3A_592 = arith.constant 0 : i32
        %dma_start3A_593 = arith.constant 0 : i32
        %dma_start3A_594 = tpu.memref_slice %arg8[%run_scoped3A_579, %dma_start3A_592, %dma_start3A_593] : memref<4x80x128xf32, #tpu.memory_space<vmem>> -> memref<1x80x128xf32, #tpu.memory_space<vmem>>
        %dma_start3A_595 = tpu.memref_squeeze %dma_start3A_594 : memref<1x80x128xf32, #tpu.memory_space<vmem>> -> memref<80x128xf32, #tpu.memory_space<vmem>>
        tpu.enqueue_dma source(%dma_start3A_595 : memref<80x128xf32, #tpu.memory_space<vmem>>) target(%dma_start3A_591 : memref<80x128xf32, #tpu.memory_space<vmem_shared>>) target_semaphore(%run_scoped3A_583 : memref<!tpu.dma_semaphore, #tpu.memory_space<semaphore_mem>>)
        %dma_wait3A_596 = arith.constant 0 : i32
        %dma_wait3A_597 = arith.constant 0 : i32
        %dma_wait3A_598 = tpu.memref_slice %arg8[%run_scoped3A_579, %dma_wait3A_596, %dma_wait3A_597] : memref<4x80x128xf32, #tpu.memory_space<vmem>> -> memref<1x80x128xf32, #tpu.memory_space<vmem>>
        %dma_wait3A_599 = tpu.memref_squeeze %dma_wait3A_598 : memref<1x80x128xf32, #tpu.memory_space<vmem>> -> memref<80x128xf32, #tpu.memory_space<vmem>>
        %dma_wait3A_600 = arith.constant 0 : i32
        %dma_wait3A_601 = tpu.memref_slice %arg5[%add3A_578, %dma_wait3A_600] : memref<10000x128xf32, #tpu.memory_space<vmem_shared>> -> memref<80x128xf32, #tpu.memory_space<vmem_shared>>
        %dma_wait3A_602 = arith.constant 0 : i32
        %dma_wait3A_603 = tpu.memref_slice %arg5[%add3A_578, %dma_wait3A_602] : memref<10000x128xf32, #tpu.memory_space<vmem_shared>> -> memref<80x128xf32, #tpu.memory_space<vmem_shared>>
        %dma_wait3A_604 = arith.constant 0 : i32
        %dma_wait3A_605 = arith.constant 0 : i32
        %dma_wait3A_606 = tpu.memref_slice %arg8[%run_scoped3A_579, %dma_wait3A_604, %dma_wait3A_605] : memref<4x80x128xf32, #tpu.memory_space<vmem>> -> memref<1x80x128xf32, #tpu.memory_space<vmem>>
        %dma_wait3A_607 = tpu.memref_squeeze %dma_wait3A_606 : memref<1x80x128xf32, #tpu.memory_space<vmem>> -> memref<80x128xf32, #tpu.memory_space<vmem>>
        tpu.wait_dma2 semaphore(%run_scoped3A_583 : memref<!tpu.dma_semaphore, #tpu.memory_space<semaphore_mem>>) src(%dma_wait3A_607 : memref<80x128xf32, #tpu.memory_space<vmem>>) dst(%dma_wait3A_603 : memref<80x128xf32, #tpu.memory_space<vmem_shared>>)
        tpu.yield
      }) : () -> ()
      %add3A_580 = arith.constant 560 : i32
      %add3A_581 = arith.addi %mul3A_0, %add3A_580 : i32
      %run_scoped3A_582 = arith.constant 0 : i32
      "tpu.region"() ({
        %run_scoped3A_583 = tpu.sem_alloc : memref<!tpu.dma_semaphore, #tpu.memory_space<semaphore_mem>>
        %dma_start3A_584 = arith.constant 0 : i32
        %dma_start3A_585 = arith.constant 0 : i32
        %dma_start3A_586 = tpu.memref_slice %arg8[%run_scoped3A_582, %dma_start3A_584, %dma_start3A_585] : memref<4x80x128xf32, #tpu.memory_space<vmem>> -> memref<1x80x128xf32, #tpu.memory_space<vmem>>
        %dma_start3A_587 = tpu.memref_squeeze %dma_start3A_586 : memref<1x80x128xf32, #tpu.memory_space<vmem>> -> memref<80x128xf32, #tpu.memory_space<vmem>>
        %dma_start3A_588 = arith.constant 0 : i32
        %dma_start3A_589 = arith.constant 0 : i32
        %dma_start3A_590 = tpu.memref_slice %dma_start3A_587[%dma_start3A_588, %dma_start3A_589] : memref<80x128xf32, #tpu.memory_space<vmem>> -> memref<65x128xf32, #tpu.memory_space<vmem>>
        %dma_start3A_591 = arith.constant 0 : i32
        %dma_start3A_592 = tpu.memref_slice %arg5[%add3A_581, %dma_start3A_591] : memref<10000x128xf32, #tpu.memory_space<vmem_shared>> -> memref<65x128xf32, #tpu.memory_space<vmem_shared>>
        %dma_start3A_593 = arith.constant 0 : i32
        %dma_start3A_594 = tpu.memref_slice %arg5[%add3A_581, %dma_start3A_593] : memref<10000x128xf32, #tpu.memory_space<vmem_shared>> -> memref<65x128xf32, #tpu.memory_space<vmem_shared>>
        %dma_start3A_595 = arith.constant 0 : i32
        %dma_start3A_596 = arith.constant 0 : i32
        %dma_start3A_597 = tpu.memref_slice %arg8[%run_scoped3A_582, %dma_start3A_595, %dma_start3A_596] : memref<4x80x128xf32, #tpu.memory_space<vmem>> -> memref<1x80x128xf32, #tpu.memory_space<vmem>>
        %dma_start3A_598 = tpu.memref_squeeze %dma_start3A_597 : memref<1x80x128xf32, #tpu.memory_space<vmem>> -> memref<80x128xf32, #tpu.memory_space<vmem>>
        %dma_start3A_599 = arith.constant 0 : i32
        %dma_start3A_600 = arith.constant 0 : i32
        %dma_start3A_601 = tpu.memref_slice %dma_start3A_598[%dma_start3A_599, %dma_start3A_600] : memref<80x128xf32, #tpu.memory_space<vmem>> -> memref<65x128xf32, #tpu.memory_space<vmem>>
        tpu.enqueue_dma source(%dma_start3A_601 : memref<65x128xf32, #tpu.memory_space<vmem>>) target(%dma_start3A_594 : memref<65x128xf32, #tpu.memory_space<vmem_shared>>) target_semaphore(%run_scoped3A_583 : memref<!tpu.dma_semaphore, #tpu.memory_space<semaphore_mem>>)
        %dma_wait3A_602 = arith.constant 0 : i32
        %dma_wait3A_603 = arith.constant 0 : i32
        %dma_wait3A_604 = tpu.memref_slice %arg8[%run_scoped3A_582, %dma_wait3A_602, %dma_wait3A_603] : memref<4x80x128xf32, #tpu.memory_space<vmem>> -> memref<1x80x128xf32, #tpu.memory_space<vmem>>
        %dma_wait3A_605 = tpu.memref_squeeze %dma_wait3A_604 : memref<1x80x128xf32, #tpu.memory_space<vmem>> -> memref<80x128xf32, #tpu.memory_space<vmem>>
        %dma_wait3A_606 = arith.constant 0 : i32
        %dma_wait3A_607 = arith.constant 0 : i32
        %dma_wait3A_608 = tpu.memref_slice %dma_wait3A_605[%dma_wait3A_606, %dma_wait3A_607] : memref<80x128xf32, #tpu.memory_space<vmem>> -> memref<65x128xf32, #tpu.memory_space<vmem>>
        %dma_wait3A_609 = arith.constant 0 : i32
        %dma_wait3A_610 = tpu.memref_slice %arg5[%add3A_581, %dma_wait3A_609] : memref<10000x128xf32, #tpu.memory_space<vmem_shared>> -> memref<65x128xf32, #tpu.memory_space<vmem_shared>>
        %dma_wait3A_611 = arith.constant 0 : i32
        %dma_wait3A_612 = tpu.memref_slice %arg5[%add3A_581, %dma_wait3A_611] : memref<10000x128xf32, #tpu.memory_space<vmem_shared>> -> memref<65x128xf32, #tpu.memory_space<vmem_shared>>
        %dma_wait3A_613 = arith.constant 0 : i32
        %dma_wait3A_614 = arith.constant 0 : i32
        %dma_wait3A_615 = tpu.memref_slice %arg8[%run_scoped3A_582, %dma_wait3A_613, %dma_wait3A_614] : memref<4x80x128xf32, #tpu.memory_space<vmem>> -> memref<1x80x128xf32, #tpu.memory_space<vmem>>
        %dma_wait3A_616 = tpu.memref_squeeze %dma_wait3A_615 : memref<1x80x128xf32, #tpu.memory_space<vmem>> -> memref<80x128xf32, #tpu.memory_space<vmem>>
        %dma_wait3A_617 = arith.constant 0 : i32
        %dma_wait3A_618 = arith.constant 0 : i32
        %dma_wait3A_619 = tpu.memref_slice %dma_wait3A_616[%dma_wait3A_617, %dma_wait3A_618] : memref<80x128xf32, #tpu.memory_space<vmem>> -> memref<65x128xf32, #tpu.memory_space<vmem>>
        tpu.wait_dma2 semaphore(%run_scoped3A_583 : memref<!tpu.dma_semaphore, #tpu.memory_space<semaphore_mem>>) src(%dma_wait3A_619 : memref<65x128xf32, #tpu.memory_space<vmem>>) dst(%dma_wait3A_612 : memref<65x128xf32, #tpu.memory_space<vmem_shared>>)
        tpu.yield
      }) : () -> ()
    } else {
    }
    %barrier3A = arith.constant 0 : index
    tpu.barrier barrier_id(%barrier3A)
    %add3A_11 = arith.constant 0 : i32
    %add3A_12 = arith.addi %mul3A_4, %add3A_11 : i32
    %dma_start3A = arith.constant 0 : i32
    %dma_start3A_13 = arith.constant 0 : i32
    %dma_start3A_14 = arith.constant 0 : i32
    %dma_start3A_15 = arith.constant 0 : i32
    %dma_start3A_16 = tpu.memref_slice %arg6[%dma_start3A_13, %dma_start3A_15] : memref<4x80xi32, #tpu.memory_space<vmem>> -> memref<1x80xi32, #tpu.memory_space<vmem>>
    %dma_start3A_17 = tpu.memref_squeeze %dma_start3A_16 : memref<1x80xi32, #tpu.memory_space<vmem>> -> memref<80xi32, #tpu.memory_space<vmem>>
    %dma_start3A_18 = tpu.memref_slice %arg3[%dma_start3A, %add3A_12] : memref<2x320000xi32, #tpu.memory_space<hbm>> -> memref<1x80xi32, #tpu.memory_space<hbm>>
    %dma_start3A_19 = tpu.memref_squeeze %dma_start3A_18 : memref<1x80xi32, #tpu.memory_space<hbm>> -> memref<80xi32, #tpu.memory_space<hbm>>
    %dma_start3A_20 = tpu.memref_slice %arg10[%dma_start3A_14] : memref<4x!tpu.dma_semaphore, #tpu.memory_space<semaphore_mem>> -> memref<1x!tpu.dma_semaphore, #tpu.memory_space<semaphore_mem>>
    %dma_start3A_21 = tpu.memref_squeeze %dma_start3A_20 : memref<1x!tpu.dma_semaphore, #tpu.memory_space<semaphore_mem>> -> memref<!tpu.dma_semaphore, #tpu.memory_space<semaphore_mem>>
    %dma_start3A_22 = arith.constant 0 : i32
    %dma_start3A_23 = tpu.memref_slice %arg6[%dma_start3A_13, %dma_start3A_22] : memref<4x80xi32, #tpu.memory_space<vmem>> -> memref<1x80xi32, #tpu.memory_space<vmem>>
    %dma_start3A_24 = tpu.memref_squeeze %dma_start3A_23 : memref<1x80xi32, #tpu.memory_space<vmem>> -> memref<80xi32, #tpu.memory_space<vmem>>
    %dma_start3A_25 = tpu.memref_slice %arg3[%dma_start3A, %add3A_12] : memref<2x320000xi32, #tpu.memory_space<hbm>> -> memref<1x80xi32, #tpu.memory_space<hbm>>
    %dma_start3A_26 = tpu.memref_squeeze %dma_start3A_25 : memref<1x80xi32, #tpu.memory_space<hbm>> -> memref<80xi32, #tpu.memory_space<hbm>>
    tpu.enqueue_dma source(%dma_start3A_26 : memref<80xi32, #tpu.memory_space<hbm>>) target(%dma_start3A_24 : memref<80xi32, #tpu.memory_space<vmem>>) target_semaphore(%dma_start3A_21 : memref<!tpu.dma_semaphore, #tpu.memory_space<semaphore_mem>>)
    %add3A_27 = arith.constant 0 : i32
    %add3A_28 = arith.addi %mul3A_4, %add3A_27 : i32
    %dma_start3A_29 = arith.constant 1 : i32
    %dma_start3A_30 = arith.constant 0 : i32
    %dma_start3A_31 = arith.constant 0 : i32
    %dma_start3A_32 = arith.constant 0 : i32
    %dma_start3A_33 = tpu.memref_slice %arg7[%dma_start3A_30, %dma_start3A_32] : memref<4x80xi32, #tpu.memory_space<vmem>> -> memref<1x80xi32, #tpu.memory_space<vmem>>
    %dma_start3A_34 = tpu.memref_squeeze %dma_start3A_33 : memref<1x80xi32, #tpu.memory_space<vmem>> -> memref<80xi32, #tpu.memory_space<vmem>>
    %dma_start3A_35 = tpu.memref_slice %arg3[%dma_start3A_29, %add3A_28] : memref<2x320000xi32, #tpu.memory_space<hbm>> -> memref<1x80xi32, #tpu.memory_space<hbm>>
    %dma_start3A_36 = tpu.memref_squeeze %dma_start3A_35 : memref<1x80xi32, #tpu.memory_space<hbm>> -> memref<80xi32, #tpu.memory_space<hbm>>
    %dma_start3A_37 = tpu.memref_slice %arg10[%dma_start3A_31] : memref<4x!tpu.dma_semaphore, #tpu.memory_space<semaphore_mem>> -> memref<1x!tpu.dma_semaphore, #tpu.memory_space<semaphore_mem>>
    %dma_start3A_38 = tpu.memref_squeeze %dma_start3A_37 : memref<1x!tpu.dma_semaphore, #tpu.memory_space<semaphore_mem>> -> memref<!tpu.dma_semaphore, #tpu.memory_space<semaphore_mem>>
    %dma_start3A_39 = arith.constant 0 : i32
    %dma_start3A_40 = tpu.memref_slice %arg7[%dma_start3A_30, %dma_start3A_39] : memref<4x80xi32, #tpu.memory_space<vmem>> -> memref<1x80xi32, #tpu.memory_space<vmem>>
    %dma_start3A_41 = tpu.memref_squeeze %dma_start3A_40 : memref<1x80xi32, #tpu.memory_space<vmem>> -> memref<80xi32, #tpu.memory_space<vmem>>
    %dma_start3A_42 = tpu.memref_slice %arg3[%dma_start3A_29, %add3A_28] : memref<2x320000xi32, #tpu.memory_space<hbm>> -> memref<1x80xi32, #tpu.memory_space<hbm>>
    %dma_start3A_43 = tpu.memref_squeeze %dma_start3A_42 : memref<1x80xi32, #tpu.memory_space<hbm>> -> memref<80xi32, #tpu.memory_space<hbm>>
    tpu.enqueue_dma source(%dma_start3A_43 : memref<80xi32, #tpu.memory_space<hbm>>) target(%dma_start3A_41 : memref<80xi32, #tpu.memory_space<vmem>>) target_semaphore(%dma_start3A_38 : memref<!tpu.dma_semaphore, #tpu.memory_space<semaphore_mem>>)
    %add3A_44 = arith.constant 80 : i32
    %add3A_45 = arith.addi %mul3A_4, %add3A_44 : i32
    %dma_start3A_46 = arith.constant 0 : i32
    %dma_start3A_47 = arith.constant 1 : i32
    %dma_start3A_48 = arith.constant 1 : i32
    %dma_start3A_49 = arith.constant 0 : i32
    %dma_start3A_50 = tpu.memref_slice %arg6[%dma_start3A_47, %dma_start3A_49] : memref<4x80xi32, #tpu.memory_space<vmem>> -> memref<1x80xi32, #tpu.memory_space<vmem>>
    %dma_start3A_51 = tpu.memref_squeeze %dma_start3A_50 : memref<1x80xi32, #tpu.memory_space<vmem>> -> memref<80xi32, #tpu.memory_space<vmem>>
    %dma_start3A_52 = tpu.memref_slice %arg3[%dma_start3A_46, %add3A_45] : memref<2x320000xi32, #tpu.memory_space<hbm>> -> memref<1x80xi32, #tpu.memory_space<hbm>>
    %dma_start3A_53 = tpu.memref_squeeze %dma_start3A_52 : memref<1x80xi32, #tpu.memory_space<hbm>> -> memref<80xi32, #tpu.memory_space<hbm>>
    %dma_start3A_54 = tpu.memref_slice %arg10[%dma_start3A_48] : memref<4x!tpu.dma_semaphore, #tpu.memory_space<semaphore_mem>> -> memref<1x!tpu.dma_semaphore, #tpu.memory_space<semaphore_mem>>
    %dma_start3A_55 = tpu.memref_squeeze %dma_start3A_54 : memref<1x!tpu.dma_semaphore, #tpu.memory_space<semaphore_mem>> -> memref<!tpu.dma_semaphore, #tpu.memory_space<semaphore_mem>>
    %dma_start3A_56 = arith.constant 0 : i32
    %dma_start3A_57 = tpu.memref_slice %arg6[%dma_start3A_47, %dma_start3A_56] : memref<4x80xi32, #tpu.memory_space<vmem>> -> memref<1x80xi32, #tpu.memory_space<vmem>>
    %dma_start3A_58 = tpu.memref_squeeze %dma_start3A_57 : memref<1x80xi32, #tpu.memory_space<vmem>> -> memref<80xi32, #tpu.memory_space<vmem>>
    %dma_start3A_59 = tpu.memref_slice %arg3[%dma_start3A_46, %add3A_45] : memref<2x320000xi32, #tpu.memory_space<hbm>> -> memref<1x80xi32, #tpu.memory_space<hbm>>
    %dma_start3A_60 = tpu.memref_squeeze %dma_start3A_59 : memref<1x80xi32, #tpu.memory_space<hbm>> -> memref<80xi32, #tpu.memory_space<hbm>>
    tpu.enqueue_dma source(%dma_start3A_60 : memref<80xi32, #tpu.memory_space<hbm>>) target(%dma_start3A_58 : memref<80xi32, #tpu.memory_space<vmem>>) target_semaphore(%dma_start3A_55 : memref<!tpu.dma_semaphore, #tpu.memory_space<semaphore_mem>>)
    %add3A_61 = arith.constant 80 : i32
    %add3A_62 = arith.addi %mul3A_4, %add3A_61 : i32
    %dma_start3A_63 = arith.constant 1 : i32
    %dma_start3A_64 = arith.constant 1 : i32
    %dma_start3A_65 = arith.constant 1 : i32
    %dma_start3A_66 = arith.constant 0 : i32
    %dma_start3A_67 = tpu.memref_slice %arg7[%dma_start3A_64, %dma_start3A_66] : memref<4x80xi32, #tpu.memory_space<vmem>> -> memref<1x80xi32, #tpu.memory_space<vmem>>
    %dma_start3A_68 = tpu.memref_squeeze %dma_start3A_67 : memref<1x80xi32, #tpu.memory_space<vmem>> -> memref<80xi32, #tpu.memory_space<vmem>>
    %dma_start3A_69 = tpu.memref_slice %arg3[%dma_start3A_63, %add3A_62] : memref<2x320000xi32, #tpu.memory_space<hbm>> -> memref<1x80xi32, #tpu.memory_space<hbm>>
    %dma_start3A_70 = tpu.memref_squeeze %dma_start3A_69 : memref<1x80xi32, #tpu.memory_space<hbm>> -> memref<80xi32, #tpu.memory_space<hbm>>
    %dma_start3A_71 = tpu.memref_slice %arg10[%dma_start3A_65] : memref<4x!tpu.dma_semaphore, #tpu.memory_space<semaphore_mem>> -> memref<1x!tpu.dma_semaphore, #tpu.memory_space<semaphore_mem>>
    %dma_start3A_72 = tpu.memref_squeeze %dma_start3A_71 : memref<1x!tpu.dma_semaphore, #tpu.memory_space<semaphore_mem>> -> memref<!tpu.dma_semaphore, #tpu.memory_space<semaphore_mem>>
    %dma_start3A_73 = arith.constant 0 : i32
    %dma_start3A_74 = tpu.memref_slice %arg7[%dma_start3A_64, %dma_start3A_73] : memref<4x80xi32, #tpu.memory_space<vmem>> -> memref<1x80xi32, #tpu.memory_space<vmem>>
    %dma_start3A_75 = tpu.memref_squeeze %dma_start3A_74 : memref<1x80xi32, #tpu.memory_space<vmem>> -> memref<80xi32, #tpu.memory_space<vmem>>
    %dma_start3A_76 = tpu.memref_slice %arg3[%dma_start3A_63, %add3A_62] : memref<2x320000xi32, #tpu.memory_space<hbm>> -> memref<1x80xi32, #tpu.memory_space<hbm>>
    %dma_start3A_77 = tpu.memref_squeeze %dma_start3A_76 : memref<1x80xi32, #tpu.memory_space<hbm>> -> memref<80xi32, #tpu.memory_space<hbm>>
    tpu.enqueue_dma source(%dma_start3A_77 : memref<80xi32, #tpu.memory_space<hbm>>) target(%dma_start3A_75 : memref<80xi32, #tpu.memory_space<vmem>>) target_semaphore(%dma_start3A_72 : memref<!tpu.dma_semaphore, #tpu.memory_space<semaphore_mem>>)
    %add3A_78 = arith.constant 160 : i32
    %add3A_79 = arith.addi %mul3A_4, %add3A_78 : i32
    %dma_start3A_80 = arith.constant 0 : i32
    %dma_start3A_81 = arith.constant 2 : i32
    %dma_start3A_82 = arith.constant 2 : i32
    %dma_start3A_83 = arith.constant 0 : i32
    %dma_start3A_84 = tpu.memref_slice %arg6[%dma_start3A_81, %dma_start3A_83] : memref<4x80xi32, #tpu.memory_space<vmem>> -> memref<1x80xi32, #tpu.memory_space<vmem>>
    %dma_start3A_85 = tpu.memref_squeeze %dma_start3A_84 : memref<1x80xi32, #tpu.memory_space<vmem>> -> memref<80xi32, #tpu.memory_space<vmem>>
    %dma_start3A_86 = tpu.memref_slice %arg3[%dma_start3A_80, %add3A_79] : memref<2x320000xi32, #tpu.memory_space<hbm>> -> memref<1x80xi32, #tpu.memory_space<hbm>>
    %dma_start3A_87 = tpu.memref_squeeze %dma_start3A_86 : memref<1x80xi32, #tpu.memory_space<hbm>> -> memref<80xi32, #tpu.memory_space<hbm>>
    %dma_start3A_88 = tpu.memref_slice %arg10[%dma_start3A_82] : memref<4x!tpu.dma_semaphore, #tpu.memory_space<semaphore_mem>> -> memref<1x!tpu.dma_semaphore, #tpu.memory_space<semaphore_mem>>
    %dma_start3A_89 = tpu.memref_squeeze %dma_start3A_88 : memref<1x!tpu.dma_semaphore, #tpu.memory_space<semaphore_mem>> -> memref<!tpu.dma_semaphore, #tpu.memory_space<semaphore_mem>>
    %dma_start3A_90 = arith.constant 0 : i32
    %dma_start3A_91 = tpu.memref_slice %arg6[%dma_start3A_81, %dma_start3A_90] : memref<4x80xi32, #tpu.memory_space<vmem>> -> memref<1x80xi32, #tpu.memory_space<vmem>>
    %dma_start3A_92 = tpu.memref_squeeze %dma_start3A_91 : memref<1x80xi32, #tpu.memory_space<vmem>> -> memref<80xi32, #tpu.memory_space<vmem>>
    %dma_start3A_93 = tpu.memref_slice %arg3[%dma_start3A_80, %add3A_79] : memref<2x320000xi32, #tpu.memory_space<hbm>> -> memref<1x80xi32, #tpu.memory_space<hbm>>
    %dma_start3A_94 = tpu.memref_squeeze %dma_start3A_93 : memref<1x80xi32, #tpu.memory_space<hbm>> -> memref<80xi32, #tpu.memory_space<hbm>>
    tpu.enqueue_dma source(%dma_start3A_94 : memref<80xi32, #tpu.memory_space<hbm>>) target(%dma_start3A_92 : memref<80xi32, #tpu.memory_space<vmem>>) target_semaphore(%dma_start3A_89 : memref<!tpu.dma_semaphore, #tpu.memory_space<semaphore_mem>>)
    %add3A_95 = arith.constant 160 : i32
    %add3A_96 = arith.addi %mul3A_4, %add3A_95 : i32
    %dma_start3A_97 = arith.constant 1 : i32
    %dma_start3A_98 = arith.constant 2 : i32
    %dma_start3A_99 = arith.constant 2 : i32
    %dma_start3A_100 = arith.constant 0 : i32
    %dma_start3A_101 = tpu.memref_slice %arg7[%dma_start3A_98, %dma_start3A_100] : memref<4x80xi32, #tpu.memory_space<vmem>> -> memref<1x80xi32, #tpu.memory_space<vmem>>
    %dma_start3A_102 = tpu.memref_squeeze %dma_start3A_101 : memref<1x80xi32, #tpu.memory_space<vmem>> -> memref<80xi32, #tpu.memory_space<vmem>>
    %dma_start3A_103 = tpu.memref_slice %arg3[%dma_start3A_97, %add3A_96] : memref<2x320000xi32, #tpu.memory_space<hbm>> -> memref<1x80xi32, #tpu.memory_space<hbm>>
    %dma_start3A_104 = tpu.memref_squeeze %dma_start3A_103 : memref<1x80xi32, #tpu.memory_space<hbm>> -> memref<80xi32, #tpu.memory_space<hbm>>
    %dma_start3A_105 = tpu.memref_slice %arg10[%dma_start3A_99] : memref<4x!tpu.dma_semaphore, #tpu.memory_space<semaphore_mem>> -> memref<1x!tpu.dma_semaphore, #tpu.memory_space<semaphore_mem>>
    %dma_start3A_106 = tpu.memref_squeeze %dma_start3A_105 : memref<1x!tpu.dma_semaphore, #tpu.memory_space<semaphore_mem>> -> memref<!tpu.dma_semaphore, #tpu.memory_space<semaphore_mem>>
    %dma_start3A_107 = arith.constant 0 : i32
    %dma_start3A_108 = tpu.memref_slice %arg7[%dma_start3A_98, %dma_start3A_107] : memref<4x80xi32, #tpu.memory_space<vmem>> -> memref<1x80xi32, #tpu.memory_space<vmem>>
    %dma_start3A_109 = tpu.memref_squeeze %dma_start3A_108 : memref<1x80xi32, #tpu.memory_space<vmem>> -> memref<80xi32, #tpu.memory_space<vmem>>
    %dma_start3A_110 = tpu.memref_slice %arg3[%dma_start3A_97, %add3A_96] : memref<2x320000xi32, #tpu.memory_space<hbm>> -> memref<1x80xi32, #tpu.memory_space<hbm>>
    %dma_start3A_111 = tpu.memref_squeeze %dma_start3A_110 : memref<1x80xi32, #tpu.memory_space<hbm>> -> memref<80xi32, #tpu.memory_space<hbm>>
    tpu.enqueue_dma source(%dma_start3A_111 : memref<80xi32, #tpu.memory_space<hbm>>) target(%dma_start3A_109 : memref<80xi32, #tpu.memory_space<vmem>>) target_semaphore(%dma_start3A_106 : memref<!tpu.dma_semaphore, #tpu.memory_space<semaphore_mem>>)
    %dma_wait3A = arith.constant 0 : i32
    %dma_wait3A_112 = arith.constant 0 : i32
    %dma_wait3A_113 = arith.constant 0 : i32
    %dma_wait3A_114 = arith.constant 0 : i32
    %dma_wait3A_115 = tpu.memref_slice %arg6[%dma_wait3A_112, %dma_wait3A_114] : memref<4x80xi32, #tpu.memory_space<vmem>> -> memref<1x80xi32, #tpu.memory_space<vmem>>
    %dma_wait3A_116 = tpu.memref_squeeze %dma_wait3A_115 : memref<1x80xi32, #tpu.memory_space<vmem>> -> memref<80xi32, #tpu.memory_space<vmem>>
    %dma_wait3A_117 = arith.constant 0 : i32
    %dma_wait3A_118 = tpu.memref_slice %arg3[%dma_wait3A, %dma_wait3A_117] : memref<2x320000xi32, #tpu.memory_space<hbm>> -> memref<1x80xi32, #tpu.memory_space<hbm>>
    %dma_wait3A_119 = tpu.memref_squeeze %dma_wait3A_118 : memref<1x80xi32, #tpu.memory_space<hbm>> -> memref<80xi32, #tpu.memory_space<hbm>>
    %dma_wait3A_120 = tpu.memref_slice %arg10[%dma_wait3A_113] : memref<4x!tpu.dma_semaphore, #tpu.memory_space<semaphore_mem>> -> memref<1x!tpu.dma_semaphore, #tpu.memory_space<semaphore_mem>>
    %dma_wait3A_121 = tpu.memref_squeeze %dma_wait3A_120 : memref<1x!tpu.dma_semaphore, #tpu.memory_space<semaphore_mem>> -> memref<!tpu.dma_semaphore, #tpu.memory_space<semaphore_mem>>
    %dma_wait3A_122 = arith.constant 0 : i32
    %dma_wait3A_123 = tpu.memref_slice %arg6[%dma_wait3A_112, %dma_wait3A_122] : memref<4x80xi32, #tpu.memory_space<vmem>> -> memref<1x80xi32, #tpu.memory_space<vmem>>
    %dma_wait3A_124 = tpu.memref_squeeze %dma_wait3A_123 : memref<1x80xi32, #tpu.memory_space<vmem>> -> memref<80xi32, #tpu.memory_space<vmem>>
    %dma_wait3A_125 = arith.constant 0 : i32
    %dma_wait3A_126 = tpu.memref_slice %arg3[%dma_wait3A, %dma_wait3A_125] : memref<2x320000xi32, #tpu.memory_space<hbm>> -> memref<1x80xi32, #tpu.memory_space<hbm>>
    %dma_wait3A_127 = tpu.memref_squeeze %dma_wait3A_126 : memref<1x80xi32, #tpu.memory_space<hbm>> -> memref<80xi32, #tpu.memory_space<hbm>>
    tpu.wait_dma2 semaphore(%dma_wait3A_121 : memref<!tpu.dma_semaphore, #tpu.memory_space<semaphore_mem>>) src(%dma_wait3A_127 : memref<80xi32, #tpu.memory_space<hbm>>) dst(%dma_wait3A_124 : memref<80xi32, #tpu.memory_space<vmem>>)
    %dma_wait3A_128 = arith.constant 1 : i32
    %dma_wait3A_129 = arith.constant 0 : i32
    %dma_wait3A_130 = arith.constant 0 : i32
    %dma_wait3A_131 = arith.constant 0 : i32
    %dma_wait3A_132 = tpu.memref_slice %arg7[%dma_wait3A_129, %dma_wait3A_131] : memref<4x80xi32, #tpu.memory_space<vmem>> -> memref<1x80xi32, #tpu.memory_space<vmem>>
    %dma_wait3A_133 = tpu.memref_squeeze %dma_wait3A_132 : memref<1x80xi32, #tpu.memory_space<vmem>> -> memref<80xi32, #tpu.memory_space<vmem>>
    %dma_wait3A_134 = arith.constant 0 : i32
    %dma_wait3A_135 = tpu.memref_slice %arg3[%dma_wait3A_128, %dma_wait3A_134] : memref<2x320000xi32, #tpu.memory_space<hbm>> -> memref<1x80xi32, #tpu.memory_space<hbm>>
    %dma_wait3A_136 = tpu.memref_squeeze %dma_wait3A_135 : memref<1x80xi32, #tpu.memory_space<hbm>> -> memref<80xi32, #tpu.memory_space<hbm>>
    %dma_wait3A_137 = tpu.memref_slice %arg10[%dma_wait3A_130] : memref<4x!tpu.dma_semaphore, #tpu.memory_space<semaphore_mem>> -> memref<1x!tpu.dma_semaphore, #tpu.memory_space<semaphore_mem>>
    %dma_wait3A_138 = tpu.memref_squeeze %dma_wait3A_137 : memref<1x!tpu.dma_semaphore, #tpu.memory_space<semaphore_mem>> -> memref<!tpu.dma_semaphore, #tpu.memory_space<semaphore_mem>>
    %dma_wait3A_139 = arith.constant 0 : i32
    %dma_wait3A_140 = tpu.memref_slice %arg7[%dma_wait3A_129, %dma_wait3A_139] : memref<4x80xi32, #tpu.memory_space<vmem>> -> memref<1x80xi32, #tpu.memory_space<vmem>>
    %dma_wait3A_141 = tpu.memref_squeeze %dma_wait3A_140 : memref<1x80xi32, #tpu.memory_space<vmem>> -> memref<80xi32, #tpu.memory_space<vmem>>
    %dma_wait3A_142 = arith.constant 0 : i32
    %dma_wait3A_143 = tpu.memref_slice %arg3[%dma_wait3A_128, %dma_wait3A_142] : memref<2x320000xi32, #tpu.memory_space<hbm>> -> memref<1x80xi32, #tpu.memory_space<hbm>>
    %dma_wait3A_144 = tpu.memref_squeeze %dma_wait3A_143 : memref<1x80xi32, #tpu.memory_space<hbm>> -> memref<80xi32, #tpu.memory_space<hbm>>
    tpu.wait_dma2 semaphore(%dma_wait3A_138 : memref<!tpu.dma_semaphore, #tpu.memory_space<semaphore_mem>>) src(%dma_wait3A_144 : memref<80xi32, #tpu.memory_space<hbm>>) dst(%dma_wait3A_141 : memref<80xi32, #tpu.memory_space<vmem>>)
    %dma_start3A_145 = arith.constant 0 : i32
    %dma_start3A_146 = arith.constant 0 : i32
    %dma_start3A_147 = arith.constant 0 : i32
    %dma_start3A_148 = arith.constant 0 : i32
    %dma_start3A_149 = arith.constant 0 : i32
    %dma_start3A_150 = tpu.memref_slice %arg8[%dma_start3A_146, %dma_start3A_148, %dma_start3A_149] : memref<4x80x128xf32, #tpu.memory_space<vmem>> -> memref<1x80x128xf32, #tpu.memory_space<vmem>>
    %dma_start3A_151 = tpu.memref_squeeze %dma_start3A_150 : memref<1x80x128xf32, #tpu.memory_space<vmem>> -> memref<80x128xf32, #tpu.memory_space<vmem>>
    %dma_start3A_152 = arith.constant 0 : i32
    %dma_start3A_153 = tpu.memref_slice %arg6[%dma_start3A_145, %dma_start3A_152] : memref<4x80xi32, #tpu.memory_space<vmem>> -> memref<1x80xi32, #tpu.memory_space<vmem>>
    %dma_start3A_154 = tpu.memref_squeeze %dma_start3A_153 : memref<1x80xi32, #tpu.memory_space<vmem>> -> memref<80xi32, #tpu.memory_space<vmem>>
    %dma_start3A_155 = arith.constant 0 : i32
    %dma_start3A_156 = arith.constant 0 : i32
    %dma_start3A_157 = tpu.memref_slice %arg2[%dma_start3A_155, %dma_start3A_156] : memref<10000x128xf32, #tpu.memory_space<hbm>> -> memref<10000x128xf32, #tpu.memory_space<hbm>>
    %dma_start3A_158 = tpu.memref_slice %arg9[%dma_start3A_147] : memref<4x!tpu.dma_semaphore, #tpu.memory_space<semaphore_mem>> -> memref<1x!tpu.dma_semaphore, #tpu.memory_space<semaphore_mem>>
    %dma_start3A_159 = tpu.memref_squeeze %dma_start3A_158 : memref<1x!tpu.dma_semaphore, #tpu.memory_space<semaphore_mem>> -> memref<!tpu.dma_semaphore, #tpu.memory_space<semaphore_mem>>
    tpu.enqueue_indirect_dma source(%dma_start3A_157 : memref<10000x128xf32, #tpu.memory_space<hbm>>) target(%dma_start3A_151 : memref<80x128xf32, #tpu.memory_space<vmem>>) offsets(%dma_start3A_154 : memref<80xi32, #tpu.memory_space<vmem>>) semaphore(%dma_start3A_159 : memref<!tpu.dma_semaphore, #tpu.memory_space<semaphore_mem>>)
    %dma_wait3A_160 = arith.constant 0 : i32
    %dma_wait3A_161 = arith.constant 1 : i32
    %dma_wait3A_162 = arith.constant 1 : i32
    %dma_wait3A_163 = arith.constant 0 : i32
    %dma_wait3A_164 = tpu.memref_slice %arg6[%dma_wait3A_161, %dma_wait3A_163] : memref<4x80xi32, #tpu.memory_space<vmem>> -> memref<1x80xi32, #tpu.memory_space<vmem>>
    %dma_wait3A_165 = tpu.memref_squeeze %dma_wait3A_164 : memref<1x80xi32, #tpu.memory_space<vmem>> -> memref<80xi32, #tpu.memory_space<vmem>>
    %dma_wait3A_166 = arith.constant 0 : i32
    %dma_wait3A_167 = tpu.memref_slice %arg3[%dma_wait3A_160, %dma_wait3A_166] : memref<2x320000xi32, #tpu.memory_space<hbm>> -> memref<1x80xi32, #tpu.memory_space<hbm>>
    %dma_wait3A_168 = tpu.memref_squeeze %dma_wait3A_167 : memref<1x80xi32, #tpu.memory_space<hbm>> -> memref<80xi32, #tpu.memory_space<hbm>>
    %dma_wait3A_169 = tpu.memref_slice %arg10[%dma_wait3A_162] : memref<4x!tpu.dma_semaphore, #tpu.memory_space<semaphore_mem>> -> memref<1x!tpu.dma_semaphore, #tpu.memory_space<semaphore_mem>>
    %dma_wait3A_170 = tpu.memref_squeeze %dma_wait3A_169 : memref<1x!tpu.dma_semaphore, #tpu.memory_space<semaphore_mem>> -> memref<!tpu.dma_semaphore, #tpu.memory_space<semaphore_mem>>
    %dma_wait3A_171 = arith.constant 0 : i32
    %dma_wait3A_172 = tpu.memref_slice %arg6[%dma_wait3A_161, %dma_wait3A_171] : memref<4x80xi32, #tpu.memory_space<vmem>> -> memref<1x80xi32, #tpu.memory_space<vmem>>
    %dma_wait3A_173 = tpu.memref_squeeze %dma_wait3A_172 : memref<1x80xi32, #tpu.memory_space<vmem>> -> memref<80xi32, #tpu.memory_space<vmem>>
    %dma_wait3A_174 = arith.constant 0 : i32
    %dma_wait3A_175 = tpu.memref_slice %arg3[%dma_wait3A_160, %dma_wait3A_174] : memref<2x320000xi32, #tpu.memory_space<hbm>> -> memref<1x80xi32, #tpu.memory_space<hbm>>
    %dma_wait3A_176 = tpu.memref_squeeze %dma_wait3A_175 : memref<1x80xi32, #tpu.memory_space<hbm>> -> memref<80xi32, #tpu.memory_space<hbm>>
    tpu.wait_dma2 semaphore(%dma_wait3A_170 : memref<!tpu.dma_semaphore, #tpu.memory_space<semaphore_mem>>) src(%dma_wait3A_176 : memref<80xi32, #tpu.memory_space<hbm>>) dst(%dma_wait3A_173 : memref<80xi32, #tpu.memory_space<vmem>>)
    %dma_wait3A_177 = arith.constant 1 : i32
    %dma_wait3A_178 = arith.constant 1 : i32
    %dma_wait3A_179 = arith.constant 1 : i32
    %dma_wait3A_180 = arith.constant 0 : i32
    %dma_wait3A_181 = tpu.memref_slice %arg7[%dma_wait3A_178, %dma_wait3A_180] : memref<4x80xi32, #tpu.memory_space<vmem>> -> memref<1x80xi32, #tpu.memory_space<vmem>>
    %dma_wait3A_182 = tpu.memref_squeeze %dma_wait3A_181 : memref<1x80xi32, #tpu.memory_space<vmem>> -> memref<80xi32, #tpu.memory_space<vmem>>
    %dma_wait3A_183 = arith.constant 0 : i32
    %dma_wait3A_184 = tpu.memref_slice %arg3[%dma_wait3A_177, %dma_wait3A_183] : memref<2x320000xi32, #tpu.memory_space<hbm>> -> memref<1x80xi32, #tpu.memory_space<hbm>>
    %dma_wait3A_185 = tpu.memref_squeeze %dma_wait3A_184 : memref<1x80xi32, #tpu.memory_space<hbm>> -> memref<80xi32, #tpu.memory_space<hbm>>
    %dma_wait3A_186 = tpu.memref_slice %arg10[%dma_wait3A_179] : memref<4x!tpu.dma_semaphore, #tpu.memory_space<semaphore_mem>> -> memref<1x!tpu.dma_semaphore, #tpu.memory_space<semaphore_mem>>
    %dma_wait3A_187 = tpu.memref_squeeze %dma_wait3A_186 : memref<1x!tpu.dma_semaphore, #tpu.memory_space<semaphore_mem>> -> memref<!tpu.dma_semaphore, #tpu.memory_space<semaphore_mem>>
    %dma_wait3A_188 = arith.constant 0 : i32
    %dma_wait3A_189 = tpu.memref_slice %arg7[%dma_wait3A_178, %dma_wait3A_188] : memref<4x80xi32, #tpu.memory_space<vmem>> -> memref<1x80xi32, #tpu.memory_space<vmem>>
    %dma_wait3A_190 = tpu.memref_squeeze %dma_wait3A_189 : memref<1x80xi32, #tpu.memory_space<vmem>> -> memref<80xi32, #tpu.memory_space<vmem>>
    %dma_wait3A_191 = arith.constant 0 : i32
    %dma_wait3A_192 = tpu.memref_slice %arg3[%dma_wait3A_177, %dma_wait3A_191] : memref<2x320000xi32, #tpu.memory_space<hbm>> -> memref<1x80xi32, #tpu.memory_space<hbm>>
    %dma_wait3A_193 = tpu.memref_squeeze %dma_wait3A_192 : memref<1x80xi32, #tpu.memory_space<hbm>> -> memref<80xi32, #tpu.memory_space<hbm>>
    tpu.wait_dma2 semaphore(%dma_wait3A_187 : memref<!tpu.dma_semaphore, #tpu.memory_space<semaphore_mem>>) src(%dma_wait3A_193 : memref<80xi32, #tpu.memory_space<hbm>>) dst(%dma_wait3A_190 : memref<80xi32, #tpu.memory_space<vmem>>)
    %dma_start3A_194 = arith.constant 1 : i32
    %dma_start3A_195 = arith.constant 1 : i32
    %dma_start3A_196 = arith.constant 1 : i32
    %dma_start3A_197 = arith.constant 0 : i32
    %dma_start3A_198 = arith.constant 0 : i32
    %dma_start3A_199 = tpu.memref_slice %arg8[%dma_start3A_195, %dma_start3A_197, %dma_start3A_198] : memref<4x80x128xf32, #tpu.memory_space<vmem>> -> memref<1x80x128xf32, #tpu.memory_space<vmem>>
    %dma_start3A_200 = tpu.memref_squeeze %dma_start3A_199 : memref<1x80x128xf32, #tpu.memory_space<vmem>> -> memref<80x128xf32, #tpu.memory_space<vmem>>
    %dma_start3A_201 = arith.constant 0 : i32
    %dma_start3A_202 = tpu.memref_slice %arg6[%dma_start3A_194, %dma_start3A_201] : memref<4x80xi32, #tpu.memory_space<vmem>> -> memref<1x80xi32, #tpu.memory_space<vmem>>
    %dma_start3A_203 = tpu.memref_squeeze %dma_start3A_202 : memref<1x80xi32, #tpu.memory_space<vmem>> -> memref<80xi32, #tpu.memory_space<vmem>>
    %dma_start3A_204 = arith.constant 0 : i32
    %dma_start3A_205 = arith.constant 0 : i32
    %dma_start3A_206 = tpu.memref_slice %arg2[%dma_start3A_204, %dma_start3A_205] : memref<10000x128xf32, #tpu.memory_space<hbm>> -> memref<10000x128xf32, #tpu.memory_space<hbm>>
    %dma_start3A_207 = tpu.memref_slice %arg9[%dma_start3A_196] : memref<4x!tpu.dma_semaphore, #tpu.memory_space<semaphore_mem>> -> memref<1x!tpu.dma_semaphore, #tpu.memory_space<semaphore_mem>>
    %dma_start3A_208 = tpu.memref_squeeze %dma_start3A_207 : memref<1x!tpu.dma_semaphore, #tpu.memory_space<semaphore_mem>> -> memref<!tpu.dma_semaphore, #tpu.memory_space<semaphore_mem>>
    tpu.enqueue_indirect_dma source(%dma_start3A_206 : memref<10000x128xf32, #tpu.memory_space<hbm>>) target(%dma_start3A_200 : memref<80x128xf32, #tpu.memory_space<vmem>>) offsets(%dma_start3A_203 : memref<80xi32, #tpu.memory_space<vmem>>) semaphore(%dma_start3A_208 : memref<!tpu.dma_semaphore, #tpu.memory_space<semaphore_mem>>)
    %dma_wait3A_209 = arith.constant 0 : i32
    %dma_wait3A_210 = arith.constant 0 : i32
    %dma_wait3A_211 = arith.constant 0 : i32
    %dma_wait3A_212 = arith.constant 0 : i32
    %dma_wait3A_213 = tpu.memref_slice %arg8[%dma_wait3A_209, %dma_wait3A_211, %dma_wait3A_212] : memref<4x80x128xf32, #tpu.memory_space<vmem>> -> memref<1x80x128xf32, #tpu.memory_space<vmem>>
    %dma_wait3A_214 = tpu.memref_squeeze %dma_wait3A_213 : memref<1x80x128xf32, #tpu.memory_space<vmem>> -> memref<80x128xf32, #tpu.memory_space<vmem>>
    %dma_wait3A_215 = arith.constant 0 : i32
    %dma_wait3A_216 = arith.constant 0 : i32
    %dma_wait3A_217 = tpu.memref_slice %arg2[%dma_wait3A_215, %dma_wait3A_216] : memref<10000x128xf32, #tpu.memory_space<hbm>> -> memref<80x128xf32, #tpu.memory_space<hbm>>
    %dma_wait3A_218 = tpu.memref_slice %arg9[%dma_wait3A_210] : memref<4x!tpu.dma_semaphore, #tpu.memory_space<semaphore_mem>> -> memref<1x!tpu.dma_semaphore, #tpu.memory_space<semaphore_mem>>
    %dma_wait3A_219 = tpu.memref_squeeze %dma_wait3A_218 : memref<1x!tpu.dma_semaphore, #tpu.memory_space<semaphore_mem>> -> memref<!tpu.dma_semaphore, #tpu.memory_space<semaphore_mem>>
    %dma_wait3A_220 = arith.constant 0 : i32
    %dma_wait3A_221 = arith.constant 0 : i32
    %dma_wait3A_222 = tpu.memref_slice %arg8[%dma_wait3A_209, %dma_wait3A_220, %dma_wait3A_221] : memref<4x80x128xf32, #tpu.memory_space<vmem>> -> memref<1x80x128xf32, #tpu.memory_space<vmem>>
    %dma_wait3A_223 = tpu.memref_squeeze %dma_wait3A_222 : memref<1x80x128xf32, #tpu.memory_space<vmem>> -> memref<80x128xf32, #tpu.memory_space<vmem>>
    %dma_wait3A_224 = arith.constant 0 : i32
    %dma_wait3A_225 = arith.constant 0 : i32
    %dma_wait3A_226 = tpu.memref_slice %arg2[%dma_wait3A_224, %dma_wait3A_225] : memref<10000x128xf32, #tpu.memory_space<hbm>> -> memref<80x128xf32, #tpu.memory_space<hbm>>
    tpu.wait_dma2 semaphore(%dma_wait3A_219 : memref<!tpu.dma_semaphore, #tpu.memory_space<semaphore_mem>>) src(%dma_wait3A_226 : memref<80x128xf32, #tpu.memory_space<hbm>>) dst(%dma_wait3A_223 : memref<80x128xf32, #tpu.memory_space<vmem>>)
    %dma_start3A_227 = arith.constant 0 : i32
    %dma_start3A_228 = arith.constant 0 : i32
    %dma_start3A_229 = arith.constant 0 : i32
    %dma_start3A_230 = arith.constant 0 : i32
    %dma_start3A_231 = arith.constant 0 : i32
    %dma_start3A_232 = tpu.memref_slice %arg8[%dma_start3A_227, %dma_start3A_230, %dma_start3A_231] : memref<4x80x128xf32, #tpu.memory_space<vmem>> -> memref<1x80x128xf32, #tpu.memory_space<vmem>>
    %dma_start3A_233 = tpu.memref_squeeze %dma_start3A_232 : memref<1x80x128xf32, #tpu.memory_space<vmem>> -> memref<80x128xf32, #tpu.memory_space<vmem>>
    %dma_start3A_234 = arith.constant 0 : i32
    %dma_start3A_235 = tpu.memref_slice %arg7[%dma_start3A_228, %dma_start3A_234] : memref<4x80xi32, #tpu.memory_space<vmem>> -> memref<1x80xi32, #tpu.memory_space<vmem>>
    %dma_start3A_236 = tpu.memref_squeeze %dma_start3A_235 : memref<1x80xi32, #tpu.memory_space<vmem>> -> memref<80xi32, #tpu.memory_space<vmem>>
    %dma_start3A_237 = arith.constant 0 : i32
    %dma_start3A_238 = arith.constant 0 : i32
    %dma_start3A_239 = tpu.memref_slice %arg5[%dma_start3A_237, %dma_start3A_238] : memref<10000x128xf32, #tpu.memory_space<vmem_shared>> -> memref<10000x128xf32, #tpu.memory_space<vmem_shared>>
    %dma_start3A_240 = tpu.memref_slice %arg11[%dma_start3A_229] : memref<4x!tpu.dma_semaphore, #tpu.memory_space<semaphore_mem>> -> memref<1x!tpu.dma_semaphore, #tpu.memory_space<semaphore_mem>>
    %dma_start3A_241 = tpu.memref_squeeze %dma_start3A_240 : memref<1x!tpu.dma_semaphore, #tpu.memory_space<semaphore_mem>> -> memref<!tpu.dma_semaphore, #tpu.memory_space<semaphore_mem>>
    tpu.enqueue_indirect_dma source(%dma_start3A_233 : memref<80x128xf32, #tpu.memory_space<vmem>>) target(%dma_start3A_239 : memref<10000x128xf32, #tpu.memory_space<vmem_shared>>) offsets(%dma_start3A_236 : memref<80xi32, #tpu.memory_space<vmem>>) semaphore(%dma_start3A_241 : memref<!tpu.dma_semaphore, #tpu.memory_space<semaphore_mem>>) {add = true}
    %add3A_242 = arith.constant 240 : i32
    %add3A_243 = arith.addi %mul3A_4, %add3A_242 : i32
    %dma_start3A_244 = arith.constant 0 : i32
    %dma_start3A_245 = arith.constant 3 : i32
    %dma_start3A_246 = arith.constant 3 : i32
    %dma_start3A_247 = arith.constant 0 : i32
    %dma_start3A_248 = tpu.memref_slice %arg6[%dma_start3A_245, %dma_start3A_247] : memref<4x80xi32, #tpu.memory_space<vmem>> -> memref<1x80xi32, #tpu.memory_space<vmem>>
    %dma_start3A_249 = tpu.memref_squeeze %dma_start3A_248 : memref<1x80xi32, #tpu.memory_space<vmem>> -> memref<80xi32, #tpu.memory_space<vmem>>
    %dma_start3A_250 = tpu.memref_slice %arg3[%dma_start3A_244, %add3A_243] : memref<2x320000xi32, #tpu.memory_space<hbm>> -> memref<1x80xi32, #tpu.memory_space<hbm>>
    %dma_start3A_251 = tpu.memref_squeeze %dma_start3A_250 : memref<1x80xi32, #tpu.memory_space<hbm>> -> memref<80xi32, #tpu.memory_space<hbm>>
    %dma_start3A_252 = tpu.memref_slice %arg10[%dma_start3A_246] : memref<4x!tpu.dma_semaphore, #tpu.memory_space<semaphore_mem>> -> memref<1x!tpu.dma_semaphore, #tpu.memory_space<semaphore_mem>>
    %dma_start3A_253 = tpu.memref_squeeze %dma_start3A_252 : memref<1x!tpu.dma_semaphore, #tpu.memory_space<semaphore_mem>> -> memref<!tpu.dma_semaphore, #tpu.memory_space<semaphore_mem>>
    %dma_start3A_254 = arith.constant 0 : i32
    %dma_start3A_255 = tpu.memref_slice %arg6[%dma_start3A_245, %dma_start3A_254] : memref<4x80xi32, #tpu.memory_space<vmem>> -> memref<1x80xi32, #tpu.memory_space<vmem>>
    %dma_start3A_256 = tpu.memref_squeeze %dma_start3A_255 : memref<1x80xi32, #tpu.memory_space<vmem>> -> memref<80xi32, #tpu.memory_space<vmem>>
    %dma_start3A_257 = tpu.memref_slice %arg3[%dma_start3A_244, %add3A_243] : memref<2x320000xi32, #tpu.memory_space<hbm>> -> memref<1x80xi32, #tpu.memory_space<hbm>>
    %dma_start3A_258 = tpu.memref_squeeze %dma_start3A_257 : memref<1x80xi32, #tpu.memory_space<hbm>> -> memref<80xi32, #tpu.memory_space<hbm>>
    tpu.enqueue_dma source(%dma_start3A_258 : memref<80xi32, #tpu.memory_space<hbm>>) target(%dma_start3A_256 : memref<80xi32, #tpu.memory_space<vmem>>) target_semaphore(%dma_start3A_253 : memref<!tpu.dma_semaphore, #tpu.memory_space<semaphore_mem>>)
    %add3A_259 = arith.constant 240 : i32
    %add3A_260 = arith.addi %mul3A_4, %add3A_259 : i32
    %dma_start3A_261 = arith.constant 1 : i32
    %dma_start3A_262 = arith.constant 3 : i32
    %dma_start3A_263 = arith.constant 3 : i32
    %dma_start3A_264 = arith.constant 0 : i32
    %dma_start3A_265 = tpu.memref_slice %arg7[%dma_start3A_262, %dma_start3A_264] : memref<4x80xi32, #tpu.memory_space<vmem>> -> memref<1x80xi32, #tpu.memory_space<vmem>>
    %dma_start3A_266 = tpu.memref_squeeze %dma_start3A_265 : memref<1x80xi32, #tpu.memory_space<vmem>> -> memref<80xi32, #tpu.memory_space<vmem>>
    %dma_start3A_267 = tpu.memref_slice %arg3[%dma_start3A_261, %add3A_260] : memref<2x320000xi32, #tpu.memory_space<hbm>> -> memref<1x80xi32, #tpu.memory_space<hbm>>
    %dma_start3A_268 = tpu.memref_squeeze %dma_start3A_267 : memref<1x80xi32, #tpu.memory_space<hbm>> -> memref<80xi32, #tpu.memory_space<hbm>>
    %dma_start3A_269 = tpu.memref_slice %arg10[%dma_start3A_263] : memref<4x!tpu.dma_semaphore, #tpu.memory_space<semaphore_mem>> -> memref<1x!tpu.dma_semaphore, #tpu.memory_space<semaphore_mem>>
    %dma_start3A_270 = tpu.memref_squeeze %dma_start3A_269 : memref<1x!tpu.dma_semaphore, #tpu.memory_space<semaphore_mem>> -> memref<!tpu.dma_semaphore, #tpu.memory_space<semaphore_mem>>
    %dma_start3A_271 = arith.constant 0 : i32
    %dma_start3A_272 = tpu.memref_slice %arg7[%dma_start3A_262, %dma_start3A_271] : memref<4x80xi32, #tpu.memory_space<vmem>> -> memref<1x80xi32, #tpu.memory_space<vmem>>
    %dma_start3A_273 = tpu.memref_squeeze %dma_start3A_272 : memref<1x80xi32, #tpu.memory_space<vmem>> -> memref<80xi32, #tpu.memory_space<vmem>>
    %dma_start3A_274 = tpu.memref_slice %arg3[%dma_start3A_261, %add3A_260] : memref<2x320000xi32, #tpu.memory_space<hbm>> -> memref<1x80xi32, #tpu.memory_space<hbm>>
    %dma_start3A_275 = tpu.memref_squeeze %dma_start3A_274 : memref<1x80xi32, #tpu.memory_space<hbm>> -> memref<80xi32, #tpu.memory_space<hbm>>
    tpu.enqueue_dma source(%dma_start3A_275 : memref<80xi32, #tpu.memory_space<hbm>>) target(%dma_start3A_273 : memref<80xi32, #tpu.memory_space<vmem>>) target_semaphore(%dma_start3A_270 : memref<!tpu.dma_semaphore, #tpu.memory_space<semaphore_mem>>)
    %dma_wait3A_276 = arith.constant 0 : i32
    %dma_wait3A_277 = arith.constant 2 : i32
    %dma_wait3A_278 = arith.constant 2 : i32
    %dma_wait3A_279 = arith.constant 0 : i32
    %dma_wait3A_280 = tpu.memref_slice %arg6[%dma_wait3A_277, %dma_wait3A_279] : memref<4x80xi32, #tpu.memory_space<vmem>> -> memref<1x80xi32, #tpu.memory_space<vmem>>
    %dma_wait3A_281 = tpu.memref_squeeze %dma_wait3A_280 : memref<1x80xi32, #tpu.memory_space<vmem>> -> memref<80xi32, #tpu.memory_space<vmem>>
    %dma_wait3A_282 = arith.constant 0 : i32
    %dma_wait3A_283 = tpu.memref_slice %arg3[%dma_wait3A_276, %dma_wait3A_282] : memref<2x320000xi32, #tpu.memory_space<hbm>> -> memref<1x80xi32, #tpu.memory_space<hbm>>
    %dma_wait3A_284 = tpu.memref_squeeze %dma_wait3A_283 : memref<1x80xi32, #tpu.memory_space<hbm>> -> memref<80xi32, #tpu.memory_space<hbm>>
    %dma_wait3A_285 = tpu.memref_slice %arg10[%dma_wait3A_278] : memref<4x!tpu.dma_semaphore, #tpu.memory_space<semaphore_mem>> -> memref<1x!tpu.dma_semaphore, #tpu.memory_space<semaphore_mem>>
    %dma_wait3A_286 = tpu.memref_squeeze %dma_wait3A_285 : memref<1x!tpu.dma_semaphore, #tpu.memory_space<semaphore_mem>> -> memref<!tpu.dma_semaphore, #tpu.memory_space<semaphore_mem>>
    %dma_wait3A_287 = arith.constant 0 : i32
    %dma_wait3A_288 = tpu.memref_slice %arg6[%dma_wait3A_277, %dma_wait3A_287] : memref<4x80xi32, #tpu.memory_space<vmem>> -> memref<1x80xi32, #tpu.memory_space<vmem>>
    %dma_wait3A_289 = tpu.memref_squeeze %dma_wait3A_288 : memref<1x80xi32, #tpu.memory_space<vmem>> -> memref<80xi32, #tpu.memory_space<vmem>>
    %dma_wait3A_290 = arith.constant 0 : i32
    %dma_wait3A_291 = tpu.memref_slice %arg3[%dma_wait3A_276, %dma_wait3A_290] : memref<2x320000xi32, #tpu.memory_space<hbm>> -> memref<1x80xi32, #tpu.memory_space<hbm>>
    %dma_wait3A_292 = tpu.memref_squeeze %dma_wait3A_291 : memref<1x80xi32, #tpu.memory_space<hbm>> -> memref<80xi32, #tpu.memory_space<hbm>>
    tpu.wait_dma2 semaphore(%dma_wait3A_286 : memref<!tpu.dma_semaphore, #tpu.memory_space<semaphore_mem>>) src(%dma_wait3A_292 : memref<80xi32, #tpu.memory_space<hbm>>) dst(%dma_wait3A_289 : memref<80xi32, #tpu.memory_space<vmem>>)
    %dma_wait3A_293 = arith.constant 1 : i32
    %dma_wait3A_294 = arith.constant 2 : i32
    %dma_wait3A_295 = arith.constant 2 : i32
    %dma_wait3A_296 = arith.constant 0 : i32
    %dma_wait3A_297 = tpu.memref_slice %arg7[%dma_wait3A_294, %dma_wait3A_296] : memref<4x80xi32, #tpu.memory_space<vmem>> -> memref<1x80xi32, #tpu.memory_space<vmem>>
    %dma_wait3A_298 = tpu.memref_squeeze %dma_wait3A_297 : memref<1x80xi32, #tpu.memory_space<vmem>> -> memref<80xi32, #tpu.memory_space<vmem>>
    %dma_wait3A_299 = arith.constant 0 : i32
    %dma_wait3A_300 = tpu.memref_slice %arg3[%dma_wait3A_293, %dma_wait3A_299] : memref<2x320000xi32, #tpu.memory_space<hbm>> -> memref<1x80xi32, #tpu.memory_space<hbm>>
    %dma_wait3A_301 = tpu.memref_squeeze %dma_wait3A_300 : memref<1x80xi32, #tpu.memory_space<hbm>> -> memref<80xi32, #tpu.memory_space<hbm>>
    %dma_wait3A_302 = tpu.memref_slice %arg10[%dma_wait3A_295] : memref<4x!tpu.dma_semaphore, #tpu.memory_space<semaphore_mem>> -> memref<1x!tpu.dma_semaphore, #tpu.memory_space<semaphore_mem>>
    %dma_wait3A_303 = tpu.memref_squeeze %dma_wait3A_302 : memref<1x!tpu.dma_semaphore, #tpu.memory_space<semaphore_mem>> -> memref<!tpu.dma_semaphore, #tpu.memory_space<semaphore_mem>>
    %dma_wait3A_304 = arith.constant 0 : i32
    %dma_wait3A_305 = tpu.memref_slice %arg7[%dma_wait3A_294, %dma_wait3A_304] : memref<4x80xi32, #tpu.memory_space<vmem>> -> memref<1x80xi32, #tpu.memory_space<vmem>>
    %dma_wait3A_306 = tpu.memref_squeeze %dma_wait3A_305 : memref<1x80xi32, #tpu.memory_space<vmem>> -> memref<80xi32, #tpu.memory_space<vmem>>
    %dma_wait3A_307 = arith.constant 0 : i32
    %dma_wait3A_308 = tpu.memref_slice %arg3[%dma_wait3A_293, %dma_wait3A_307] : memref<2x320000xi32, #tpu.memory_space<hbm>> -> memref<1x80xi32, #tpu.memory_space<hbm>>
    %dma_wait3A_309 = tpu.memref_squeeze %dma_wait3A_308 : memref<1x80xi32, #tpu.memory_space<hbm>> -> memref<80xi32, #tpu.memory_space<hbm>>
    tpu.wait_dma2 semaphore(%dma_wait3A_303 : memref<!tpu.dma_semaphore, #tpu.memory_space<semaphore_mem>>) src(%dma_wait3A_309 : memref<80xi32, #tpu.memory_space<hbm>>) dst(%dma_wait3A_306 : memref<80xi32, #tpu.memory_space<vmem>>)
    %dma_start3A_310 = arith.constant 2 : i32
    %dma_start3A_311 = arith.constant 2 : i32
    %dma_start3A_312 = arith.constant 2 : i32
    %dma_start3A_313 = arith.constant 0 : i32
    %dma_start3A_314 = arith.constant 0 : i32
    %dma_start3A_315 = tpu.memref_slice %arg8[%dma_start3A_311, %dma_start3A_313, %dma_start3A_314] : memref<4x80x128xf32, #tpu.memory_space<vmem>> -> memref<1x80x128xf32, #tpu.memory_space<vmem>>
    %dma_start3A_316 = tpu.memref_squeeze %dma_start3A_315 : memref<1x80x128xf32, #tpu.memory_space<vmem>> -> memref<80x128xf32, #tpu.memory_space<vmem>>
    %dma_start3A_317 = arith.constant 0 : i32
    %dma_start3A_318 = tpu.memref_slice %arg6[%dma_start3A_310, %dma_start3A_317] : memref<4x80xi32, #tpu.memory_space<vmem>> -> memref<1x80xi32, #tpu.memory_space<vmem>>
    %dma_start3A_319 = tpu.memref_squeeze %dma_start3A_318 : memref<1x80xi32, #tpu.memory_space<vmem>> -> memref<80xi32, #tpu.memory_space<vmem>>
    %dma_start3A_320 = arith.constant 0 : i32
    %dma_start3A_321 = arith.constant 0 : i32
    %dma_start3A_322 = tpu.memref_slice %arg2[%dma_start3A_320, %dma_start3A_321] : memref<10000x128xf32, #tpu.memory_space<hbm>> -> memref<10000x128xf32, #tpu.memory_space<hbm>>
    %dma_start3A_323 = tpu.memref_slice %arg9[%dma_start3A_312] : memref<4x!tpu.dma_semaphore, #tpu.memory_space<semaphore_mem>> -> memref<1x!tpu.dma_semaphore, #tpu.memory_space<semaphore_mem>>
    %dma_start3A_324 = tpu.memref_squeeze %dma_start3A_323 : memref<1x!tpu.dma_semaphore, #tpu.memory_space<semaphore_mem>> -> memref<!tpu.dma_semaphore, #tpu.memory_space<semaphore_mem>>
    tpu.enqueue_indirect_dma source(%dma_start3A_322 : memref<10000x128xf32, #tpu.memory_space<hbm>>) target(%dma_start3A_316 : memref<80x128xf32, #tpu.memory_space<vmem>>) offsets(%dma_start3A_319 : memref<80xi32, #tpu.memory_space<vmem>>) semaphore(%dma_start3A_324 : memref<!tpu.dma_semaphore, #tpu.memory_space<semaphore_mem>>)
    %scan3A = arith.constant 0 : i32
    %scan3A_325 = arith.constant 1 : i32
    %scan3A_326 = arith.constant 121 : i32
    %scan3A_327 = arith.addi %scan3A_325, %scan3A_326 : i32
    %scan3A_328 = arith.constant 1 : i32
    %scan3A_329 = scf.for %scan3A_552 = %scan3A_325 to %scan3A_327 step %scan3A_328 iter_args(%scan3A_553 = %scan3A) -> (i32)  : i32 {
      %rem3A = arith.constant 4 : i32
      %rem3A_554 = arith.remsi %scan3A_552, %rem3A : i32
      %add3A_555 = arith.constant 3 : i32
      %add3A_556 = arith.addi %scan3A_552, %add3A_555 : i32
      %rem3A_557 = arith.constant 4 : i32
      %rem3A_558 = arith.remsi %add3A_556, %rem3A_557 : i32
      %add3A_559 = arith.constant 2 : i32
      %add3A_560 = arith.addi %scan3A_552, %add3A_559 : i32
      %rem3A_561 = arith.constant 4 : i32
      %rem3A_562 = arith.remsi %add3A_560, %rem3A_561 : i32
      %dma_wait3A_563 = arith.constant 0 : i32
      %dma_wait3A_564 = arith.constant 0 : i32
      %dma_wait3A_565 = tpu.memref_slice %arg8[%rem3A_554, %dma_wait3A_563, %dma_wait3A_564] : memref<4x80x128xf32, #tpu.memory_space<vmem>> -> memref<1x80x128xf32, #tpu.memory_space<vmem>>
      %dma_wait3A_566 = tpu.memref_squeeze %dma_wait3A_565 : memref<1x80x128xf32, #tpu.memory_space<vmem>> -> memref<80x128xf32, #tpu.memory_space<vmem>>
      %dma_wait3A_567 = arith.constant 0 : i32
      %dma_wait3A_568 = arith.constant 0 : i32
      %dma_wait3A_569 = tpu.memref_slice %arg2[%dma_wait3A_567, %dma_wait3A_568] : memref<10000x128xf32, #tpu.memory_space<hbm>> -> memref<80x128xf32, #tpu.memory_space<hbm>>
      %dma_wait3A_570 = tpu.memref_slice %arg9[%rem3A_554] : memref<4x!tpu.dma_semaphore, #tpu.memory_space<semaphore_mem>> -> memref<1x!tpu.dma_semaphore, #tpu.memory_space<semaphore_mem>>
      %dma_wait3A_571 = tpu.memref_squeeze %dma_wait3A_570 : memref<1x!tpu.dma_semaphore, #tpu.memory_space<semaphore_mem>> -> memref<!tpu.dma_semaphore, #tpu.memory_space<semaphore_mem>>
      %dma_wait3A_572 = arith.constant 0 : i32
      %dma_wait3A_573 = arith.constant 0 : i32
      %dma_wait3A_574 = tpu.memref_slice %arg8[%rem3A_554, %dma_wait3A_572, %dma_wait3A_573] : memref<4x80x128xf32, #tpu.memory_space<vmem>> -> memref<1x80x128xf32, #tpu.memory_space<vmem>>
      %dma_wait3A_575 = tpu.memref_squeeze %dma_wait3A_574 : memref<1x80x128xf32, #tpu.memory_space<vmem>> -> memref<80x128xf32, #tpu.memory_space<vmem>>
      %dma_wait3A_576 = arith.constant 0 : i32
      %dma_wait3A_577 = arith.constant 0 : i32
      %dma_wait3A_578 = tpu.memref_slice %arg2[%dma_wait3A_576, %dma_wait3A_577] : memref<10000x128xf32, #tpu.memory_space<hbm>> -> memref<80x128xf32, #tpu.memory_space<hbm>>
      tpu.wait_dma2 semaphore(%dma_wait3A_571 : memref<!tpu.dma_semaphore, #tpu.memory_space<semaphore_mem>>) src(%dma_wait3A_578 : memref<80x128xf32, #tpu.memory_space<hbm>>) dst(%dma_wait3A_575 : memref<80x128xf32, #tpu.memory_space<vmem>>)
      %dma_start3A_579 = arith.constant 0 : i32
      %dma_start3A_580 = arith.constant 0 : i32
      %dma_start3A_581 = tpu.memref_slice %arg8[%rem3A_554, %dma_start3A_579, %dma_start3A_580] : memref<4x80x128xf32, #tpu.memory_space<vmem>> -> memref<1x80x128xf32, #tpu.memory_space<vmem>>
      %dma_start3A_582 = tpu.memref_squeeze %dma_start3A_581 : memref<1x80x128xf32, #tpu.memory_space<vmem>> -> memref<80x128xf32, #tpu.memory_space<vmem>>
      %dma_start3A_583 = arith.constant 0 : i32
      %dma_start3A_584 = tpu.memref_slice %arg7[%rem3A_554, %dma_start3A_583] : memref<4x80xi32, #tpu.memory_space<vmem>> -> memref<1x80xi32, #tpu.memory_space<vmem>>
      %dma_start3A_585 = tpu.memref_squeeze %dma_start3A_584 : memref<1x80xi32, #tpu.memory_space<vmem>> -> memref<80xi32, #tpu.memory_space<vmem>>
      %dma_start3A_586 = arith.constant 0 : i32
      %dma_start3A_587 = arith.constant 0 : i32
      %dma_start3A_588 = tpu.memref_slice %arg5[%dma_start3A_586, %dma_start3A_587] : memref<10000x128xf32, #tpu.memory_space<vmem_shared>> -> memref<10000x128xf32, #tpu.memory_space<vmem_shared>>
      %dma_start3A_589 = tpu.memref_slice %arg11[%rem3A_554] : memref<4x!tpu.dma_semaphore, #tpu.memory_space<semaphore_mem>> -> memref<1x!tpu.dma_semaphore, #tpu.memory_space<semaphore_mem>>
      %dma_start3A_590 = tpu.memref_squeeze %dma_start3A_589 : memref<1x!tpu.dma_semaphore, #tpu.memory_space<semaphore_mem>> -> memref<!tpu.dma_semaphore, #tpu.memory_space<semaphore_mem>>
      tpu.enqueue_indirect_dma source(%dma_start3A_582 : memref<80x128xf32, #tpu.memory_space<vmem>>) target(%dma_start3A_588 : memref<10000x128xf32, #tpu.memory_space<vmem_shared>>) offsets(%dma_start3A_585 : memref<80xi32, #tpu.memory_space<vmem>>) semaphore(%dma_start3A_590 : memref<!tpu.dma_semaphore, #tpu.memory_space<semaphore_mem>>) {add = true}
      %dma_wait3A_591 = arith.constant 0 : i32
      %dma_wait3A_592 = arith.constant 0 : i32
      %dma_wait3A_593 = tpu.memref_slice %arg8[%rem3A_558, %dma_wait3A_591, %dma_wait3A_592] : memref<4x80x128xf32, #tpu.memory_space<vmem>> -> memref<1x80x128xf32, #tpu.memory_space<vmem>>
      %dma_wait3A_594 = tpu.memref_squeeze %dma_wait3A_593 : memref<1x80x128xf32, #tpu.memory_space<vmem>> -> memref<80x128xf32, #tpu.memory_space<vmem>>
      %dma_wait3A_595 = arith.constant 0 : i32
      %dma_wait3A_596 = arith.constant 0 : i32
      %dma_wait3A_597 = tpu.memref_slice %arg5[%dma_wait3A_595, %dma_wait3A_596] : memref<10000x128xf32, #tpu.memory_space<vmem_shared>> -> memref<80x128xf32, #tpu.memory_space<vmem_shared>>
      %dma_wait3A_598 = tpu.memref_slice %arg11[%rem3A_558] : memref<4x!tpu.dma_semaphore, #tpu.memory_space<semaphore_mem>> -> memref<1x!tpu.dma_semaphore, #tpu.memory_space<semaphore_mem>>
      %dma_wait3A_599 = tpu.memref_squeeze %dma_wait3A_598 : memref<1x!tpu.dma_semaphore, #tpu.memory_space<semaphore_mem>> -> memref<!tpu.dma_semaphore, #tpu.memory_space<semaphore_mem>>
      %dma_wait3A_600 = arith.constant 0 : i32
      %dma_wait3A_601 = arith.constant 0 : i32
      %dma_wait3A_602 = tpu.memref_slice %arg5[%dma_wait3A_600, %dma_wait3A_601] : memref<10000x128xf32, #tpu.memory_space<vmem_shared>> -> memref<80x128xf32, #tpu.memory_space<vmem_shared>>
      %dma_wait3A_603 = arith.constant 0 : i32
      %dma_wait3A_604 = arith.constant 0 : i32
      %dma_wait3A_605 = tpu.memref_slice %arg8[%rem3A_558, %dma_wait3A_603, %dma_wait3A_604] : memref<4x80x128xf32, #tpu.memory_space<vmem>> -> memref<1x80x128xf32, #tpu.memory_space<vmem>>
      %dma_wait3A_606 = tpu.memref_squeeze %dma_wait3A_605 : memref<1x80x128xf32, #tpu.memory_space<vmem>> -> memref<80x128xf32, #tpu.memory_space<vmem>>
      tpu.wait_dma2 semaphore(%dma_wait3A_599 : memref<!tpu.dma_semaphore, #tpu.memory_space<semaphore_mem>>) src(%dma_wait3A_606 : memref<80x128xf32, #tpu.memory_space<vmem>>) dst(%dma_wait3A_602 : memref<80x128xf32, #tpu.memory_space<vmem_shared>>)
      %add3A_607 = arith.constant 3 : i32
      %add3A_608 = arith.addi %scan3A_552, %add3A_607 : i32
      %mul3A_609 = arith.constant 80 : i32
      %mul3A_610 = arith.muli %add3A_608, %mul3A_609 : i32
      %add3A_611 = arith.addi %mul3A_4, %mul3A_610 : i32
      %dma_start3A_612 = arith.constant 0 : i32
      %dma_start3A_613 = arith.constant 0 : i32
      %dma_start3A_614 = tpu.memref_slice %arg6[%rem3A_558, %dma_start3A_613] : memref<4x80xi32, #tpu.memory_space<vmem>> -> memref<1x80xi32, #tpu.memory_space<vmem>>
      %dma_start3A_615 = tpu.memref_squeeze %dma_start3A_614 : memref<1x80xi32, #tpu.memory_space<vmem>> -> memref<80xi32, #tpu.memory_space<vmem>>
      %dma_start3A_616 = tpu.memref_slice %arg3[%dma_start3A_612, %add3A_611] : memref<2x320000xi32, #tpu.memory_space<hbm>> -> memref<1x80xi32, #tpu.memory_space<hbm>>
      %dma_start3A_617 = tpu.memref_squeeze %dma_start3A_616 : memref<1x80xi32, #tpu.memory_space<hbm>> -> memref<80xi32, #tpu.memory_space<hbm>>
      %dma_start3A_618 = tpu.memref_slice %arg10[%rem3A_558] : memref<4x!tpu.dma_semaphore, #tpu.memory_space<semaphore_mem>> -> memref<1x!tpu.dma_semaphore, #tpu.memory_space<semaphore_mem>>
      %dma_start3A_619 = tpu.memref_squeeze %dma_start3A_618 : memref<1x!tpu.dma_semaphore, #tpu.memory_space<semaphore_mem>> -> memref<!tpu.dma_semaphore, #tpu.memory_space<semaphore_mem>>
      %dma_start3A_620 = arith.constant 0 : i32
      %dma_start3A_621 = tpu.memref_slice %arg6[%rem3A_558, %dma_start3A_620] : memref<4x80xi32, #tpu.memory_space<vmem>> -> memref<1x80xi32, #tpu.memory_space<vmem>>
      %dma_start3A_622 = tpu.memref_squeeze %dma_start3A_621 : memref<1x80xi32, #tpu.memory_space<vmem>> -> memref<80xi32, #tpu.memory_space<vmem>>
      %dma_start3A_623 = tpu.memref_slice %arg3[%dma_start3A_612, %add3A_611] : memref<2x320000xi32, #tpu.memory_space<hbm>> -> memref<1x80xi32, #tpu.memory_space<hbm>>
      %dma_start3A_624 = tpu.memref_squeeze %dma_start3A_623 : memref<1x80xi32, #tpu.memory_space<hbm>> -> memref<80xi32, #tpu.memory_space<hbm>>
      tpu.enqueue_dma source(%dma_start3A_624 : memref<80xi32, #tpu.memory_space<hbm>>) target(%dma_start3A_622 : memref<80xi32, #tpu.memory_space<vmem>>) target_semaphore(%dma_start3A_619 : memref<!tpu.dma_semaphore, #tpu.memory_space<semaphore_mem>>)
      %mul3A_625 = arith.constant 80 : i32
      %mul3A_626 = arith.muli %add3A_608, %mul3A_625 : i32
      %add3A_627 = arith.addi %mul3A_4, %mul3A_626 : i32
      %dma_start3A_628 = arith.constant 1 : i32
      %dma_start3A_629 = arith.constant 0 : i32
      %dma_start3A_630 = tpu.memref_slice %arg7[%rem3A_558, %dma_start3A_629] : memref<4x80xi32, #tpu.memory_space<vmem>> -> memref<1x80xi32, #tpu.memory_space<vmem>>
      %dma_start3A_631 = tpu.memref_squeeze %dma_start3A_630 : memref<1x80xi32, #tpu.memory_space<vmem>> -> memref<80xi32, #tpu.memory_space<vmem>>
      %dma_start3A_632 = tpu.memref_slice %arg3[%dma_start3A_628, %add3A_627] : memref<2x320000xi32, #tpu.memory_space<hbm>> -> memref<1x80xi32, #tpu.memory_space<hbm>>
      %dma_start3A_633 = tpu.memref_squeeze %dma_start3A_632 : memref<1x80xi32, #tpu.memory_space<hbm>> -> memref<80xi32, #tpu.memory_space<hbm>>
      %dma_start3A_634 = tpu.memref_slice %arg10[%rem3A_558] : memref<4x!tpu.dma_semaphore, #tpu.memory_space<semaphore_mem>> -> memref<1x!tpu.dma_semaphore, #tpu.memory_space<semaphore_mem>>
      %dma_start3A_635 = tpu.memref_squeeze %dma_start3A_634 : memref<1x!tpu.dma_semaphore, #tpu.memory_space<semaphore_mem>> -> memref<!tpu.dma_semaphore, #tpu.memory_space<semaphore_mem>>
      %dma_start3A_636 = arith.constant 0 : i32
      %dma_start3A_637 = tpu.memref_slice %arg7[%rem3A_558, %dma_start3A_636] : memref<4x80xi32, #tpu.memory_space<vmem>> -> memref<1x80xi32, #tpu.memory_space<vmem>>
      %dma_start3A_638 = tpu.memref_squeeze %dma_start3A_637 : memref<1x80xi32, #tpu.memory_space<vmem>> -> memref<80xi32, #tpu.memory_space<vmem>>
      %dma_start3A_639 = tpu.memref_slice %arg3[%dma_start3A_628, %add3A_627] : memref<2x320000xi32, #tpu.memory_space<hbm>> -> memref<1x80xi32, #tpu.memory_space<hbm>>
      %dma_start3A_640 = tpu.memref_squeeze %dma_start3A_639 : memref<1x80xi32, #tpu.memory_space<hbm>> -> memref<80xi32, #tpu.memory_space<hbm>>
      tpu.enqueue_dma source(%dma_start3A_640 : memref<80xi32, #tpu.memory_space<hbm>>) target(%dma_start3A_638 : memref<80xi32, #tpu.memory_space<vmem>>) target_semaphore(%dma_start3A_635 : memref<!tpu.dma_semaphore, #tpu.memory_space<semaphore_mem>>)
      %dma_wait3A_641 = arith.constant 0 : i32
      %dma_wait3A_642 = arith.constant 0 : i32
      %dma_wait3A_643 = tpu.memref_slice %arg6[%rem3A_562, %dma_wait3A_642] : memref<4x80xi32, #tpu.memory_space<vmem>> -> memref<1x80xi32, #tpu.memory_space<vmem>>
      %dma_wait3A_644 = tpu.memref_squeeze %dma_wait3A_643 : memref<1x80xi32, #tpu.memory_space<vmem>> -> memref<80xi32, #tpu.memory_space<vmem>>
      %dma_wait3A_645 = arith.constant 0 : i32
      %dma_wait3A_646 = tpu.memref_slice %arg3[%dma_wait3A_641, %dma_wait3A_645] : memref<2x320000xi32, #tpu.memory_space<hbm>> -> memref<1x80xi32, #tpu.memory_space<hbm>>
      %dma_wait3A_647 = tpu.memref_squeeze %dma_wait3A_646 : memref<1x80xi32, #tpu.memory_space<hbm>> -> memref<80xi32, #tpu.memory_space<hbm>>
      %dma_wait3A_648 = tpu.memref_slice %arg10[%rem3A_562] : memref<4x!tpu.dma_semaphore, #tpu.memory_space<semaphore_mem>> -> memref<1x!tpu.dma_semaphore, #tpu.memory_space<semaphore_mem>>
      %dma_wait3A_649 = tpu.memref_squeeze %dma_wait3A_648 : memref<1x!tpu.dma_semaphore, #tpu.memory_space<semaphore_mem>> -> memref<!tpu.dma_semaphore, #tpu.memory_space<semaphore_mem>>
      %dma_wait3A_650 = arith.constant 0 : i32
      %dma_wait3A_651 = tpu.memref_slice %arg6[%rem3A_562, %dma_wait3A_650] : memref<4x80xi32, #tpu.memory_space<vmem>> -> memref<1x80xi32, #tpu.memory_space<vmem>>
      %dma_wait3A_652 = tpu.memref_squeeze %dma_wait3A_651 : memref<1x80xi32, #tpu.memory_space<vmem>> -> memref<80xi32, #tpu.memory_space<vmem>>
      %dma_wait3A_653 = arith.constant 0 : i32
      %dma_wait3A_654 = tpu.memref_slice %arg3[%dma_wait3A_641, %dma_wait3A_653] : memref<2x320000xi32, #tpu.memory_space<hbm>> -> memref<1x80xi32, #tpu.memory_space<hbm>>
      %dma_wait3A_655 = tpu.memref_squeeze %dma_wait3A_654 : memref<1x80xi32, #tpu.memory_space<hbm>> -> memref<80xi32, #tpu.memory_space<hbm>>
      tpu.wait_dma2 semaphore(%dma_wait3A_649 : memref<!tpu.dma_semaphore, #tpu.memory_space<semaphore_mem>>) src(%dma_wait3A_655 : memref<80xi32, #tpu.memory_space<hbm>>) dst(%dma_wait3A_652 : memref<80xi32, #tpu.memory_space<vmem>>)
      %dma_wait3A_656 = arith.constant 1 : i32
      %dma_wait3A_657 = arith.constant 0 : i32
      %dma_wait3A_658 = tpu.memref_slice %arg7[%rem3A_562, %dma_wait3A_657] : memref<4x80xi32, #tpu.memory_space<vmem>> -> memref<1x80xi32, #tpu.memory_space<vmem>>
      %dma_wait3A_659 = tpu.memref_squeeze %dma_wait3A_658 : memref<1x80xi32, #tpu.memory_space<vmem>> -> memref<80xi32, #tpu.memory_space<vmem>>
      %dma_wait3A_660 = arith.constant 0 : i32
      %dma_wait3A_661 = tpu.memref_slice %arg3[%dma_wait3A_656, %dma_wait3A_660] : memref<2x320000xi32, #tpu.memory_space<hbm>> -> memref<1x80xi32, #tpu.memory_space<hbm>>
      %dma_wait3A_662 = tpu.memref_squeeze %dma_wait3A_661 : memref<1x80xi32, #tpu.memory_space<hbm>> -> memref<80xi32, #tpu.memory_space<hbm>>
      %dma_wait3A_663 = tpu.memref_slice %arg10[%rem3A_562] : memref<4x!tpu.dma_semaphore, #tpu.memory_space<semaphore_mem>> -> memref<1x!tpu.dma_semaphore, #tpu.memory_space<semaphore_mem>>
      %dma_wait3A_664 = tpu.memref_squeeze %dma_wait3A_663 : memref<1x!tpu.dma_semaphore, #tpu.memory_space<semaphore_mem>> -> memref<!tpu.dma_semaphore, #tpu.memory_space<semaphore_mem>>
      %dma_wait3A_665 = arith.constant 0 : i32
      %dma_wait3A_666 = tpu.memref_slice %arg7[%rem3A_562, %dma_wait3A_665] : memref<4x80xi32, #tpu.memory_space<vmem>> -> memref<1x80xi32, #tpu.memory_space<vmem>>
      %dma_wait3A_667 = tpu.memref_squeeze %dma_wait3A_666 : memref<1x80xi32, #tpu.memory_space<vmem>> -> memref<80xi32, #tpu.memory_space<vmem>>
      %dma_wait3A_668 = arith.constant 0 : i32
      %dma_wait3A_669 = tpu.memref_slice %arg3[%dma_wait3A_656, %dma_wait3A_668] : memref<2x320000xi32, #tpu.memory_space<hbm>> -> memref<1x80xi32, #tpu.memory_space<hbm>>
      %dma_wait3A_670 = tpu.memref_squeeze %dma_wait3A_669 : memref<1x80xi32, #tpu.memory_space<hbm>> -> memref<80xi32, #tpu.memory_space<hbm>>
      tpu.wait_dma2 semaphore(%dma_wait3A_664 : memref<!tpu.dma_semaphore, #tpu.memory_space<semaphore_mem>>) src(%dma_wait3A_670 : memref<80xi32, #tpu.memory_space<hbm>>) dst(%dma_wait3A_667 : memref<80xi32, #tpu.memory_space<vmem>>)
      %add3A_671 = arith.constant 2 : i32
      %add3A_672 = arith.addi %scan3A_552, %add3A_671 : i32
      %dma_start3A_673 = arith.constant 0 : i32
      %dma_start3A_674 = arith.constant 0 : i32
      %dma_start3A_675 = tpu.memref_slice %arg8[%rem3A_562, %dma_start3A_673, %dma_start3A_674] : memref<4x80x128xf32, #tpu.memory_space<vmem>> -> memref<1x80x128xf32, #tpu.memory_space<vmem>>
      %dma_start3A_676 = tpu.memref_squeeze %dma_start3A_675 : memref<1x80x128xf32, #tpu.memory_space<vmem>> -> memref<80x128xf32, #tpu.memory_space<vmem>>
      %dma_start3A_677 = arith.constant 0 : i32
      %dma_start3A_678 = tpu.memref_slice %arg6[%rem3A_562, %dma_start3A_677] : memref<4x80xi32, #tpu.memory_space<vmem>> -> memref<1x80xi32, #tpu.memory_space<vmem>>
      %dma_start3A_679 = tpu.memref_squeeze %dma_start3A_678 : memref<1x80xi32, #tpu.memory_space<vmem>> -> memref<80xi32, #tpu.memory_space<vmem>>
      %dma_start3A_680 = arith.constant 0 : i32
      %dma_start3A_681 = arith.constant 0 : i32
      %dma_start3A_682 = tpu.memref_slice %arg2[%dma_start3A_680, %dma_start3A_681] : memref<10000x128xf32, #tpu.memory_space<hbm>> -> memref<10000x128xf32, #tpu.memory_space<hbm>>
      %dma_start3A_683 = tpu.memref_slice %arg9[%rem3A_562] : memref<4x!tpu.dma_semaphore, #tpu.memory_space<semaphore_mem>> -> memref<1x!tpu.dma_semaphore, #tpu.memory_space<semaphore_mem>>
      %dma_start3A_684 = tpu.memref_squeeze %dma_start3A_683 : memref<1x!tpu.dma_semaphore, #tpu.memory_space<semaphore_mem>> -> memref<!tpu.dma_semaphore, #tpu.memory_space<semaphore_mem>>
      tpu.enqueue_indirect_dma source(%dma_start3A_682 : memref<10000x128xf32, #tpu.memory_space<hbm>>) target(%dma_start3A_676 : memref<80x128xf32, #tpu.memory_space<vmem>>) offsets(%dma_start3A_679 : memref<80xi32, #tpu.memory_space<vmem>>) semaphore(%dma_start3A_684 : memref<!tpu.dma_semaphore, #tpu.memory_space<semaphore_mem>>)
      %scan3A_685 = arith.constant 0 : i32
      scf.yield %scan3A_685 : i32
    }
    %scan3A_330 = arith.constant 121 : i32
    %dma_wait3A_331 = arith.constant 2 : i32
    %dma_wait3A_332 = arith.constant 2 : i32
    %dma_wait3A_333 = arith.constant 0 : i32
    %dma_wait3A_334 = arith.constant 0 : i32
    %dma_wait3A_335 = tpu.memref_slice %arg8[%dma_wait3A_331, %dma_wait3A_333, %dma_wait3A_334] : memref<4x80x128xf32, #tpu.memory_space<vmem>> -> memref<1x80x128xf32, #tpu.memory_space<vmem>>
    %dma_wait3A_336 = tpu.memref_squeeze %dma_wait3A_335 : memref<1x80x128xf32, #tpu.memory_space<vmem>> -> memref<80x128xf32, #tpu.memory_space<vmem>>
    %dma_wait3A_337 = arith.constant 0 : i32
    %dma_wait3A_338 = arith.constant 0 : i32
    %dma_wait3A_339 = tpu.memref_slice %arg2[%dma_wait3A_337, %dma_wait3A_338] : memref<10000x128xf32, #tpu.memory_space<hbm>> -> memref<80x128xf32, #tpu.memory_space<hbm>>
    %dma_wait3A_340 = tpu.memref_slice %arg9[%dma_wait3A_332] : memref<4x!tpu.dma_semaphore, #tpu.memory_space<semaphore_mem>> -> memref<1x!tpu.dma_semaphore, #tpu.memory_space<semaphore_mem>>
    %dma_wait3A_341 = tpu.memref_squeeze %dma_wait3A_340 : memref<1x!tpu.dma_semaphore, #tpu.memory_space<semaphore_mem>> -> memref<!tpu.dma_semaphore, #tpu.memory_space<semaphore_mem>>
    %dma_wait3A_342 = arith.constant 0 : i32
    %dma_wait3A_343 = arith.constant 0 : i32
    %dma_wait3A_344 = tpu.memref_slice %arg8[%dma_wait3A_331, %dma_wait3A_342, %dma_wait3A_343] : memref<4x80x128xf32, #tpu.memory_space<vmem>> -> memref<1x80x128xf32, #tpu.memory_space<vmem>>
    %dma_wait3A_345 = tpu.memref_squeeze %dma_wait3A_344 : memref<1x80x128xf32, #tpu.memory_space<vmem>> -> memref<80x128xf32, #tpu.memory_space<vmem>>
    %dma_wait3A_346 = arith.constant 0 : i32
    %dma_wait3A_347 = arith.constant 0 : i32
    %dma_wait3A_348 = tpu.memref_slice %arg2[%dma_wait3A_346, %dma_wait3A_347] : memref<10000x128xf32, #tpu.memory_space<hbm>> -> memref<80x128xf32, #tpu.memory_space<hbm>>
    tpu.wait_dma2 semaphore(%dma_wait3A_341 : memref<!tpu.dma_semaphore, #tpu.memory_space<semaphore_mem>>) src(%dma_wait3A_348 : memref<80x128xf32, #tpu.memory_space<hbm>>) dst(%dma_wait3A_345 : memref<80x128xf32, #tpu.memory_space<vmem>>)
    %dma_start3A_349 = arith.constant 2 : i32
    %dma_start3A_350 = arith.constant 2 : i32
    %dma_start3A_351 = arith.constant 2 : i32
    %dma_start3A_352 = arith.constant 0 : i32
    %dma_start3A_353 = arith.constant 0 : i32
    %dma_start3A_354 = tpu.memref_slice %arg8[%dma_start3A_349, %dma_start3A_352, %dma_start3A_353] : memref<4x80x128xf32, #tpu.memory_space<vmem>> -> memref<1x80x128xf32, #tpu.memory_space<vmem>>
    %dma_start3A_355 = tpu.memref_squeeze %dma_start3A_354 : memref<1x80x128xf32, #tpu.memory_space<vmem>> -> memref<80x128xf32, #tpu.memory_space<vmem>>
    %dma_start3A_356 = arith.constant 0 : i32
    %dma_start3A_357 = tpu.memref_slice %arg7[%dma_start3A_350, %dma_start3A_356] : memref<4x80xi32, #tpu.memory_space<vmem>> -> memref<1x80xi32, #tpu.memory_space<vmem>>
    %dma_start3A_358 = tpu.memref_squeeze %dma_start3A_357 : memref<1x80xi32, #tpu.memory_space<vmem>> -> memref<80xi32, #tpu.memory_space<vmem>>
    %dma_start3A_359 = arith.constant 0 : i32
    %dma_start3A_360 = arith.constant 0 : i32
    %dma_start3A_361 = tpu.memref_slice %arg5[%dma_start3A_359, %dma_start3A_360] : memref<10000x128xf32, #tpu.memory_space<vmem_shared>> -> memref<10000x128xf32, #tpu.memory_space<vmem_shared>>
    %dma_start3A_362 = tpu.memref_slice %arg11[%dma_start3A_351] : memref<4x!tpu.dma_semaphore, #tpu.memory_space<semaphore_mem>> -> memref<1x!tpu.dma_semaphore, #tpu.memory_space<semaphore_mem>>
    %dma_start3A_363 = tpu.memref_squeeze %dma_start3A_362 : memref<1x!tpu.dma_semaphore, #tpu.memory_space<semaphore_mem>> -> memref<!tpu.dma_semaphore, #tpu.memory_space<semaphore_mem>>
    tpu.enqueue_indirect_dma source(%dma_start3A_355 : memref<80x128xf32, #tpu.memory_space<vmem>>) target(%dma_start3A_361 : memref<10000x128xf32, #tpu.memory_space<vmem_shared>>) offsets(%dma_start3A_358 : memref<80xi32, #tpu.memory_space<vmem>>) semaphore(%dma_start3A_363 : memref<!tpu.dma_semaphore, #tpu.memory_space<semaphore_mem>>) {add = true}
    %dma_wait3A_364 = arith.constant 0 : i32
    %dma_wait3A_365 = arith.constant 0 : i32
    %dma_wait3A_366 = arith.constant 0 : i32
    %dma_wait3A_367 = arith.constant 0 : i32
    %dma_wait3A_368 = tpu.memref_slice %arg6[%dma_wait3A_365, %dma_wait3A_367] : memref<4x80xi32, #tpu.memory_space<vmem>> -> memref<1x80xi32, #tpu.memory_space<vmem>>
    %dma_wait3A_369 = tpu.memref_squeeze %dma_wait3A_368 : memref<1x80xi32, #tpu.memory_space<vmem>> -> memref<80xi32, #tpu.memory_space<vmem>>
    %dma_wait3A_370 = arith.constant 0 : i32
    %dma_wait3A_371 = tpu.memref_slice %arg3[%dma_wait3A_364, %dma_wait3A_370] : memref<2x320000xi32, #tpu.memory_space<hbm>> -> memref<1x80xi32, #tpu.memory_space<hbm>>
    %dma_wait3A_372 = tpu.memref_squeeze %dma_wait3A_371 : memref<1x80xi32, #tpu.memory_space<hbm>> -> memref<80xi32, #tpu.memory_space<hbm>>
    %dma_wait3A_373 = tpu.memref_slice %arg10[%dma_wait3A_366] : memref<4x!tpu.dma_semaphore, #tpu.memory_space<semaphore_mem>> -> memref<1x!tpu.dma_semaphore, #tpu.memory_space<semaphore_mem>>
    %dma_wait3A_374 = tpu.memref_squeeze %dma_wait3A_373 : memref<1x!tpu.dma_semaphore, #tpu.memory_space<semaphore_mem>> -> memref<!tpu.dma_semaphore, #tpu.memory_space<semaphore_mem>>
    %dma_wait3A_375 = arith.constant 0 : i32
    %dma_wait3A_376 = tpu.memref_slice %arg6[%dma_wait3A_365, %dma_wait3A_375] : memref<4x80xi32, #tpu.memory_space<vmem>> -> memref<1x80xi32, #tpu.memory_space<vmem>>
    %dma_wait3A_377 = tpu.memref_squeeze %dma_wait3A_376 : memref<1x80xi32, #tpu.memory_space<vmem>> -> memref<80xi32, #tpu.memory_space<vmem>>
    %dma_wait3A_378 = arith.constant 0 : i32
    %dma_wait3A_379 = tpu.memref_slice %arg3[%dma_wait3A_364, %dma_wait3A_378] : memref<2x320000xi32, #tpu.memory_space<hbm>> -> memref<1x80xi32, #tpu.memory_space<hbm>>
    %dma_wait3A_380 = tpu.memref_squeeze %dma_wait3A_379 : memref<1x80xi32, #tpu.memory_space<hbm>> -> memref<80xi32, #tpu.memory_space<hbm>>
    tpu.wait_dma2 semaphore(%dma_wait3A_374 : memref<!tpu.dma_semaphore, #tpu.memory_space<semaphore_mem>>) src(%dma_wait3A_380 : memref<80xi32, #tpu.memory_space<hbm>>) dst(%dma_wait3A_377 : memref<80xi32, #tpu.memory_space<vmem>>)
    %dma_wait3A_381 = arith.constant 1 : i32
    %dma_wait3A_382 = arith.constant 0 : i32
    %dma_wait3A_383 = arith.constant 0 : i32
    %dma_wait3A_384 = arith.constant 0 : i32
    %dma_wait3A_385 = tpu.memref_slice %arg7[%dma_wait3A_382, %dma_wait3A_384] : memref<4x80xi32, #tpu.memory_space<vmem>> -> memref<1x80xi32, #tpu.memory_space<vmem>>
    %dma_wait3A_386 = tpu.memref_squeeze %dma_wait3A_385 : memref<1x80xi32, #tpu.memory_space<vmem>> -> memref<80xi32, #tpu.memory_space<vmem>>
    %dma_wait3A_387 = arith.constant 0 : i32
    %dma_wait3A_388 = tpu.memref_slice %arg3[%dma_wait3A_381, %dma_wait3A_387] : memref<2x320000xi32, #tpu.memory_space<hbm>> -> memref<1x80xi32, #tpu.memory_space<hbm>>
    %dma_wait3A_389 = tpu.memref_squeeze %dma_wait3A_388 : memref<1x80xi32, #tpu.memory_space<hbm>> -> memref<80xi32, #tpu.memory_space<hbm>>
    %dma_wait3A_390 = tpu.memref_slice %arg10[%dma_wait3A_383] : memref<4x!tpu.dma_semaphore, #tpu.memory_space<semaphore_mem>> -> memref<1x!tpu.dma_semaphore, #tpu.memory_space<semaphore_mem>>
    %dma_wait3A_391 = tpu.memref_squeeze %dma_wait3A_390 : memref<1x!tpu.dma_semaphore, #tpu.memory_space<semaphore_mem>> -> memref<!tpu.dma_semaphore, #tpu.memory_space<semaphore_mem>>
    %dma_wait3A_392 = arith.constant 0 : i32
    %dma_wait3A_393 = tpu.memref_slice %arg7[%dma_wait3A_382, %dma_wait3A_392] : memref<4x80xi32, #tpu.memory_space<vmem>> -> memref<1x80xi32, #tpu.memory_space<vmem>>
    %dma_wait3A_394 = tpu.memref_squeeze %dma_wait3A_393 : memref<1x80xi32, #tpu.memory_space<vmem>> -> memref<80xi32, #tpu.memory_space<vmem>>
    %dma_wait3A_395 = arith.constant 0 : i32
    %dma_wait3A_396 = tpu.memref_slice %arg3[%dma_wait3A_381, %dma_wait3A_395] : memref<2x320000xi32, #tpu.memory_space<hbm>> -> memref<1x80xi32, #tpu.memory_space<hbm>>
    %dma_wait3A_397 = tpu.memref_squeeze %dma_wait3A_396 : memref<1x80xi32, #tpu.memory_space<hbm>> -> memref<80xi32, #tpu.memory_space<hbm>>
    tpu.wait_dma2 semaphore(%dma_wait3A_391 : memref<!tpu.dma_semaphore, #tpu.memory_space<semaphore_mem>>) src(%dma_wait3A_397 : memref<80xi32, #tpu.memory_space<hbm>>) dst(%dma_wait3A_394 : memref<80xi32, #tpu.memory_space<vmem>>)
    %dma_start3A_398 = arith.constant 0 : i32
    %dma_start3A_399 = arith.constant 0 : i32
    %dma_start3A_400 = arith.constant 0 : i32
    %dma_start3A_401 = arith.constant 0 : i32
    %dma_start3A_402 = arith.constant 0 : i32
    %dma_start3A_403 = tpu.memref_slice %arg8[%dma_start3A_399, %dma_start3A_401, %dma_start3A_402] : memref<4x80x128xf32, #tpu.memory_space<vmem>> -> memref<1x80x128xf32, #tpu.memory_space<vmem>>
    %dma_start3A_404 = tpu.memref_squeeze %dma_start3A_403 : memref<1x80x128xf32, #tpu.memory_space<vmem>> -> memref<80x128xf32, #tpu.memory_space<vmem>>
    %dma_start3A_405 = arith.constant 0 : i32
    %dma_start3A_406 = tpu.memref_slice %arg6[%dma_start3A_398, %dma_start3A_405] : memref<4x80xi32, #tpu.memory_space<vmem>> -> memref<1x80xi32, #tpu.memory_space<vmem>>
    %dma_start3A_407 = tpu.memref_squeeze %dma_start3A_406 : memref<1x80xi32, #tpu.memory_space<vmem>> -> memref<80xi32, #tpu.memory_space<vmem>>
    %dma_start3A_408 = arith.constant 0 : i32
    %dma_start3A_409 = arith.constant 0 : i32
    %dma_start3A_410 = tpu.memref_slice %arg2[%dma_start3A_408, %dma_start3A_409] : memref<10000x128xf32, #tpu.memory_space<hbm>> -> memref<10000x128xf32, #tpu.memory_space<hbm>>
    %dma_start3A_411 = tpu.memref_slice %arg9[%dma_start3A_400] : memref<4x!tpu.dma_semaphore, #tpu.memory_space<semaphore_mem>> -> memref<1x!tpu.dma_semaphore, #tpu.memory_space<semaphore_mem>>
    %dma_start3A_412 = tpu.memref_squeeze %dma_start3A_411 : memref<1x!tpu.dma_semaphore, #tpu.memory_space<semaphore_mem>> -> memref<!tpu.dma_semaphore, #tpu.memory_space<semaphore_mem>>
    tpu.enqueue_indirect_dma source(%dma_start3A_410 : memref<10000x128xf32, #tpu.memory_space<hbm>>) target(%dma_start3A_404 : memref<80x128xf32, #tpu.memory_space<vmem>>) offsets(%dma_start3A_407 : memref<80xi32, #tpu.memory_space<vmem>>) semaphore(%dma_start3A_412 : memref<!tpu.dma_semaphore, #tpu.memory_space<semaphore_mem>>)
    %dma_wait3A_413 = arith.constant 3 : i32
    %dma_wait3A_414 = arith.constant 3 : i32
    %dma_wait3A_415 = arith.constant 0 : i32
    %dma_wait3A_416 = arith.constant 0 : i32
    %dma_wait3A_417 = tpu.memref_slice %arg8[%dma_wait3A_413, %dma_wait3A_415, %dma_wait3A_416] : memref<4x80x128xf32, #tpu.memory_space<vmem>> -> memref<1x80x128xf32, #tpu.memory_space<vmem>>
    %dma_wait3A_418 = tpu.memref_squeeze %dma_wait3A_417 : memref<1x80x128xf32, #tpu.memory_space<vmem>> -> memref<80x128xf32, #tpu.memory_space<vmem>>
    %dma_wait3A_419 = arith.constant 0 : i32
    %dma_wait3A_420 = arith.constant 0 : i32
    %dma_wait3A_421 = tpu.memref_slice %arg2[%dma_wait3A_419, %dma_wait3A_420] : memref<10000x128xf32, #tpu.memory_space<hbm>> -> memref<80x128xf32, #tpu.memory_space<hbm>>
    %dma_wait3A_422 = tpu.memref_slice %arg9[%dma_wait3A_414] : memref<4x!tpu.dma_semaphore, #tpu.memory_space<semaphore_mem>> -> memref<1x!tpu.dma_semaphore, #tpu.memory_space<semaphore_mem>>
    %dma_wait3A_423 = tpu.memref_squeeze %dma_wait3A_422 : memref<1x!tpu.dma_semaphore, #tpu.memory_space<semaphore_mem>> -> memref<!tpu.dma_semaphore, #tpu.memory_space<semaphore_mem>>
    %dma_wait3A_424 = arith.constant 0 : i32
    %dma_wait3A_425 = arith.constant 0 : i32
    %dma_wait3A_426 = tpu.memref_slice %arg8[%dma_wait3A_413, %dma_wait3A_424, %dma_wait3A_425] : memref<4x80x128xf32, #tpu.memory_space<vmem>> -> memref<1x80x128xf32, #tpu.memory_space<vmem>>
    %dma_wait3A_427 = tpu.memref_squeeze %dma_wait3A_426 : memref<1x80x128xf32, #tpu.memory_space<vmem>> -> memref<80x128xf32, #tpu.memory_space<vmem>>
    %dma_wait3A_428 = arith.constant 0 : i32
    %dma_wait3A_429 = arith.constant 0 : i32
    %dma_wait3A_430 = tpu.memref_slice %arg2[%dma_wait3A_428, %dma_wait3A_429] : memref<10000x128xf32, #tpu.memory_space<hbm>> -> memref<80x128xf32, #tpu.memory_space<hbm>>
    tpu.wait_dma2 semaphore(%dma_wait3A_423 : memref<!tpu.dma_semaphore, #tpu.memory_space<semaphore_mem>>) src(%dma_wait3A_430 : memref<80x128xf32, #tpu.memory_space<hbm>>) dst(%dma_wait3A_427 : memref<80x128xf32, #tpu.memory_space<vmem>>)
    %dma_start3A_431 = arith.constant 3 : i32
    %dma_start3A_432 = arith.constant 3 : i32
    %dma_start3A_433 = arith.constant 3 : i32
    %dma_start3A_434 = arith.constant 0 : i32
    %dma_start3A_435 = arith.constant 0 : i32
    %dma_start3A_436 = tpu.memref_slice %arg8[%dma_start3A_431, %dma_start3A_434, %dma_start3A_435] : memref<4x80x128xf32, #tpu.memory_space<vmem>> -> memref<1x80x128xf32, #tpu.memory_space<vmem>>
    %dma_start3A_437 = tpu.memref_squeeze %dma_start3A_436 : memref<1x80x128xf32, #tpu.memory_space<vmem>> -> memref<80x128xf32, #tpu.memory_space<vmem>>
    %dma_start3A_438 = arith.constant 0 : i32
    %dma_start3A_439 = tpu.memref_slice %arg7[%dma_start3A_432, %dma_start3A_438] : memref<4x80xi32, #tpu.memory_space<vmem>> -> memref<1x80xi32, #tpu.memory_space<vmem>>
    %dma_start3A_440 = tpu.memref_squeeze %dma_start3A_439 : memref<1x80xi32, #tpu.memory_space<vmem>> -> memref<80xi32, #tpu.memory_space<vmem>>
    %dma_start3A_441 = arith.constant 0 : i32
    %dma_start3A_442 = arith.constant 0 : i32
    %dma_start3A_443 = tpu.memref_slice %arg5[%dma_start3A_441, %dma_start3A_442] : memref<10000x128xf32, #tpu.memory_space<vmem_shared>> -> memref<10000x128xf32, #tpu.memory_space<vmem_shared>>
    %dma_start3A_444 = tpu.memref_slice %arg11[%dma_start3A_433] : memref<4x!tpu.dma_semaphore, #tpu.memory_space<semaphore_mem>> -> memref<1x!tpu.dma_semaphore, #tpu.memory_space<semaphore_mem>>
    %dma_start3A_445 = tpu.memref_squeeze %dma_start3A_444 : memref<1x!tpu.dma_semaphore, #tpu.memory_space<semaphore_mem>> -> memref<!tpu.dma_semaphore, #tpu.memory_space<semaphore_mem>>
    tpu.enqueue_indirect_dma source(%dma_start3A_437 : memref<80x128xf32, #tpu.memory_space<vmem>>) target(%dma_start3A_443 : memref<10000x128xf32, #tpu.memory_space<vmem_shared>>) offsets(%dma_start3A_440 : memref<80xi32, #tpu.memory_space<vmem>>) semaphore(%dma_start3A_445 : memref<!tpu.dma_semaphore, #tpu.memory_space<semaphore_mem>>) {add = true}
    %dma_wait3A_446 = arith.constant 0 : i32
    %dma_wait3A_447 = arith.constant 0 : i32
    %dma_wait3A_448 = arith.constant 0 : i32
    %dma_wait3A_449 = arith.constant 0 : i32
    %dma_wait3A_450 = tpu.memref_slice %arg8[%dma_wait3A_446, %dma_wait3A_448, %dma_wait3A_449] : memref<4x80x128xf32, #tpu.memory_space<vmem>> -> memref<1x80x128xf32, #tpu.memory_space<vmem>>
    %dma_wait3A_451 = tpu.memref_squeeze %dma_wait3A_450 : memref<1x80x128xf32, #tpu.memory_space<vmem>> -> memref<80x128xf32, #tpu.memory_space<vmem>>
    %dma_wait3A_452 = arith.constant 0 : i32
    %dma_wait3A_453 = arith.constant 0 : i32
    %dma_wait3A_454 = tpu.memref_slice %arg2[%dma_wait3A_452, %dma_wait3A_453] : memref<10000x128xf32, #tpu.memory_space<hbm>> -> memref<80x128xf32, #tpu.memory_space<hbm>>
    %dma_wait3A_455 = tpu.memref_slice %arg9[%dma_wait3A_447] : memref<4x!tpu.dma_semaphore, #tpu.memory_space<semaphore_mem>> -> memref<1x!tpu.dma_semaphore, #tpu.memory_space<semaphore_mem>>
    %dma_wait3A_456 = tpu.memref_squeeze %dma_wait3A_455 : memref<1x!tpu.dma_semaphore, #tpu.memory_space<semaphore_mem>> -> memref<!tpu.dma_semaphore, #tpu.memory_space<semaphore_mem>>
    %dma_wait3A_457 = arith.constant 0 : i32
    %dma_wait3A_458 = arith.constant 0 : i32
    %dma_wait3A_459 = tpu.memref_slice %arg8[%dma_wait3A_446, %dma_wait3A_457, %dma_wait3A_458] : memref<4x80x128xf32, #tpu.memory_space<vmem>> -> memref<1x80x128xf32, #tpu.memory_space<vmem>>
    %dma_wait3A_460 = tpu.memref_squeeze %dma_wait3A_459 : memref<1x80x128xf32, #tpu.memory_space<vmem>> -> memref<80x128xf32, #tpu.memory_space<vmem>>
    %dma_wait3A_461 = arith.constant 0 : i32
    %dma_wait3A_462 = arith.constant 0 : i32
    %dma_wait3A_463 = tpu.memref_slice %arg2[%dma_wait3A_461, %dma_wait3A_462] : memref<10000x128xf32, #tpu.memory_space<hbm>> -> memref<80x128xf32, #tpu.memory_space<hbm>>
    tpu.wait_dma2 semaphore(%dma_wait3A_456 : memref<!tpu.dma_semaphore, #tpu.memory_space<semaphore_mem>>) src(%dma_wait3A_463 : memref<80x128xf32, #tpu.memory_space<hbm>>) dst(%dma_wait3A_460 : memref<80x128xf32, #tpu.memory_space<vmem>>)
    %dma_start3A_464 = arith.constant 0 : i32
    %dma_start3A_465 = arith.constant 0 : i32
    %dma_start3A_466 = arith.constant 0 : i32
    %dma_start3A_467 = arith.constant 0 : i32
    %dma_start3A_468 = arith.constant 0 : i32
    %dma_start3A_469 = tpu.memref_slice %arg8[%dma_start3A_464, %dma_start3A_467, %dma_start3A_468] : memref<4x80x128xf32, #tpu.memory_space<vmem>> -> memref<1x80x128xf32, #tpu.memory_space<vmem>>
    %dma_start3A_470 = tpu.memref_squeeze %dma_start3A_469 : memref<1x80x128xf32, #tpu.memory_space<vmem>> -> memref<80x128xf32, #tpu.memory_space<vmem>>
    %dma_start3A_471 = arith.constant 0 : i32
    %dma_start3A_472 = tpu.memref_slice %arg7[%dma_start3A_465, %dma_start3A_471] : memref<4x80xi32, #tpu.memory_space<vmem>> -> memref<1x80xi32, #tpu.memory_space<vmem>>
    %dma_start3A_473 = tpu.memref_squeeze %dma_start3A_472 : memref<1x80xi32, #tpu.memory_space<vmem>> -> memref<80xi32, #tpu.memory_space<vmem>>
    %dma_start3A_474 = arith.constant 0 : i32
    %dma_start3A_475 = arith.constant 0 : i32
    %dma_start3A_476 = tpu.memref_slice %arg5[%dma_start3A_474, %dma_start3A_475] : memref<10000x128xf32, #tpu.memory_space<vmem_shared>> -> memref<10000x128xf32, #tpu.memory_space<vmem_shared>>
    %dma_start3A_477 = tpu.memref_slice %arg11[%dma_start3A_466] : memref<4x!tpu.dma_semaphore, #tpu.memory_space<semaphore_mem>> -> memref<1x!tpu.dma_semaphore, #tpu.memory_space<semaphore_mem>>
    %dma_start3A_478 = tpu.memref_squeeze %dma_start3A_477 : memref<1x!tpu.dma_semaphore, #tpu.memory_space<semaphore_mem>> -> memref<!tpu.dma_semaphore, #tpu.memory_space<semaphore_mem>>
    tpu.enqueue_indirect_dma source(%dma_start3A_470 : memref<80x128xf32, #tpu.memory_space<vmem>>) target(%dma_start3A_476 : memref<10000x128xf32, #tpu.memory_space<vmem_shared>>) offsets(%dma_start3A_473 : memref<80xi32, #tpu.memory_space<vmem>>) semaphore(%dma_start3A_478 : memref<!tpu.dma_semaphore, #tpu.memory_space<semaphore_mem>>) {add = true}
    %dma_wait3A_479 = arith.constant 1 : i32
    %dma_wait3A_480 = arith.constant 1 : i32
    %dma_wait3A_481 = arith.constant 0 : i32
    %dma_wait3A_482 = arith.constant 0 : i32
    %dma_wait3A_483 = tpu.memref_slice %arg8[%dma_wait3A_479, %dma_wait3A_481, %dma_wait3A_482] : memref<4x80x128xf32, #tpu.memory_space<vmem>> -> memref<1x80x128xf32, #tpu.memory_space<vmem>>
    %dma_wait3A_484 = tpu.memref_squeeze %dma_wait3A_483 : memref<1x80x128xf32, #tpu.memory_space<vmem>> -> memref<80x128xf32, #tpu.memory_space<vmem>>
    %dma_wait3A_485 = arith.constant 0 : i32
    %dma_wait3A_486 = arith.constant 0 : i32
    %dma_wait3A_487 = tpu.memref_slice %arg5[%dma_wait3A_485, %dma_wait3A_486] : memref<10000x128xf32, #tpu.memory_space<vmem_shared>> -> memref<80x128xf32, #tpu.memory_space<vmem_shared>>
    %dma_wait3A_488 = tpu.memref_slice %arg11[%dma_wait3A_480] : memref<4x!tpu.dma_semaphore, #tpu.memory_space<semaphore_mem>> -> memref<1x!tpu.dma_semaphore, #tpu.memory_space<semaphore_mem>>
    %dma_wait3A_489 = tpu.memref_squeeze %dma_wait3A_488 : memref<1x!tpu.dma_semaphore, #tpu.memory_space<semaphore_mem>> -> memref<!tpu.dma_semaphore, #tpu.memory_space<semaphore_mem>>
    %dma_wait3A_490 = arith.constant 0 : i32
    %dma_wait3A_491 = arith.constant 0 : i32
    %dma_wait3A_492 = tpu.memref_slice %arg5[%dma_wait3A_490, %dma_wait3A_491] : memref<10000x128xf32, #tpu.memory_space<vmem_shared>> -> memref<80x128xf32, #tpu.memory_space<vmem_shared>>
    %dma_wait3A_493 = arith.constant 0 : i32
    %dma_wait3A_494 = arith.constant 0 : i32
    %dma_wait3A_495 = tpu.memref_slice %arg8[%dma_wait3A_479, %dma_wait3A_493, %dma_wait3A_494] : memref<4x80x128xf32, #tpu.memory_space<vmem>> -> memref<1x80x128xf32, #tpu.memory_space<vmem>>
    %dma_wait3A_496 = tpu.memref_squeeze %dma_wait3A_495 : memref<1x80x128xf32, #tpu.memory_space<vmem>> -> memref<80x128xf32, #tpu.memory_space<vmem>>
    tpu.wait_dma2 semaphore(%dma_wait3A_489 : memref<!tpu.dma_semaphore, #tpu.memory_space<semaphore_mem>>) src(%dma_wait3A_496 : memref<80x128xf32, #tpu.memory_space<vmem>>) dst(%dma_wait3A_492 : memref<80x128xf32, #tpu.memory_space<vmem_shared>>)
    %dma_wait3A_497 = arith.constant 2 : i32
    %dma_wait3A_498 = arith.constant 2 : i32
    %dma_wait3A_499 = arith.constant 0 : i32
    %dma_wait3A_500 = arith.constant 0 : i32
    %dma_wait3A_501 = tpu.memref_slice %arg8[%dma_wait3A_497, %dma_wait3A_499, %dma_wait3A_500] : memref<4x80x128xf32, #tpu.memory_space<vmem>> -> memref<1x80x128xf32, #tpu.memory_space<vmem>>
    %dma_wait3A_502 = tpu.memref_squeeze %dma_wait3A_501 : memref<1x80x128xf32, #tpu.memory_space<vmem>> -> memref<80x128xf32, #tpu.memory_space<vmem>>
    %dma_wait3A_503 = arith.constant 0 : i32
    %dma_wait3A_504 = arith.constant 0 : i32
    %dma_wait3A_505 = tpu.memref_slice %arg5[%dma_wait3A_503, %dma_wait3A_504] : memref<10000x128xf32, #tpu.memory_space<vmem_shared>> -> memref<80x128xf32, #tpu.memory_space<vmem_shared>>
    %dma_wait3A_506 = tpu.memref_slice %arg11[%dma_wait3A_498] : memref<4x!tpu.dma_semaphore, #tpu.memory_space<semaphore_mem>> -> memref<1x!tpu.dma_semaphore, #tpu.memory_space<semaphore_mem>>
    %dma_wait3A_507 = tpu.memref_squeeze %dma_wait3A_506 : memref<1x!tpu.dma_semaphore, #tpu.memory_space<semaphore_mem>> -> memref<!tpu.dma_semaphore, #tpu.memory_space<semaphore_mem>>
    %dma_wait3A_508 = arith.constant 0 : i32
    %dma_wait3A_509 = arith.constant 0 : i32
    %dma_wait3A_510 = tpu.memref_slice %arg5[%dma_wait3A_508, %dma_wait3A_509] : memref<10000x128xf32, #tpu.memory_space<vmem_shared>> -> memref<80x128xf32, #tpu.memory_space<vmem_shared>>
    %dma_wait3A_511 = arith.constant 0 : i32
    %dma_wait3A_512 = arith.constant 0 : i32
    %dma_wait3A_513 = tpu.memref_slice %arg8[%dma_wait3A_497, %dma_wait3A_511, %dma_wait3A_512] : memref<4x80x128xf32, #tpu.memory_space<vmem>> -> memref<1x80x128xf32, #tpu.memory_space<vmem>>
    %dma_wait3A_514 = tpu.memref_squeeze %dma_wait3A_513 : memref<1x80x128xf32, #tpu.memory_space<vmem>> -> memref<80x128xf32, #tpu.memory_space<vmem>>
    tpu.wait_dma2 semaphore(%dma_wait3A_507 : memref<!tpu.dma_semaphore, #tpu.memory_space<semaphore_mem>>) src(%dma_wait3A_514 : memref<80x128xf32, #tpu.memory_space<vmem>>) dst(%dma_wait3A_510 : memref<80x128xf32, #tpu.memory_space<vmem_shared>>)
    %dma_wait3A_515 = arith.constant 3 : i32
    %dma_wait3A_516 = arith.constant 3 : i32
    %dma_wait3A_517 = arith.constant 0 : i32
    %dma_wait3A_518 = arith.constant 0 : i32
    %dma_wait3A_519 = tpu.memref_slice %arg8[%dma_wait3A_515, %dma_wait3A_517, %dma_wait3A_518] : memref<4x80x128xf32, #tpu.memory_space<vmem>> -> memref<1x80x128xf32, #tpu.memory_space<vmem>>
    %dma_wait3A_520 = tpu.memref_squeeze %dma_wait3A_519 : memref<1x80x128xf32, #tpu.memory_space<vmem>> -> memref<80x128xf32, #tpu.memory_space<vmem>>
    %dma_wait3A_521 = arith.constant 0 : i32
    %dma_wait3A_522 = arith.constant 0 : i32
    %dma_wait3A_523 = tpu.memref_slice %arg5[%dma_wait3A_521, %dma_wait3A_522] : memref<10000x128xf32, #tpu.memory_space<vmem_shared>> -> memref<80x128xf32, #tpu.memory_space<vmem_shared>>
    %dma_wait3A_524 = tpu.memref_slice %arg11[%dma_wait3A_516] : memref<4x!tpu.dma_semaphore, #tpu.memory_space<semaphore_mem>> -> memref<1x!tpu.dma_semaphore, #tpu.memory_space<semaphore_mem>>
    %dma_wait3A_525 = tpu.memref_squeeze %dma_wait3A_524 : memref<1x!tpu.dma_semaphore, #tpu.memory_space<semaphore_mem>> -> memref<!tpu.dma_semaphore, #tpu.memory_space<semaphore_mem>>
    %dma_wait3A_526 = arith.constant 0 : i32
    %dma_wait3A_527 = arith.constant 0 : i32
    %dma_wait3A_528 = tpu.memref_slice %arg5[%dma_wait3A_526, %dma_wait3A_527] : memref<10000x128xf32, #tpu.memory_space<vmem_shared>> -> memref<80x128xf32, #tpu.memory_space<vmem_shared>>
    %dma_wait3A_529 = arith.constant 0 : i32
    %dma_wait3A_530 = arith.constant 0 : i32
    %dma_wait3A_531 = tpu.memref_slice %arg8[%dma_wait3A_515, %dma_wait3A_529, %dma_wait3A_530] : memref<4x80x128xf32, #tpu.memory_space<vmem>> -> memref<1x80x128xf32, #tpu.memory_space<vmem>>
    %dma_wait3A_532 = tpu.memref_squeeze %dma_wait3A_531 : memref<1x80x128xf32, #tpu.memory_space<vmem>> -> memref<80x128xf32, #tpu.memory_space<vmem>>
    tpu.wait_dma2 semaphore(%dma_wait3A_525 : memref<!tpu.dma_semaphore, #tpu.memory_space<semaphore_mem>>) src(%dma_wait3A_532 : memref<80x128xf32, #tpu.memory_space<vmem>>) dst(%dma_wait3A_528 : memref<80x128xf32, #tpu.memory_space<vmem_shared>>)
    %dma_wait3A_533 = arith.constant 0 : i32
    %dma_wait3A_534 = arith.constant 0 : i32
    %dma_wait3A_535 = arith.constant 0 : i32
    %dma_wait3A_536 = arith.constant 0 : i32
    %dma_wait3A_537 = tpu.memref_slice %arg8[%dma_wait3A_533, %dma_wait3A_535, %dma_wait3A_536] : memref<4x80x128xf32, #tpu.memory_space<vmem>> -> memref<1x80x128xf32, #tpu.memory_space<vmem>>
    %dma_wait3A_538 = tpu.memref_squeeze %dma_wait3A_537 : memref<1x80x128xf32, #tpu.memory_space<vmem>> -> memref<80x128xf32, #tpu.memory_space<vmem>>
    %dma_wait3A_539 = arith.constant 0 : i32
    %dma_wait3A_540 = arith.constant 0 : i32
    %dma_wait3A_541 = tpu.memref_slice %arg5[%dma_wait3A_539, %dma_wait3A_540] : memref<10000x128xf32, #tpu.memory_space<vmem_shared>> -> memref<80x128xf32, #tpu.memory_space<vmem_shared>>
    %dma_wait3A_542 = tpu.memref_slice %arg11[%dma_wait3A_534] : memref<4x!tpu.dma_semaphore, #tpu.memory_space<semaphore_mem>> -> memref<1x!tpu.dma_semaphore, #tpu.memory_space<semaphore_mem>>
    %dma_wait3A_543 = tpu.memref_squeeze %dma_wait3A_542 : memref<1x!tpu.dma_semaphore, #tpu.memory_space<semaphore_mem>> -> memref<!tpu.dma_semaphore, #tpu.memory_space<semaphore_mem>>
    %dma_wait3A_544 = arith.constant 0 : i32
    %dma_wait3A_545 = arith.constant 0 : i32
    %dma_wait3A_546 = tpu.memref_slice %arg5[%dma_wait3A_544, %dma_wait3A_545] : memref<10000x128xf32, #tpu.memory_space<vmem_shared>> -> memref<80x128xf32, #tpu.memory_space<vmem_shared>>
    %dma_wait3A_547 = arith.constant 0 : i32
    %dma_wait3A_548 = arith.constant 0 : i32
    %dma_wait3A_549 = tpu.memref_slice %arg8[%dma_wait3A_533, %dma_wait3A_547, %dma_wait3A_548] : memref<4x80x128xf32, #tpu.memory_space<vmem>> -> memref<1x80x128xf32, #tpu.memory_space<vmem>>
    %dma_wait3A_550 = tpu.memref_squeeze %dma_wait3A_549 : memref<1x80x128xf32, #tpu.memory_space<vmem>> -> memref<80x128xf32, #tpu.memory_space<vmem>>
    tpu.wait_dma2 semaphore(%dma_wait3A_543 : memref<!tpu.dma_semaphore, #tpu.memory_space<semaphore_mem>>) src(%dma_wait3A_550 : memref<80x128xf32, #tpu.memory_space<vmem>>) dst(%dma_wait3A_546 : memref<80x128xf32, #tpu.memory_space<vmem_shared>>)
    %barrier3A_551 = arith.constant 0 : index
    tpu.barrier barrier_id(%barrier3A_551)
    "tpu.region"() ({
      %run_scoped3A = tpu.sem_alloc : memref<!tpu.dma_semaphore, #tpu.memory_space<semaphore_mem>>
      %dma_start3A_552 = arith.constant 0 : i32
      %dma_start3A_553 = tpu.memref_slice %arg4[%arg0, %mul3A_0, %dma_start3A_552] : memref<2x10000x128xf32, #tpu.memory_space<hbm>> -> memref<1x625x128xf32, #tpu.memory_space<hbm>>
      %dma_start3A_554 = tpu.memref_squeeze %dma_start3A_553 : memref<1x625x128xf32, #tpu.memory_space<hbm>> -> memref<625x128xf32, #tpu.memory_space<hbm>>
      %dma_start3A_555 = arith.constant 0 : i32
      %dma_start3A_556 = tpu.memref_slice %arg5[%mul3A_0, %dma_start3A_555] : memref<10000x128xf32, #tpu.memory_space<vmem_shared>> -> memref<625x128xf32, #tpu.memory_space<vmem_shared>>
      tpu.enqueue_dma source(%dma_start3A_556 : memref<625x128xf32, #tpu.memory_space<vmem_shared>>) target(%dma_start3A_554 : memref<625x128xf32, #tpu.memory_space<hbm>>) target_semaphore(%run_scoped3A : memref<!tpu.dma_semaphore, #tpu.memory_space<semaphore_mem>>)
      %dma_wait3A_557 = arith.constant 0 : i32
      %dma_wait3A_558 = tpu.memref_slice %arg4[%arg0, %mul3A_0, %dma_wait3A_557] : memref<2x10000x128xf32, #tpu.memory_space<hbm>> -> memref<1x625x128xf32, #tpu.memory_space<hbm>>
      %dma_wait3A_559 = tpu.memref_squeeze %dma_wait3A_558 : memref<1x625x128xf32, #tpu.memory_space<hbm>> -> memref<625x128xf32, #tpu.memory_space<hbm>>
      %dma_wait3A_560 = arith.constant 0 : i32
      %dma_wait3A_561 = tpu.memref_slice %arg5[%mul3A_0, %dma_wait3A_560] : memref<10000x128xf32, #tpu.memory_space<vmem_shared>> -> memref<625x128xf32, #tpu.memory_space<vmem_shared>>
      tpu.wait_dma2 semaphore(%run_scoped3A : memref<!tpu.dma_semaphore, #tpu.memory_space<semaphore_mem>>) src(%dma_wait3A_561 : memref<625x128xf32, #tpu.memory_space<vmem_shared>>) dst(%dma_wait3A_559 : memref<625x128xf32, #tpu.memory_space<hbm>>)
      tpu.yield
    }) : () -> ()
    return
  }
}

#map = affine_map<(d0, d1) -> (0, 0)>
#map1 = affine_map<(d0, d1) -> (0, 0, 0)>
module attributes {stable_mosaic.version = 14 : i64} {
  func.func @agg(%arg0: i32, %arg1: i32, %arg2: memref<10000x128xf32, #tpu.memory_space<hbm>>, %arg3: memref<2x320000xi32, #tpu.memory_space<hbm>>, %arg4: memref<2x10000x128xf32, #tpu.memory_space<hbm>>, %arg5: memref<10000x128xf32, #tpu.memory_space<vmem_shared>>, %arg6: memref<4x80xi32, #tpu.memory_space<vmem>>, %arg7: memref<4x80xi32, #tpu.memory_space<vmem>>, %arg8: memref<4x80x128xf32, #tpu.memory_space<vmem>>, %arg9: memref<4x!tpu.dma_semaphore, #tpu.memory_space<semaphore_mem>>, %arg10: memref<4x!tpu.dma_semaphore, #tpu.memory_space<semaphore_mem>>, %arg11: memref<4x!tpu.dma_semaphore, #tpu.memory_space<semaphore_mem>>) attributes {dimension_semantics = [#tpu.dimension_semantics<core_parallel>, #tpu.dimension_semantics<subcore_parallel>], iteration_bounds = array<i64: 2, 16>, scalar_prefetch = 0 : i64, scratch_operands = 7 : i64, tpu.core_type = #tpu.core_type<sc_vector_subcore>, window_params = [{transform_indices = #map}, {transform_indices = #map}, {transform_indices = #map1}]} {
    %mul3A = arith.constant 625 : i32
    %mul3A_0 = arith.muli %arg1, %mul3A : i32
    %mul3A_1 = arith.constant 16 : i32
    %mul3A_2 = arith.muli %arg0, %mul3A_1 : i32
    %add3A = arith.addi %mul3A_2, %arg1 : i32
    %mul3A_3 = arith.constant 10000 : i32
    %mul3A_4 = arith.muli %add3A, %mul3A_3 : i32
    %eq3A = arith.constant 0 : i32
    %eq3A_5 = arith.cmpi eq, %arg0, %eq3A : i32
    %convert_element_type3A = arith.extui %eq3A_5 : i1 to i32
    %cond3A = arith.constant 0 : i32
    %cond3A_6 = arith.cmpi ne, %convert_element_type3A, %cond3A : i32
    scf.if %cond3A_6 {
      "tpu.region"() ({
        %run_scoped3A = tpu.sem_alloc : memref<!tpu.dma_semaphore, #tpu.memory_space<semaphore_mem>>
        %dma_start3A_552 = arith.constant 0 : i32
        %dma_start3A_553 = tpu.memref_slice %arg5[%mul3A_0, %dma_start3A_552] : memref<10000x128xf32, #tpu.memory_space<vmem_shared>> -> memref<625x128xf32, #tpu.memory_space<vmem_shared>>
        %dma_start3A_554 = arith.constant 0 : i32
        %dma_start3A_555 = tpu.memref_slice %arg2[%mul3A_0, %dma_start3A_554] : memref<10000x128xf32, #tpu.memory_space<hbm>> -> memref<625x128xf32, #tpu.memory_space<hbm>>
        tpu.enqueue_dma source(%dma_start3A_555 : memref<625x128xf32, #tpu.memory_space<hbm>>) target(%dma_start3A_553 : memref<625x128xf32, #tpu.memory_space<vmem_shared>>) target_semaphore(%run_scoped3A : memref<!tpu.dma_semaphore, #tpu.memory_space<semaphore_mem>>)
        %dma_wait3A_556 = arith.constant 0 : i32
        %dma_wait3A_557 = tpu.memref_slice %arg5[%mul3A_0, %dma_wait3A_556] : memref<10000x128xf32, #tpu.memory_space<vmem_shared>> -> memref<625x128xf32, #tpu.memory_space<vmem_shared>>
        %dma_wait3A_558 = arith.constant 0 : i32
        %dma_wait3A_559 = tpu.memref_slice %arg2[%mul3A_0, %dma_wait3A_558] : memref<10000x128xf32, #tpu.memory_space<hbm>> -> memref<625x128xf32, #tpu.memory_space<hbm>>
        tpu.wait_dma2 semaphore(%run_scoped3A : memref<!tpu.dma_semaphore, #tpu.memory_space<semaphore_mem>>) src(%dma_wait3A_559 : memref<625x128xf32, #tpu.memory_space<hbm>>) dst(%dma_wait3A_557 : memref<625x128xf32, #tpu.memory_space<vmem_shared>>)
        tpu.yield
      }) : () -> ()
    } else {
    }
    %ne3A = arith.constant 0 : i32
    %ne3A_7 = arith.cmpi ne, %arg0, %ne3A : i32
    %convert_element_type3A_8 = arith.extui %ne3A_7 : i1 to i32
    %cond3A_9 = arith.constant 0 : i32
    %cond3A_10 = arith.cmpi ne, %convert_element_type3A_8, %cond3A_9 : i32
    scf.if %cond3A_10 {
      %broadcast_in_dim3A = arith.constant 0.000000e+00 : f32
      %broadcast_in_dim3A_552 = vector.broadcast %broadcast_in_dim3A : f32 to vector<16xf32>
      %scan3A_553 = arith.constant 0 : i32
      %scan3A_554 = arith.constant 0 : i32
      %scan3A_555 = arith.constant 640 : i32
      %scan3A_556 = arith.addi %scan3A_554, %scan3A_555 : i32
      %scan3A_557 = arith.constant 1 : i32
      %scan3A_558 = scf.for %scan3A_583 = %scan3A_554 to %scan3A_556 step %scan3A_557 iter_args(%scan3A_584 = %scan3A_553) -> (i32)  : i32 {
        %jit3A = arith.constant 8 : i32
        %div3A = arith.divsi %scan3A_583, %jit3A : i32
        %sign3A = arith.constant 0 : i32
        %sign3A_585 = arith.cmpi sgt, %scan3A_583, %sign3A : i32
        %sign3A_586 = arith.extui %sign3A_585 : i1 to i32
        %sign3A_587 = arith.constant 0 : i32
        %sign3A_588 = arith.cmpi slt, %scan3A_583, %sign3A_587 : i32
        %sign3A_589 = arith.extui %sign3A_588 : i1 to i32
        %sign3A_590 = arith.subi %sign3A_586, %sign3A_589 : i32
        %sign3A_591 = arith.constant 0 : i32
        %sign3A_592 = arith.cmpi sgt, %jit3A, %sign3A_591 : i32
        %sign3A_593 = arith.extui %sign3A_592 : i1 to i32
        %sign3A_594 = arith.constant 0 : i32
        %sign3A_595 = arith.cmpi slt, %jit3A, %sign3A_594 : i32
        %sign3A_596 = arith.extui %sign3A_595 : i1 to i32
        %sign3A_597 = arith.subi %sign3A_593, %sign3A_596 : i32
        %ne3A_598 = arith.cmpi ne, %sign3A_590, %sign3A_597 : i32
        %rem3A = arith.remsi %scan3A_583, %jit3A : i32
        %ne3A_599 = arith.constant 0 : i32
        %ne3A_600 = arith.cmpi ne, %rem3A, %ne3A_599 : i32
        %and3A = arith.andi %ne3A_598, %ne3A_600 : i1
        %sub3A = arith.constant 1 : i32
        %sub3A_601 = arith.subi %div3A, %sub3A : i32
        %select_n3A = arith.select %and3A, %sub3A_601, %div3A : i32
        %jit3A_602 = arith.constant 8 : i32
        %eq3A_603 = arith.constant 0 : i32
        %eq3A_604 = arith.cmpi eq, %jit3A_602, %eq3A_603 : i32
        %jit3A_605 = arith.constant 1 : i32
        %select_n3A_606 = arith.select %eq3A_604, %jit3A_605, %jit3A_602 : i32
        %rem3A_607 = arith.remsi %scan3A_583, %select_n3A_606 : i32
        %ne3A_608 = arith.constant 0 : i32
        %ne3A_609 = arith.cmpi ne, %rem3A_607, %ne3A_608 : i32
        %lt3A = arith.constant 0 : i32
        %lt3A_610 = arith.cmpi slt, %rem3A_607, %lt3A : i32
        %lt3A_611 = arith.constant 0 : i32
        %lt3A_612 = arith.cmpi slt, %select_n3A_606, %lt3A_611 : i32
        %ne3A_613 = arith.xori %lt3A_610, %lt3A_612 : i1
        %and3A_614 = arith.andi %ne3A_613, %ne3A_609 : i1
        %add3A_615 = arith.addi %rem3A_607, %select_n3A_606 : i32
        %select_n3A_616 = arith.select %and3A_614, %add3A_615, %rem3A_607 : i32
        %mul3A_617 = arith.constant 16 : i32
        %mul3A_618 = arith.muli %select_n3A_616, %mul3A_617 : i32
        %swap3A = arith.constant 0 : i32
        %swap3A_619 = arith.index_cast %swap3A : i32 to index
        %swap3A_620 = arith.index_cast %select_n3A : i32 to index
        %swap3A_621 = arith.index_cast %mul3A_618 : i32 to index
        %swap3A_622 = tpu.vector_load %arg8[%swap3A_619, %swap3A_620, %swap3A_621] {strides = array<i32>} : memref<4x80x128xf32, #tpu.memory_space<vmem>>, vector<1x1x16xf32>,
        %swap3A_623 = vector.shape_cast %swap3A_622 : vector<1x1x16xf32> to vector<16xf32>
        %swap3A_624 = vector.shape_cast %broadcast_in_dim3A_552 : vector<16xf32> to vector<1x1x16xf32>
        tpu.vector_store %arg8[%swap3A_619, %swap3A_620, %swap3A_621], %swap3A_624 {strides = array<i32>} : memref<4x80x128xf32, #tpu.memory_space<vmem>>, vector<1x1x16xf32>,
        %scan3A_625 = arith.constant 0 : i32
        scf.yield %scan3A_625 : i32
      }
      %scan3A_559 = arith.constant 640 : i32
      %add3A_560 = arith.constant 0 : i32
      %add3A_561 = arith.addi %mul3A_0, %add3A_560 : i32
      %run_scoped3A = arith.constant 0 : i32
      "tpu.region"() ({
        %run_scoped3A_583 = tpu.sem_alloc : memref<!tpu.dma_semaphore, #tpu.memory_space<semaphore_mem>>
        %dma_start3A_584 = arith.constant 0 : i32
        %dma_start3A_585 = arith.constant 0 : i32
        %dma_start3A_586 = tpu.memref_slice %arg8[%run_scoped3A, %dma_start3A_584, %dma_start3A_585] : memref<4x80x128xf32, #tpu.memory_space<vmem>> -> memref<1x80x128xf32, #tpu.memory_space<vmem>>
        %dma_start3A_587 = tpu.memref_squeeze %dma_start3A_586 : memref<1x80x128xf32, #tpu.memory_space<vmem>> -> memref<80x128xf32, #tpu.memory_space<vmem>>
        %dma_start3A_588 = arith.constant 0 : i32
        %dma_start3A_589 = tpu.memref_slice %arg5[%add3A_561, %dma_start3A_588] : memref<10000x128xf32, #tpu.memory_space<vmem_shared>> -> memref<80x128xf32, #tpu.memory_space<vmem_shared>>
        %dma_start3A_590 = arith.constant 0 : i32
        %dma_start3A_591 = tpu.memref_slice %arg5[%add3A_561, %dma_start3A_590] : memref<10000x128xf32, #tpu.memory_space<vmem_shared>> -> memref<80x128xf32, #tpu.memory_space<vmem_shared>>
        %dma_start3A_592 = arith.constant 0 : i32
        %dma_start3A_593 = arith.constant 0 : i32
        %dma_start3A_594 = tpu.memref_slice %arg8[%run_scoped3A, %dma_start3A_592, %dma_start3A_593] : memref<4x80x128xf32, #tpu.memory_space<vmem>> -> memref<1x80x128xf32, #tpu.memory_space<vmem>>
        %dma_start3A_595 = tpu.memref_squeeze %dma_start3A_594 : memref<1x80x128xf32, #tpu.memory_space<vmem>> -> memref<80x128xf32, #tpu.memory_space<vmem>>
        tpu.enqueue_dma source(%dma_start3A_595 : memref<80x128xf32, #tpu.memory_space<vmem>>) target(%dma_start3A_591 : memref<80x128xf32, #tpu.memory_space<vmem_shared>>) target_semaphore(%run_scoped3A_583 : memref<!tpu.dma_semaphore, #tpu.memory_space<semaphore_mem>>)
        %dma_wait3A_596 = arith.constant 0 : i32
        %dma_wait3A_597 = arith.constant 0 : i32
        %dma_wait3A_598 = tpu.memref_slice %arg8[%run_scoped3A, %dma_wait3A_596, %dma_wait3A_597] : memref<4x80x128xf32, #tpu.memory_space<vmem>> -> memref<1x80x128xf32, #tpu.memory_space<vmem>>
        %dma_wait3A_599 = tpu.memref_squeeze %dma_wait3A_598 : memref<1x80x128xf32, #tpu.memory_space<vmem>> -> memref<80x128xf32, #tpu.memory_space<vmem>>
        %dma_wait3A_600 = arith.constant 0 : i32
        %dma_wait3A_601 = tpu.memref_slice %arg5[%add3A_561, %dma_wait3A_600] : memref<10000x128xf32, #tpu.memory_space<vmem_shared>> -> memref<80x128xf32, #tpu.memory_space<vmem_shared>>
        %dma_wait3A_602 = arith.constant 0 : i32
        %dma_wait3A_603 = tpu.memref_slice %arg5[%add3A_561, %dma_wait3A_602] : memref<10000x128xf32, #tpu.memory_space<vmem_shared>> -> memref<80x128xf32, #tpu.memory_space<vmem_shared>>
        %dma_wait3A_604 = arith.constant 0 : i32
        %dma_wait3A_605 = arith.constant 0 : i32
        %dma_wait3A_606 = tpu.memref_slice %arg8[%run_scoped3A, %dma_wait3A_604, %dma_wait3A_605] : memref<4x80x128xf32, #tpu.memory_space<vmem>> -> memref<1x80x128xf32, #tpu.memory_space<vmem>>
        %dma_wait3A_607 = tpu.memref_squeeze %dma_wait3A_606 : memref<1x80x128xf32, #tpu.memory_space<vmem>> -> memref<80x128xf32, #tpu.memory_space<vmem>>
        tpu.wait_dma2 semaphore(%run_scoped3A_583 : memref<!tpu.dma_semaphore, #tpu.memory_space<semaphore_mem>>) src(%dma_wait3A_607 : memref<80x128xf32, #tpu.memory_space<vmem>>) dst(%dma_wait3A_603 : memref<80x128xf32, #tpu.memory_space<vmem_shared>>)
        tpu.yield
      }) : () -> ()
      %add3A_562 = arith.constant 80 : i32
      %add3A_563 = arith.addi %mul3A_0, %add3A_562 : i32
      %run_scoped3A_564 = arith.constant 0 : i32
      "tpu.region"() ({
        %run_scoped3A_583 = tpu.sem_alloc : memref<!tpu.dma_semaphore, #tpu.memory_space<semaphore_mem>>
        %dma_start3A_584 = arith.constant 0 : i32
        %dma_start3A_585 = arith.constant 0 : i32
        %dma_start3A_586 = tpu.memref_slice %arg8[%run_scoped3A_564, %dma_start3A_584, %dma_start3A_585] : memref<4x80x128xf32, #tpu.memory_space<vmem>> -> memref<1x80x128xf32, #tpu.memory_space<vmem>>
        %dma_start3A_587 = tpu.memref_squeeze %dma_start3A_586 : memref<1x80x128xf32, #tpu.memory_space<vmem>> -> memref<80x128xf32, #tpu.memory_space<vmem>>
        %dma_start3A_588 = arith.constant 0 : i32
        %dma_start3A_589 = tpu.memref_slice %arg5[%add3A_563, %dma_start3A_588] : memref<10000x128xf32, #tpu.memory_space<vmem_shared>> -> memref<80x128xf32, #tpu.memory_space<vmem_shared>>
        %dma_start3A_590 = arith.constant 0 : i32
        %dma_start3A_591 = tpu.memref_slice %arg5[%add3A_563, %dma_start3A_590] : memref<10000x128xf32, #tpu.memory_space<vmem_shared>> -> memref<80x128xf32, #tpu.memory_space<vmem_shared>>
        %dma_start3A_592 = arith.constant 0 : i32
        %dma_start3A_593 = arith.constant 0 : i32
        %dma_start3A_594 = tpu.memref_slice %arg8[%run_scoped3A_564, %dma_start3A_592, %dma_start3A_593] : memref<4x80x128xf32, #tpu.memory_space<vmem>> -> memref<1x80x128xf32, #tpu.memory_space<vmem>>
        %dma_start3A_595 = tpu.memref_squeeze %dma_start3A_594 : memref<1x80x128xf32, #tpu.memory_space<vmem>> -> memref<80x128xf32, #tpu.memory_space<vmem>>
        tpu.enqueue_dma source(%dma_start3A_595 : memref<80x128xf32, #tpu.memory_space<vmem>>) target(%dma_start3A_591 : memref<80x128xf32, #tpu.memory_space<vmem_shared>>) target_semaphore(%run_scoped3A_583 : memref<!tpu.dma_semaphore, #tpu.memory_space<semaphore_mem>>)
        %dma_wait3A_596 = arith.constant 0 : i32
        %dma_wait3A_597 = arith.constant 0 : i32
        %dma_wait3A_598 = tpu.memref_slice %arg8[%run_scoped3A_564, %dma_wait3A_596, %dma_wait3A_597] : memref<4x80x128xf32, #tpu.memory_space<vmem>> -> memref<1x80x128xf32, #tpu.memory_space<vmem>>
        %dma_wait3A_599 = tpu.memref_squeeze %dma_wait3A_598 : memref<1x80x128xf32, #tpu.memory_space<vmem>> -> memref<80x128xf32, #tpu.memory_space<vmem>>
        %dma_wait3A_600 = arith.constant 0 : i32
        %dma_wait3A_601 = tpu.memref_slice %arg5[%add3A_563, %dma_wait3A_600] : memref<10000x128xf32, #tpu.memory_space<vmem_shared>> -> memref<80x128xf32, #tpu.memory_space<vmem_shared>>
        %dma_wait3A_602 = arith.constant 0 : i32
        %dma_wait3A_603 = tpu.memref_slice %arg5[%add3A_563, %dma_wait3A_602] : memref<10000x128xf32, #tpu.memory_space<vmem_shared>> -> memref<80x128xf32, #tpu.memory_space<vmem_shared>>
        %dma_wait3A_604 = arith.constant 0 : i32
        %dma_wait3A_605 = arith.constant 0 : i32
        %dma_wait3A_606 = tpu.memref_slice %arg8[%run_scoped3A_564, %dma_wait3A_604, %dma_wait3A_605] : memref<4x80x128xf32, #tpu.memory_space<vmem>> -> memref<1x80x128xf32, #tpu.memory_space<vmem>>
        %dma_wait3A_607 = tpu.memref_squeeze %dma_wait3A_606 : memref<1x80x128xf32, #tpu.memory_space<vmem>> -> memref<80x128xf32, #tpu.memory_space<vmem>>
        tpu.wait_dma2 semaphore(%run_scoped3A_583 : memref<!tpu.dma_semaphore, #tpu.memory_space<semaphore_mem>>) src(%dma_wait3A_607 : memref<80x128xf32, #tpu.memory_space<vmem>>) dst(%dma_wait3A_603 : memref<80x128xf32, #tpu.memory_space<vmem_shared>>)
        tpu.yield
      }) : () -> ()
      %add3A_565 = arith.constant 160 : i32
      %add3A_566 = arith.addi %mul3A_0, %add3A_565 : i32
      %run_scoped3A_567 = arith.constant 0 : i32
      "tpu.region"() ({
        %run_scoped3A_583 = tpu.sem_alloc : memref<!tpu.dma_semaphore, #tpu.memory_space<semaphore_mem>>
        %dma_start3A_584 = arith.constant 0 : i32
        %dma_start3A_585 = arith.constant 0 : i32
        %dma_start3A_586 = tpu.memref_slice %arg8[%run_scoped3A_567, %dma_start3A_584, %dma_start3A_585] : memref<4x80x128xf32, #tpu.memory_space<vmem>> -> memref<1x80x128xf32, #tpu.memory_space<vmem>>
        %dma_start3A_587 = tpu.memref_squeeze %dma_start3A_586 : memref<1x80x128xf32, #tpu.memory_space<vmem>> -> memref<80x128xf32, #tpu.memory_space<vmem>>
        %dma_start3A_588 = arith.constant 0 : i32
        %dma_start3A_589 = tpu.memref_slice %arg5[%add3A_566, %dma_start3A_588] : memref<10000x128xf32, #tpu.memory_space<vmem_shared>> -> memref<80x128xf32, #tpu.memory_space<vmem_shared>>
        %dma_start3A_590 = arith.constant 0 : i32
        %dma_start3A_591 = tpu.memref_slice %arg5[%add3A_566, %dma_start3A_590] : memref<10000x128xf32, #tpu.memory_space<vmem_shared>> -> memref<80x128xf32, #tpu.memory_space<vmem_shared>>
        %dma_start3A_592 = arith.constant 0 : i32
        %dma_start3A_593 = arith.constant 0 : i32
        %dma_start3A_594 = tpu.memref_slice %arg8[%run_scoped3A_567, %dma_start3A_592, %dma_start3A_593] : memref<4x80x128xf32, #tpu.memory_space<vmem>> -> memref<1x80x128xf32, #tpu.memory_space<vmem>>
        %dma_start3A_595 = tpu.memref_squeeze %dma_start3A_594 : memref<1x80x128xf32, #tpu.memory_space<vmem>> -> memref<80x128xf32, #tpu.memory_space<vmem>>
        tpu.enqueue_dma source(%dma_start3A_595 : memref<80x128xf32, #tpu.memory_space<vmem>>) target(%dma_start3A_591 : memref<80x128xf32, #tpu.memory_space<vmem_shared>>) target_semaphore(%run_scoped3A_583 : memref<!tpu.dma_semaphore, #tpu.memory_space<semaphore_mem>>)
        %dma_wait3A_596 = arith.constant 0 : i32
        %dma_wait3A_597 = arith.constant 0 : i32
        %dma_wait3A_598 = tpu.memref_slice %arg8[%run_scoped3A_567, %dma_wait3A_596, %dma_wait3A_597] : memref<4x80x128xf32, #tpu.memory_space<vmem>> -> memref<1x80x128xf32, #tpu.memory_space<vmem>>
        %dma_wait3A_599 = tpu.memref_squeeze %dma_wait3A_598 : memref<1x80x128xf32, #tpu.memory_space<vmem>> -> memref<80x128xf32, #tpu.memory_space<vmem>>
        %dma_wait3A_600 = arith.constant 0 : i32
        %dma_wait3A_601 = tpu.memref_slice %arg5[%add3A_566, %dma_wait3A_600] : memref<10000x128xf32, #tpu.memory_space<vmem_shared>> -> memref<80x128xf32, #tpu.memory_space<vmem_shared>>
        %dma_wait3A_602 = arith.constant 0 : i32
        %dma_wait3A_603 = tpu.memref_slice %arg5[%add3A_566, %dma_wait3A_602] : memref<10000x128xf32, #tpu.memory_space<vmem_shared>> -> memref<80x128xf32, #tpu.memory_space<vmem_shared>>
        %dma_wait3A_604 = arith.constant 0 : i32
        %dma_wait3A_605 = arith.constant 0 : i32
        %dma_wait3A_606 = tpu.memref_slice %arg8[%run_scoped3A_567, %dma_wait3A_604, %dma_wait3A_605] : memref<4x80x128xf32, #tpu.memory_space<vmem>> -> memref<1x80x128xf32, #tpu.memory_space<vmem>>
        %dma_wait3A_607 = tpu.memref_squeeze %dma_wait3A_606 : memref<1x80x128xf32, #tpu.memory_space<vmem>> -> memref<80x128xf32, #tpu.memory_space<vmem>>
        tpu.wait_dma2 semaphore(%run_scoped3A_583 : memref<!tpu.dma_semaphore, #tpu.memory_space<semaphore_mem>>) src(%dma_wait3A_607 : memref<80x128xf32, #tpu.memory_space<vmem>>) dst(%dma_wait3A_603 : memref<80x128xf32, #tpu.memory_space<vmem_shared>>)
        tpu.yield
      }) : () -> ()
      %add3A_568 = arith.constant 240 : i32
      %add3A_569 = arith.addi %mul3A_0, %add3A_568 : i32
      %run_scoped3A_570 = arith.constant 0 : i32
      "tpu.region"() ({
        %run_scoped3A_583 = tpu.sem_alloc : memref<!tpu.dma_semaphore, #tpu.memory_space<semaphore_mem>>
        %dma_start3A_584 = arith.constant 0 : i32
        %dma_start3A_585 = arith.constant 0 : i32
        %dma_start3A_586 = tpu.memref_slice %arg8[%run_scoped3A_570, %dma_start3A_584, %dma_start3A_585] : memref<4x80x128xf32, #tpu.memory_space<vmem>> -> memref<1x80x128xf32, #tpu.memory_space<vmem>>
        %dma_start3A_587 = tpu.memref_squeeze %dma_start3A_586 : memref<1x80x128xf32, #tpu.memory_space<vmem>> -> memref<80x128xf32, #tpu.memory_space<vmem>>
        %dma_start3A_588 = arith.constant 0 : i32
        %dma_start3A_589 = tpu.memref_slice %arg5[%add3A_569, %dma_start3A_588] : memref<10000x128xf32, #tpu.memory_space<vmem_shared>> -> memref<80x128xf32, #tpu.memory_space<vmem_shared>>
        %dma_start3A_590 = arith.constant 0 : i32
        %dma_start3A_591 = tpu.memref_slice %arg5[%add3A_569, %dma_start3A_590] : memref<10000x128xf32, #tpu.memory_space<vmem_shared>> -> memref<80x128xf32, #tpu.memory_space<vmem_shared>>
        %dma_start3A_592 = arith.constant 0 : i32
        %dma_start3A_593 = arith.constant 0 : i32
        %dma_start3A_594 = tpu.memref_slice %arg8[%run_scoped3A_570, %dma_start3A_592, %dma_start3A_593] : memref<4x80x128xf32, #tpu.memory_space<vmem>> -> memref<1x80x128xf32, #tpu.memory_space<vmem>>
        %dma_start3A_595 = tpu.memref_squeeze %dma_start3A_594 : memref<1x80x128xf32, #tpu.memory_space<vmem>> -> memref<80x128xf32, #tpu.memory_space<vmem>>
        tpu.enqueue_dma source(%dma_start3A_595 : memref<80x128xf32, #tpu.memory_space<vmem>>) target(%dma_start3A_591 : memref<80x128xf32, #tpu.memory_space<vmem_shared>>) target_semaphore(%run_scoped3A_583 : memref<!tpu.dma_semaphore, #tpu.memory_space<semaphore_mem>>)
        %dma_wait3A_596 = arith.constant 0 : i32
        %dma_wait3A_597 = arith.constant 0 : i32
        %dma_wait3A_598 = tpu.memref_slice %arg8[%run_scoped3A_570, %dma_wait3A_596, %dma_wait3A_597] : memref<4x80x128xf32, #tpu.memory_space<vmem>> -> memref<1x80x128xf32, #tpu.memory_space<vmem>>
        %dma_wait3A_599 = tpu.memref_squeeze %dma_wait3A_598 : memref<1x80x128xf32, #tpu.memory_space<vmem>> -> memref<80x128xf32, #tpu.memory_space<vmem>>
        %dma_wait3A_600 = arith.constant 0 : i32
        %dma_wait3A_601 = tpu.memref_slice %arg5[%add3A_569, %dma_wait3A_600] : memref<10000x128xf32, #tpu.memory_space<vmem_shared>> -> memref<80x128xf32, #tpu.memory_space<vmem_shared>>
        %dma_wait3A_602 = arith.constant 0 : i32
        %dma_wait3A_603 = tpu.memref_slice %arg5[%add3A_569, %dma_wait3A_602] : memref<10000x128xf32, #tpu.memory_space<vmem_shared>> -> memref<80x128xf32, #tpu.memory_space<vmem_shared>>
        %dma_wait3A_604 = arith.constant 0 : i32
        %dma_wait3A_605 = arith.constant 0 : i32
        %dma_wait3A_606 = tpu.memref_slice %arg8[%run_scoped3A_570, %dma_wait3A_604, %dma_wait3A_605] : memref<4x80x128xf32, #tpu.memory_space<vmem>> -> memref<1x80x128xf32, #tpu.memory_space<vmem>>
        %dma_wait3A_607 = tpu.memref_squeeze %dma_wait3A_606 : memref<1x80x128xf32, #tpu.memory_space<vmem>> -> memref<80x128xf32, #tpu.memory_space<vmem>>
        tpu.wait_dma2 semaphore(%run_scoped3A_583 : memref<!tpu.dma_semaphore, #tpu.memory_space<semaphore_mem>>) src(%dma_wait3A_607 : memref<80x128xf32, #tpu.memory_space<vmem>>) dst(%dma_wait3A_603 : memref<80x128xf32, #tpu.memory_space<vmem_shared>>)
        tpu.yield
      }) : () -> ()
      %add3A_571 = arith.constant 320 : i32
      %add3A_572 = arith.addi %mul3A_0, %add3A_571 : i32
      %run_scoped3A_573 = arith.constant 0 : i32
      "tpu.region"() ({
        %run_scoped3A_583 = tpu.sem_alloc : memref<!tpu.dma_semaphore, #tpu.memory_space<semaphore_mem>>
        %dma_start3A_584 = arith.constant 0 : i32
        %dma_start3A_585 = arith.constant 0 : i32
        %dma_start3A_586 = tpu.memref_slice %arg8[%run_scoped3A_573, %dma_start3A_584, %dma_start3A_585] : memref<4x80x128xf32, #tpu.memory_space<vmem>> -> memref<1x80x128xf32, #tpu.memory_space<vmem>>
        %dma_start3A_587 = tpu.memref_squeeze %dma_start3A_586 : memref<1x80x128xf32, #tpu.memory_space<vmem>> -> memref<80x128xf32, #tpu.memory_space<vmem>>
        %dma_start3A_588 = arith.constant 0 : i32
        %dma_start3A_589 = tpu.memref_slice %arg5[%add3A_572, %dma_start3A_588] : memref<10000x128xf32, #tpu.memory_space<vmem_shared>> -> memref<80x128xf32, #tpu.memory_space<vmem_shared>>
        %dma_start3A_590 = arith.constant 0 : i32
        %dma_start3A_591 = tpu.memref_slice %arg5[%add3A_572, %dma_start3A_590] : memref<10000x128xf32, #tpu.memory_space<vmem_shared>> -> memref<80x128xf32, #tpu.memory_space<vmem_shared>>
        %dma_start3A_592 = arith.constant 0 : i32
        %dma_start3A_593 = arith.constant 0 : i32
        %dma_start3A_594 = tpu.memref_slice %arg8[%run_scoped3A_573, %dma_start3A_592, %dma_start3A_593] : memref<4x80x128xf32, #tpu.memory_space<vmem>> -> memref<1x80x128xf32, #tpu.memory_space<vmem>>
        %dma_start3A_595 = tpu.memref_squeeze %dma_start3A_594 : memref<1x80x128xf32, #tpu.memory_space<vmem>> -> memref<80x128xf32, #tpu.memory_space<vmem>>
        tpu.enqueue_dma source(%dma_start3A_595 : memref<80x128xf32, #tpu.memory_space<vmem>>) target(%dma_start3A_591 : memref<80x128xf32, #tpu.memory_space<vmem_shared>>) target_semaphore(%run_scoped3A_583 : memref<!tpu.dma_semaphore, #tpu.memory_space<semaphore_mem>>)
        %dma_wait3A_596 = arith.constant 0 : i32
        %dma_wait3A_597 = arith.constant 0 : i32
        %dma_wait3A_598 = tpu.memref_slice %arg8[%run_scoped3A_573, %dma_wait3A_596, %dma_wait3A_597] : memref<4x80x128xf32, #tpu.memory_space<vmem>> -> memref<1x80x128xf32, #tpu.memory_space<vmem>>
        %dma_wait3A_599 = tpu.memref_squeeze %dma_wait3A_598 : memref<1x80x128xf32, #tpu.memory_space<vmem>> -> memref<80x128xf32, #tpu.memory_space<vmem>>
        %dma_wait3A_600 = arith.constant 0 : i32
        %dma_wait3A_601 = tpu.memref_slice %arg5[%add3A_572, %dma_wait3A_600] : memref<10000x128xf32, #tpu.memory_space<vmem_shared>> -> memref<80x128xf32, #tpu.memory_space<vmem_shared>>
        %dma_wait3A_602 = arith.constant 0 : i32
        %dma_wait3A_603 = tpu.memref_slice %arg5[%add3A_572, %dma_wait3A_602] : memref<10000x128xf32, #tpu.memory_space<vmem_shared>> -> memref<80x128xf32, #tpu.memory_space<vmem_shared>>
        %dma_wait3A_604 = arith.constant 0 : i32
        %dma_wait3A_605 = arith.constant 0 : i32
        %dma_wait3A_606 = tpu.memref_slice %arg8[%run_scoped3A_573, %dma_wait3A_604, %dma_wait3A_605] : memref<4x80x128xf32, #tpu.memory_space<vmem>> -> memref<1x80x128xf32, #tpu.memory_space<vmem>>
        %dma_wait3A_607 = tpu.memref_squeeze %dma_wait3A_606 : memref<1x80x128xf32, #tpu.memory_space<vmem>> -> memref<80x128xf32, #tpu.memory_space<vmem>>
        tpu.wait_dma2 semaphore(%run_scoped3A_583 : memref<!tpu.dma_semaphore, #tpu.memory_space<semaphore_mem>>) src(%dma_wait3A_607 : memref<80x128xf32, #tpu.memory_space<vmem>>) dst(%dma_wait3A_603 : memref<80x128xf32, #tpu.memory_space<vmem_shared>>)
        tpu.yield
      }) : () -> ()
      %add3A_574 = arith.constant 400 : i32
      %add3A_575 = arith.addi %mul3A_0, %add3A_574 : i32
      %run_scoped3A_576 = arith.constant 0 : i32
      "tpu.region"() ({
        %run_scoped3A_583 = tpu.sem_alloc : memref<!tpu.dma_semaphore, #tpu.memory_space<semaphore_mem>>
        %dma_start3A_584 = arith.constant 0 : i32
        %dma_start3A_585 = arith.constant 0 : i32
        %dma_start3A_586 = tpu.memref_slice %arg8[%run_scoped3A_576, %dma_start3A_584, %dma_start3A_585] : memref<4x80x128xf32, #tpu.memory_space<vmem>> -> memref<1x80x128xf32, #tpu.memory_space<vmem>>
        %dma_start3A_587 = tpu.memref_squeeze %dma_start3A_586 : memref<1x80x128xf32, #tpu.memory_space<vmem>> -> memref<80x128xf32, #tpu.memory_space<vmem>>
        %dma_start3A_588 = arith.constant 0 : i32
        %dma_start3A_589 = tpu.memref_slice %arg5[%add3A_575, %dma_start3A_588] : memref<10000x128xf32, #tpu.memory_space<vmem_shared>> -> memref<80x128xf32, #tpu.memory_space<vmem_shared>>
        %dma_start3A_590 = arith.constant 0 : i32
        %dma_start3A_591 = tpu.memref_slice %arg5[%add3A_575, %dma_start3A_590] : memref<10000x128xf32, #tpu.memory_space<vmem_shared>> -> memref<80x128xf32, #tpu.memory_space<vmem_shared>>
        %dma_start3A_592 = arith.constant 0 : i32
        %dma_start3A_593 = arith.constant 0 : i32
        %dma_start3A_594 = tpu.memref_slice %arg8[%run_scoped3A_576, %dma_start3A_592, %dma_start3A_593] : memref<4x80x128xf32, #tpu.memory_space<vmem>> -> memref<1x80x128xf32, #tpu.memory_space<vmem>>
        %dma_start3A_595 = tpu.memref_squeeze %dma_start3A_594 : memref<1x80x128xf32, #tpu.memory_space<vmem>> -> memref<80x128xf32, #tpu.memory_space<vmem>>
        tpu.enqueue_dma source(%dma_start3A_595 : memref<80x128xf32, #tpu.memory_space<vmem>>) target(%dma_start3A_591 : memref<80x128xf32, #tpu.memory_space<vmem_shared>>) target_semaphore(%run_scoped3A_583 : memref<!tpu.dma_semaphore, #tpu.memory_space<semaphore_mem>>)
        %dma_wait3A_596 = arith.constant 0 : i32
        %dma_wait3A_597 = arith.constant 0 : i32
        %dma_wait3A_598 = tpu.memref_slice %arg8[%run_scoped3A_576, %dma_wait3A_596, %dma_wait3A_597] : memref<4x80x128xf32, #tpu.memory_space<vmem>> -> memref<1x80x128xf32, #tpu.memory_space<vmem>>
        %dma_wait3A_599 = tpu.memref_squeeze %dma_wait3A_598 : memref<1x80x128xf32, #tpu.memory_space<vmem>> -> memref<80x128xf32, #tpu.memory_space<vmem>>
        %dma_wait3A_600 = arith.constant 0 : i32
        %dma_wait3A_601 = tpu.memref_slice %arg5[%add3A_575, %dma_wait3A_600] : memref<10000x128xf32, #tpu.memory_space<vmem_shared>> -> memref<80x128xf32, #tpu.memory_space<vmem_shared>>
        %dma_wait3A_602 = arith.constant 0 : i32
        %dma_wait3A_603 = tpu.memref_slice %arg5[%add3A_575, %dma_wait3A_602] : memref<10000x128xf32, #tpu.memory_space<vmem_shared>> -> memref<80x128xf32, #tpu.memory_space<vmem_shared>>
        %dma_wait3A_604 = arith.constant 0 : i32
        %dma_wait3A_605 = arith.constant 0 : i32
        %dma_wait3A_606 = tpu.memref_slice %arg8[%run_scoped3A_576, %dma_wait3A_604, %dma_wait3A_605] : memref<4x80x128xf32, #tpu.memory_space<vmem>> -> memref<1x80x128xf32, #tpu.memory_space<vmem>>
        %dma_wait3A_607 = tpu.memref_squeeze %dma_wait3A_606 : memref<1x80x128xf32, #tpu.memory_space<vmem>> -> memref<80x128xf32, #tpu.memory_space<vmem>>
        tpu.wait_dma2 semaphore(%run_scoped3A_583 : memref<!tpu.dma_semaphore, #tpu.memory_space<semaphore_mem>>) src(%dma_wait3A_607 : memref<80x128xf32, #tpu.memory_space<vmem>>) dst(%dma_wait3A_603 : memref<80x128xf32, #tpu.memory_space<vmem_shared>>)
        tpu.yield
      }) : () -> ()
      %add3A_577 = arith.constant 480 : i32
      %add3A_578 = arith.addi %mul3A_0, %add3A_577 : i32
      %run_scoped3A_579 = arith.constant 0 : i32
      "tpu.region"() ({
        %run_scoped3A_583 = tpu.sem_alloc : memref<!tpu.dma_semaphore, #tpu.memory_space<semaphore_mem>>
        %dma_start3A_584 = arith.constant 0 : i32
        %dma_start3A_585 = arith.constant 0 : i32
        %dma_start3A_586 = tpu.memref_slice %arg8[%run_scoped3A_579, %dma_start3A_584, %dma_start3A_585] : memref<4x80x128xf32, #tpu.memory_space<vmem>> -> memref<1x80x128xf32, #tpu.memory_space<vmem>>
        %dma_start3A_587 = tpu.memref_squeeze %dma_start3A_586 : memref<1x80x128xf32, #tpu.memory_space<vmem>> -> memref<80x128xf32, #tpu.memory_space<vmem>>
        %dma_start3A_588 = arith.constant 0 : i32
        %dma_start3A_589 = tpu.memref_slice %arg5[%add3A_578, %dma_start3A_588] : memref<10000x128xf32, #tpu.memory_space<vmem_shared>> -> memref<80x128xf32, #tpu.memory_space<vmem_shared>>
        %dma_start3A_590 = arith.constant 0 : i32
        %dma_start3A_591 = tpu.memref_slice %arg5[%add3A_578, %dma_start3A_590] : memref<10000x128xf32, #tpu.memory_space<vmem_shared>> -> memref<80x128xf32, #tpu.memory_space<vmem_shared>>
        %dma_start3A_592 = arith.constant 0 : i32
        %dma_start3A_593 = arith.constant 0 : i32
        %dma_start3A_594 = tpu.memref_slice %arg8[%run_scoped3A_579, %dma_start3A_592, %dma_start3A_593] : memref<4x80x128xf32, #tpu.memory_space<vmem>> -> memref<1x80x128xf32, #tpu.memory_space<vmem>>
        %dma_start3A_595 = tpu.memref_squeeze %dma_start3A_594 : memref<1x80x128xf32, #tpu.memory_space<vmem>> -> memref<80x128xf32, #tpu.memory_space<vmem>>
        tpu.enqueue_dma source(%dma_start3A_595 : memref<80x128xf32, #tpu.memory_space<vmem>>) target(%dma_start3A_591 : memref<80x128xf32, #tpu.memory_space<vmem_shared>>) target_semaphore(%run_scoped3A_583 : memref<!tpu.dma_semaphore, #tpu.memory_space<semaphore_mem>>)
        %dma_wait3A_596 = arith.constant 0 : i32
        %dma_wait3A_597 = arith.constant 0 : i32
        %dma_wait3A_598 = tpu.memref_slice %arg8[%run_scoped3A_579, %dma_wait3A_596, %dma_wait3A_597] : memref<4x80x128xf32, #tpu.memory_space<vmem>> -> memref<1x80x128xf32, #tpu.memory_space<vmem>>
        %dma_wait3A_599 = tpu.memref_squeeze %dma_wait3A_598 : memref<1x80x128xf32, #tpu.memory_space<vmem>> -> memref<80x128xf32, #tpu.memory_space<vmem>>
        %dma_wait3A_600 = arith.constant 0 : i32
        %dma_wait3A_601 = tpu.memref_slice %arg5[%add3A_578, %dma_wait3A_600] : memref<10000x128xf32, #tpu.memory_space<vmem_shared>> -> memref<80x128xf32, #tpu.memory_space<vmem_shared>>
        %dma_wait3A_602 = arith.constant 0 : i32
        %dma_wait3A_603 = tpu.memref_slice %arg5[%add3A_578, %dma_wait3A_602] : memref<10000x128xf32, #tpu.memory_space<vmem_shared>> -> memref<80x128xf32, #tpu.memory_space<vmem_shared>>
        %dma_wait3A_604 = arith.constant 0 : i32
        %dma_wait3A_605 = arith.constant 0 : i32
        %dma_wait3A_606 = tpu.memref_slice %arg8[%run_scoped3A_579, %dma_wait3A_604, %dma_wait3A_605] : memref<4x80x128xf32, #tpu.memory_space<vmem>> -> memref<1x80x128xf32, #tpu.memory_space<vmem>>
        %dma_wait3A_607 = tpu.memref_squeeze %dma_wait3A_606 : memref<1x80x128xf32, #tpu.memory_space<vmem>> -> memref<80x128xf32, #tpu.memory_space<vmem>>
        tpu.wait_dma2 semaphore(%run_scoped3A_583 : memref<!tpu.dma_semaphore, #tpu.memory_space<semaphore_mem>>) src(%dma_wait3A_607 : memref<80x128xf32, #tpu.memory_space<vmem>>) dst(%dma_wait3A_603 : memref<80x128xf32, #tpu.memory_space<vmem_shared>>)
        tpu.yield
      }) : () -> ()
      %add3A_580 = arith.constant 560 : i32
      %add3A_581 = arith.addi %mul3A_0, %add3A_580 : i32
      %run_scoped3A_582 = arith.constant 0 : i32
      "tpu.region"() ({
        %run_scoped3A_583 = tpu.sem_alloc : memref<!tpu.dma_semaphore, #tpu.memory_space<semaphore_mem>>
        %dma_start3A_584 = arith.constant 0 : i32
        %dma_start3A_585 = arith.constant 0 : i32
        %dma_start3A_586 = tpu.memref_slice %arg8[%run_scoped3A_582, %dma_start3A_584, %dma_start3A_585] : memref<4x80x128xf32, #tpu.memory_space<vmem>> -> memref<1x80x128xf32, #tpu.memory_space<vmem>>
        %dma_start3A_587 = tpu.memref_squeeze %dma_start3A_586 : memref<1x80x128xf32, #tpu.memory_space<vmem>> -> memref<80x128xf32, #tpu.memory_space<vmem>>
        %dma_start3A_588 = arith.constant 0 : i32
        %dma_start3A_589 = arith.constant 0 : i32
        %dma_start3A_590 = tpu.memref_slice %dma_start3A_587[%dma_start3A_588, %dma_start3A_589] : memref<80x128xf32, #tpu.memory_space<vmem>> -> memref<65x128xf32, #tpu.memory_space<vmem>>
        %dma_start3A_591 = arith.constant 0 : i32
        %dma_start3A_592 = tpu.memref_slice %arg5[%add3A_581, %dma_start3A_591] : memref<10000x128xf32, #tpu.memory_space<vmem_shared>> -> memref<65x128xf32, #tpu.memory_space<vmem_shared>>
        %dma_start3A_593 = arith.constant 0 : i32
        %dma_start3A_594 = tpu.memref_slice %arg5[%add3A_581, %dma_start3A_593] : memref<10000x128xf32, #tpu.memory_space<vmem_shared>> -> memref<65x128xf32, #tpu.memory_space<vmem_shared>>
        %dma_start3A_595 = arith.constant 0 : i32
        %dma_start3A_596 = arith.constant 0 : i32
        %dma_start3A_597 = tpu.memref_slice %arg8[%run_scoped3A_582, %dma_start3A_595, %dma_start3A_596] : memref<4x80x128xf32, #tpu.memory_space<vmem>> -> memref<1x80x128xf32, #tpu.memory_space<vmem>>
        %dma_start3A_598 = tpu.memref_squeeze %dma_start3A_597 : memref<1x80x128xf32, #tpu.memory_space<vmem>> -> memref<80x128xf32, #tpu.memory_space<vmem>>
        %dma_start3A_599 = arith.constant 0 : i32
        %dma_start3A_600 = arith.constant 0 : i32
        %dma_start3A_601 = tpu.memref_slice %dma_start3A_598[%dma_start3A_599, %dma_start3A_600] : memref<80x128xf32, #tpu.memory_space<vmem>> -> memref<65x128xf32, #tpu.memory_space<vmem>>
        tpu.enqueue_dma source(%dma_start3A_601 : memref<65x128xf32, #tpu.memory_space<vmem>>) target(%dma_start3A_594 : memref<65x128xf32, #tpu.memory_space<vmem_shared>>) target_semaphore(%run_scoped3A_583 : memref<!tpu.dma_semaphore, #tpu.memory_space<semaphore_mem>>)
        %dma_wait3A_602 = arith.constant 0 : i32
        %dma_wait3A_603 = arith.constant 0 : i32
        %dma_wait3A_604 = tpu.memref_slice %arg8[%run_scoped3A_582, %dma_wait3A_602, %dma_wait3A_603] : memref<4x80x128xf32, #tpu.memory_space<vmem>> -> memref<1x80x128xf32, #tpu.memory_space<vmem>>
        %dma_wait3A_605 = tpu.memref_squeeze %dma_wait3A_604 : memref<1x80x128xf32, #tpu.memory_space<vmem>> -> memref<80x128xf32, #tpu.memory_space<vmem>>
        %dma_wait3A_606 = arith.constant 0 : i32
        %dma_wait3A_607 = arith.constant 0 : i32
        %dma_wait3A_608 = tpu.memref_slice %dma_wait3A_605[%dma_wait3A_606, %dma_wait3A_607] : memref<80x128xf32, #tpu.memory_space<vmem>> -> memref<65x128xf32, #tpu.memory_space<vmem>>
        %dma_wait3A_609 = arith.constant 0 : i32
        %dma_wait3A_610 = tpu.memref_slice %arg5[%add3A_581, %dma_wait3A_609] : memref<10000x128xf32, #tpu.memory_space<vmem_shared>> -> memref<65x128xf32, #tpu.memory_space<vmem_shared>>
        %dma_wait3A_611 = arith.constant 0 : i32
        %dma_wait3A_612 = tpu.memref_slice %arg5[%add3A_581, %dma_wait3A_611] : memref<10000x128xf32, #tpu.memory_space<vmem_shared>> -> memref<65x128xf32, #tpu.memory_space<vmem_shared>>
        %dma_wait3A_613 = arith.constant 0 : i32
        %dma_wait3A_614 = arith.constant 0 : i32
        %dma_wait3A_615 = tpu.memref_slice %arg8[%run_scoped3A_582, %dma_wait3A_613, %dma_wait3A_614] : memref<4x80x128xf32, #tpu.memory_space<vmem>> -> memref<1x80x128xf32, #tpu.memory_space<vmem>>
        %dma_wait3A_616 = tpu.memref_squeeze %dma_wait3A_615 : memref<1x80x128xf32, #tpu.memory_space<vmem>> -> memref<80x128xf32, #tpu.memory_space<vmem>>
        %dma_wait3A_617 = arith.constant 0 : i32
        %dma_wait3A_618 = arith.constant 0 : i32
        %dma_wait3A_619 = tpu.memref_slice %dma_wait3A_616[%dma_wait3A_617, %dma_wait3A_618] : memref<80x128xf32, #tpu.memory_space<vmem>> -> memref<65x128xf32, #tpu.memory_space<vmem>>
        tpu.wait_dma2 semaphore(%run_scoped3A_583 : memref<!tpu.dma_semaphore, #tpu.memory_space<semaphore_mem>>) src(%dma_wait3A_619 : memref<65x128xf32, #tpu.memory_space<vmem>>) dst(%dma_wait3A_612 : memref<65x128xf32, #tpu.memory_space<vmem_shared>>)
        tpu.yield
      }) : () -> ()
    } else {
    }
    %barrier3A = arith.constant 0 : index
    tpu.barrier barrier_id(%barrier3A)
    %add3A_11 = arith.constant 0 : i32
    %add3A_12 = arith.addi %mul3A_4, %add3A_11 : i32
    %dma_start3A = arith.constant 0 : i32
    %dma_start3A_13 = arith.constant 0 : i32
    %dma_start3A_14 = arith.constant 0 : i32
    %dma_start3A_15 = arith.constant 0 : i32
    %dma_start3A_16 = tpu.memref_slice %arg6[%dma_start3A_13, %dma_start3A_15] : memref<4x80xi32, #tpu.memory_space<vmem>> -> memref<1x80xi32, #tpu.memory_space<vmem>>
    %dma_start3A_17 = tpu.memref_squeeze %dma_start3A_16 : memref<1x80xi32, #tpu.memory_space<vmem>> -> memref<80xi32, #tpu.memory_space<vmem>>
    %dma_start3A_18 = tpu.memref_slice %arg3[%dma_start3A, %add3A_12] : memref<2x320000xi32, #tpu.memory_space<hbm>> -> memref<1x80xi32, #tpu.memory_space<hbm>>
    %dma_start3A_19 = tpu.memref_squeeze %dma_start3A_18 : memref<1x80xi32, #tpu.memory_space<hbm>> -> memref<80xi32, #tpu.memory_space<hbm>>
    %dma_start3A_20 = tpu.memref_slice %arg10[%dma_start3A_14] : memref<4x!tpu.dma_semaphore, #tpu.memory_space<semaphore_mem>> -> memref<1x!tpu.dma_semaphore, #tpu.memory_space<semaphore_mem>>
    %dma_start3A_21 = tpu.memref_squeeze %dma_start3A_20 : memref<1x!tpu.dma_semaphore, #tpu.memory_space<semaphore_mem>> -> memref<!tpu.dma_semaphore, #tpu.memory_space<semaphore_mem>>
    %dma_start3A_22 = arith.constant 0 : i32
    %dma_start3A_23 = tpu.memref_slice %arg6[%dma_start3A_13, %dma_start3A_22] : memref<4x80xi32, #tpu.memory_space<vmem>> -> memref<1x80xi32, #tpu.memory_space<vmem>>
    %dma_start3A_24 = tpu.memref_squeeze %dma_start3A_23 : memref<1x80xi32, #tpu.memory_space<vmem>> -> memref<80xi32, #tpu.memory_space<vmem>>
    %dma_start3A_25 = tpu.memref_slice %arg3[%dma_start3A, %add3A_12] : memref<2x320000xi32, #tpu.memory_space<hbm>> -> memref<1x80xi32, #tpu.memory_space<hbm>>
    %dma_start3A_26 = tpu.memref_squeeze %dma_start3A_25 : memref<1x80xi32, #tpu.memory_space<hbm>> -> memref<80xi32, #tpu.memory_space<hbm>>
    tpu.enqueue_dma source(%dma_start3A_26 : memref<80xi32, #tpu.memory_space<hbm>>) target(%dma_start3A_24 : memref<80xi32, #tpu.memory_space<vmem>>) target_semaphore(%dma_start3A_21 : memref<!tpu.dma_semaphore, #tpu.memory_space<semaphore_mem>>)
    %add3A_27 = arith.constant 0 : i32
    %add3A_28 = arith.addi %mul3A_4, %add3A_27 : i32
    %dma_start3A_29 = arith.constant 1 : i32
    %dma_start3A_30 = arith.constant 0 : i32
    %dma_start3A_31 = arith.constant 0 : i32
    %dma_start3A_32 = arith.constant 0 : i32
    %dma_start3A_33 = tpu.memref_slice %arg7[%dma_start3A_30, %dma_start3A_32] : memref<4x80xi32, #tpu.memory_space<vmem>> -> memref<1x80xi32, #tpu.memory_space<vmem>>
    %dma_start3A_34 = tpu.memref_squeeze %dma_start3A_33 : memref<1x80xi32, #tpu.memory_space<vmem>> -> memref<80xi32, #tpu.memory_space<vmem>>
    %dma_start3A_35 = tpu.memref_slice %arg3[%dma_start3A_29, %add3A_28] : memref<2x320000xi32, #tpu.memory_space<hbm>> -> memref<1x80xi32, #tpu.memory_space<hbm>>
    %dma_start3A_36 = tpu.memref_squeeze %dma_start3A_35 : memref<1x80xi32, #tpu.memory_space<hbm>> -> memref<80xi32, #tpu.memory_space<hbm>>
    %dma_start3A_37 = tpu.memref_slice %arg10[%dma_start3A_31] : memref<4x!tpu.dma_semaphore, #tpu.memory_space<semaphore_mem>> -> memref<1x!tpu.dma_semaphore, #tpu.memory_space<semaphore_mem>>
    %dma_start3A_38 = tpu.memref_squeeze %dma_start3A_37 : memref<1x!tpu.dma_semaphore, #tpu.memory_space<semaphore_mem>> -> memref<!tpu.dma_semaphore, #tpu.memory_space<semaphore_mem>>
    %dma_start3A_39 = arith.constant 0 : i32
    %dma_start3A_40 = tpu.memref_slice %arg7[%dma_start3A_30, %dma_start3A_39] : memref<4x80xi32, #tpu.memory_space<vmem>> -> memref<1x80xi32, #tpu.memory_space<vmem>>
    %dma_start3A_41 = tpu.memref_squeeze %dma_start3A_40 : memref<1x80xi32, #tpu.memory_space<vmem>> -> memref<80xi32, #tpu.memory_space<vmem>>
    %dma_start3A_42 = tpu.memref_slice %arg3[%dma_start3A_29, %add3A_28] : memref<2x320000xi32, #tpu.memory_space<hbm>> -> memref<1x80xi32, #tpu.memory_space<hbm>>
    %dma_start3A_43 = tpu.memref_squeeze %dma_start3A_42 : memref<1x80xi32, #tpu.memory_space<hbm>> -> memref<80xi32, #tpu.memory_space<hbm>>
    tpu.enqueue_dma source(%dma_start3A_43 : memref<80xi32, #tpu.memory_space<hbm>>) target(%dma_start3A_41 : memref<80xi32, #tpu.memory_space<vmem>>) target_semaphore(%dma_start3A_38 : memref<!tpu.dma_semaphore, #tpu.memory_space<semaphore_mem>>)
    %add3A_44 = arith.constant 80 : i32
    %add3A_45 = arith.addi %mul3A_4, %add3A_44 : i32
    %dma_start3A_46 = arith.constant 0 : i32
    %dma_start3A_47 = arith.constant 1 : i32
    %dma_start3A_48 = arith.constant 1 : i32
    %dma_start3A_49 = arith.constant 0 : i32
    %dma_start3A_50 = tpu.memref_slice %arg6[%dma_start3A_47, %dma_start3A_49] : memref<4x80xi32, #tpu.memory_space<vmem>> -> memref<1x80xi32, #tpu.memory_space<vmem>>
    %dma_start3A_51 = tpu.memref_squeeze %dma_start3A_50 : memref<1x80xi32, #tpu.memory_space<vmem>> -> memref<80xi32, #tpu.memory_space<vmem>>
    %dma_start3A_52 = tpu.memref_slice %arg3[%dma_start3A_46, %add3A_45] : memref<2x320000xi32, #tpu.memory_space<hbm>> -> memref<1x80xi32, #tpu.memory_space<hbm>>
    %dma_start3A_53 = tpu.memref_squeeze %dma_start3A_52 : memref<1x80xi32, #tpu.memory_space<hbm>> -> memref<80xi32, #tpu.memory_space<hbm>>
    %dma_start3A_54 = tpu.memref_slice %arg10[%dma_start3A_48] : memref<4x!tpu.dma_semaphore, #tpu.memory_space<semaphore_mem>> -> memref<1x!tpu.dma_semaphore, #tpu.memory_space<semaphore_mem>>
    %dma_start3A_55 = tpu.memref_squeeze %dma_start3A_54 : memref<1x!tpu.dma_semaphore, #tpu.memory_space<semaphore_mem>> -> memref<!tpu.dma_semaphore, #tpu.memory_space<semaphore_mem>>
    %dma_start3A_56 = arith.constant 0 : i32
    %dma_start3A_57 = tpu.memref_slice %arg6[%dma_start3A_47, %dma_start3A_56] : memref<4x80xi32, #tpu.memory_space<vmem>> -> memref<1x80xi32, #tpu.memory_space<vmem>>
    %dma_start3A_58 = tpu.memref_squeeze %dma_start3A_57 : memref<1x80xi32, #tpu.memory_space<vmem>> -> memref<80xi32, #tpu.memory_space<vmem>>
    %dma_start3A_59 = tpu.memref_slice %arg3[%dma_start3A_46, %add3A_45] : memref<2x320000xi32, #tpu.memory_space<hbm>> -> memref<1x80xi32, #tpu.memory_space<hbm>>
    %dma_start3A_60 = tpu.memref_squeeze %dma_start3A_59 : memref<1x80xi32, #tpu.memory_space<hbm>> -> memref<80xi32, #tpu.memory_space<hbm>>
    tpu.enqueue_dma source(%dma_start3A_60 : memref<80xi32, #tpu.memory_space<hbm>>) target(%dma_start3A_58 : memref<80xi32, #tpu.memory_space<vmem>>) target_semaphore(%dma_start3A_55 : memref<!tpu.dma_semaphore, #tpu.memory_space<semaphore_mem>>)
    %add3A_61 = arith.constant 80 : i32
    %add3A_62 = arith.addi %mul3A_4, %add3A_61 : i32
    %dma_start3A_63 = arith.constant 1 : i32
    %dma_start3A_64 = arith.constant 1 : i32
    %dma_start3A_65 = arith.constant 1 : i32
    %dma_start3A_66 = arith.constant 0 : i32
    %dma_start3A_67 = tpu.memref_slice %arg7[%dma_start3A_64, %dma_start3A_66] : memref<4x80xi32, #tpu.memory_space<vmem>> -> memref<1x80xi32, #tpu.memory_space<vmem>>
    %dma_start3A_68 = tpu.memref_squeeze %dma_start3A_67 : memref<1x80xi32, #tpu.memory_space<vmem>> -> memref<80xi32, #tpu.memory_space<vmem>>
    %dma_start3A_69 = tpu.memref_slice %arg3[%dma_start3A_63, %add3A_62] : memref<2x320000xi32, #tpu.memory_space<hbm>> -> memref<1x80xi32, #tpu.memory_space<hbm>>
    %dma_start3A_70 = tpu.memref_squeeze %dma_start3A_69 : memref<1x80xi32, #tpu.memory_space<hbm>> -> memref<80xi32, #tpu.memory_space<hbm>>
    %dma_start3A_71 = tpu.memref_slice %arg10[%dma_start3A_65] : memref<4x!tpu.dma_semaphore, #tpu.memory_space<semaphore_mem>> -> memref<1x!tpu.dma_semaphore, #tpu.memory_space<semaphore_mem>>
    %dma_start3A_72 = tpu.memref_squeeze %dma_start3A_71 : memref<1x!tpu.dma_semaphore, #tpu.memory_space<semaphore_mem>> -> memref<!tpu.dma_semaphore, #tpu.memory_space<semaphore_mem>>
    %dma_start3A_73 = arith.constant 0 : i32
    %dma_start3A_74 = tpu.memref_slice %arg7[%dma_start3A_64, %dma_start3A_73] : memref<4x80xi32, #tpu.memory_space<vmem>> -> memref<1x80xi32, #tpu.memory_space<vmem>>
    %dma_start3A_75 = tpu.memref_squeeze %dma_start3A_74 : memref<1x80xi32, #tpu.memory_space<vmem>> -> memref<80xi32, #tpu.memory_space<vmem>>
    %dma_start3A_76 = tpu.memref_slice %arg3[%dma_start3A_63, %add3A_62] : memref<2x320000xi32, #tpu.memory_space<hbm>> -> memref<1x80xi32, #tpu.memory_space<hbm>>
    %dma_start3A_77 = tpu.memref_squeeze %dma_start3A_76 : memref<1x80xi32, #tpu.memory_space<hbm>> -> memref<80xi32, #tpu.memory_space<hbm>>
    tpu.enqueue_dma source(%dma_start3A_77 : memref<80xi32, #tpu.memory_space<hbm>>) target(%dma_start3A_75 : memref<80xi32, #tpu.memory_space<vmem>>) target_semaphore(%dma_start3A_72 : memref<!tpu.dma_semaphore, #tpu.memory_space<semaphore_mem>>)
    %add3A_78 = arith.constant 160 : i32
    %add3A_79 = arith.addi %mul3A_4, %add3A_78 : i32
    %dma_start3A_80 = arith.constant 0 : i32
    %dma_start3A_81 = arith.constant 2 : i32
    %dma_start3A_82 = arith.constant 2 : i32
    %dma_start3A_83 = arith.constant 0 : i32
    %dma_start3A_84 = tpu.memref_slice %arg6[%dma_start3A_81, %dma_start3A_83] : memref<4x80xi32, #tpu.memory_space<vmem>> -> memref<1x80xi32, #tpu.memory_space<vmem>>
    %dma_start3A_85 = tpu.memref_squeeze %dma_start3A_84 : memref<1x80xi32, #tpu.memory_space<vmem>> -> memref<80xi32, #tpu.memory_space<vmem>>
    %dma_start3A_86 = tpu.memref_slice %arg3[%dma_start3A_80, %add3A_79] : memref<2x320000xi32, #tpu.memory_space<hbm>> -> memref<1x80xi32, #tpu.memory_space<hbm>>
    %dma_start3A_87 = tpu.memref_squeeze %dma_start3A_86 : memref<1x80xi32, #tpu.memory_space<hbm>> -> memref<80xi32, #tpu.memory_space<hbm>>
    %dma_start3A_88 = tpu.memref_slice %arg10[%dma_start3A_82] : memref<4x!tpu.dma_semaphore, #tpu.memory_space<semaphore_mem>> -> memref<1x!tpu.dma_semaphore, #tpu.memory_space<semaphore_mem>>
    %dma_start3A_89 = tpu.memref_squeeze %dma_start3A_88 : memref<1x!tpu.dma_semaphore, #tpu.memory_space<semaphore_mem>> -> memref<!tpu.dma_semaphore, #tpu.memory_space<semaphore_mem>>
    %dma_start3A_90 = arith.constant 0 : i32
    %dma_start3A_91 = tpu.memref_slice %arg6[%dma_start3A_81, %dma_start3A_90] : memref<4x80xi32, #tpu.memory_space<vmem>> -> memref<1x80xi32, #tpu.memory_space<vmem>>
    %dma_start3A_92 = tpu.memref_squeeze %dma_start3A_91 : memref<1x80xi32, #tpu.memory_space<vmem>> -> memref<80xi32, #tpu.memory_space<vmem>>
    %dma_start3A_93 = tpu.memref_slice %arg3[%dma_start3A_80, %add3A_79] : memref<2x320000xi32, #tpu.memory_space<hbm>> -> memref<1x80xi32, #tpu.memory_space<hbm>>
    %dma_start3A_94 = tpu.memref_squeeze %dma_start3A_93 : memref<1x80xi32, #tpu.memory_space<hbm>> -> memref<80xi32, #tpu.memory_space<hbm>>
    tpu.enqueue_dma source(%dma_start3A_94 : memref<80xi32, #tpu.memory_space<hbm>>) target(%dma_start3A_92 : memref<80xi32, #tpu.memory_space<vmem>>) target_semaphore(%dma_start3A_89 : memref<!tpu.dma_semaphore, #tpu.memory_space<semaphore_mem>>)
    %add3A_95 = arith.constant 160 : i32
    %add3A_96 = arith.addi %mul3A_4, %add3A_95 : i32
    %dma_start3A_97 = arith.constant 1 : i32
    %dma_start3A_98 = arith.constant 2 : i32
    %dma_start3A_99 = arith.constant 2 : i32
    %dma_start3A_100 = arith.constant 0 : i32
    %dma_start3A_101 = tpu.memref_slice %arg7[%dma_start3A_98, %dma_start3A_100] : memref<4x80xi32, #tpu.memory_space<vmem>> -> memref<1x80xi32, #tpu.memory_space<vmem>>
    %dma_start3A_102 = tpu.memref_squeeze %dma_start3A_101 : memref<1x80xi32, #tpu.memory_space<vmem>> -> memref<80xi32, #tpu.memory_space<vmem>>
    %dma_start3A_103 = tpu.memref_slice %arg3[%dma_start3A_97, %add3A_96] : memref<2x320000xi32, #tpu.memory_space<hbm>> -> memref<1x80xi32, #tpu.memory_space<hbm>>
    %dma_start3A_104 = tpu.memref_squeeze %dma_start3A_103 : memref<1x80xi32, #tpu.memory_space<hbm>> -> memref<80xi32, #tpu.memory_space<hbm>>
    %dma_start3A_105 = tpu.memref_slice %arg10[%dma_start3A_99] : memref<4x!tpu.dma_semaphore, #tpu.memory_space<semaphore_mem>> -> memref<1x!tpu.dma_semaphore, #tpu.memory_space<semaphore_mem>>
    %dma_start3A_106 = tpu.memref_squeeze %dma_start3A_105 : memref<1x!tpu.dma_semaphore, #tpu.memory_space<semaphore_mem>> -> memref<!tpu.dma_semaphore, #tpu.memory_space<semaphore_mem>>
    %dma_start3A_107 = arith.constant 0 : i32
    %dma_start3A_108 = tpu.memref_slice %arg7[%dma_start3A_98, %dma_start3A_107] : memref<4x80xi32, #tpu.memory_space<vmem>> -> memref<1x80xi32, #tpu.memory_space<vmem>>
    %dma_start3A_109 = tpu.memref_squeeze %dma_start3A_108 : memref<1x80xi32, #tpu.memory_space<vmem>> -> memref<80xi32, #tpu.memory_space<vmem>>
    %dma_start3A_110 = tpu.memref_slice %arg3[%dma_start3A_97, %add3A_96] : memref<2x320000xi32, #tpu.memory_space<hbm>> -> memref<1x80xi32, #tpu.memory_space<hbm>>
    %dma_start3A_111 = tpu.memref_squeeze %dma_start3A_110 : memref<1x80xi32, #tpu.memory_space<hbm>> -> memref<80xi32, #tpu.memory_space<hbm>>
    tpu.enqueue_dma source(%dma_start3A_111 : memref<80xi32, #tpu.memory_space<hbm>>) target(%dma_start3A_109 : memref<80xi32, #tpu.memory_space<vmem>>) target_semaphore(%dma_start3A_106 : memref<!tpu.dma_semaphore, #tpu.memory_space<semaphore_mem>>)
    %dma_wait3A = arith.constant 0 : i32
    %dma_wait3A_112 = arith.constant 0 : i32
    %dma_wait3A_113 = arith.constant 0 : i32
    %dma_wait3A_114 = arith.constant 0 : i32
    %dma_wait3A_115 = tpu.memref_slice %arg6[%dma_wait3A_112, %dma_wait3A_114] : memref<4x80xi32, #tpu.memory_space<vmem>> -> memref<1x80xi32, #tpu.memory_space<vmem>>
    %dma_wait3A_116 = tpu.memref_squeeze %dma_wait3A_115 : memref<1x80xi32, #tpu.memory_space<vmem>> -> memref<80xi32, #tpu.memory_space<vmem>>
    %dma_wait3A_117 = arith.constant 0 : i32
    %dma_wait3A_118 = tpu.memref_slice %arg3[%dma_wait3A, %dma_wait3A_117] : memref<2x320000xi32, #tpu.memory_space<hbm>> -> memref<1x80xi32, #tpu.memory_space<hbm>>
    %dma_wait3A_119 = tpu.memref_squeeze %dma_wait3A_118 : memref<1x80xi32, #tpu.memory_space<hbm>> -> memref<80xi32, #tpu.memory_space<hbm>>
    %dma_wait3A_120 = tpu.memref_slice %arg10[%dma_wait3A_113] : memref<4x!tpu.dma_semaphore, #tpu.memory_space<semaphore_mem>> -> memref<1x!tpu.dma_semaphore, #tpu.memory_space<semaphore_mem>>
    %dma_wait3A_121 = tpu.memref_squeeze %dma_wait3A_120 : memref<1x!tpu.dma_semaphore, #tpu.memory_space<semaphore_mem>> -> memref<!tpu.dma_semaphore, #tpu.memory_space<semaphore_mem>>
    %dma_wait3A_122 = arith.constant 0 : i32
    %dma_wait3A_123 = tpu.memref_slice %arg6[%dma_wait3A_112, %dma_wait3A_122] : memref<4x80xi32, #tpu.memory_space<vmem>> -> memref<1x80xi32, #tpu.memory_space<vmem>>
    %dma_wait3A_124 = tpu.memref_squeeze %dma_wait3A_123 : memref<1x80xi32, #tpu.memory_space<vmem>> -> memref<80xi32, #tpu.memory_space<vmem>>
    %dma_wait3A_125 = arith.constant 0 : i32
    %dma_wait3A_126 = tpu.memref_slice %arg3[%dma_wait3A, %dma_wait3A_125] : memref<2x320000xi32, #tpu.memory_space<hbm>> -> memref<1x80xi32, #tpu.memory_space<hbm>>
    %dma_wait3A_127 = tpu.memref_squeeze %dma_wait3A_126 : memref<1x80xi32, #tpu.memory_space<hbm>> -> memref<80xi32, #tpu.memory_space<hbm>>
    tpu.wait_dma2 semaphore(%dma_wait3A_121 : memref<!tpu.dma_semaphore, #tpu.memory_space<semaphore_mem>>) src(%dma_wait3A_127 : memref<80xi32, #tpu.memory_space<hbm>>) dst(%dma_wait3A_124 : memref<80xi32, #tpu.memory_space<vmem>>)
    %dma_wait3A_128 = arith.constant 1 : i32
    %dma_wait3A_129 = arith.constant 0 : i32
    %dma_wait3A_130 = arith.constant 0 : i32
    %dma_wait3A_131 = arith.constant 0 : i32
    %dma_wait3A_132 = tpu.memref_slice %arg7[%dma_wait3A_129, %dma_wait3A_131] : memref<4x80xi32, #tpu.memory_space<vmem>> -> memref<1x80xi32, #tpu.memory_space<vmem>>
    %dma_wait3A_133 = tpu.memref_squeeze %dma_wait3A_132 : memref<1x80xi32, #tpu.memory_space<vmem>> -> memref<80xi32, #tpu.memory_space<vmem>>
    %dma_wait3A_134 = arith.constant 0 : i32
    %dma_wait3A_135 = tpu.memref_slice %arg3[%dma_wait3A_128, %dma_wait3A_134] : memref<2x320000xi32, #tpu.memory_space<hbm>> -> memref<1x80xi32, #tpu.memory_space<hbm>>
    %dma_wait3A_136 = tpu.memref_squeeze %dma_wait3A_135 : memref<1x80xi32, #tpu.memory_space<hbm>> -> memref<80xi32, #tpu.memory_space<hbm>>
    %dma_wait3A_137 = tpu.memref_slice %arg10[%dma_wait3A_130] : memref<4x!tpu.dma_semaphore, #tpu.memory_space<semaphore_mem>> -> memref<1x!tpu.dma_semaphore, #tpu.memory_space<semaphore_mem>>
    %dma_wait3A_138 = tpu.memref_squeeze %dma_wait3A_137 : memref<1x!tpu.dma_semaphore, #tpu.memory_space<semaphore_mem>> -> memref<!tpu.dma_semaphore, #tpu.memory_space<semaphore_mem>>
    %dma_wait3A_139 = arith.constant 0 : i32
    %dma_wait3A_140 = tpu.memref_slice %arg7[%dma_wait3A_129, %dma_wait3A_139] : memref<4x80xi32, #tpu.memory_space<vmem>> -> memref<1x80xi32, #tpu.memory_space<vmem>>
    %dma_wait3A_141 = tpu.memref_squeeze %dma_wait3A_140 : memref<1x80xi32, #tpu.memory_space<vmem>> -> memref<80xi32, #tpu.memory_space<vmem>>
    %dma_wait3A_142 = arith.constant 0 : i32
    %dma_wait3A_143 = tpu.memref_slice %arg3[%dma_wait3A_128, %dma_wait3A_142] : memref<2x320000xi32, #tpu.memory_space<hbm>> -> memref<1x80xi32, #tpu.memory_space<hbm>>
    %dma_wait3A_144 = tpu.memref_squeeze %dma_wait3A_143 : memref<1x80xi32, #tpu.memory_space<hbm>> -> memref<80xi32, #tpu.memory_space<hbm>>
    tpu.wait_dma2 semaphore(%dma_wait3A_138 : memref<!tpu.dma_semaphore, #tpu.memory_space<semaphore_mem>>) src(%dma_wait3A_144 : memref<80xi32, #tpu.memory_space<hbm>>) dst(%dma_wait3A_141 : memref<80xi32, #tpu.memory_space<vmem>>)
    %dma_start3A_145 = arith.constant 0 : i32
    %dma_start3A_146 = arith.constant 0 : i32
    %dma_start3A_147 = arith.constant 0 : i32
    %dma_start3A_148 = arith.constant 0 : i32
    %dma_start3A_149 = arith.constant 0 : i32
    %dma_start3A_150 = tpu.memref_slice %arg8[%dma_start3A_146, %dma_start3A_148, %dma_start3A_149] : memref<4x80x128xf32, #tpu.memory_space<vmem>> -> memref<1x80x128xf32, #tpu.memory_space<vmem>>
    %dma_start3A_151 = tpu.memref_squeeze %dma_start3A_150 : memref<1x80x128xf32, #tpu.memory_space<vmem>> -> memref<80x128xf32, #tpu.memory_space<vmem>>
    %dma_start3A_152 = arith.constant 0 : i32
    %dma_start3A_153 = tpu.memref_slice %arg6[%dma_start3A_145, %dma_start3A_152] : memref<4x80xi32, #tpu.memory_space<vmem>> -> memref<1x80xi32, #tpu.memory_space<vmem>>
    %dma_start3A_154 = tpu.memref_squeeze %dma_start3A_153 : memref<1x80xi32, #tpu.memory_space<vmem>> -> memref<80xi32, #tpu.memory_space<vmem>>
    %dma_start3A_155 = arith.constant 0 : i32
    %dma_start3A_156 = arith.constant 0 : i32
    %dma_start3A_157 = tpu.memref_slice %arg2[%dma_start3A_155, %dma_start3A_156] : memref<10000x128xf32, #tpu.memory_space<hbm>> -> memref<10000x128xf32, #tpu.memory_space<hbm>>
    %dma_start3A_158 = tpu.memref_slice %arg9[%dma_start3A_147] : memref<4x!tpu.dma_semaphore, #tpu.memory_space<semaphore_mem>> -> memref<1x!tpu.dma_semaphore, #tpu.memory_space<semaphore_mem>>
    %dma_start3A_159 = tpu.memref_squeeze %dma_start3A_158 : memref<1x!tpu.dma_semaphore, #tpu.memory_space<semaphore_mem>> -> memref<!tpu.dma_semaphore, #tpu.memory_space<semaphore_mem>>
    tpu.enqueue_indirect_dma source(%dma_start3A_157 : memref<10000x128xf32, #tpu.memory_space<hbm>>) target(%dma_start3A_151 : memref<80x128xf32, #tpu.memory_space<vmem>>) offsets(%dma_start3A_154 : memref<80xi32, #tpu.memory_space<vmem>>) semaphore(%dma_start3A_159 : memref<!tpu.dma_semaphore, #tpu.memory_space<semaphore_mem>>)
    %dma_wait3A_160 = arith.constant 0 : i32
    %dma_wait3A_161 = arith.constant 1 : i32
    %dma_wait3A_162 = arith.constant 1 : i32
    %dma_wait3A_163 = arith.constant 0 : i32
    %dma_wait3A_164 = tpu.memref_slice %arg6[%dma_wait3A_161, %dma_wait3A_163] : memref<4x80xi32, #tpu.memory_space<vmem>> -> memref<1x80xi32, #tpu.memory_space<vmem>>
    %dma_wait3A_165 = tpu.memref_squeeze %dma_wait3A_164 : memref<1x80xi32, #tpu.memory_space<vmem>> -> memref<80xi32, #tpu.memory_space<vmem>>
    %dma_wait3A_166 = arith.constant 0 : i32
    %dma_wait3A_167 = tpu.memref_slice %arg3[%dma_wait3A_160, %dma_wait3A_166] : memref<2x320000xi32, #tpu.memory_space<hbm>> -> memref<1x80xi32, #tpu.memory_space<hbm>>
    %dma_wait3A_168 = tpu.memref_squeeze %dma_wait3A_167 : memref<1x80xi32, #tpu.memory_space<hbm>> -> memref<80xi32, #tpu.memory_space<hbm>>
    %dma_wait3A_169 = tpu.memref_slice %arg10[%dma_wait3A_162] : memref<4x!tpu.dma_semaphore, #tpu.memory_space<semaphore_mem>> -> memref<1x!tpu.dma_semaphore, #tpu.memory_space<semaphore_mem>>
    %dma_wait3A_170 = tpu.memref_squeeze %dma_wait3A_169 : memref<1x!tpu.dma_semaphore, #tpu.memory_space<semaphore_mem>> -> memref<!tpu.dma_semaphore, #tpu.memory_space<semaphore_mem>>
    %dma_wait3A_171 = arith.constant 0 : i32
    %dma_wait3A_172 = tpu.memref_slice %arg6[%dma_wait3A_161, %dma_wait3A_171] : memref<4x80xi32, #tpu.memory_space<vmem>> -> memref<1x80xi32, #tpu.memory_space<vmem>>
    %dma_wait3A_173 = tpu.memref_squeeze %dma_wait3A_172 : memref<1x80xi32, #tpu.memory_space<vmem>> -> memref<80xi32, #tpu.memory_space<vmem>>
    %dma_wait3A_174 = arith.constant 0 : i32
    %dma_wait3A_175 = tpu.memref_slice %arg3[%dma_wait3A_160, %dma_wait3A_174] : memref<2x320000xi32, #tpu.memory_space<hbm>> -> memref<1x80xi32, #tpu.memory_space<hbm>>
    %dma_wait3A_176 = tpu.memref_squeeze %dma_wait3A_175 : memref<1x80xi32, #tpu.memory_space<hbm>> -> memref<80xi32, #tpu.memory_space<hbm>>
    tpu.wait_dma2 semaphore(%dma_wait3A_170 : memref<!tpu.dma_semaphore, #tpu.memory_space<semaphore_mem>>) src(%dma_wait3A_176 : memref<80xi32, #tpu.memory_space<hbm>>) dst(%dma_wait3A_173 : memref<80xi32, #tpu.memory_space<vmem>>)
    %dma_wait3A_177 = arith.constant 1 : i32
    %dma_wait3A_178 = arith.constant 1 : i32
    %dma_wait3A_179 = arith.constant 1 : i32
    %dma_wait3A_180 = arith.constant 0 : i32
    %dma_wait3A_181 = tpu.memref_slice %arg7[%dma_wait3A_178, %dma_wait3A_180] : memref<4x80xi32, #tpu.memory_space<vmem>> -> memref<1x80xi32, #tpu.memory_space<vmem>>
    %dma_wait3A_182 = tpu.memref_squeeze %dma_wait3A_181 : memref<1x80xi32, #tpu.memory_space<vmem>> -> memref<80xi32, #tpu.memory_space<vmem>>
    %dma_wait3A_183 = arith.constant 0 : i32
    %dma_wait3A_184 = tpu.memref_slice %arg3[%dma_wait3A_177, %dma_wait3A_183] : memref<2x320000xi32, #tpu.memory_space<hbm>> -> memref<1x80xi32, #tpu.memory_space<hbm>>
    %dma_wait3A_185 = tpu.memref_squeeze %dma_wait3A_184 : memref<1x80xi32, #tpu.memory_space<hbm>> -> memref<80xi32, #tpu.memory_space<hbm>>
    %dma_wait3A_186 = tpu.memref_slice %arg10[%dma_wait3A_179] : memref<4x!tpu.dma_semaphore, #tpu.memory_space<semaphore_mem>> -> memref<1x!tpu.dma_semaphore, #tpu.memory_space<semaphore_mem>>
    %dma_wait3A_187 = tpu.memref_squeeze %dma_wait3A_186 : memref<1x!tpu.dma_semaphore, #tpu.memory_space<semaphore_mem>> -> memref<!tpu.dma_semaphore, #tpu.memory_space<semaphore_mem>>
    %dma_wait3A_188 = arith.constant 0 : i32
    %dma_wait3A_189 = tpu.memref_slice %arg7[%dma_wait3A_178, %dma_wait3A_188] : memref<4x80xi32, #tpu.memory_space<vmem>> -> memref<1x80xi32, #tpu.memory_space<vmem>>
    %dma_wait3A_190 = tpu.memref_squeeze %dma_wait3A_189 : memref<1x80xi32, #tpu.memory_space<vmem>> -> memref<80xi32, #tpu.memory_space<vmem>>
    %dma_wait3A_191 = arith.constant 0 : i32
    %dma_wait3A_192 = tpu.memref_slice %arg3[%dma_wait3A_177, %dma_wait3A_191] : memref<2x320000xi32, #tpu.memory_space<hbm>> -> memref<1x80xi32, #tpu.memory_space<hbm>>
    %dma_wait3A_193 = tpu.memref_squeeze %dma_wait3A_192 : memref<1x80xi32, #tpu.memory_space<hbm>> -> memref<80xi32, #tpu.memory_space<hbm>>
    tpu.wait_dma2 semaphore(%dma_wait3A_187 : memref<!tpu.dma_semaphore, #tpu.memory_space<semaphore_mem>>) src(%dma_wait3A_193 : memref<80xi32, #tpu.memory_space<hbm>>) dst(%dma_wait3A_190 : memref<80xi32, #tpu.memory_space<vmem>>)
    %dma_start3A_194 = arith.constant 1 : i32
    %dma_start3A_195 = arith.constant 1 : i32
    %dma_start3A_196 = arith.constant 1 : i32
    %dma_start3A_197 = arith.constant 0 : i32
    %dma_start3A_198 = arith.constant 0 : i32
    %dma_start3A_199 = tpu.memref_slice %arg8[%dma_start3A_195, %dma_start3A_197, %dma_start3A_198] : memref<4x80x128xf32, #tpu.memory_space<vmem>> -> memref<1x80x128xf32, #tpu.memory_space<vmem>>
    %dma_start3A_200 = tpu.memref_squeeze %dma_start3A_199 : memref<1x80x128xf32, #tpu.memory_space<vmem>> -> memref<80x128xf32, #tpu.memory_space<vmem>>
    %dma_start3A_201 = arith.constant 0 : i32
    %dma_start3A_202 = tpu.memref_slice %arg6[%dma_start3A_194, %dma_start3A_201] : memref<4x80xi32, #tpu.memory_space<vmem>> -> memref<1x80xi32, #tpu.memory_space<vmem>>
    %dma_start3A_203 = tpu.memref_squeeze %dma_start3A_202 : memref<1x80xi32, #tpu.memory_space<vmem>> -> memref<80xi32, #tpu.memory_space<vmem>>
    %dma_start3A_204 = arith.constant 0 : i32
    %dma_start3A_205 = arith.constant 0 : i32
    %dma_start3A_206 = tpu.memref_slice %arg2[%dma_start3A_204, %dma_start3A_205] : memref<10000x128xf32, #tpu.memory_space<hbm>> -> memref<10000x128xf32, #tpu.memory_space<hbm>>
    %dma_start3A_207 = tpu.memref_slice %arg9[%dma_start3A_196] : memref<4x!tpu.dma_semaphore, #tpu.memory_space<semaphore_mem>> -> memref<1x!tpu.dma_semaphore, #tpu.memory_space<semaphore_mem>>
    %dma_start3A_208 = tpu.memref_squeeze %dma_start3A_207 : memref<1x!tpu.dma_semaphore, #tpu.memory_space<semaphore_mem>> -> memref<!tpu.dma_semaphore, #tpu.memory_space<semaphore_mem>>
    tpu.enqueue_indirect_dma source(%dma_start3A_206 : memref<10000x128xf32, #tpu.memory_space<hbm>>) target(%dma_start3A_200 : memref<80x128xf32, #tpu.memory_space<vmem>>) offsets(%dma_start3A_203 : memref<80xi32, #tpu.memory_space<vmem>>) semaphore(%dma_start3A_208 : memref<!tpu.dma_semaphore, #tpu.memory_space<semaphore_mem>>)
    %dma_wait3A_209 = arith.constant 0 : i32
    %dma_wait3A_210 = arith.constant 0 : i32
    %dma_wait3A_211 = arith.constant 0 : i32
    %dma_wait3A_212 = arith.constant 0 : i32
    %dma_wait3A_213 = tpu.memref_slice %arg8[%dma_wait3A_209, %dma_wait3A_211, %dma_wait3A_212] : memref<4x80x128xf32, #tpu.memory_space<vmem>> -> memref<1x80x128xf32, #tpu.memory_space<vmem>>
    %dma_wait3A_214 = tpu.memref_squeeze %dma_wait3A_213 : memref<1x80x128xf32, #tpu.memory_space<vmem>> -> memref<80x128xf32, #tpu.memory_space<vmem>>
    %dma_wait3A_215 = arith.constant 0 : i32
    %dma_wait3A_216 = arith.constant 0 : i32
    %dma_wait3A_217 = tpu.memref_slice %arg2[%dma_wait3A_215, %dma_wait3A_216] : memref<10000x128xf32, #tpu.memory_space<hbm>> -> memref<80x128xf32, #tpu.memory_space<hbm>>
    %dma_wait3A_218 = tpu.memref_slice %arg9[%dma_wait3A_210] : memref<4x!tpu.dma_semaphore, #tpu.memory_space<semaphore_mem>> -> memref<1x!tpu.dma_semaphore, #tpu.memory_space<semaphore_mem>>
    %dma_wait3A_219 = tpu.memref_squeeze %dma_wait3A_218 : memref<1x!tpu.dma_semaphore, #tpu.memory_space<semaphore_mem>> -> memref<!tpu.dma_semaphore, #tpu.memory_space<semaphore_mem>>
    %dma_wait3A_220 = arith.constant 0 : i32
    %dma_wait3A_221 = arith.constant 0 : i32
    %dma_wait3A_222 = tpu.memref_slice %arg8[%dma_wait3A_209, %dma_wait3A_220, %dma_wait3A_221] : memref<4x80x128xf32, #tpu.memory_space<vmem>> -> memref<1x80x128xf32, #tpu.memory_space<vmem>>
    %dma_wait3A_223 = tpu.memref_squeeze %dma_wait3A_222 : memref<1x80x128xf32, #tpu.memory_space<vmem>> -> memref<80x128xf32, #tpu.memory_space<vmem>>
    %dma_wait3A_224 = arith.constant 0 : i32
    %dma_wait3A_225 = arith.constant 0 : i32
    %dma_wait3A_226 = tpu.memref_slice %arg2[%dma_wait3A_224, %dma_wait3A_225] : memref<10000x128xf32, #tpu.memory_space<hbm>> -> memref<80x128xf32, #tpu.memory_space<hbm>>
    tpu.wait_dma2 semaphore(%dma_wait3A_219 : memref<!tpu.dma_semaphore, #tpu.memory_space<semaphore_mem>>) src(%dma_wait3A_226 : memref<80x128xf32, #tpu.memory_space<hbm>>) dst(%dma_wait3A_223 : memref<80x128xf32, #tpu.memory_space<vmem>>)
    %dma_start3A_227 = arith.constant 0 : i32
    %dma_start3A_228 = arith.constant 0 : i32
    %dma_start3A_229 = arith.constant 0 : i32
    %dma_start3A_230 = arith.constant 0 : i32
    %dma_start3A_231 = arith.constant 0 : i32
    %dma_start3A_232 = tpu.memref_slice %arg8[%dma_start3A_227, %dma_start3A_230, %dma_start3A_231] : memref<4x80x128xf32, #tpu.memory_space<vmem>> -> memref<1x80x128xf32, #tpu.memory_space<vmem>>
    %dma_start3A_233 = tpu.memref_squeeze %dma_start3A_232 : memref<1x80x128xf32, #tpu.memory_space<vmem>> -> memref<80x128xf32, #tpu.memory_space<vmem>>
    %dma_start3A_234 = arith.constant 0 : i32
    %dma_start3A_235 = tpu.memref_slice %arg7[%dma_start3A_228, %dma_start3A_234] : memref<4x80xi32, #tpu.memory_space<vmem>> -> memref<1x80xi32, #tpu.memory_space<vmem>>
    %dma_start3A_236 = tpu.memref_squeeze %dma_start3A_235 : memref<1x80xi32, #tpu.memory_space<vmem>> -> memref<80xi32, #tpu.memory_space<vmem>>
    %dma_start3A_237 = arith.constant 0 : i32
    %dma_start3A_238 = arith.constant 0 : i32
    %dma_start3A_239 = tpu.memref_slice %arg5[%dma_start3A_237, %dma_start3A_238] : memref<10000x128xf32, #tpu.memory_space<vmem_shared>> -> memref<10000x128xf32, #tpu.memory_space<vmem_shared>>
    %dma_start3A_240 = tpu.memref_slice %arg11[%dma_start3A_229] : memref<4x!tpu.dma_semaphore, #tpu.memory_space<semaphore_mem>> -> memref<1x!tpu.dma_semaphore, #tpu.memory_space<semaphore_mem>>
    %dma_start3A_241 = tpu.memref_squeeze %dma_start3A_240 : memref<1x!tpu.dma_semaphore, #tpu.memory_space<semaphore_mem>> -> memref<!tpu.dma_semaphore, #tpu.memory_space<semaphore_mem>>
    tpu.enqueue_indirect_dma source(%dma_start3A_233 : memref<80x128xf32, #tpu.memory_space<vmem>>) target(%dma_start3A_239 : memref<10000x128xf32, #tpu.memory_space<vmem_shared>>) offsets(%dma_start3A_236 : memref<80xi32, #tpu.memory_space<vmem>>) semaphore(%dma_start3A_241 : memref<!tpu.dma_semaphore, #tpu.memory_space<semaphore_mem>>) {add = true}
    %add3A_242 = arith.constant 240 : i32
    %add3A_243 = arith.addi %mul3A_4, %add3A_242 : i32
    %dma_start3A_244 = arith.constant 0 : i32
    %dma_start3A_245 = arith.constant 3 : i32
    %dma_start3A_246 = arith.constant 3 : i32
    %dma_start3A_247 = arith.constant 0 : i32
    %dma_start3A_248 = tpu.memref_slice %arg6[%dma_start3A_245, %dma_start3A_247] : memref<4x80xi32, #tpu.memory_space<vmem>> -> memref<1x80xi32, #tpu.memory_space<vmem>>
    %dma_start3A_249 = tpu.memref_squeeze %dma_start3A_248 : memref<1x80xi32, #tpu.memory_space<vmem>> -> memref<80xi32, #tpu.memory_space<vmem>>
    %dma_start3A_250 = tpu.memref_slice %arg3[%dma_start3A_244, %add3A_243] : memref<2x320000xi32, #tpu.memory_space<hbm>> -> memref<1x80xi32, #tpu.memory_space<hbm>>
    %dma_start3A_251 = tpu.memref_squeeze %dma_start3A_250 : memref<1x80xi32, #tpu.memory_space<hbm>> -> memref<80xi32, #tpu.memory_space<hbm>>
    %dma_start3A_252 = tpu.memref_slice %arg10[%dma_start3A_246] : memref<4x!tpu.dma_semaphore, #tpu.memory_space<semaphore_mem>> -> memref<1x!tpu.dma_semaphore, #tpu.memory_space<semaphore_mem>>
    %dma_start3A_253 = tpu.memref_squeeze %dma_start3A_252 : memref<1x!tpu.dma_semaphore, #tpu.memory_space<semaphore_mem>> -> memref<!tpu.dma_semaphore, #tpu.memory_space<semaphore_mem>>
    %dma_start3A_254 = arith.constant 0 : i32
    %dma_start3A_255 = tpu.memref_slice %arg6[%dma_start3A_245, %dma_start3A_254] : memref<4x80xi32, #tpu.memory_space<vmem>> -> memref<1x80xi32, #tpu.memory_space<vmem>>
    %dma_start3A_256 = tpu.memref_squeeze %dma_start3A_255 : memref<1x80xi32, #tpu.memory_space<vmem>> -> memref<80xi32, #tpu.memory_space<vmem>>
    %dma_start3A_257 = tpu.memref_slice %arg3[%dma_start3A_244, %add3A_243] : memref<2x320000xi32, #tpu.memory_space<hbm>> -> memref<1x80xi32, #tpu.memory_space<hbm>>
    %dma_start3A_258 = tpu.memref_squeeze %dma_start3A_257 : memref<1x80xi32, #tpu.memory_space<hbm>> -> memref<80xi32, #tpu.memory_space<hbm>>
    tpu.enqueue_dma source(%dma_start3A_258 : memref<80xi32, #tpu.memory_space<hbm>>) target(%dma_start3A_256 : memref<80xi32, #tpu.memory_space<vmem>>) target_semaphore(%dma_start3A_253 : memref<!tpu.dma_semaphore, #tpu.memory_space<semaphore_mem>>)
    %add3A_259 = arith.constant 240 : i32
    %add3A_260 = arith.addi %mul3A_4, %add3A_259 : i32
    %dma_start3A_261 = arith.constant 1 : i32
    %dma_start3A_262 = arith.constant 3 : i32
    %dma_start3A_263 = arith.constant 3 : i32
    %dma_start3A_264 = arith.constant 0 : i32
    %dma_start3A_265 = tpu.memref_slice %arg7[%dma_start3A_262, %dma_start3A_264] : memref<4x80xi32, #tpu.memory_space<vmem>> -> memref<1x80xi32, #tpu.memory_space<vmem>>
    %dma_start3A_266 = tpu.memref_squeeze %dma_start3A_265 : memref<1x80xi32, #tpu.memory_space<vmem>> -> memref<80xi32, #tpu.memory_space<vmem>>
    %dma_start3A_267 = tpu.memref_slice %arg3[%dma_start3A_261, %add3A_260] : memref<2x320000xi32, #tpu.memory_space<hbm>> -> memref<1x80xi32, #tpu.memory_space<hbm>>
    %dma_start3A_268 = tpu.memref_squeeze %dma_start3A_267 : memref<1x80xi32, #tpu.memory_space<hbm>> -> memref<80xi32, #tpu.memory_space<hbm>>
    %dma_start3A_269 = tpu.memref_slice %arg10[%dma_start3A_263] : memref<4x!tpu.dma_semaphore, #tpu.memory_space<semaphore_mem>> -> memref<1x!tpu.dma_semaphore, #tpu.memory_space<semaphore_mem>>
    %dma_start3A_270 = tpu.memref_squeeze %dma_start3A_269 : memref<1x!tpu.dma_semaphore, #tpu.memory_space<semaphore_mem>> -> memref<!tpu.dma_semaphore, #tpu.memory_space<semaphore_mem>>
    %dma_start3A_271 = arith.constant 0 : i32
    %dma_start3A_272 = tpu.memref_slice %arg7[%dma_start3A_262, %dma_start3A_271] : memref<4x80xi32, #tpu.memory_space<vmem>> -> memref<1x80xi32, #tpu.memory_space<vmem>>
    %dma_start3A_273 = tpu.memref_squeeze %dma_start3A_272 : memref<1x80xi32, #tpu.memory_space<vmem>> -> memref<80xi32, #tpu.memory_space<vmem>>
    %dma_start3A_274 = tpu.memref_slice %arg3[%dma_start3A_261, %add3A_260] : memref<2x320000xi32, #tpu.memory_space<hbm>> -> memref<1x80xi32, #tpu.memory_space<hbm>>
    %dma_start3A_275 = tpu.memref_squeeze %dma_start3A_274 : memref<1x80xi32, #tpu.memory_space<hbm>> -> memref<80xi32, #tpu.memory_space<hbm>>
    tpu.enqueue_dma source(%dma_start3A_275 : memref<80xi32, #tpu.memory_space<hbm>>) target(%dma_start3A_273 : memref<80xi32, #tpu.memory_space<vmem>>) target_semaphore(%dma_start3A_270 : memref<!tpu.dma_semaphore, #tpu.memory_space<semaphore_mem>>)
    %dma_wait3A_276 = arith.constant 0 : i32
    %dma_wait3A_277 = arith.constant 2 : i32
    %dma_wait3A_278 = arith.constant 2 : i32
    %dma_wait3A_279 = arith.constant 0 : i32
    %dma_wait3A_280 = tpu.memref_slice %arg6[%dma_wait3A_277, %dma_wait3A_279] : memref<4x80xi32, #tpu.memory_space<vmem>> -> memref<1x80xi32, #tpu.memory_space<vmem>>
    %dma_wait3A_281 = tpu.memref_squeeze %dma_wait3A_280 : memref<1x80xi32, #tpu.memory_space<vmem>> -> memref<80xi32, #tpu.memory_space<vmem>>
    %dma_wait3A_282 = arith.constant 0 : i32
    %dma_wait3A_283 = tpu.memref_slice %arg3[%dma_wait3A_276, %dma_wait3A_282] : memref<2x320000xi32, #tpu.memory_space<hbm>> -> memref<1x80xi32, #tpu.memory_space<hbm>>
    %dma_wait3A_284 = tpu.memref_squeeze %dma_wait3A_283 : memref<1x80xi32, #tpu.memory_space<hbm>> -> memref<80xi32, #tpu.memory_space<hbm>>
    %dma_wait3A_285 = tpu.memref_slice %arg10[%dma_wait3A_278] : memref<4x!tpu.dma_semaphore, #tpu.memory_space<semaphore_mem>> -> memref<1x!tpu.dma_semaphore, #tpu.memory_space<semaphore_mem>>
    %dma_wait3A_286 = tpu.memref_squeeze %dma_wait3A_285 : memref<1x!tpu.dma_semaphore, #tpu.memory_space<semaphore_mem>> -> memref<!tpu.dma_semaphore, #tpu.memory_space<semaphore_mem>>
    %dma_wait3A_287 = arith.constant 0 : i32
    %dma_wait3A_288 = tpu.memref_slice %arg6[%dma_wait3A_277, %dma_wait3A_287] : memref<4x80xi32, #tpu.memory_space<vmem>> -> memref<1x80xi32, #tpu.memory_space<vmem>>
    %dma_wait3A_289 = tpu.memref_squeeze %dma_wait3A_288 : memref<1x80xi32, #tpu.memory_space<vmem>> -> memref<80xi32, #tpu.memory_space<vmem>>
    %dma_wait3A_290 = arith.constant 0 : i32
    %dma_wait3A_291 = tpu.memref_slice %arg3[%dma_wait3A_276, %dma_wait3A_290] : memref<2x320000xi32, #tpu.memory_space<hbm>> -> memref<1x80xi32, #tpu.memory_space<hbm>>
    %dma_wait3A_292 = tpu.memref_squeeze %dma_wait3A_291 : memref<1x80xi32, #tpu.memory_space<hbm>> -> memref<80xi32, #tpu.memory_space<hbm>>
    tpu.wait_dma2 semaphore(%dma_wait3A_286 : memref<!tpu.dma_semaphore, #tpu.memory_space<semaphore_mem>>) src(%dma_wait3A_292 : memref<80xi32, #tpu.memory_space<hbm>>) dst(%dma_wait3A_289 : memref<80xi32, #tpu.memory_space<vmem>>)
    %dma_wait3A_293 = arith.constant 1 : i32
    %dma_wait3A_294 = arith.constant 2 : i32
    %dma_wait3A_295 = arith.constant 2 : i32
    %dma_wait3A_296 = arith.constant 0 : i32
    %dma_wait3A_297 = tpu.memref_slice %arg7[%dma_wait3A_294, %dma_wait3A_296] : memref<4x80xi32, #tpu.memory_space<vmem>> -> memref<1x80xi32, #tpu.memory_space<vmem>>
    %dma_wait3A_298 = tpu.memref_squeeze %dma_wait3A_297 : memref<1x80xi32, #tpu.memory_space<vmem>> -> memref<80xi32, #tpu.memory_space<vmem>>
    %dma_wait3A_299 = arith.constant 0 : i32
    %dma_wait3A_300 = tpu.memref_slice %arg3[%dma_wait3A_293, %dma_wait3A_299] : memref<2x320000xi32, #tpu.memory_space<hbm>> -> memref<1x80xi32, #tpu.memory_space<hbm>>
    %dma_wait3A_301 = tpu.memref_squeeze %dma_wait3A_300 : memref<1x80xi32, #tpu.memory_space<hbm>> -> memref<80xi32, #tpu.memory_space<hbm>>
    %dma_wait3A_302 = tpu.memref_slice %arg10[%dma_wait3A_295] : memref<4x!tpu.dma_semaphore, #tpu.memory_space<semaphore_mem>> -> memref<1x!tpu.dma_semaphore, #tpu.memory_space<semaphore_mem>>
    %dma_wait3A_303 = tpu.memref_squeeze %dma_wait3A_302 : memref<1x!tpu.dma_semaphore, #tpu.memory_space<semaphore_mem>> -> memref<!tpu.dma_semaphore, #tpu.memory_space<semaphore_mem>>
    %dma_wait3A_304 = arith.constant 0 : i32
    %dma_wait3A_305 = tpu.memref_slice %arg7[%dma_wait3A_294, %dma_wait3A_304] : memref<4x80xi32, #tpu.memory_space<vmem>> -> memref<1x80xi32, #tpu.memory_space<vmem>>
    %dma_wait3A_306 = tpu.memref_squeeze %dma_wait3A_305 : memref<1x80xi32, #tpu.memory_space<vmem>> -> memref<80xi32, #tpu.memory_space<vmem>>
    %dma_wait3A_307 = arith.constant 0 : i32
    %dma_wait3A_308 = tpu.memref_slice %arg3[%dma_wait3A_293, %dma_wait3A_307] : memref<2x320000xi32, #tpu.memory_space<hbm>> -> memref<1x80xi32, #tpu.memory_space<hbm>>
    %dma_wait3A_309 = tpu.memref_squeeze %dma_wait3A_308 : memref<1x80xi32, #tpu.memory_space<hbm>> -> memref<80xi32, #tpu.memory_space<hbm>>
    tpu.wait_dma2 semaphore(%dma_wait3A_303 : memref<!tpu.dma_semaphore, #tpu.memory_space<semaphore_mem>>) src(%dma_wait3A_309 : memref<80xi32, #tpu.memory_space<hbm>>) dst(%dma_wait3A_306 : memref<80xi32, #tpu.memory_space<vmem>>)
    %dma_start3A_310 = arith.constant 2 : i32
    %dma_start3A_311 = arith.constant 2 : i32
    %dma_start3A_312 = arith.constant 2 : i32
    %dma_start3A_313 = arith.constant 0 : i32
    %dma_start3A_314 = arith.constant 0 : i32
    %dma_start3A_315 = tpu.memref_slice %arg8[%dma_start3A_311, %dma_start3A_313, %dma_start3A_314] : memref<4x80x128xf32, #tpu.memory_space<vmem>> -> memref<1x80x128xf32, #tpu.memory_space<vmem>>
    %dma_start3A_316 = tpu.memref_squeeze %dma_start3A_315 : memref<1x80x128xf32, #tpu.memory_space<vmem>> -> memref<80x128xf32, #tpu.memory_space<vmem>>
    %dma_start3A_317 = arith.constant 0 : i32
    %dma_start3A_318 = tpu.memref_slice %arg6[%dma_start3A_310, %dma_start3A_317] : memref<4x80xi32, #tpu.memory_space<vmem>> -> memref<1x80xi32, #tpu.memory_space<vmem>>
    %dma_start3A_319 = tpu.memref_squeeze %dma_start3A_318 : memref<1x80xi32, #tpu.memory_space<vmem>> -> memref<80xi32, #tpu.memory_space<vmem>>
    %dma_start3A_320 = arith.constant 0 : i32
    %dma_start3A_321 = arith.constant 0 : i32
    %dma_start3A_322 = tpu.memref_slice %arg2[%dma_start3A_320, %dma_start3A_321] : memref<10000x128xf32, #tpu.memory_space<hbm>> -> memref<10000x128xf32, #tpu.memory_space<hbm>>
    %dma_start3A_323 = tpu.memref_slice %arg9[%dma_start3A_312] : memref<4x!tpu.dma_semaphore, #tpu.memory_space<semaphore_mem>> -> memref<1x!tpu.dma_semaphore, #tpu.memory_space<semaphore_mem>>
    %dma_start3A_324 = tpu.memref_squeeze %dma_start3A_323 : memref<1x!tpu.dma_semaphore, #tpu.memory_space<semaphore_mem>> -> memref<!tpu.dma_semaphore, #tpu.memory_space<semaphore_mem>>
    tpu.enqueue_indirect_dma source(%dma_start3A_322 : memref<10000x128xf32, #tpu.memory_space<hbm>>) target(%dma_start3A_316 : memref<80x128xf32, #tpu.memory_space<vmem>>) offsets(%dma_start3A_319 : memref<80xi32, #tpu.memory_space<vmem>>) semaphore(%dma_start3A_324 : memref<!tpu.dma_semaphore, #tpu.memory_space<semaphore_mem>>)
    %scan3A = arith.constant 0 : i32
    %scan3A_325 = arith.constant 1 : i32
    %scan3A_326 = arith.constant 121 : i32
    %scan3A_327 = arith.addi %scan3A_325, %scan3A_326 : i32
    %scan3A_328 = arith.constant 1 : i32
    %scan3A_329 = scf.for %scan3A_552 = %scan3A_325 to %scan3A_327 step %scan3A_328 iter_args(%scan3A_553 = %scan3A) -> (i32)  : i32 {
      %rem3A = arith.constant 4 : i32
      %rem3A_554 = arith.remsi %scan3A_552, %rem3A : i32
      %add3A_555 = arith.constant 3 : i32
      %add3A_556 = arith.addi %scan3A_552, %add3A_555 : i32
      %rem3A_557 = arith.constant 4 : i32
      %rem3A_558 = arith.remsi %add3A_556, %rem3A_557 : i32
      %add3A_559 = arith.constant 2 : i32
      %add3A_560 = arith.addi %scan3A_552, %add3A_559 : i32
      %rem3A_561 = arith.constant 4 : i32
      %rem3A_562 = arith.remsi %add3A_560, %rem3A_561 : i32
      %dma_wait3A_563 = arith.constant 0 : i32
      %dma_wait3A_564 = arith.constant 0 : i32
      %dma_wait3A_565 = tpu.memref_slice %arg8[%rem3A_554, %dma_wait3A_563, %dma_wait3A_564] : memref<4x80x128xf32, #tpu.memory_space<vmem>> -> memref<1x80x128xf32, #tpu.memory_space<vmem>>
      %dma_wait3A_566 = tpu.memref_squeeze %dma_wait3A_565 : memref<1x80x128xf32, #tpu.memory_space<vmem>> -> memref<80x128xf32, #tpu.memory_space<vmem>>
      %dma_wait3A_567 = arith.constant 0 : i32
      %dma_wait3A_568 = arith.constant 0 : i32
      %dma_wait3A_569 = tpu.memref_slice %arg2[%dma_wait3A_567, %dma_wait3A_568] : memref<10000x128xf32, #tpu.memory_space<hbm>> -> memref<80x128xf32, #tpu.memory_space<hbm>>
      %dma_wait3A_570 = tpu.memref_slice %arg9[%rem3A_554] : memref<4x!tpu.dma_semaphore, #tpu.memory_space<semaphore_mem>> -> memref<1x!tpu.dma_semaphore, #tpu.memory_space<semaphore_mem>>
      %dma_wait3A_571 = tpu.memref_squeeze %dma_wait3A_570 : memref<1x!tpu.dma_semaphore, #tpu.memory_space<semaphore_mem>> -> memref<!tpu.dma_semaphore, #tpu.memory_space<semaphore_mem>>
      %dma_wait3A_572 = arith.constant 0 : i32
      %dma_wait3A_573 = arith.constant 0 : i32
      %dma_wait3A_574 = tpu.memref_slice %arg8[%rem3A_554, %dma_wait3A_572, %dma_wait3A_573] : memref<4x80x128xf32, #tpu.memory_space<vmem>> -> memref<1x80x128xf32, #tpu.memory_space<vmem>>
      %dma_wait3A_575 = tpu.memref_squeeze %dma_wait3A_574 : memref<1x80x128xf32, #tpu.memory_space<vmem>> -> memref<80x128xf32, #tpu.memory_space<vmem>>
      %dma_wait3A_576 = arith.constant 0 : i32
      %dma_wait3A_577 = arith.constant 0 : i32
      %dma_wait3A_578 = tpu.memref_slice %arg2[%dma_wait3A_576, %dma_wait3A_577] : memref<10000x128xf32, #tpu.memory_space<hbm>> -> memref<80x128xf32, #tpu.memory_space<hbm>>
      tpu.wait_dma2 semaphore(%dma_wait3A_571 : memref<!tpu.dma_semaphore, #tpu.memory_space<semaphore_mem>>) src(%dma_wait3A_578 : memref<80x128xf32, #tpu.memory_space<hbm>>) dst(%dma_wait3A_575 : memref<80x128xf32, #tpu.memory_space<vmem>>)
      %dma_start3A_579 = arith.constant 0 : i32
      %dma_start3A_580 = arith.constant 0 : i32
      %dma_start3A_581 = tpu.memref_slice %arg8[%rem3A_554, %dma_start3A_579, %dma_start3A_580] : memref<4x80x128xf32, #tpu.memory_space<vmem>> -> memref<1x80x128xf32, #tpu.memory_space<vmem>>
      %dma_start3A_582 = tpu.memref_squeeze %dma_start3A_581 : memref<1x80x128xf32, #tpu.memory_space<vmem>> -> memref<80x128xf32, #tpu.memory_space<vmem>>
      %dma_start3A_583 = arith.constant 0 : i32
      %dma_start3A_584 = tpu.memref_slice %arg7[%rem3A_554, %dma_start3A_583] : memref<4x80xi32, #tpu.memory_space<vmem>> -> memref<1x80xi32, #tpu.memory_space<vmem>>
      %dma_start3A_585 = tpu.memref_squeeze %dma_start3A_584 : memref<1x80xi32, #tpu.memory_space<vmem>> -> memref<80xi32, #tpu.memory_space<vmem>>
      %dma_start3A_586 = arith.constant 0 : i32
      %dma_start3A_587 = arith.constant 0 : i32
      %dma_start3A_588 = tpu.memref_slice %arg5[%dma_start3A_586, %dma_start3A_587] : memref<10000x128xf32, #tpu.memory_space<vmem_shared>> -> memref<10000x128xf32, #tpu.memory_space<vmem_shared>>
      %dma_start3A_589 = tpu.memref_slice %arg11[%rem3A_554] : memref<4x!tpu.dma_semaphore, #tpu.memory_space<semaphore_mem>> -> memref<1x!tpu.dma_semaphore, #tpu.memory_space<semaphore_mem>>
      %dma_start3A_590 = tpu.memref_squeeze %dma_start3A_589 : memref<1x!tpu.dma_semaphore, #tpu.memory_space<semaphore_mem>> -> memref<!tpu.dma_semaphore, #tpu.memory_space<semaphore_mem>>
      tpu.enqueue_indirect_dma source(%dma_start3A_582 : memref<80x128xf32, #tpu.memory_space<vmem>>) target(%dma_start3A_588 : memref<10000x128xf32, #tpu.memory_space<vmem_shared>>) offsets(%dma_start3A_585 : memref<80xi32, #tpu.memory_space<vmem>>) semaphore(%dma_start3A_590 : memref<!tpu.dma_semaphore, #tpu.memory_space<semaphore_mem>>) {add = true}
      %dma_wait3A_591 = arith.constant 0 : i32
      %dma_wait3A_592 = arith.constant 0 : i32
      %dma_wait3A_593 = tpu.memref_slice %arg8[%rem3A_558, %dma_wait3A_591, %dma_wait3A_592] : memref<4x80x128xf32, #tpu.memory_space<vmem>> -> memref<1x80x128xf32, #tpu.memory_space<vmem>>
      %dma_wait3A_594 = tpu.memref_squeeze %dma_wait3A_593 : memref<1x80x128xf32, #tpu.memory_space<vmem>> -> memref<80x128xf32, #tpu.memory_space<vmem>>
      %dma_wait3A_595 = arith.constant 0 : i32
      %dma_wait3A_596 = arith.constant 0 : i32
      %dma_wait3A_597 = tpu.memref_slice %arg5[%dma_wait3A_595, %dma_wait3A_596] : memref<10000x128xf32, #tpu.memory_space<vmem_shared>> -> memref<80x128xf32, #tpu.memory_space<vmem_shared>>
      %dma_wait3A_598 = tpu.memref_slice %arg11[%rem3A_558] : memref<4x!tpu.dma_semaphore, #tpu.memory_space<semaphore_mem>> -> memref<1x!tpu.dma_semaphore, #tpu.memory_space<semaphore_mem>>
      %dma_wait3A_599 = tpu.memref_squeeze %dma_wait3A_598 : memref<1x!tpu.dma_semaphore, #tpu.memory_space<semaphore_mem>> -> memref<!tpu.dma_semaphore, #tpu.memory_space<semaphore_mem>>
      %dma_wait3A_600 = arith.constant 0 : i32
      %dma_wait3A_601 = arith.constant 0 : i32
      %dma_wait3A_602 = tpu.memref_slice %arg5[%dma_wait3A_600, %dma_wait3A_601] : memref<10000x128xf32, #tpu.memory_space<vmem_shared>> -> memref<80x128xf32, #tpu.memory_space<vmem_shared>>
      %dma_wait3A_603 = arith.constant 0 : i32
      %dma_wait3A_604 = arith.constant 0 : i32
      %dma_wait3A_605 = tpu.memref_slice %arg8[%rem3A_558, %dma_wait3A_603, %dma_wait3A_604] : memref<4x80x128xf32, #tpu.memory_space<vmem>> -> memref<1x80x128xf32, #tpu.memory_space<vmem>>
      %dma_wait3A_606 = tpu.memref_squeeze %dma_wait3A_605 : memref<1x80x128xf32, #tpu.memory_space<vmem>> -> memref<80x128xf32, #tpu.memory_space<vmem>>
      tpu.wait_dma2 semaphore(%dma_wait3A_599 : memref<!tpu.dma_semaphore, #tpu.memory_space<semaphore_mem>>) src(%dma_wait3A_606 : memref<80x128xf32, #tpu.memory_space<vmem>>) dst(%dma_wait3A_602 : memref<80x128xf32, #tpu.memory_space<vmem_shared>>)
      %add3A_607 = arith.constant 3 : i32
      %add3A_608 = arith.addi %scan3A_552, %add3A_607 : i32
      %mul3A_609 = arith.constant 80 : i32
      %mul3A_610 = arith.muli %add3A_608, %mul3A_609 : i32
      %add3A_611 = arith.addi %mul3A_4, %mul3A_610 : i32
      %dma_start3A_612 = arith.constant 0 : i32
      %dma_start3A_613 = arith.constant 0 : i32
      %dma_start3A_614 = tpu.memref_slice %arg6[%rem3A_558, %dma_start3A_613] : memref<4x80xi32, #tpu.memory_space<vmem>> -> memref<1x80xi32, #tpu.memory_space<vmem>>
      %dma_start3A_615 = tpu.memref_squeeze %dma_start3A_614 : memref<1x80xi32, #tpu.memory_space<vmem>> -> memref<80xi32, #tpu.memory_space<vmem>>
      %dma_start3A_616 = tpu.memref_slice %arg3[%dma_start3A_612, %add3A_611] : memref<2x320000xi32, #tpu.memory_space<hbm>> -> memref<1x80xi32, #tpu.memory_space<hbm>>
      %dma_start3A_617 = tpu.memref_squeeze %dma_start3A_616 : memref<1x80xi32, #tpu.memory_space<hbm>> -> memref<80xi32, #tpu.memory_space<hbm>>
      %dma_start3A_618 = tpu.memref_slice %arg10[%rem3A_558] : memref<4x!tpu.dma_semaphore, #tpu.memory_space<semaphore_mem>> -> memref<1x!tpu.dma_semaphore, #tpu.memory_space<semaphore_mem>>
      %dma_start3A_619 = tpu.memref_squeeze %dma_start3A_618 : memref<1x!tpu.dma_semaphore, #tpu.memory_space<semaphore_mem>> -> memref<!tpu.dma_semaphore, #tpu.memory_space<semaphore_mem>>
      %dma_start3A_620 = arith.constant 0 : i32
      %dma_start3A_621 = tpu.memref_slice %arg6[%rem3A_558, %dma_start3A_620] : memref<4x80xi32, #tpu.memory_space<vmem>> -> memref<1x80xi32, #tpu.memory_space<vmem>>
      %dma_start3A_622 = tpu.memref_squeeze %dma_start3A_621 : memref<1x80xi32, #tpu.memory_space<vmem>> -> memref<80xi32, #tpu.memory_space<vmem>>
      %dma_start3A_623 = tpu.memref_slice %arg3[%dma_start3A_612, %add3A_611] : memref<2x320000xi32, #tpu.memory_space<hbm>> -> memref<1x80xi32, #tpu.memory_space<hbm>>
      %dma_start3A_624 = tpu.memref_squeeze %dma_start3A_623 : memref<1x80xi32, #tpu.memory_space<hbm>> -> memref<80xi32, #tpu.memory_space<hbm>>
      tpu.enqueue_dma source(%dma_start3A_624 : memref<80xi32, #tpu.memory_space<hbm>>) target(%dma_start3A_622 : memref<80xi32, #tpu.memory_space<vmem>>) target_semaphore(%dma_start3A_619 : memref<!tpu.dma_semaphore, #tpu.memory_space<semaphore_mem>>)
      %mul3A_625 = arith.constant 80 : i32
      %mul3A_626 = arith.muli %add3A_608, %mul3A_625 : i32
      %add3A_627 = arith.addi %mul3A_4, %mul3A_626 : i32
      %dma_start3A_628 = arith.constant 1 : i32
      %dma_start3A_629 = arith.constant 0 : i32
      %dma_start3A_630 = tpu.memref_slice %arg7[%rem3A_558, %dma_start3A_629] : memref<4x80xi32, #tpu.memory_space<vmem>> -> memref<1x80xi32, #tpu.memory_space<vmem>>
      %dma_start3A_631 = tpu.memref_squeeze %dma_start3A_630 : memref<1x80xi32, #tpu.memory_space<vmem>> -> memref<80xi32, #tpu.memory_space<vmem>>
      %dma_start3A_632 = tpu.memref_slice %arg3[%dma_start3A_628, %add3A_627] : memref<2x320000xi32, #tpu.memory_space<hbm>> -> memref<1x80xi32, #tpu.memory_space<hbm>>
      %dma_start3A_633 = tpu.memref_squeeze %dma_start3A_632 : memref<1x80xi32, #tpu.memory_space<hbm>> -> memref<80xi32, #tpu.memory_space<hbm>>
      %dma_start3A_634 = tpu.memref_slice %arg10[%rem3A_558] : memref<4x!tpu.dma_semaphore, #tpu.memory_space<semaphore_mem>> -> memref<1x!tpu.dma_semaphore, #tpu.memory_space<semaphore_mem>>
      %dma_start3A_635 = tpu.memref_squeeze %dma_start3A_634 : memref<1x!tpu.dma_semaphore, #tpu.memory_space<semaphore_mem>> -> memref<!tpu.dma_semaphore, #tpu.memory_space<semaphore_mem>>
      %dma_start3A_636 = arith.constant 0 : i32
      %dma_start3A_637 = tpu.memref_slice %arg7[%rem3A_558, %dma_start3A_636] : memref<4x80xi32, #tpu.memory_space<vmem>> -> memref<1x80xi32, #tpu.memory_space<vmem>>
      %dma_start3A_638 = tpu.memref_squeeze %dma_start3A_637 : memref<1x80xi32, #tpu.memory_space<vmem>> -> memref<80xi32, #tpu.memory_space<vmem>>
      %dma_start3A_639 = tpu.memref_slice %arg3[%dma_start3A_628, %add3A_627] : memref<2x320000xi32, #tpu.memory_space<hbm>> -> memref<1x80xi32, #tpu.memory_space<hbm>>
      %dma_start3A_640 = tpu.memref_squeeze %dma_start3A_639 : memref<1x80xi32, #tpu.memory_space<hbm>> -> memref<80xi32, #tpu.memory_space<hbm>>
      tpu.enqueue_dma source(%dma_start3A_640 : memref<80xi32, #tpu.memory_space<hbm>>) target(%dma_start3A_638 : memref<80xi32, #tpu.memory_space<vmem>>) target_semaphore(%dma_start3A_635 : memref<!tpu.dma_semaphore, #tpu.memory_space<semaphore_mem>>)
      %dma_wait3A_641 = arith.constant 0 : i32
      %dma_wait3A_642 = arith.constant 0 : i32
      %dma_wait3A_643 = tpu.memref_slice %arg6[%rem3A_562, %dma_wait3A_642] : memref<4x80xi32, #tpu.memory_space<vmem>> -> memref<1x80xi32, #tpu.memory_space<vmem>>
      %dma_wait3A_644 = tpu.memref_squeeze %dma_wait3A_643 : memref<1x80xi32, #tpu.memory_space<vmem>> -> memref<80xi32, #tpu.memory_space<vmem>>
      %dma_wait3A_645 = arith.constant 0 : i32
      %dma_wait3A_646 = tpu.memref_slice %arg3[%dma_wait3A_641, %dma_wait3A_645] : memref<2x320000xi32, #tpu.memory_space<hbm>> -> memref<1x80xi32, #tpu.memory_space<hbm>>
      %dma_wait3A_647 = tpu.memref_squeeze %dma_wait3A_646 : memref<1x80xi32, #tpu.memory_space<hbm>> -> memref<80xi32, #tpu.memory_space<hbm>>
      %dma_wait3A_648 = tpu.memref_slice %arg10[%rem3A_562] : memref<4x!tpu.dma_semaphore, #tpu.memory_space<semaphore_mem>> -> memref<1x!tpu.dma_semaphore, #tpu.memory_space<semaphore_mem>>
      %dma_wait3A_649 = tpu.memref_squeeze %dma_wait3A_648 : memref<1x!tpu.dma_semaphore, #tpu.memory_space<semaphore_mem>> -> memref<!tpu.dma_semaphore, #tpu.memory_space<semaphore_mem>>
      %dma_wait3A_650 = arith.constant 0 : i32
      %dma_wait3A_651 = tpu.memref_slice %arg6[%rem3A_562, %dma_wait3A_650] : memref<4x80xi32, #tpu.memory_space<vmem>> -> memref<1x80xi32, #tpu.memory_space<vmem>>
      %dma_wait3A_652 = tpu.memref_squeeze %dma_wait3A_651 : memref<1x80xi32, #tpu.memory_space<vmem>> -> memref<80xi32, #tpu.memory_space<vmem>>
      %dma_wait3A_653 = arith.constant 0 : i32
      %dma_wait3A_654 = tpu.memref_slice %arg3[%dma_wait3A_641, %dma_wait3A_653] : memref<2x320000xi32, #tpu.memory_space<hbm>> -> memref<1x80xi32, #tpu.memory_space<hbm>>
      %dma_wait3A_655 = tpu.memref_squeeze %dma_wait3A_654 : memref<1x80xi32, #tpu.memory_space<hbm>> -> memref<80xi32, #tpu.memory_space<hbm>>
      tpu.wait_dma2 semaphore(%dma_wait3A_649 : memref<!tpu.dma_semaphore, #tpu.memory_space<semaphore_mem>>) src(%dma_wait3A_655 : memref<80xi32, #tpu.memory_space<hbm>>) dst(%dma_wait3A_652 : memref<80xi32, #tpu.memory_space<vmem>>)
      %dma_wait3A_656 = arith.constant 1 : i32
      %dma_wait3A_657 = arith.constant 0 : i32
      %dma_wait3A_658 = tpu.memref_slice %arg7[%rem3A_562, %dma_wait3A_657] : memref<4x80xi32, #tpu.memory_space<vmem>> -> memref<1x80xi32, #tpu.memory_space<vmem>>
      %dma_wait3A_659 = tpu.memref_squeeze %dma_wait3A_658 : memref<1x80xi32, #tpu.memory_space<vmem>> -> memref<80xi32, #tpu.memory_space<vmem>>
      %dma_wait3A_660 = arith.constant 0 : i32
      %dma_wait3A_661 = tpu.memref_slice %arg3[%dma_wait3A_656, %dma_wait3A_660] : memref<2x320000xi32, #tpu.memory_space<hbm>> -> memref<1x80xi32, #tpu.memory_space<hbm>>
      %dma_wait3A_662 = tpu.memref_squeeze %dma_wait3A_661 : memref<1x80xi32, #tpu.memory_space<hbm>> -> memref<80xi32, #tpu.memory_space<hbm>>
      %dma_wait3A_663 = tpu.memref_slice %arg10[%rem3A_562] : memref<4x!tpu.dma_semaphore, #tpu.memory_space<semaphore_mem>> -> memref<1x!tpu.dma_semaphore, #tpu.memory_space<semaphore_mem>>
      %dma_wait3A_664 = tpu.memref_squeeze %dma_wait3A_663 : memref<1x!tpu.dma_semaphore, #tpu.memory_space<semaphore_mem>> -> memref<!tpu.dma_semaphore, #tpu.memory_space<semaphore_mem>>
      %dma_wait3A_665 = arith.constant 0 : i32
      %dma_wait3A_666 = tpu.memref_slice %arg7[%rem3A_562, %dma_wait3A_665] : memref<4x80xi32, #tpu.memory_space<vmem>> -> memref<1x80xi32, #tpu.memory_space<vmem>>
      %dma_wait3A_667 = tpu.memref_squeeze %dma_wait3A_666 : memref<1x80xi32, #tpu.memory_space<vmem>> -> memref<80xi32, #tpu.memory_space<vmem>>
      %dma_wait3A_668 = arith.constant 0 : i32
      %dma_wait3A_669 = tpu.memref_slice %arg3[%dma_wait3A_656, %dma_wait3A_668] : memref<2x320000xi32, #tpu.memory_space<hbm>> -> memref<1x80xi32, #tpu.memory_space<hbm>>
      %dma_wait3A_670 = tpu.memref_squeeze %dma_wait3A_669 : memref<1x80xi32, #tpu.memory_space<hbm>> -> memref<80xi32, #tpu.memory_space<hbm>>
      tpu.wait_dma2 semaphore(%dma_wait3A_664 : memref<!tpu.dma_semaphore, #tpu.memory_space<semaphore_mem>>) src(%dma_wait3A_670 : memref<80xi32, #tpu.memory_space<hbm>>) dst(%dma_wait3A_667 : memref<80xi32, #tpu.memory_space<vmem>>)
      %add3A_671 = arith.constant 2 : i32
      %add3A_672 = arith.addi %scan3A_552, %add3A_671 : i32
      %dma_start3A_673 = arith.constant 0 : i32
      %dma_start3A_674 = arith.constant 0 : i32
      %dma_start3A_675 = tpu.memref_slice %arg8[%rem3A_562, %dma_start3A_673, %dma_start3A_674] : memref<4x80x128xf32, #tpu.memory_space<vmem>> -> memref<1x80x128xf32, #tpu.memory_space<vmem>>
      %dma_start3A_676 = tpu.memref_squeeze %dma_start3A_675 : memref<1x80x128xf32, #tpu.memory_space<vmem>> -> memref<80x128xf32, #tpu.memory_space<vmem>>
      %dma_start3A_677 = arith.constant 0 : i32
      %dma_start3A_678 = tpu.memref_slice %arg6[%rem3A_562, %dma_start3A_677] : memref<4x80xi32, #tpu.memory_space<vmem>> -> memref<1x80xi32, #tpu.memory_space<vmem>>
      %dma_start3A_679 = tpu.memref_squeeze %dma_start3A_678 : memref<1x80xi32, #tpu.memory_space<vmem>> -> memref<80xi32, #tpu.memory_space<vmem>>
      %dma_start3A_680 = arith.constant 0 : i32
      %dma_start3A_681 = arith.constant 0 : i32
      %dma_start3A_682 = tpu.memref_slice %arg2[%dma_start3A_680, %dma_start3A_681] : memref<10000x128xf32, #tpu.memory_space<hbm>> -> memref<10000x128xf32, #tpu.memory_space<hbm>>
      %dma_start3A_683 = tpu.memref_slice %arg9[%rem3A_562] : memref<4x!tpu.dma_semaphore, #tpu.memory_space<semaphore_mem>> -> memref<1x!tpu.dma_semaphore, #tpu.memory_space<semaphore_mem>>
      %dma_start3A_684 = tpu.memref_squeeze %dma_start3A_683 : memref<1x!tpu.dma_semaphore, #tpu.memory_space<semaphore_mem>> -> memref<!tpu.dma_semaphore, #tpu.memory_space<semaphore_mem>>
      tpu.enqueue_indirect_dma source(%dma_start3A_682 : memref<10000x128xf32, #tpu.memory_space<hbm>>) target(%dma_start3A_676 : memref<80x128xf32, #tpu.memory_space<vmem>>) offsets(%dma_start3A_679 : memref<80xi32, #tpu.memory_space<vmem>>) semaphore(%dma_start3A_684 : memref<!tpu.dma_semaphore, #tpu.memory_space<semaphore_mem>>)
      %scan3A_685 = arith.constant 0 : i32
      scf.yield %scan3A_685 : i32
    }
    %scan3A_330 = arith.constant 121 : i32
    %dma_wait3A_331 = arith.constant 2 : i32
    %dma_wait3A_332 = arith.constant 2 : i32
    %dma_wait3A_333 = arith.constant 0 : i32
    %dma_wait3A_334 = arith.constant 0 : i32
    %dma_wait3A_335 = tpu.memref_slice %arg8[%dma_wait3A_331, %dma_wait3A_333, %dma_wait3A_334] : memref<4x80x128xf32, #tpu.memory_space<vmem>> -> memref<1x80x128xf32, #tpu.memory_space<vmem>>
    %dma_wait3A_336 = tpu.memref_squeeze %dma_wait3A_335 : memref<1x80x128xf32, #tpu.memory_space<vmem>> -> memref<80x128xf32, #tpu.memory_space<vmem>>
    %dma_wait3A_337 = arith.constant 0 : i32
    %dma_wait3A_338 = arith.constant 0 : i32
    %dma_wait3A_339 = tpu.memref_slice %arg2[%dma_wait3A_337, %dma_wait3A_338] : memref<10000x128xf32, #tpu.memory_space<hbm>> -> memref<80x128xf32, #tpu.memory_space<hbm>>
    %dma_wait3A_340 = tpu.memref_slice %arg9[%dma_wait3A_332] : memref<4x!tpu.dma_semaphore, #tpu.memory_space<semaphore_mem>> -> memref<1x!tpu.dma_semaphore, #tpu.memory_space<semaphore_mem>>
    %dma_wait3A_341 = tpu.memref_squeeze %dma_wait3A_340 : memref<1x!tpu.dma_semaphore, #tpu.memory_space<semaphore_mem>> -> memref<!tpu.dma_semaphore, #tpu.memory_space<semaphore_mem>>
    %dma_wait3A_342 = arith.constant 0 : i32
    %dma_wait3A_343 = arith.constant 0 : i32
    %dma_wait3A_344 = tpu.memref_slice %arg8[%dma_wait3A_331, %dma_wait3A_342, %dma_wait3A_343] : memref<4x80x128xf32, #tpu.memory_space<vmem>> -> memref<1x80x128xf32, #tpu.memory_space<vmem>>
    %dma_wait3A_345 = tpu.memref_squeeze %dma_wait3A_344 : memref<1x80x128xf32, #tpu.memory_space<vmem>> -> memref<80x128xf32, #tpu.memory_space<vmem>>
    %dma_wait3A_346 = arith.constant 0 : i32
    %dma_wait3A_347 = arith.constant 0 : i32
    %dma_wait3A_348 = tpu.memref_slice %arg2[%dma_wait3A_346, %dma_wait3A_347] : memref<10000x128xf32, #tpu.memory_space<hbm>> -> memref<80x128xf32, #tpu.memory_space<hbm>>
    tpu.wait_dma2 semaphore(%dma_wait3A_341 : memref<!tpu.dma_semaphore, #tpu.memory_space<semaphore_mem>>) src(%dma_wait3A_348 : memref<80x128xf32, #tpu.memory_space<hbm>>) dst(%dma_wait3A_345 : memref<80x128xf32, #tpu.memory_space<vmem>>)
    %dma_start3A_349 = arith.constant 2 : i32
    %dma_start3A_350 = arith.constant 2 : i32
    %dma_start3A_351 = arith.constant 2 : i32
    %dma_start3A_352 = arith.constant 0 : i32
    %dma_start3A_353 = arith.constant 0 : i32
    %dma_start3A_354 = tpu.memref_slice %arg8[%dma_start3A_349, %dma_start3A_352, %dma_start3A_353] : memref<4x80x128xf32, #tpu.memory_space<vmem>> -> memref<1x80x128xf32, #tpu.memory_space<vmem>>
    %dma_start3A_355 = tpu.memref_squeeze %dma_start3A_354 : memref<1x80x128xf32, #tpu.memory_space<vmem>> -> memref<80x128xf32, #tpu.memory_space<vmem>>
    %dma_start3A_356 = arith.constant 0 : i32
    %dma_start3A_357 = tpu.memref_slice %arg7[%dma_start3A_350, %dma_start3A_356] : memref<4x80xi32, #tpu.memory_space<vmem>> -> memref<1x80xi32, #tpu.memory_space<vmem>>
    %dma_start3A_358 = tpu.memref_squeeze %dma_start3A_357 : memref<1x80xi32, #tpu.memory_space<vmem>> -> memref<80xi32, #tpu.memory_space<vmem>>
    %dma_start3A_359 = arith.constant 0 : i32
    %dma_start3A_360 = arith.constant 0 : i32
    %dma_start3A_361 = tpu.memref_slice %arg5[%dma_start3A_359, %dma_start3A_360] : memref<10000x128xf32, #tpu.memory_space<vmem_shared>> -> memref<10000x128xf32, #tpu.memory_space<vmem_shared>>
    %dma_start3A_362 = tpu.memref_slice %arg11[%dma_start3A_351] : memref<4x!tpu.dma_semaphore, #tpu.memory_space<semaphore_mem>> -> memref<1x!tpu.dma_semaphore, #tpu.memory_space<semaphore_mem>>
    %dma_start3A_363 = tpu.memref_squeeze %dma_start3A_362 : memref<1x!tpu.dma_semaphore, #tpu.memory_space<semaphore_mem>> -> memref<!tpu.dma_semaphore, #tpu.memory_space<semaphore_mem>>
    tpu.enqueue_indirect_dma source(%dma_start3A_355 : memref<80x128xf32, #tpu.memory_space<vmem>>) target(%dma_start3A_361 : memref<10000x128xf32, #tpu.memory_space<vmem_shared>>) offsets(%dma_start3A_358 : memref<80xi32, #tpu.memory_space<vmem>>) semaphore(%dma_start3A_363 : memref<!tpu.dma_semaphore, #tpu.memory_space<semaphore_mem>>) {add = true}
    %dma_wait3A_364 = arith.constant 0 : i32
    %dma_wait3A_365 = arith.constant 0 : i32
    %dma_wait3A_366 = arith.constant 0 : i32
    %dma_wait3A_367 = arith.constant 0 : i32
    %dma_wait3A_368 = tpu.memref_slice %arg6[%dma_wait3A_365, %dma_wait3A_367] : memref<4x80xi32, #tpu.memory_space<vmem>> -> memref<1x80xi32, #tpu.memory_space<vmem>>
    %dma_wait3A_369 = tpu.memref_squeeze %dma_wait3A_368 : memref<1x80xi32, #tpu.memory_space<vmem>> -> memref<80xi32, #tpu.memory_space<vmem>>
    %dma_wait3A_370 = arith.constant 0 : i32
    %dma_wait3A_371 = tpu.memref_slice %arg3[%dma_wait3A_364, %dma_wait3A_370] : memref<2x320000xi32, #tpu.memory_space<hbm>> -> memref<1x80xi32, #tpu.memory_space<hbm>>
    %dma_wait3A_372 = tpu.memref_squeeze %dma_wait3A_371 : memref<1x80xi32, #tpu.memory_space<hbm>> -> memref<80xi32, #tpu.memory_space<hbm>>
    %dma_wait3A_373 = tpu.memref_slice %arg10[%dma_wait3A_366] : memref<4x!tpu.dma_semaphore, #tpu.memory_space<semaphore_mem>> -> memref<1x!tpu.dma_semaphore, #tpu.memory_space<semaphore_mem>>
    %dma_wait3A_374 = tpu.memref_squeeze %dma_wait3A_373 : memref<1x!tpu.dma_semaphore, #tpu.memory_space<semaphore_mem>> -> memref<!tpu.dma_semaphore, #tpu.memory_space<semaphore_mem>>
    %dma_wait3A_375 = arith.constant 0 : i32
    %dma_wait3A_376 = tpu.memref_slice %arg6[%dma_wait3A_365, %dma_wait3A_375] : memref<4x80xi32, #tpu.memory_space<vmem>> -> memref<1x80xi32, #tpu.memory_space<vmem>>
    %dma_wait3A_377 = tpu.memref_squeeze %dma_wait3A_376 : memref<1x80xi32, #tpu.memory_space<vmem>> -> memref<80xi32, #tpu.memory_space<vmem>>
    %dma_wait3A_378 = arith.constant 0 : i32
    %dma_wait3A_379 = tpu.memref_slice %arg3[%dma_wait3A_364, %dma_wait3A_378] : memref<2x320000xi32, #tpu.memory_space<hbm>> -> memref<1x80xi32, #tpu.memory_space<hbm>>
    %dma_wait3A_380 = tpu.memref_squeeze %dma_wait3A_379 : memref<1x80xi32, #tpu.memory_space<hbm>> -> memref<80xi32, #tpu.memory_space<hbm>>
    tpu.wait_dma2 semaphore(%dma_wait3A_374 : memref<!tpu.dma_semaphore, #tpu.memory_space<semaphore_mem>>) src(%dma_wait3A_380 : memref<80xi32, #tpu.memory_space<hbm>>) dst(%dma_wait3A_377 : memref<80xi32, #tpu.memory_space<vmem>>)
    %dma_wait3A_381 = arith.constant 1 : i32
    %dma_wait3A_382 = arith.constant 0 : i32
    %dma_wait3A_383 = arith.constant 0 : i32
    %dma_wait3A_384 = arith.constant 0 : i32
    %dma_wait3A_385 = tpu.memref_slice %arg7[%dma_wait3A_382, %dma_wait3A_384] : memref<4x80xi32, #tpu.memory_space<vmem>> -> memref<1x80xi32, #tpu.memory_space<vmem>>
    %dma_wait3A_386 = tpu.memref_squeeze %dma_wait3A_385 : memref<1x80xi32, #tpu.memory_space<vmem>> -> memref<80xi32, #tpu.memory_space<vmem>>
    %dma_wait3A_387 = arith.constant 0 : i32
    %dma_wait3A_388 = tpu.memref_slice %arg3[%dma_wait3A_381, %dma_wait3A_387] : memref<2x320000xi32, #tpu.memory_space<hbm>> -> memref<1x80xi32, #tpu.memory_space<hbm>>
    %dma_wait3A_389 = tpu.memref_squeeze %dma_wait3A_388 : memref<1x80xi32, #tpu.memory_space<hbm>> -> memref<80xi32, #tpu.memory_space<hbm>>
    %dma_wait3A_390 = tpu.memref_slice %arg10[%dma_wait3A_383] : memref<4x!tpu.dma_semaphore, #tpu.memory_space<semaphore_mem>> -> memref<1x!tpu.dma_semaphore, #tpu.memory_space<semaphore_mem>>
    %dma_wait3A_391 = tpu.memref_squeeze %dma_wait3A_390 : memref<1x!tpu.dma_semaphore, #tpu.memory_space<semaphore_mem>> -> memref<!tpu.dma_semaphore, #tpu.memory_space<semaphore_mem>>
    %dma_wait3A_392 = arith.constant 0 : i32
    %dma_wait3A_393 = tpu.memref_slice %arg7[%dma_wait3A_382, %dma_wait3A_392] : memref<4x80xi32, #tpu.memory_space<vmem>> -> memref<1x80xi32, #tpu.memory_space<vmem>>
    %dma_wait3A_394 = tpu.memref_squeeze %dma_wait3A_393 : memref<1x80xi32, #tpu.memory_space<vmem>> -> memref<80xi32, #tpu.memory_space<vmem>>
    %dma_wait3A_395 = arith.constant 0 : i32
    %dma_wait3A_396 = tpu.memref_slice %arg3[%dma_wait3A_381, %dma_wait3A_395] : memref<2x320000xi32, #tpu.memory_space<hbm>> -> memref<1x80xi32, #tpu.memory_space<hbm>>
    %dma_wait3A_397 = tpu.memref_squeeze %dma_wait3A_396 : memref<1x80xi32, #tpu.memory_space<hbm>> -> memref<80xi32, #tpu.memory_space<hbm>>
    tpu.wait_dma2 semaphore(%dma_wait3A_391 : memref<!tpu.dma_semaphore, #tpu.memory_space<semaphore_mem>>) src(%dma_wait3A_397 : memref<80xi32, #tpu.memory_space<hbm>>) dst(%dma_wait3A_394 : memref<80xi32, #tpu.memory_space<vmem>>)
    %dma_start3A_398 = arith.constant 0 : i32
    %dma_start3A_399 = arith.constant 0 : i32
    %dma_start3A_400 = arith.constant 0 : i32
    %dma_start3A_401 = arith.constant 0 : i32
    %dma_start3A_402 = arith.constant 0 : i32
    %dma_start3A_403 = tpu.memref_slice %arg8[%dma_start3A_399, %dma_start3A_401, %dma_start3A_402] : memref<4x80x128xf32, #tpu.memory_space<vmem>> -> memref<1x80x128xf32, #tpu.memory_space<vmem>>
    %dma_start3A_404 = tpu.memref_squeeze %dma_start3A_403 : memref<1x80x128xf32, #tpu.memory_space<vmem>> -> memref<80x128xf32, #tpu.memory_space<vmem>>
    %dma_start3A_405 = arith.constant 0 : i32
    %dma_start3A_406 = tpu.memref_slice %arg6[%dma_start3A_398, %dma_start3A_405] : memref<4x80xi32, #tpu.memory_space<vmem>> -> memref<1x80xi32, #tpu.memory_space<vmem>>
    %dma_start3A_407 = tpu.memref_squeeze %dma_start3A_406 : memref<1x80xi32, #tpu.memory_space<vmem>> -> memref<80xi32, #tpu.memory_space<vmem>>
    %dma_start3A_408 = arith.constant 0 : i32
    %dma_start3A_409 = arith.constant 0 : i32
    %dma_start3A_410 = tpu.memref_slice %arg2[%dma_start3A_408, %dma_start3A_409] : memref<10000x128xf32, #tpu.memory_space<hbm>> -> memref<10000x128xf32, #tpu.memory_space<hbm>>
    %dma_start3A_411 = tpu.memref_slice %arg9[%dma_start3A_400] : memref<4x!tpu.dma_semaphore, #tpu.memory_space<semaphore_mem>> -> memref<1x!tpu.dma_semaphore, #tpu.memory_space<semaphore_mem>>
    %dma_start3A_412 = tpu.memref_squeeze %dma_start3A_411 : memref<1x!tpu.dma_semaphore, #tpu.memory_space<semaphore_mem>> -> memref<!tpu.dma_semaphore, #tpu.memory_space<semaphore_mem>>
    tpu.enqueue_indirect_dma source(%dma_start3A_410 : memref<10000x128xf32, #tpu.memory_space<hbm>>) target(%dma_start3A_404 : memref<80x128xf32, #tpu.memory_space<vmem>>) offsets(%dma_start3A_407 : memref<80xi32, #tpu.memory_space<vmem>>) semaphore(%dma_start3A_412 : memref<!tpu.dma_semaphore, #tpu.memory_space<semaphore_mem>>)
    %dma_wait3A_413 = arith.constant 3 : i32
    %dma_wait3A_414 = arith.constant 3 : i32
    %dma_wait3A_415 = arith.constant 0 : i32
    %dma_wait3A_416 = arith.constant 0 : i32
    %dma_wait3A_417 = tpu.memref_slice %arg8[%dma_wait3A_413, %dma_wait3A_415, %dma_wait3A_416] : memref<4x80x128xf32, #tpu.memory_space<vmem>> -> memref<1x80x128xf32, #tpu.memory_space<vmem>>
    %dma_wait3A_418 = tpu.memref_squeeze %dma_wait3A_417 : memref<1x80x128xf32, #tpu.memory_space<vmem>> -> memref<80x128xf32, #tpu.memory_space<vmem>>
    %dma_wait3A_419 = arith.constant 0 : i32
    %dma_wait3A_420 = arith.constant 0 : i32
    %dma_wait3A_421 = tpu.memref_slice %arg2[%dma_wait3A_419, %dma_wait3A_420] : memref<10000x128xf32, #tpu.memory_space<hbm>> -> memref<80x128xf32, #tpu.memory_space<hbm>>
    %dma_wait3A_422 = tpu.memref_slice %arg9[%dma_wait3A_414] : memref<4x!tpu.dma_semaphore, #tpu.memory_space<semaphore_mem>> -> memref<1x!tpu.dma_semaphore, #tpu.memory_space<semaphore_mem>>
    %dma_wait3A_423 = tpu.memref_squeeze %dma_wait3A_422 : memref<1x!tpu.dma_semaphore, #tpu.memory_space<semaphore_mem>> -> memref<!tpu.dma_semaphore, #tpu.memory_space<semaphore_mem>>
    %dma_wait3A_424 = arith.constant 0 : i32
    %dma_wait3A_425 = arith.constant 0 : i32
    %dma_wait3A_426 = tpu.memref_slice %arg8[%dma_wait3A_413, %dma_wait3A_424, %dma_wait3A_425] : memref<4x80x128xf32, #tpu.memory_space<vmem>> -> memref<1x80x128xf32, #tpu.memory_space<vmem>>
    %dma_wait3A_427 = tpu.memref_squeeze %dma_wait3A_426 : memref<1x80x128xf32, #tpu.memory_space<vmem>> -> memref<80x128xf32, #tpu.memory_space<vmem>>
    %dma_wait3A_428 = arith.constant 0 : i32
    %dma_wait3A_429 = arith.constant 0 : i32
    %dma_wait3A_430 = tpu.memref_slice %arg2[%dma_wait3A_428, %dma_wait3A_429] : memref<10000x128xf32, #tpu.memory_space<hbm>> -> memref<80x128xf32, #tpu.memory_space<hbm>>
    tpu.wait_dma2 semaphore(%dma_wait3A_423 : memref<!tpu.dma_semaphore, #tpu.memory_space<semaphore_mem>>) src(%dma_wait3A_430 : memref<80x128xf32, #tpu.memory_space<hbm>>) dst(%dma_wait3A_427 : memref<80x128xf32, #tpu.memory_space<vmem>>)
    %dma_start3A_431 = arith.constant 3 : i32
    %dma_start3A_432 = arith.constant 3 : i32
    %dma_start3A_433 = arith.constant 3 : i32
    %dma_start3A_434 = arith.constant 0 : i32
    %dma_start3A_435 = arith.constant 0 : i32
    %dma_start3A_436 = tpu.memref_slice %arg8[%dma_start3A_431, %dma_start3A_434, %dma_start3A_435] : memref<4x80x128xf32, #tpu.memory_space<vmem>> -> memref<1x80x128xf32, #tpu.memory_space<vmem>>
    %dma_start3A_437 = tpu.memref_squeeze %dma_start3A_436 : memref<1x80x128xf32, #tpu.memory_space<vmem>> -> memref<80x128xf32, #tpu.memory_space<vmem>>
    %dma_start3A_438 = arith.constant 0 : i32
    %dma_start3A_439 = tpu.memref_slice %arg7[%dma_start3A_432, %dma_start3A_438] : memref<4x80xi32, #tpu.memory_space<vmem>> -> memref<1x80xi32, #tpu.memory_space<vmem>>
    %dma_start3A_440 = tpu.memref_squeeze %dma_start3A_439 : memref<1x80xi32, #tpu.memory_space<vmem>> -> memref<80xi32, #tpu.memory_space<vmem>>
    %dma_start3A_441 = arith.constant 0 : i32
    %dma_start3A_442 = arith.constant 0 : i32
    %dma_start3A_443 = tpu.memref_slice %arg5[%dma_start3A_441, %dma_start3A_442] : memref<10000x128xf32, #tpu.memory_space<vmem_shared>> -> memref<10000x128xf32, #tpu.memory_space<vmem_shared>>
    %dma_start3A_444 = tpu.memref_slice %arg11[%dma_start3A_433] : memref<4x!tpu.dma_semaphore, #tpu.memory_space<semaphore_mem>> -> memref<1x!tpu.dma_semaphore, #tpu.memory_space<semaphore_mem>>
    %dma_start3A_445 = tpu.memref_squeeze %dma_start3A_444 : memref<1x!tpu.dma_semaphore, #tpu.memory_space<semaphore_mem>> -> memref<!tpu.dma_semaphore, #tpu.memory_space<semaphore_mem>>
    tpu.enqueue_indirect_dma source(%dma_start3A_437 : memref<80x128xf32, #tpu.memory_space<vmem>>) target(%dma_start3A_443 : memref<10000x128xf32, #tpu.memory_space<vmem_shared>>) offsets(%dma_start3A_440 : memref<80xi32, #tpu.memory_space<vmem>>) semaphore(%dma_start3A_445 : memref<!tpu.dma_semaphore, #tpu.memory_space<semaphore_mem>>) {add = true}
    %dma_wait3A_446 = arith.constant 0 : i32
    %dma_wait3A_447 = arith.constant 0 : i32
    %dma_wait3A_448 = arith.constant 0 : i32
    %dma_wait3A_449 = arith.constant 0 : i32
    %dma_wait3A_450 = tpu.memref_slice %arg8[%dma_wait3A_446, %dma_wait3A_448, %dma_wait3A_449] : memref<4x80x128xf32, #tpu.memory_space<vmem>> -> memref<1x80x128xf32, #tpu.memory_space<vmem>>
    %dma_wait3A_451 = tpu.memref_squeeze %dma_wait3A_450 : memref<1x80x128xf32, #tpu.memory_space<vmem>> -> memref<80x128xf32, #tpu.memory_space<vmem>>
    %dma_wait3A_452 = arith.constant 0 : i32
    %dma_wait3A_453 = arith.constant 0 : i32
    %dma_wait3A_454 = tpu.memref_slice %arg2[%dma_wait3A_452, %dma_wait3A_453] : memref<10000x128xf32, #tpu.memory_space<hbm>> -> memref<80x128xf32, #tpu.memory_space<hbm>>
    %dma_wait3A_455 = tpu.memref_slice %arg9[%dma_wait3A_447] : memref<4x!tpu.dma_semaphore, #tpu.memory_space<semaphore_mem>> -> memref<1x!tpu.dma_semaphore, #tpu.memory_space<semaphore_mem>>
    %dma_wait3A_456 = tpu.memref_squeeze %dma_wait3A_455 : memref<1x!tpu.dma_semaphore, #tpu.memory_space<semaphore_mem>> -> memref<!tpu.dma_semaphore, #tpu.memory_space<semaphore_mem>>
    %dma_wait3A_457 = arith.constant 0 : i32
    %dma_wait3A_458 = arith.constant 0 : i32
    %dma_wait3A_459 = tpu.memref_slice %arg8[%dma_wait3A_446, %dma_wait3A_457, %dma_wait3A_458] : memref<4x80x128xf32, #tpu.memory_space<vmem>> -> memref<1x80x128xf32, #tpu.memory_space<vmem>>
    %dma_wait3A_460 = tpu.memref_squeeze %dma_wait3A_459 : memref<1x80x128xf32, #tpu.memory_space<vmem>> -> memref<80x128xf32, #tpu.memory_space<vmem>>
    %dma_wait3A_461 = arith.constant 0 : i32
    %dma_wait3A_462 = arith.constant 0 : i32
    %dma_wait3A_463 = tpu.memref_slice %arg2[%dma_wait3A_461, %dma_wait3A_462] : memref<10000x128xf32, #tpu.memory_space<hbm>> -> memref<80x128xf32, #tpu.memory_space<hbm>>
    tpu.wait_dma2 semaphore(%dma_wait3A_456 : memref<!tpu.dma_semaphore, #tpu.memory_space<semaphore_mem>>) src(%dma_wait3A_463 : memref<80x128xf32, #tpu.memory_space<hbm>>) dst(%dma_wait3A_460 : memref<80x128xf32, #tpu.memory_space<vmem>>)
    %dma_start3A_464 = arith.constant 0 : i32
    %dma_start3A_465 = arith.constant 0 : i32
    %dma_start3A_466 = arith.constant 0 : i32
    %dma_start3A_467 = arith.constant 0 : i32
    %dma_start3A_468 = arith.constant 0 : i32
    %dma_start3A_469 = tpu.memref_slice %arg8[%dma_start3A_464, %dma_start3A_467, %dma_start3A_468] : memref<4x80x128xf32, #tpu.memory_space<vmem>> -> memref<1x80x128xf32, #tpu.memory_space<vmem>>
    %dma_start3A_470 = tpu.memref_squeeze %dma_start3A_469 : memref<1x80x128xf32, #tpu.memory_space<vmem>> -> memref<80x128xf32, #tpu.memory_space<vmem>>
    %dma_start3A_471 = arith.constant 0 : i32
    %dma_start3A_472 = tpu.memref_slice %arg7[%dma_start3A_465, %dma_start3A_471] : memref<4x80xi32, #tpu.memory_space<vmem>> -> memref<1x80xi32, #tpu.memory_space<vmem>>
    %dma_start3A_473 = tpu.memref_squeeze %dma_start3A_472 : memref<1x80xi32, #tpu.memory_space<vmem>> -> memref<80xi32, #tpu.memory_space<vmem>>
    %dma_start3A_474 = arith.constant 0 : i32
    %dma_start3A_475 = arith.constant 0 : i32
    %dma_start3A_476 = tpu.memref_slice %arg5[%dma_start3A_474, %dma_start3A_475] : memref<10000x128xf32, #tpu.memory_space<vmem_shared>> -> memref<10000x128xf32, #tpu.memory_space<vmem_shared>>
    %dma_start3A_477 = tpu.memref_slice %arg11[%dma_start3A_466] : memref<4x!tpu.dma_semaphore, #tpu.memory_space<semaphore_mem>> -> memref<1x!tpu.dma_semaphore, #tpu.memory_space<semaphore_mem>>
    %dma_start3A_478 = tpu.memref_squeeze %dma_start3A_477 : memref<1x!tpu.dma_semaphore, #tpu.memory_space<semaphore_mem>> -> memref<!tpu.dma_semaphore, #tpu.memory_space<semaphore_mem>>
    tpu.enqueue_indirect_dma source(%dma_start3A_470 : memref<80x128xf32, #tpu.memory_space<vmem>>) target(%dma_start3A_476 : memref<10000x128xf32, #tpu.memory_space<vmem_shared>>) offsets(%dma_start3A_473 : memref<80xi32, #tpu.memory_space<vmem>>) semaphore(%dma_start3A_478 : memref<!tpu.dma_semaphore, #tpu.memory_space<semaphore_mem>>) {add = true}
    %dma_wait3A_479 = arith.constant 1 : i32
    %dma_wait3A_480 = arith.constant 1 : i32
    %dma_wait3A_481 = arith.constant 0 : i32
    %dma_wait3A_482 = arith.constant 0 : i32
    %dma_wait3A_483 = tpu.memref_slice %arg8[%dma_wait3A_479, %dma_wait3A_481, %dma_wait3A_482] : memref<4x80x128xf32, #tpu.memory_space<vmem>> -> memref<1x80x128xf32, #tpu.memory_space<vmem>>
    %dma_wait3A_484 = tpu.memref_squeeze %dma_wait3A_483 : memref<1x80x128xf32, #tpu.memory_space<vmem>> -> memref<80x128xf32, #tpu.memory_space<vmem>>
    %dma_wait3A_485 = arith.constant 0 : i32
    %dma_wait3A_486 = arith.constant 0 : i32
    %dma_wait3A_487 = tpu.memref_slice %arg5[%dma_wait3A_485, %dma_wait3A_486] : memref<10000x128xf32, #tpu.memory_space<vmem_shared>> -> memref<80x128xf32, #tpu.memory_space<vmem_shared>>
    %dma_wait3A_488 = tpu.memref_slice %arg11[%dma_wait3A_480] : memref<4x!tpu.dma_semaphore, #tpu.memory_space<semaphore_mem>> -> memref<1x!tpu.dma_semaphore, #tpu.memory_space<semaphore_mem>>
    %dma_wait3A_489 = tpu.memref_squeeze %dma_wait3A_488 : memref<1x!tpu.dma_semaphore, #tpu.memory_space<semaphore_mem>> -> memref<!tpu.dma_semaphore, #tpu.memory_space<semaphore_mem>>
    %dma_wait3A_490 = arith.constant 0 : i32
    %dma_wait3A_491 = arith.constant 0 : i32
    %dma_wait3A_492 = tpu.memref_slice %arg5[%dma_wait3A_490, %dma_wait3A_491] : memref<10000x128xf32, #tpu.memory_space<vmem_shared>> -> memref<80x128xf32, #tpu.memory_space<vmem_shared>>
    %dma_wait3A_493 = arith.constant 0 : i32
    %dma_wait3A_494 = arith.constant 0 : i32
    %dma_wait3A_495 = tpu.memref_slice %arg8[%dma_wait3A_479, %dma_wait3A_493, %dma_wait3A_494] : memref<4x80x128xf32, #tpu.memory_space<vmem>> -> memref<1x80x128xf32, #tpu.memory_space<vmem>>
    %dma_wait3A_496 = tpu.memref_squeeze %dma_wait3A_495 : memref<1x80x128xf32, #tpu.memory_space<vmem>> -> memref<80x128xf32, #tpu.memory_space<vmem>>
    tpu.wait_dma2 semaphore(%dma_wait3A_489 : memref<!tpu.dma_semaphore, #tpu.memory_space<semaphore_mem>>) src(%dma_wait3A_496 : memref<80x128xf32, #tpu.memory_space<vmem>>) dst(%dma_wait3A_492 : memref<80x128xf32, #tpu.memory_space<vmem_shared>>)
    %dma_wait3A_497 = arith.constant 2 : i32
    %dma_wait3A_498 = arith.constant 2 : i32
    %dma_wait3A_499 = arith.constant 0 : i32
    %dma_wait3A_500 = arith.constant 0 : i32
    %dma_wait3A_501 = tpu.memref_slice %arg8[%dma_wait3A_497, %dma_wait3A_499, %dma_wait3A_500] : memref<4x80x128xf32, #tpu.memory_space<vmem>> -> memref<1x80x128xf32, #tpu.memory_space<vmem>>
    %dma_wait3A_502 = tpu.memref_squeeze %dma_wait3A_501 : memref<1x80x128xf32, #tpu.memory_space<vmem>> -> memref<80x128xf32, #tpu.memory_space<vmem>>
    %dma_wait3A_503 = arith.constant 0 : i32
    %dma_wait3A_504 = arith.constant 0 : i32
    %dma_wait3A_505 = tpu.memref_slice %arg5[%dma_wait3A_503, %dma_wait3A_504] : memref<10000x128xf32, #tpu.memory_space<vmem_shared>> -> memref<80x128xf32, #tpu.memory_space<vmem_shared>>
    %dma_wait3A_506 = tpu.memref_slice %arg11[%dma_wait3A_498] : memref<4x!tpu.dma_semaphore, #tpu.memory_space<semaphore_mem>> -> memref<1x!tpu.dma_semaphore, #tpu.memory_space<semaphore_mem>>
    %dma_wait3A_507 = tpu.memref_squeeze %dma_wait3A_506 : memref<1x!tpu.dma_semaphore, #tpu.memory_space<semaphore_mem>> -> memref<!tpu.dma_semaphore, #tpu.memory_space<semaphore_mem>>
    %dma_wait3A_508 = arith.constant 0 : i32
    %dma_wait3A_509 = arith.constant 0 : i32
    %dma_wait3A_510 = tpu.memref_slice %arg5[%dma_wait3A_508, %dma_wait3A_509] : memref<10000x128xf32, #tpu.memory_space<vmem_shared>> -> memref<80x128xf32, #tpu.memory_space<vmem_shared>>
    %dma_wait3A_511 = arith.constant 0 : i32
    %dma_wait3A_512 = arith.constant 0 : i32
    %dma_wait3A_513 = tpu.memref_slice %arg8[%dma_wait3A_497, %dma_wait3A_511, %dma_wait3A_512] : memref<4x80x128xf32, #tpu.memory_space<vmem>> -> memref<1x80x128xf32, #tpu.memory_space<vmem>>
    %dma_wait3A_514 = tpu.memref_squeeze %dma_wait3A_513 : memref<1x80x128xf32, #tpu.memory_space<vmem>> -> memref<80x128xf32, #tpu.memory_space<vmem>>
    tpu.wait_dma2 semaphore(%dma_wait3A_507 : memref<!tpu.dma_semaphore, #tpu.memory_space<semaphore_mem>>) src(%dma_wait3A_514 : memref<80x128xf32, #tpu.memory_space<vmem>>) dst(%dma_wait3A_510 : memref<80x128xf32, #tpu.memory_space<vmem_shared>>)
    %dma_wait3A_515 = arith.constant 3 : i32
    %dma_wait3A_516 = arith.constant 3 : i32
    %dma_wait3A_517 = arith.constant 0 : i32
    %dma_wait3A_518 = arith.constant 0 : i32
    %dma_wait3A_519 = tpu.memref_slice %arg8[%dma_wait3A_515, %dma_wait3A_517, %dma_wait3A_518] : memref<4x80x128xf32, #tpu.memory_space<vmem>> -> memref<1x80x128xf32, #tpu.memory_space<vmem>>
    %dma_wait3A_520 = tpu.memref_squeeze %dma_wait3A_519 : memref<1x80x128xf32, #tpu.memory_space<vmem>> -> memref<80x128xf32, #tpu.memory_space<vmem>>
    %dma_wait3A_521 = arith.constant 0 : i32
    %dma_wait3A_522 = arith.constant 0 : i32
    %dma_wait3A_523 = tpu.memref_slice %arg5[%dma_wait3A_521, %dma_wait3A_522] : memref<10000x128xf32, #tpu.memory_space<vmem_shared>> -> memref<80x128xf32, #tpu.memory_space<vmem_shared>>
    %dma_wait3A_524 = tpu.memref_slice %arg11[%dma_wait3A_516] : memref<4x!tpu.dma_semaphore, #tpu.memory_space<semaphore_mem>> -> memref<1x!tpu.dma_semaphore, #tpu.memory_space<semaphore_mem>>
    %dma_wait3A_525 = tpu.memref_squeeze %dma_wait3A_524 : memref<1x!tpu.dma_semaphore, #tpu.memory_space<semaphore_mem>> -> memref<!tpu.dma_semaphore, #tpu.memory_space<semaphore_mem>>
    %dma_wait3A_526 = arith.constant 0 : i32
    %dma_wait3A_527 = arith.constant 0 : i32
    %dma_wait3A_528 = tpu.memref_slice %arg5[%dma_wait3A_526, %dma_wait3A_527] : memref<10000x128xf32, #tpu.memory_space<vmem_shared>> -> memref<80x128xf32, #tpu.memory_space<vmem_shared>>
    %dma_wait3A_529 = arith.constant 0 : i32
    %dma_wait3A_530 = arith.constant 0 : i32
    %dma_wait3A_531 = tpu.memref_slice %arg8[%dma_wait3A_515, %dma_wait3A_529, %dma_wait3A_530] : memref<4x80x128xf32, #tpu.memory_space<vmem>> -> memref<1x80x128xf32, #tpu.memory_space<vmem>>
    %dma_wait3A_532 = tpu.memref_squeeze %dma_wait3A_531 : memref<1x80x128xf32, #tpu.memory_space<vmem>> -> memref<80x128xf32, #tpu.memory_space<vmem>>
    tpu.wait_dma2 semaphore(%dma_wait3A_525 : memref<!tpu.dma_semaphore, #tpu.memory_space<semaphore_mem>>) src(%dma_wait3A_532 : memref<80x128xf32, #tpu.memory_space<vmem>>) dst(%dma_wait3A_528 : memref<80x128xf32, #tpu.memory_space<vmem_shared>>)
    %dma_wait3A_533 = arith.constant 0 : i32
    %dma_wait3A_534 = arith.constant 0 : i32
    %dma_wait3A_535 = arith.constant 0 : i32
    %dma_wait3A_536 = arith.constant 0 : i32
    %dma_wait3A_537 = tpu.memref_slice %arg8[%dma_wait3A_533, %dma_wait3A_535, %dma_wait3A_536] : memref<4x80x128xf32, #tpu.memory_space<vmem>> -> memref<1x80x128xf32, #tpu.memory_space<vmem>>
    %dma_wait3A_538 = tpu.memref_squeeze %dma_wait3A_537 : memref<1x80x128xf32, #tpu.memory_space<vmem>> -> memref<80x128xf32, #tpu.memory_space<vmem>>
    %dma_wait3A_539 = arith.constant 0 : i32
    %dma_wait3A_540 = arith.constant 0 : i32
    %dma_wait3A_541 = tpu.memref_slice %arg5[%dma_wait3A_539, %dma_wait3A_540] : memref<10000x128xf32, #tpu.memory_space<vmem_shared>> -> memref<80x128xf32, #tpu.memory_space<vmem_shared>>
    %dma_wait3A_542 = tpu.memref_slice %arg11[%dma_wait3A_534] : memref<4x!tpu.dma_semaphore, #tpu.memory_space<semaphore_mem>> -> memref<1x!tpu.dma_semaphore, #tpu.memory_space<semaphore_mem>>
    %dma_wait3A_543 = tpu.memref_squeeze %dma_wait3A_542 : memref<1x!tpu.dma_semaphore, #tpu.memory_space<semaphore_mem>> -> memref<!tpu.dma_semaphore, #tpu.memory_space<semaphore_mem>>
    %dma_wait3A_544 = arith.constant 0 : i32
    %dma_wait3A_545 = arith.constant 0 : i32
    %dma_wait3A_546 = tpu.memref_slice %arg5[%dma_wait3A_544, %dma_wait3A_545] : memref<10000x128xf32, #tpu.memory_space<vmem_shared>> -> memref<80x128xf32, #tpu.memory_space<vmem_shared>>
    %dma_wait3A_547 = arith.constant 0 : i32
    %dma_wait3A_548 = arith.constant 0 : i32
    %dma_wait3A_549 = tpu.memref_slice %arg8[%dma_wait3A_533, %dma_wait3A_547, %dma_wait3A_548] : memref<4x80x128xf32, #tpu.memory_space<vmem>> -> memref<1x80x128xf32, #tpu.memory_space<vmem>>
    %dma_wait3A_550 = tpu.memref_squeeze %dma_wait3A_549 : memref<1x80x128xf32, #tpu.memory_space<vmem>> -> memref<80x128xf32, #tpu.memory_space<vmem>>
    tpu.wait_dma2 semaphore(%dma_wait3A_543 : memref<!tpu.dma_semaphore, #tpu.memory_space<semaphore_mem>>) src(%dma_wait3A_550 : memref<80x128xf32, #tpu.memory_space<vmem>>) dst(%dma_wait3A_546 : memref<80x128xf32, #tpu.memory_space<vmem_shared>>)
    %barrier3A_551 = arith.constant 0 : index
    tpu.barrier barrier_id(%barrier3A_551)
    "tpu.region"() ({
      %run_scoped3A = tpu.sem_alloc : memref<!tpu.dma_semaphore, #tpu.memory_space<semaphore_mem>>
      %dma_start3A_552 = arith.constant 0 : i32
      %dma_start3A_553 = tpu.memref_slice %arg4[%arg0, %mul3A_0, %dma_start3A_552] : memref<2x10000x128xf32, #tpu.memory_space<hbm>> -> memref<1x625x128xf32, #tpu.memory_space<hbm>>
      %dma_start3A_554 = tpu.memref_squeeze %dma_start3A_553 : memref<1x625x128xf32, #tpu.memory_space<hbm>> -> memref<625x128xf32, #tpu.memory_space<hbm>>
      %dma_start3A_555 = arith.constant 0 : i32
      %dma_start3A_556 = tpu.memref_slice %arg5[%mul3A_0, %dma_start3A_555] : memref<10000x128xf32, #tpu.memory_space<vmem_shared>> -> memref<625x128xf32, #tpu.memory_space<vmem_shared>>
      tpu.enqueue_dma source(%dma_start3A_556 : memref<625x128xf32, #tpu.memory_space<vmem_shared>>) target(%dma_start3A_554 : memref<625x128xf32, #tpu.memory_space<hbm>>) target_semaphore(%run_scoped3A : memref<!tpu.dma_semaphore, #tpu.memory_space<semaphore_mem>>)
      %dma_wait3A_557 = arith.constant 0 : i32
      %dma_wait3A_558 = tpu.memref_slice %arg4[%arg0, %mul3A_0, %dma_wait3A_557] : memref<2x10000x128xf32, #tpu.memory_space<hbm>> -> memref<1x625x128xf32, #tpu.memory_space<hbm>>
      %dma_wait3A_559 = tpu.memref_squeeze %dma_wait3A_558 : memref<1x625x128xf32, #tpu.memory_space<hbm>> -> memref<625x128xf32, #tpu.memory_space<hbm>>
      %dma_wait3A_560 = arith.constant 0 : i32
      %dma_wait3A_561 = tpu.memref_slice %arg5[%mul3A_0, %dma_wait3A_560] : memref<10000x128xf32, #tpu.memory_space<vmem_shared>> -> memref<625x128xf32, #tpu.memory_space<vmem_shared>>
      tpu.wait_dma2 semaphore(%run_scoped3A : memref<!tpu.dma_semaphore, #tpu.memory_space<semaphore_mem>>) src(%dma_wait3A_561 : memref<625x128xf32, #tpu.memory_space<vmem_shared>>) dst(%dma_wait3A_559 : memref<625x128xf32, #tpu.memory_space<hbm>>)
      tpu.yield
    }) : () -> ()
    return
  }
}

#map = affine_map<(d0, d1) -> (0, 0)>
#map1 = affine_map<(d0, d1) -> (0, 0, 0)>
module attributes {stable_mosaic.version = 14 : i64} {
  func.func @agg(%arg0: i32, %arg1: i32, %arg2: memref<10000x128xf32, #tpu.memory_space<hbm>>, %arg3: memref<2x320000xi32, #tpu.memory_space<hbm>>, %arg4: memref<2x10000x128xf32, #tpu.memory_space<hbm>>, %arg5: memref<10000x128xf32, #tpu.memory_space<vmem_shared>>, %arg6: memref<4x80xi32, #tpu.memory_space<vmem>>, %arg7: memref<4x80xi32, #tpu.memory_space<vmem>>, %arg8: memref<4x80x128xf32, #tpu.memory_space<vmem>>, %arg9: memref<4x!tpu.dma_semaphore, #tpu.memory_space<semaphore_mem>>, %arg10: memref<4x!tpu.dma_semaphore, #tpu.memory_space<semaphore_mem>>, %arg11: memref<4x!tpu.dma_semaphore, #tpu.memory_space<semaphore_mem>>) attributes {dimension_semantics = [#tpu.dimension_semantics<core_parallel>, #tpu.dimension_semantics<subcore_parallel>], iteration_bounds = array<i64: 2, 16>, scalar_prefetch = 0 : i64, scratch_operands = 7 : i64, tpu.core_type = #tpu.core_type<sc_vector_subcore>, window_params = [{transform_indices = #map}, {transform_indices = #map}, {transform_indices = #map1}]} {
    %mul3A = arith.constant 625 : i32
    %mul3A_0 = arith.muli %arg1, %mul3A : i32
    %mul3A_1 = arith.constant 16 : i32
    %mul3A_2 = arith.muli %arg0, %mul3A_1 : i32
    %add3A = arith.addi %mul3A_2, %arg1 : i32
    %mul3A_3 = arith.constant 10000 : i32
    %mul3A_4 = arith.muli %add3A, %mul3A_3 : i32
    %eq3A = arith.constant 0 : i32
    %eq3A_5 = arith.cmpi eq, %arg0, %eq3A : i32
    %convert_element_type3A = arith.extui %eq3A_5 : i1 to i32
    %cond3A = arith.constant 0 : i32
    %cond3A_6 = arith.cmpi ne, %convert_element_type3A, %cond3A : i32
    scf.if %cond3A_6 {
      "tpu.region"() ({
        %run_scoped3A = tpu.sem_alloc : memref<!tpu.dma_semaphore, #tpu.memory_space<semaphore_mem>>
        %dma_start3A_552 = arith.constant 0 : i32
        %dma_start3A_553 = tpu.memref_slice %arg5[%mul3A_0, %dma_start3A_552] : memref<10000x128xf32, #tpu.memory_space<vmem_shared>> -> memref<625x128xf32, #tpu.memory_space<vmem_shared>>
        %dma_start3A_554 = arith.constant 0 : i32
        %dma_start3A_555 = tpu.memref_slice %arg2[%mul3A_0, %dma_start3A_554] : memref<10000x128xf32, #tpu.memory_space<hbm>> -> memref<625x128xf32, #tpu.memory_space<hbm>>
        tpu.enqueue_dma source(%dma_start3A_555 : memref<625x128xf32, #tpu.memory_space<hbm>>) target(%dma_start3A_553 : memref<625x128xf32, #tpu.memory_space<vmem_shared>>) target_semaphore(%run_scoped3A : memref<!tpu.dma_semaphore, #tpu.memory_space<semaphore_mem>>)
        %dma_wait3A_556 = arith.constant 0 : i32
        %dma_wait3A_557 = tpu.memref_slice %arg5[%mul3A_0, %dma_wait3A_556] : memref<10000x128xf32, #tpu.memory_space<vmem_shared>> -> memref<625x128xf32, #tpu.memory_space<vmem_shared>>
        %dma_wait3A_558 = arith.constant 0 : i32
        %dma_wait3A_559 = tpu.memref_slice %arg2[%mul3A_0, %dma_wait3A_558] : memref<10000x128xf32, #tpu.memory_space<hbm>> -> memref<625x128xf32, #tpu.memory_space<hbm>>
        tpu.wait_dma2 semaphore(%run_scoped3A : memref<!tpu.dma_semaphore, #tpu.memory_space<semaphore_mem>>) src(%dma_wait3A_559 : memref<625x128xf32, #tpu.memory_space<hbm>>) dst(%dma_wait3A_557 : memref<625x128xf32, #tpu.memory_space<vmem_shared>>)
        tpu.yield
      }) : () -> ()
    } else {
    }
    %ne3A = arith.constant 0 : i32
    %ne3A_7 = arith.cmpi ne, %arg0, %ne3A : i32
    %convert_element_type3A_8 = arith.extui %ne3A_7 : i1 to i32
    %cond3A_9 = arith.constant 0 : i32
    %cond3A_10 = arith.cmpi ne, %convert_element_type3A_8, %cond3A_9 : i32
    scf.if %cond3A_10 {
      %broadcast_in_dim3A = arith.constant 0.000000e+00 : f32
      %broadcast_in_dim3A_552 = vector.broadcast %broadcast_in_dim3A : f32 to vector<16xf32>
      %scan3A_553 = arith.constant 0 : i32
      %scan3A_554 = arith.constant 0 : i32
      %scan3A_555 = arith.constant 640 : i32
      %scan3A_556 = arith.addi %scan3A_554, %scan3A_555 : i32
      %scan3A_557 = arith.constant 1 : i32
      %scan3A_558 = scf.for %scan3A_583 = %scan3A_554 to %scan3A_556 step %scan3A_557 iter_args(%scan3A_584 = %scan3A_553) -> (i32)  : i32 {
        %jit3A = arith.constant 8 : i32
        %div3A = arith.divsi %scan3A_583, %jit3A : i32
        %sign3A = arith.constant 0 : i32
        %sign3A_585 = arith.cmpi sgt, %scan3A_583, %sign3A : i32
        %sign3A_586 = arith.extui %sign3A_585 : i1 to i32
        %sign3A_587 = arith.constant 0 : i32
        %sign3A_588 = arith.cmpi slt, %scan3A_583, %sign3A_587 : i32
        %sign3A_589 = arith.extui %sign3A_588 : i1 to i32
        %sign3A_590 = arith.subi %sign3A_586, %sign3A_589 : i32
        %sign3A_591 = arith.constant 0 : i32
        %sign3A_592 = arith.cmpi sgt, %jit3A, %sign3A_591 : i32
        %sign3A_593 = arith.extui %sign3A_592 : i1 to i32
        %sign3A_594 = arith.constant 0 : i32
        %sign3A_595 = arith.cmpi slt, %jit3A, %sign3A_594 : i32
        %sign3A_596 = arith.extui %sign3A_595 : i1 to i32
        %sign3A_597 = arith.subi %sign3A_593, %sign3A_596 : i32
        %ne3A_598 = arith.cmpi ne, %sign3A_590, %sign3A_597 : i32
        %rem3A = arith.remsi %scan3A_583, %jit3A : i32
        %ne3A_599 = arith.constant 0 : i32
        %ne3A_600 = arith.cmpi ne, %rem3A, %ne3A_599 : i32
        %and3A = arith.andi %ne3A_598, %ne3A_600 : i1
        %sub3A = arith.constant 1 : i32
        %sub3A_601 = arith.subi %div3A, %sub3A : i32
        %select_n3A = arith.select %and3A, %sub3A_601, %div3A : i32
        %jit3A_602 = arith.constant 8 : i32
        %eq3A_603 = arith.constant 0 : i32
        %eq3A_604 = arith.cmpi eq, %jit3A_602, %eq3A_603 : i32
        %jit3A_605 = arith.constant 1 : i32
        %select_n3A_606 = arith.select %eq3A_604, %jit3A_605, %jit3A_602 : i32
        %rem3A_607 = arith.remsi %scan3A_583, %select_n3A_606 : i32
        %ne3A_608 = arith.constant 0 : i32
        %ne3A_609 = arith.cmpi ne, %rem3A_607, %ne3A_608 : i32
        %lt3A = arith.constant 0 : i32
        %lt3A_610 = arith.cmpi slt, %rem3A_607, %lt3A : i32
        %lt3A_611 = arith.constant 0 : i32
        %lt3A_612 = arith.cmpi slt, %select_n3A_606, %lt3A_611 : i32
        %ne3A_613 = arith.xori %lt3A_610, %lt3A_612 : i1
        %and3A_614 = arith.andi %ne3A_613, %ne3A_609 : i1
        %add3A_615 = arith.addi %rem3A_607, %select_n3A_606 : i32
        %select_n3A_616 = arith.select %and3A_614, %add3A_615, %rem3A_607 : i32
        %mul3A_617 = arith.constant 16 : i32
        %mul3A_618 = arith.muli %select_n3A_616, %mul3A_617 : i32
        %swap3A = arith.constant 0 : i32
        %swap3A_619 = arith.index_cast %swap3A : i32 to index
        %swap3A_620 = arith.index_cast %select_n3A : i32 to index
        %swap3A_621 = arith.index_cast %mul3A_618 : i32 to index
        %swap3A_622 = tpu.vector_load %arg8[%swap3A_619, %swap3A_620, %swap3A_621] {strides = array<i32>} : memref<4x80x128xf32, #tpu.memory_space<vmem>>, vector<1x1x16xf32>,
        %swap3A_623 = vector.shape_cast %swap3A_622 : vector<1x1x16xf32> to vector<16xf32>
        %swap3A_624 = vector.shape_cast %broadcast_in_dim3A_552 : vector<16xf32> to vector<1x1x16xf32>
        tpu.vector_store %arg8[%swap3A_619, %swap3A_620, %swap3A_621], %swap3A_624 {strides = array<i32>} : memref<4x80x128xf32, #tpu.memory_space<vmem>>, vector<1x1x16xf32>,
        %scan3A_625 = arith.constant 0 : i32
        scf.yield %scan3A_625 : i32
      }
      %scan3A_559 = arith.constant 640 : i32
      %add3A_560 = arith.constant 0 : i32
      %add3A_561 = arith.addi %mul3A_0, %add3A_560 : i32
      %run_scoped3A = arith.constant 0 : i32
      "tpu.region"() ({
        %run_scoped3A_583 = tpu.sem_alloc : memref<!tpu.dma_semaphore, #tpu.memory_space<semaphore_mem>>
        %dma_start3A_584 = arith.constant 0 : i32
        %dma_start3A_585 = arith.constant 0 : i32
        %dma_start3A_586 = tpu.memref_slice %arg8[%run_scoped3A, %dma_start3A_584, %dma_start3A_585] : memref<4x80x128xf32, #tpu.memory_space<vmem>> -> memref<1x80x128xf32, #tpu.memory_space<vmem>>
        %dma_start3A_587 = tpu.memref_squeeze %dma_start3A_586 : memref<1x80x128xf32, #tpu.memory_space<vmem>> -> memref<80x128xf32, #tpu.memory_space<vmem>>
        %dma_start3A_588 = arith.constant 0 : i32
        %dma_start3A_589 = tpu.memref_slice %arg5[%add3A_561, %dma_start3A_588] : memref<10000x128xf32, #tpu.memory_space<vmem_shared>> -> memref<80x128xf32, #tpu.memory_space<vmem_shared>>
        %dma_start3A_590 = arith.constant 0 : i32
        %dma_start3A_591 = tpu.memref_slice %arg5[%add3A_561, %dma_start3A_590] : memref<10000x128xf32, #tpu.memory_space<vmem_shared>> -> memref<80x128xf32, #tpu.memory_space<vmem_shared>>
        %dma_start3A_592 = arith.constant 0 : i32
        %dma_start3A_593 = arith.constant 0 : i32
        %dma_start3A_594 = tpu.memref_slice %arg8[%run_scoped3A, %dma_start3A_592, %dma_start3A_593] : memref<4x80x128xf32, #tpu.memory_space<vmem>> -> memref<1x80x128xf32, #tpu.memory_space<vmem>>
        %dma_start3A_595 = tpu.memref_squeeze %dma_start3A_594 : memref<1x80x128xf32, #tpu.memory_space<vmem>> -> memref<80x128xf32, #tpu.memory_space<vmem>>
        tpu.enqueue_dma source(%dma_start3A_595 : memref<80x128xf32, #tpu.memory_space<vmem>>) target(%dma_start3A_591 : memref<80x128xf32, #tpu.memory_space<vmem_shared>>) target_semaphore(%run_scoped3A_583 : memref<!tpu.dma_semaphore, #tpu.memory_space<semaphore_mem>>)
        %dma_wait3A_596 = arith.constant 0 : i32
        %dma_wait3A_597 = arith.constant 0 : i32
        %dma_wait3A_598 = tpu.memref_slice %arg8[%run_scoped3A, %dma_wait3A_596, %dma_wait3A_597] : memref<4x80x128xf32, #tpu.memory_space<vmem>> -> memref<1x80x128xf32, #tpu.memory_space<vmem>>
        %dma_wait3A_599 = tpu.memref_squeeze %dma_wait3A_598 : memref<1x80x128xf32, #tpu.memory_space<vmem>> -> memref<80x128xf32, #tpu.memory_space<vmem>>
        %dma_wait3A_600 = arith.constant 0 : i32
        %dma_wait3A_601 = tpu.memref_slice %arg5[%add3A_561, %dma_wait3A_600] : memref<10000x128xf32, #tpu.memory_space<vmem_shared>> -> memref<80x128xf32, #tpu.memory_space<vmem_shared>>
        %dma_wait3A_602 = arith.constant 0 : i32
        %dma_wait3A_603 = tpu.memref_slice %arg5[%add3A_561, %dma_wait3A_602] : memref<10000x128xf32, #tpu.memory_space<vmem_shared>> -> memref<80x128xf32, #tpu.memory_space<vmem_shared>>
        %dma_wait3A_604 = arith.constant 0 : i32
        %dma_wait3A_605 = arith.constant 0 : i32
        %dma_wait3A_606 = tpu.memref_slice %arg8[%run_scoped3A, %dma_wait3A_604, %dma_wait3A_605] : memref<4x80x128xf32, #tpu.memory_space<vmem>> -> memref<1x80x128xf32, #tpu.memory_space<vmem>>
        %dma_wait3A_607 = tpu.memref_squeeze %dma_wait3A_606 : memref<1x80x128xf32, #tpu.memory_space<vmem>> -> memref<80x128xf32, #tpu.memory_space<vmem>>
        tpu.wait_dma2 semaphore(%run_scoped3A_583 : memref<!tpu.dma_semaphore, #tpu.memory_space<semaphore_mem>>) src(%dma_wait3A_607 : memref<80x128xf32, #tpu.memory_space<vmem>>) dst(%dma_wait3A_603 : memref<80x128xf32, #tpu.memory_space<vmem_shared>>)
        tpu.yield
      }) : () -> ()
      %add3A_562 = arith.constant 80 : i32
      %add3A_563 = arith.addi %mul3A_0, %add3A_562 : i32
      %run_scoped3A_564 = arith.constant 0 : i32
      "tpu.region"() ({
        %run_scoped3A_583 = tpu.sem_alloc : memref<!tpu.dma_semaphore, #tpu.memory_space<semaphore_mem>>
        %dma_start3A_584 = arith.constant 0 : i32
        %dma_start3A_585 = arith.constant 0 : i32
        %dma_start3A_586 = tpu.memref_slice %arg8[%run_scoped3A_564, %dma_start3A_584, %dma_start3A_585] : memref<4x80x128xf32, #tpu.memory_space<vmem>> -> memref<1x80x128xf32, #tpu.memory_space<vmem>>
        %dma_start3A_587 = tpu.memref_squeeze %dma_start3A_586 : memref<1x80x128xf32, #tpu.memory_space<vmem>> -> memref<80x128xf32, #tpu.memory_space<vmem>>
        %dma_start3A_588 = arith.constant 0 : i32
        %dma_start3A_589 = tpu.memref_slice %arg5[%add3A_563, %dma_start3A_588] : memref<10000x128xf32, #tpu.memory_space<vmem_shared>> -> memref<80x128xf32, #tpu.memory_space<vmem_shared>>
        %dma_start3A_590 = arith.constant 0 : i32
        %dma_start3A_591 = tpu.memref_slice %arg5[%add3A_563, %dma_start3A_590] : memref<10000x128xf32, #tpu.memory_space<vmem_shared>> -> memref<80x128xf32, #tpu.memory_space<vmem_shared>>
        %dma_start3A_592 = arith.constant 0 : i32
        %dma_start3A_593 = arith.constant 0 : i32
        %dma_start3A_594 = tpu.memref_slice %arg8[%run_scoped3A_564, %dma_start3A_592, %dma_start3A_593] : memref<4x80x128xf32, #tpu.memory_space<vmem>> -> memref<1x80x128xf32, #tpu.memory_space<vmem>>
        %dma_start3A_595 = tpu.memref_squeeze %dma_start3A_594 : memref<1x80x128xf32, #tpu.memory_space<vmem>> -> memref<80x128xf32, #tpu.memory_space<vmem>>
        tpu.enqueue_dma source(%dma_start3A_595 : memref<80x128xf32, #tpu.memory_space<vmem>>) target(%dma_start3A_591 : memref<80x128xf32, #tpu.memory_space<vmem_shared>>) target_semaphore(%run_scoped3A_583 : memref<!tpu.dma_semaphore, #tpu.memory_space<semaphore_mem>>)
        %dma_wait3A_596 = arith.constant 0 : i32
        %dma_wait3A_597 = arith.constant 0 : i32
        %dma_wait3A_598 = tpu.memref_slice %arg8[%run_scoped3A_564, %dma_wait3A_596, %dma_wait3A_597] : memref<4x80x128xf32, #tpu.memory_space<vmem>> -> memref<1x80x128xf32, #tpu.memory_space<vmem>>
        %dma_wait3A_599 = tpu.memref_squeeze %dma_wait3A_598 : memref<1x80x128xf32, #tpu.memory_space<vmem>> -> memref<80x128xf32, #tpu.memory_space<vmem>>
        %dma_wait3A_600 = arith.constant 0 : i32
        %dma_wait3A_601 = tpu.memref_slice %arg5[%add3A_563, %dma_wait3A_600] : memref<10000x128xf32, #tpu.memory_space<vmem_shared>> -> memref<80x128xf32, #tpu.memory_space<vmem_shared>>
        %dma_wait3A_602 = arith.constant 0 : i32
        %dma_wait3A_603 = tpu.memref_slice %arg5[%add3A_563, %dma_wait3A_602] : memref<10000x128xf32, #tpu.memory_space<vmem_shared>> -> memref<80x128xf32, #tpu.memory_space<vmem_shared>>
        %dma_wait3A_604 = arith.constant 0 : i32
        %dma_wait3A_605 = arith.constant 0 : i32
        %dma_wait3A_606 = tpu.memref_slice %arg8[%run_scoped3A_564, %dma_wait3A_604, %dma_wait3A_605] : memref<4x80x128xf32, #tpu.memory_space<vmem>> -> memref<1x80x128xf32, #tpu.memory_space<vmem>>
        %dma_wait3A_607 = tpu.memref_squeeze %dma_wait3A_606 : memref<1x80x128xf32, #tpu.memory_space<vmem>> -> memref<80x128xf32, #tpu.memory_space<vmem>>
        tpu.wait_dma2 semaphore(%run_scoped3A_583 : memref<!tpu.dma_semaphore, #tpu.memory_space<semaphore_mem>>) src(%dma_wait3A_607 : memref<80x128xf32, #tpu.memory_space<vmem>>) dst(%dma_wait3A_603 : memref<80x128xf32, #tpu.memory_space<vmem_shared>>)
        tpu.yield
      }) : () -> ()
      %add3A_565 = arith.constant 160 : i32
      %add3A_566 = arith.addi %mul3A_0, %add3A_565 : i32
      %run_scoped3A_567 = arith.constant 0 : i32
      "tpu.region"() ({
        %run_scoped3A_583 = tpu.sem_alloc : memref<!tpu.dma_semaphore, #tpu.memory_space<semaphore_mem>>
        %dma_start3A_584 = arith.constant 0 : i32
        %dma_start3A_585 = arith.constant 0 : i32
        %dma_start3A_586 = tpu.memref_slice %arg8[%run_scoped3A_567, %dma_start3A_584, %dma_start3A_585] : memref<4x80x128xf32, #tpu.memory_space<vmem>> -> memref<1x80x128xf32, #tpu.memory_space<vmem>>
        %dma_start3A_587 = tpu.memref_squeeze %dma_start3A_586 : memref<1x80x128xf32, #tpu.memory_space<vmem>> -> memref<80x128xf32, #tpu.memory_space<vmem>>
        %dma_start3A_588 = arith.constant 0 : i32
        %dma_start3A_589 = tpu.memref_slice %arg5[%add3A_566, %dma_start3A_588] : memref<10000x128xf32, #tpu.memory_space<vmem_shared>> -> memref<80x128xf32, #tpu.memory_space<vmem_shared>>
        %dma_start3A_590 = arith.constant 0 : i32
        %dma_start3A_591 = tpu.memref_slice %arg5[%add3A_566, %dma_start3A_590] : memref<10000x128xf32, #tpu.memory_space<vmem_shared>> -> memref<80x128xf32, #tpu.memory_space<vmem_shared>>
        %dma_start3A_592 = arith.constant 0 : i32
        %dma_start3A_593 = arith.constant 0 : i32
        %dma_start3A_594 = tpu.memref_slice %arg8[%run_scoped3A_567, %dma_start3A_592, %dma_start3A_593] : memref<4x80x128xf32, #tpu.memory_space<vmem>> -> memref<1x80x128xf32, #tpu.memory_space<vmem>>
        %dma_start3A_595 = tpu.memref_squeeze %dma_start3A_594 : memref<1x80x128xf32, #tpu.memory_space<vmem>> -> memref<80x128xf32, #tpu.memory_space<vmem>>
        tpu.enqueue_dma source(%dma_start3A_595 : memref<80x128xf32, #tpu.memory_space<vmem>>) target(%dma_start3A_591 : memref<80x128xf32, #tpu.memory_space<vmem_shared>>) target_semaphore(%run_scoped3A_583 : memref<!tpu.dma_semaphore, #tpu.memory_space<semaphore_mem>>)
        %dma_wait3A_596 = arith.constant 0 : i32
        %dma_wait3A_597 = arith.constant 0 : i32
        %dma_wait3A_598 = tpu.memref_slice %arg8[%run_scoped3A_567, %dma_wait3A_596, %dma_wait3A_597] : memref<4x80x128xf32, #tpu.memory_space<vmem>> -> memref<1x80x128xf32, #tpu.memory_space<vmem>>
        %dma_wait3A_599 = tpu.memref_squeeze %dma_wait3A_598 : memref<1x80x128xf32, #tpu.memory_space<vmem>> -> memref<80x128xf32, #tpu.memory_space<vmem>>
        %dma_wait3A_600 = arith.constant 0 : i32
        %dma_wait3A_601 = tpu.memref_slice %arg5[%add3A_566, %dma_wait3A_600] : memref<10000x128xf32, #tpu.memory_space<vmem_shared>> -> memref<80x128xf32, #tpu.memory_space<vmem_shared>>
        %dma_wait3A_602 = arith.constant 0 : i32
        %dma_wait3A_603 = tpu.memref_slice %arg5[%add3A_566, %dma_wait3A_602] : memref<10000x128xf32, #tpu.memory_space<vmem_shared>> -> memref<80x128xf32, #tpu.memory_space<vmem_shared>>
        %dma_wait3A_604 = arith.constant 0 : i32
        %dma_wait3A_605 = arith.constant 0 : i32
        %dma_wait3A_606 = tpu.memref_slice %arg8[%run_scoped3A_567, %dma_wait3A_604, %dma_wait3A_605] : memref<4x80x128xf32, #tpu.memory_space<vmem>> -> memref<1x80x128xf32, #tpu.memory_space<vmem>>
        %dma_wait3A_607 = tpu.memref_squeeze %dma_wait3A_606 : memref<1x80x128xf32, #tpu.memory_space<vmem>> -> memref<80x128xf32, #tpu.memory_space<vmem>>
        tpu.wait_dma2 semaphore(%run_scoped3A_583 : memref<!tpu.dma_semaphore, #tpu.memory_space<semaphore_mem>>) src(%dma_wait3A_607 : memref<80x128xf32, #tpu.memory_space<vmem>>) dst(%dma_wait3A_603 : memref<80x128xf32, #tpu.memory_space<vmem_shared>>)
        tpu.yield
      }) : () -> ()
      %add3A_568 = arith.constant 240 : i32
      %add3A_569 = arith.addi %mul3A_0, %add3A_568 : i32
      %run_scoped3A_570 = arith.constant 0 : i32
      "tpu.region"() ({
        %run_scoped3A_583 = tpu.sem_alloc : memref<!tpu.dma_semaphore, #tpu.memory_space<semaphore_mem>>
        %dma_start3A_584 = arith.constant 0 : i32
        %dma_start3A_585 = arith.constant 0 : i32
        %dma_start3A_586 = tpu.memref_slice %arg8[%run_scoped3A_570, %dma_start3A_584, %dma_start3A_585] : memref<4x80x128xf32, #tpu.memory_space<vmem>> -> memref<1x80x128xf32, #tpu.memory_space<vmem>>
        %dma_start3A_587 = tpu.memref_squeeze %dma_start3A_586 : memref<1x80x128xf32, #tpu.memory_space<vmem>> -> memref<80x128xf32, #tpu.memory_space<vmem>>
        %dma_start3A_588 = arith.constant 0 : i32
        %dma_start3A_589 = tpu.memref_slice %arg5[%add3A_569, %dma_start3A_588] : memref<10000x128xf32, #tpu.memory_space<vmem_shared>> -> memref<80x128xf32, #tpu.memory_space<vmem_shared>>
        %dma_start3A_590 = arith.constant 0 : i32
        %dma_start3A_591 = tpu.memref_slice %arg5[%add3A_569, %dma_start3A_590] : memref<10000x128xf32, #tpu.memory_space<vmem_shared>> -> memref<80x128xf32, #tpu.memory_space<vmem_shared>>
        %dma_start3A_592 = arith.constant 0 : i32
        %dma_start3A_593 = arith.constant 0 : i32
        %dma_start3A_594 = tpu.memref_slice %arg8[%run_scoped3A_570, %dma_start3A_592, %dma_start3A_593] : memref<4x80x128xf32, #tpu.memory_space<vmem>> -> memref<1x80x128xf32, #tpu.memory_space<vmem>>
        %dma_start3A_595 = tpu.memref_squeeze %dma_start3A_594 : memref<1x80x128xf32, #tpu.memory_space<vmem>> -> memref<80x128xf32, #tpu.memory_space<vmem>>
        tpu.enqueue_dma source(%dma_start3A_595 : memref<80x128xf32, #tpu.memory_space<vmem>>) target(%dma_start3A_591 : memref<80x128xf32, #tpu.memory_space<vmem_shared>>) target_semaphore(%run_scoped3A_583 : memref<!tpu.dma_semaphore, #tpu.memory_space<semaphore_mem>>)
        %dma_wait3A_596 = arith.constant 0 : i32
        %dma_wait3A_597 = arith.constant 0 : i32
        %dma_wait3A_598 = tpu.memref_slice %arg8[%run_scoped3A_570, %dma_wait3A_596, %dma_wait3A_597] : memref<4x80x128xf32, #tpu.memory_space<vmem>> -> memref<1x80x128xf32, #tpu.memory_space<vmem>>
        %dma_wait3A_599 = tpu.memref_squeeze %dma_wait3A_598 : memref<1x80x128xf32, #tpu.memory_space<vmem>> -> memref<80x128xf32, #tpu.memory_space<vmem>>
        %dma_wait3A_600 = arith.constant 0 : i32
        %dma_wait3A_601 = tpu.memref_slice %arg5[%add3A_569, %dma_wait3A_600] : memref<10000x128xf32, #tpu.memory_space<vmem_shared>> -> memref<80x128xf32, #tpu.memory_space<vmem_shared>>
        %dma_wait3A_602 = arith.constant 0 : i32
        %dma_wait3A_603 = tpu.memref_slice %arg5[%add3A_569, %dma_wait3A_602] : memref<10000x128xf32, #tpu.memory_space<vmem_shared>> -> memref<80x128xf32, #tpu.memory_space<vmem_shared>>
        %dma_wait3A_604 = arith.constant 0 : i32
        %dma_wait3A_605 = arith.constant 0 : i32
        %dma_wait3A_606 = tpu.memref_slice %arg8[%run_scoped3A_570, %dma_wait3A_604, %dma_wait3A_605] : memref<4x80x128xf32, #tpu.memory_space<vmem>> -> memref<1x80x128xf32, #tpu.memory_space<vmem>>
        %dma_wait3A_607 = tpu.memref_squeeze %dma_wait3A_606 : memref<1x80x128xf32, #tpu.memory_space<vmem>> -> memref<80x128xf32, #tpu.memory_space<vmem>>
        tpu.wait_dma2 semaphore(%run_scoped3A_583 : memref<!tpu.dma_semaphore, #tpu.memory_space<semaphore_mem>>) src(%dma_wait3A_607 : memref<80x128xf32, #tpu.memory_space<vmem>>) dst(%dma_wait3A_603 : memref<80x128xf32, #tpu.memory_space<vmem_shared>>)
        tpu.yield
      }) : () -> ()
      %add3A_571 = arith.constant 320 : i32
      %add3A_572 = arith.addi %mul3A_0, %add3A_571 : i32
      %run_scoped3A_573 = arith.constant 0 : i32
      "tpu.region"() ({
        %run_scoped3A_583 = tpu.sem_alloc : memref<!tpu.dma_semaphore, #tpu.memory_space<semaphore_mem>>
        %dma_start3A_584 = arith.constant 0 : i32
        %dma_start3A_585 = arith.constant 0 : i32
        %dma_start3A_586 = tpu.memref_slice %arg8[%run_scoped3A_573, %dma_start3A_584, %dma_start3A_585] : memref<4x80x128xf32, #tpu.memory_space<vmem>> -> memref<1x80x128xf32, #tpu.memory_space<vmem>>
        %dma_start3A_587 = tpu.memref_squeeze %dma_start3A_586 : memref<1x80x128xf32, #tpu.memory_space<vmem>> -> memref<80x128xf32, #tpu.memory_space<vmem>>
        %dma_start3A_588 = arith.constant 0 : i32
        %dma_start3A_589 = tpu.memref_slice %arg5[%add3A_572, %dma_start3A_588] : memref<10000x128xf32, #tpu.memory_space<vmem_shared>> -> memref<80x128xf32, #tpu.memory_space<vmem_shared>>
        %dma_start3A_590 = arith.constant 0 : i32
        %dma_start3A_591 = tpu.memref_slice %arg5[%add3A_572, %dma_start3A_590] : memref<10000x128xf32, #tpu.memory_space<vmem_shared>> -> memref<80x128xf32, #tpu.memory_space<vmem_shared>>
        %dma_start3A_592 = arith.constant 0 : i32
        %dma_start3A_593 = arith.constant 0 : i32
        %dma_start3A_594 = tpu.memref_slice %arg8[%run_scoped3A_573, %dma_start3A_592, %dma_start3A_593] : memref<4x80x128xf32, #tpu.memory_space<vmem>> -> memref<1x80x128xf32, #tpu.memory_space<vmem>>
        %dma_start3A_595 = tpu.memref_squeeze %dma_start3A_594 : memref<1x80x128xf32, #tpu.memory_space<vmem>> -> memref<80x128xf32, #tpu.memory_space<vmem>>
        tpu.enqueue_dma source(%dma_start3A_595 : memref<80x128xf32, #tpu.memory_space<vmem>>) target(%dma_start3A_591 : memref<80x128xf32, #tpu.memory_space<vmem_shared>>) target_semaphore(%run_scoped3A_583 : memref<!tpu.dma_semaphore, #tpu.memory_space<semaphore_mem>>)
        %dma_wait3A_596 = arith.constant 0 : i32
        %dma_wait3A_597 = arith.constant 0 : i32
        %dma_wait3A_598 = tpu.memref_slice %arg8[%run_scoped3A_573, %dma_wait3A_596, %dma_wait3A_597] : memref<4x80x128xf32, #tpu.memory_space<vmem>> -> memref<1x80x128xf32, #tpu.memory_space<vmem>>
        %dma_wait3A_599 = tpu.memref_squeeze %dma_wait3A_598 : memref<1x80x128xf32, #tpu.memory_space<vmem>> -> memref<80x128xf32, #tpu.memory_space<vmem>>
        %dma_wait3A_600 = arith.constant 0 : i32
        %dma_wait3A_601 = tpu.memref_slice %arg5[%add3A_572, %dma_wait3A_600] : memref<10000x128xf32, #tpu.memory_space<vmem_shared>> -> memref<80x128xf32, #tpu.memory_space<vmem_shared>>
        %dma_wait3A_602 = arith.constant 0 : i32
        %dma_wait3A_603 = tpu.memref_slice %arg5[%add3A_572, %dma_wait3A_602] : memref<10000x128xf32, #tpu.memory_space<vmem_shared>> -> memref<80x128xf32, #tpu.memory_space<vmem_shared>>
        %dma_wait3A_604 = arith.constant 0 : i32
        %dma_wait3A_605 = arith.constant 0 : i32
        %dma_wait3A_606 = tpu.memref_slice %arg8[%run_scoped3A_573, %dma_wait3A_604, %dma_wait3A_605] : memref<4x80x128xf32, #tpu.memory_space<vmem>> -> memref<1x80x128xf32, #tpu.memory_space<vmem>>
        %dma_wait3A_607 = tpu.memref_squeeze %dma_wait3A_606 : memref<1x80x128xf32, #tpu.memory_space<vmem>> -> memref<80x128xf32, #tpu.memory_space<vmem>>
        tpu.wait_dma2 semaphore(%run_scoped3A_583 : memref<!tpu.dma_semaphore, #tpu.memory_space<semaphore_mem>>) src(%dma_wait3A_607 : memref<80x128xf32, #tpu.memory_space<vmem>>) dst(%dma_wait3A_603 : memref<80x128xf32, #tpu.memory_space<vmem_shared>>)
        tpu.yield
      }) : () -> ()
      %add3A_574 = arith.constant 400 : i32
      %add3A_575 = arith.addi %mul3A_0, %add3A_574 : i32
      %run_scoped3A_576 = arith.constant 0 : i32
      "tpu.region"() ({
        %run_scoped3A_583 = tpu.sem_alloc : memref<!tpu.dma_semaphore, #tpu.memory_space<semaphore_mem>>
        %dma_start3A_584 = arith.constant 0 : i32
        %dma_start3A_585 = arith.constant 0 : i32
        %dma_start3A_586 = tpu.memref_slice %arg8[%run_scoped3A_576, %dma_start3A_584, %dma_start3A_585] : memref<4x80x128xf32, #tpu.memory_space<vmem>> -> memref<1x80x128xf32, #tpu.memory_space<vmem>>
        %dma_start3A_587 = tpu.memref_squeeze %dma_start3A_586 : memref<1x80x128xf32, #tpu.memory_space<vmem>> -> memref<80x128xf32, #tpu.memory_space<vmem>>
        %dma_start3A_588 = arith.constant 0 : i32
        %dma_start3A_589 = tpu.memref_slice %arg5[%add3A_575, %dma_start3A_588] : memref<10000x128xf32, #tpu.memory_space<vmem_shared>> -> memref<80x128xf32, #tpu.memory_space<vmem_shared>>
        %dma_start3A_590 = arith.constant 0 : i32
        %dma_start3A_591 = tpu.memref_slice %arg5[%add3A_575, %dma_start3A_590] : memref<10000x128xf32, #tpu.memory_space<vmem_shared>> -> memref<80x128xf32, #tpu.memory_space<vmem_shared>>
        %dma_start3A_592 = arith.constant 0 : i32
        %dma_start3A_593 = arith.constant 0 : i32
        %dma_start3A_594 = tpu.memref_slice %arg8[%run_scoped3A_576, %dma_start3A_592, %dma_start3A_593] : memref<4x80x128xf32, #tpu.memory_space<vmem>> -> memref<1x80x128xf32, #tpu.memory_space<vmem>>
        %dma_start3A_595 = tpu.memref_squeeze %dma_start3A_594 : memref<1x80x128xf32, #tpu.memory_space<vmem>> -> memref<80x128xf32, #tpu.memory_space<vmem>>
        tpu.enqueue_dma source(%dma_start3A_595 : memref<80x128xf32, #tpu.memory_space<vmem>>) target(%dma_start3A_591 : memref<80x128xf32, #tpu.memory_space<vmem_shared>>) target_semaphore(%run_scoped3A_583 : memref<!tpu.dma_semaphore, #tpu.memory_space<semaphore_mem>>)
        %dma_wait3A_596 = arith.constant 0 : i32
        %dma_wait3A_597 = arith.constant 0 : i32
        %dma_wait3A_598 = tpu.memref_slice %arg8[%run_scoped3A_576, %dma_wait3A_596, %dma_wait3A_597] : memref<4x80x128xf32, #tpu.memory_space<vmem>> -> memref<1x80x128xf32, #tpu.memory_space<vmem>>
        %dma_wait3A_599 = tpu.memref_squeeze %dma_wait3A_598 : memref<1x80x128xf32, #tpu.memory_space<vmem>> -> memref<80x128xf32, #tpu.memory_space<vmem>>
        %dma_wait3A_600 = arith.constant 0 : i32
        %dma_wait3A_601 = tpu.memref_slice %arg5[%add3A_575, %dma_wait3A_600] : memref<10000x128xf32, #tpu.memory_space<vmem_shared>> -> memref<80x128xf32, #tpu.memory_space<vmem_shared>>
        %dma_wait3A_602 = arith.constant 0 : i32
        %dma_wait3A_603 = tpu.memref_slice %arg5[%add3A_575, %dma_wait3A_602] : memref<10000x128xf32, #tpu.memory_space<vmem_shared>> -> memref<80x128xf32, #tpu.memory_space<vmem_shared>>
        %dma_wait3A_604 = arith.constant 0 : i32
        %dma_wait3A_605 = arith.constant 0 : i32
        %dma_wait3A_606 = tpu.memref_slice %arg8[%run_scoped3A_576, %dma_wait3A_604, %dma_wait3A_605] : memref<4x80x128xf32, #tpu.memory_space<vmem>> -> memref<1x80x128xf32, #tpu.memory_space<vmem>>
        %dma_wait3A_607 = tpu.memref_squeeze %dma_wait3A_606 : memref<1x80x128xf32, #tpu.memory_space<vmem>> -> memref<80x128xf32, #tpu.memory_space<vmem>>
        tpu.wait_dma2 semaphore(%run_scoped3A_583 : memref<!tpu.dma_semaphore, #tpu.memory_space<semaphore_mem>>) src(%dma_wait3A_607 : memref<80x128xf32, #tpu.memory_space<vmem>>) dst(%dma_wait3A_603 : memref<80x128xf32, #tpu.memory_space<vmem_shared>>)
        tpu.yield
      }) : () -> ()
      %add3A_577 = arith.constant 480 : i32
      %add3A_578 = arith.addi %mul3A_0, %add3A_577 : i32
      %run_scoped3A_579 = arith.constant 0 : i32
      "tpu.region"() ({
        %run_scoped3A_583 = tpu.sem_alloc : memref<!tpu.dma_semaphore, #tpu.memory_space<semaphore_mem>>
        %dma_start3A_584 = arith.constant 0 : i32
        %dma_start3A_585 = arith.constant 0 : i32
        %dma_start3A_586 = tpu.memref_slice %arg8[%run_scoped3A_579, %dma_start3A_584, %dma_start3A_585] : memref<4x80x128xf32, #tpu.memory_space<vmem>> -> memref<1x80x128xf32, #tpu.memory_space<vmem>>
        %dma_start3A_587 = tpu.memref_squeeze %dma_start3A_586 : memref<1x80x128xf32, #tpu.memory_space<vmem>> -> memref<80x128xf32, #tpu.memory_space<vmem>>
        %dma_start3A_588 = arith.constant 0 : i32
        %dma_start3A_589 = tpu.memref_slice %arg5[%add3A_578, %dma_start3A_588] : memref<10000x128xf32, #tpu.memory_space<vmem_shared>> -> memref<80x128xf32, #tpu.memory_space<vmem_shared>>
        %dma_start3A_590 = arith.constant 0 : i32
        %dma_start3A_591 = tpu.memref_slice %arg5[%add3A_578, %dma_start3A_590] : memref<10000x128xf32, #tpu.memory_space<vmem_shared>> -> memref<80x128xf32, #tpu.memory_space<vmem_shared>>
        %dma_start3A_592 = arith.constant 0 : i32
        %dma_start3A_593 = arith.constant 0 : i32
        %dma_start3A_594 = tpu.memref_slice %arg8[%run_scoped3A_579, %dma_start3A_592, %dma_start3A_593] : memref<4x80x128xf32, #tpu.memory_space<vmem>> -> memref<1x80x128xf32, #tpu.memory_space<vmem>>
        %dma_start3A_595 = tpu.memref_squeeze %dma_start3A_594 : memref<1x80x128xf32, #tpu.memory_space<vmem>> -> memref<80x128xf32, #tpu.memory_space<vmem>>
        tpu.enqueue_dma source(%dma_start3A_595 : memref<80x128xf32, #tpu.memory_space<vmem>>) target(%dma_start3A_591 : memref<80x128xf32, #tpu.memory_space<vmem_shared>>) target_semaphore(%run_scoped3A_583 : memref<!tpu.dma_semaphore, #tpu.memory_space<semaphore_mem>>)
        %dma_wait3A_596 = arith.constant 0 : i32
        %dma_wait3A_597 = arith.constant 0 : i32
        %dma_wait3A_598 = tpu.memref_slice %arg8[%run_scoped3A_579, %dma_wait3A_596, %dma_wait3A_597] : memref<4x80x128xf32, #tpu.memory_space<vmem>> -> memref<1x80x128xf32, #tpu.memory_space<vmem>>
        %dma_wait3A_599 = tpu.memref_squeeze %dma_wait3A_598 : memref<1x80x128xf32, #tpu.memory_space<vmem>> -> memref<80x128xf32, #tpu.memory_space<vmem>>
        %dma_wait3A_600 = arith.constant 0 : i32
        %dma_wait3A_601 = tpu.memref_slice %arg5[%add3A_578, %dma_wait3A_600] : memref<10000x128xf32, #tpu.memory_space<vmem_shared>> -> memref<80x128xf32, #tpu.memory_space<vmem_shared>>
        %dma_wait3A_602 = arith.constant 0 : i32
        %dma_wait3A_603 = tpu.memref_slice %arg5[%add3A_578, %dma_wait3A_602] : memref<10000x128xf32, #tpu.memory_space<vmem_shared>> -> memref<80x128xf32, #tpu.memory_space<vmem_shared>>
        %dma_wait3A_604 = arith.constant 0 : i32
        %dma_wait3A_605 = arith.constant 0 : i32
        %dma_wait3A_606 = tpu.memref_slice %arg8[%run_scoped3A_579, %dma_wait3A_604, %dma_wait3A_605] : memref<4x80x128xf32, #tpu.memory_space<vmem>> -> memref<1x80x128xf32, #tpu.memory_space<vmem>>
        %dma_wait3A_607 = tpu.memref_squeeze %dma_wait3A_606 : memref<1x80x128xf32, #tpu.memory_space<vmem>> -> memref<80x128xf32, #tpu.memory_space<vmem>>
        tpu.wait_dma2 semaphore(%run_scoped3A_583 : memref<!tpu.dma_semaphore, #tpu.memory_space<semaphore_mem>>) src(%dma_wait3A_607 : memref<80x128xf32, #tpu.memory_space<vmem>>) dst(%dma_wait3A_603 : memref<80x128xf32, #tpu.memory_space<vmem_shared>>)
        tpu.yield
      }) : () -> ()
      %add3A_580 = arith.constant 560 : i32
      %add3A_581 = arith.addi %mul3A_0, %add3A_580 : i32
      %run_scoped3A_582 = arith.constant 0 : i32
      "tpu.region"() ({
        %run_scoped3A_583 = tpu.sem_alloc : memref<!tpu.dma_semaphore, #tpu.memory_space<semaphore_mem>>
        %dma_start3A_584 = arith.constant 0 : i32
        %dma_start3A_585 = arith.constant 0 : i32
        %dma_start3A_586 = tpu.memref_slice %arg8[%run_scoped3A_582, %dma_start3A_584, %dma_start3A_585] : memref<4x80x128xf32, #tpu.memory_space<vmem>> -> memref<1x80x128xf32, #tpu.memory_space<vmem>>
        %dma_start3A_587 = tpu.memref_squeeze %dma_start3A_586 : memref<1x80x128xf32, #tpu.memory_space<vmem>> -> memref<80x128xf32, #tpu.memory_space<vmem>>
        %dma_start3A_588 = arith.constant 0 : i32
        %dma_start3A_589 = arith.constant 0 : i32
        %dma_start3A_590 = tpu.memref_slice %dma_start3A_587[%dma_start3A_588, %dma_start3A_589] : memref<80x128xf32, #tpu.memory_space<vmem>> -> memref<65x128xf32, #tpu.memory_space<vmem>>
        %dma_start3A_591 = arith.constant 0 : i32
        %dma_start3A_592 = tpu.memref_slice %arg5[%add3A_581, %dma_start3A_591] : memref<10000x128xf32, #tpu.memory_space<vmem_shared>> -> memref<65x128xf32, #tpu.memory_space<vmem_shared>>
        %dma_start3A_593 = arith.constant 0 : i32
        %dma_start3A_594 = tpu.memref_slice %arg5[%add3A_581, %dma_start3A_593] : memref<10000x128xf32, #tpu.memory_space<vmem_shared>> -> memref<65x128xf32, #tpu.memory_space<vmem_shared>>
        %dma_start3A_595 = arith.constant 0 : i32
        %dma_start3A_596 = arith.constant 0 : i32
        %dma_start3A_597 = tpu.memref_slice %arg8[%run_scoped3A_582, %dma_start3A_595, %dma_start3A_596] : memref<4x80x128xf32, #tpu.memory_space<vmem>> -> memref<1x80x128xf32, #tpu.memory_space<vmem>>
        %dma_start3A_598 = tpu.memref_squeeze %dma_start3A_597 : memref<1x80x128xf32, #tpu.memory_space<vmem>> -> memref<80x128xf32, #tpu.memory_space<vmem>>
        %dma_start3A_599 = arith.constant 0 : i32
        %dma_start3A_600 = arith.constant 0 : i32
        %dma_start3A_601 = tpu.memref_slice %dma_start3A_598[%dma_start3A_599, %dma_start3A_600] : memref<80x128xf32, #tpu.memory_space<vmem>> -> memref<65x128xf32, #tpu.memory_space<vmem>>
        tpu.enqueue_dma source(%dma_start3A_601 : memref<65x128xf32, #tpu.memory_space<vmem>>) target(%dma_start3A_594 : memref<65x128xf32, #tpu.memory_space<vmem_shared>>) target_semaphore(%run_scoped3A_583 : memref<!tpu.dma_semaphore, #tpu.memory_space<semaphore_mem>>)
        %dma_wait3A_602 = arith.constant 0 : i32
        %dma_wait3A_603 = arith.constant 0 : i32
        %dma_wait3A_604 = tpu.memref_slice %arg8[%run_scoped3A_582, %dma_wait3A_602, %dma_wait3A_603] : memref<4x80x128xf32, #tpu.memory_space<vmem>> -> memref<1x80x128xf32, #tpu.memory_space<vmem>>
        %dma_wait3A_605 = tpu.memref_squeeze %dma_wait3A_604 : memref<1x80x128xf32, #tpu.memory_space<vmem>> -> memref<80x128xf32, #tpu.memory_space<vmem>>
        %dma_wait3A_606 = arith.constant 0 : i32
        %dma_wait3A_607 = arith.constant 0 : i32
        %dma_wait3A_608 = tpu.memref_slice %dma_wait3A_605[%dma_wait3A_606, %dma_wait3A_607] : memref<80x128xf32, #tpu.memory_space<vmem>> -> memref<65x128xf32, #tpu.memory_space<vmem>>
        %dma_wait3A_609 = arith.constant 0 : i32
        %dma_wait3A_610 = tpu.memref_slice %arg5[%add3A_581, %dma_wait3A_609] : memref<10000x128xf32, #tpu.memory_space<vmem_shared>> -> memref<65x128xf32, #tpu.memory_space<vmem_shared>>
        %dma_wait3A_611 = arith.constant 0 : i32
        %dma_wait3A_612 = tpu.memref_slice %arg5[%add3A_581, %dma_wait3A_611] : memref<10000x128xf32, #tpu.memory_space<vmem_shared>> -> memref<65x128xf32, #tpu.memory_space<vmem_shared>>
        %dma_wait3A_613 = arith.constant 0 : i32
        %dma_wait3A_614 = arith.constant 0 : i32
        %dma_wait3A_615 = tpu.memref_slice %arg8[%run_scoped3A_582, %dma_wait3A_613, %dma_wait3A_614] : memref<4x80x128xf32, #tpu.memory_space<vmem>> -> memref<1x80x128xf32, #tpu.memory_space<vmem>>
        %dma_wait3A_616 = tpu.memref_squeeze %dma_wait3A_615 : memref<1x80x128xf32, #tpu.memory_space<vmem>> -> memref<80x128xf32, #tpu.memory_space<vmem>>
        %dma_wait3A_617 = arith.constant 0 : i32
        %dma_wait3A_618 = arith.constant 0 : i32
        %dma_wait3A_619 = tpu.memref_slice %dma_wait3A_616[%dma_wait3A_617, %dma_wait3A_618] : memref<80x128xf32, #tpu.memory_space<vmem>> -> memref<65x128xf32, #tpu.memory_space<vmem>>
        tpu.wait_dma2 semaphore(%run_scoped3A_583 : memref<!tpu.dma_semaphore, #tpu.memory_space<semaphore_mem>>) src(%dma_wait3A_619 : memref<65x128xf32, #tpu.memory_space<vmem>>) dst(%dma_wait3A_612 : memref<65x128xf32, #tpu.memory_space<vmem_shared>>)
        tpu.yield
      }) : () -> ()
    } else {
    }
    %barrier3A = arith.constant 0 : index
    tpu.barrier barrier_id(%barrier3A)
    %add3A_11 = arith.constant 0 : i32
    %add3A_12 = arith.addi %mul3A_4, %add3A_11 : i32
    %dma_start3A = arith.constant 0 : i32
    %dma_start3A_13 = arith.constant 0 : i32
    %dma_start3A_14 = arith.constant 0 : i32
    %dma_start3A_15 = arith.constant 0 : i32
    %dma_start3A_16 = tpu.memref_slice %arg6[%dma_start3A_13, %dma_start3A_15] : memref<4x80xi32, #tpu.memory_space<vmem>> -> memref<1x80xi32, #tpu.memory_space<vmem>>
    %dma_start3A_17 = tpu.memref_squeeze %dma_start3A_16 : memref<1x80xi32, #tpu.memory_space<vmem>> -> memref<80xi32, #tpu.memory_space<vmem>>
    %dma_start3A_18 = tpu.memref_slice %arg3[%dma_start3A, %add3A_12] : memref<2x320000xi32, #tpu.memory_space<hbm>> -> memref<1x80xi32, #tpu.memory_space<hbm>>
    %dma_start3A_19 = tpu.memref_squeeze %dma_start3A_18 : memref<1x80xi32, #tpu.memory_space<hbm>> -> memref<80xi32, #tpu.memory_space<hbm>>
    %dma_start3A_20 = tpu.memref_slice %arg10[%dma_start3A_14] : memref<4x!tpu.dma_semaphore, #tpu.memory_space<semaphore_mem>> -> memref<1x!tpu.dma_semaphore, #tpu.memory_space<semaphore_mem>>
    %dma_start3A_21 = tpu.memref_squeeze %dma_start3A_20 : memref<1x!tpu.dma_semaphore, #tpu.memory_space<semaphore_mem>> -> memref<!tpu.dma_semaphore, #tpu.memory_space<semaphore_mem>>
    %dma_start3A_22 = arith.constant 0 : i32
    %dma_start3A_23 = tpu.memref_slice %arg6[%dma_start3A_13, %dma_start3A_22] : memref<4x80xi32, #tpu.memory_space<vmem>> -> memref<1x80xi32, #tpu.memory_space<vmem>>
    %dma_start3A_24 = tpu.memref_squeeze %dma_start3A_23 : memref<1x80xi32, #tpu.memory_space<vmem>> -> memref<80xi32, #tpu.memory_space<vmem>>
    %dma_start3A_25 = tpu.memref_slice %arg3[%dma_start3A, %add3A_12] : memref<2x320000xi32, #tpu.memory_space<hbm>> -> memref<1x80xi32, #tpu.memory_space<hbm>>
    %dma_start3A_26 = tpu.memref_squeeze %dma_start3A_25 : memref<1x80xi32, #tpu.memory_space<hbm>> -> memref<80xi32, #tpu.memory_space<hbm>>
    tpu.enqueue_dma source(%dma_start3A_26 : memref<80xi32, #tpu.memory_space<hbm>>) target(%dma_start3A_24 : memref<80xi32, #tpu.memory_space<vmem>>) target_semaphore(%dma_start3A_21 : memref<!tpu.dma_semaphore, #tpu.memory_space<semaphore_mem>>)
    %add3A_27 = arith.constant 0 : i32
    %add3A_28 = arith.addi %mul3A_4, %add3A_27 : i32
    %dma_start3A_29 = arith.constant 1 : i32
    %dma_start3A_30 = arith.constant 0 : i32
    %dma_start3A_31 = arith.constant 0 : i32
    %dma_start3A_32 = arith.constant 0 : i32
    %dma_start3A_33 = tpu.memref_slice %arg7[%dma_start3A_30, %dma_start3A_32] : memref<4x80xi32, #tpu.memory_space<vmem>> -> memref<1x80xi32, #tpu.memory_space<vmem>>
    %dma_start3A_34 = tpu.memref_squeeze %dma_start3A_33 : memref<1x80xi32, #tpu.memory_space<vmem>> -> memref<80xi32, #tpu.memory_space<vmem>>
    %dma_start3A_35 = tpu.memref_slice %arg3[%dma_start3A_29, %add3A_28] : memref<2x320000xi32, #tpu.memory_space<hbm>> -> memref<1x80xi32, #tpu.memory_space<hbm>>
    %dma_start3A_36 = tpu.memref_squeeze %dma_start3A_35 : memref<1x80xi32, #tpu.memory_space<hbm>> -> memref<80xi32, #tpu.memory_space<hbm>>
    %dma_start3A_37 = tpu.memref_slice %arg10[%dma_start3A_31] : memref<4x!tpu.dma_semaphore, #tpu.memory_space<semaphore_mem>> -> memref<1x!tpu.dma_semaphore, #tpu.memory_space<semaphore_mem>>
    %dma_start3A_38 = tpu.memref_squeeze %dma_start3A_37 : memref<1x!tpu.dma_semaphore, #tpu.memory_space<semaphore_mem>> -> memref<!tpu.dma_semaphore, #tpu.memory_space<semaphore_mem>>
    %dma_start3A_39 = arith.constant 0 : i32
    %dma_start3A_40 = tpu.memref_slice %arg7[%dma_start3A_30, %dma_start3A_39] : memref<4x80xi32, #tpu.memory_space<vmem>> -> memref<1x80xi32, #tpu.memory_space<vmem>>
    %dma_start3A_41 = tpu.memref_squeeze %dma_start3A_40 : memref<1x80xi32, #tpu.memory_space<vmem>> -> memref<80xi32, #tpu.memory_space<vmem>>
    %dma_start3A_42 = tpu.memref_slice %arg3[%dma_start3A_29, %add3A_28] : memref<2x320000xi32, #tpu.memory_space<hbm>> -> memref<1x80xi32, #tpu.memory_space<hbm>>
    %dma_start3A_43 = tpu.memref_squeeze %dma_start3A_42 : memref<1x80xi32, #tpu.memory_space<hbm>> -> memref<80xi32, #tpu.memory_space<hbm>>
    tpu.enqueue_dma source(%dma_start3A_43 : memref<80xi32, #tpu.memory_space<hbm>>) target(%dma_start3A_41 : memref<80xi32, #tpu.memory_space<vmem>>) target_semaphore(%dma_start3A_38 : memref<!tpu.dma_semaphore, #tpu.memory_space<semaphore_mem>>)
    %add3A_44 = arith.constant 80 : i32
    %add3A_45 = arith.addi %mul3A_4, %add3A_44 : i32
    %dma_start3A_46 = arith.constant 0 : i32
    %dma_start3A_47 = arith.constant 1 : i32
    %dma_start3A_48 = arith.constant 1 : i32
    %dma_start3A_49 = arith.constant 0 : i32
    %dma_start3A_50 = tpu.memref_slice %arg6[%dma_start3A_47, %dma_start3A_49] : memref<4x80xi32, #tpu.memory_space<vmem>> -> memref<1x80xi32, #tpu.memory_space<vmem>>
    %dma_start3A_51 = tpu.memref_squeeze %dma_start3A_50 : memref<1x80xi32, #tpu.memory_space<vmem>> -> memref<80xi32, #tpu.memory_space<vmem>>
    %dma_start3A_52 = tpu.memref_slice %arg3[%dma_start3A_46, %add3A_45] : memref<2x320000xi32, #tpu.memory_space<hbm>> -> memref<1x80xi32, #tpu.memory_space<hbm>>
    %dma_start3A_53 = tpu.memref_squeeze %dma_start3A_52 : memref<1x80xi32, #tpu.memory_space<hbm>> -> memref<80xi32, #tpu.memory_space<hbm>>
    %dma_start3A_54 = tpu.memref_slice %arg10[%dma_start3A_48] : memref<4x!tpu.dma_semaphore, #tpu.memory_space<semaphore_mem>> -> memref<1x!tpu.dma_semaphore, #tpu.memory_space<semaphore_mem>>
    %dma_start3A_55 = tpu.memref_squeeze %dma_start3A_54 : memref<1x!tpu.dma_semaphore, #tpu.memory_space<semaphore_mem>> -> memref<!tpu.dma_semaphore, #tpu.memory_space<semaphore_mem>>
    %dma_start3A_56 = arith.constant 0 : i32
    %dma_start3A_57 = tpu.memref_slice %arg6[%dma_start3A_47, %dma_start3A_56] : memref<4x80xi32, #tpu.memory_space<vmem>> -> memref<1x80xi32, #tpu.memory_space<vmem>>
    %dma_start3A_58 = tpu.memref_squeeze %dma_start3A_57 : memref<1x80xi32, #tpu.memory_space<vmem>> -> memref<80xi32, #tpu.memory_space<vmem>>
    %dma_start3A_59 = tpu.memref_slice %arg3[%dma_start3A_46, %add3A_45] : memref<2x320000xi32, #tpu.memory_space<hbm>> -> memref<1x80xi32, #tpu.memory_space<hbm>>
    %dma_start3A_60 = tpu.memref_squeeze %dma_start3A_59 : memref<1x80xi32, #tpu.memory_space<hbm>> -> memref<80xi32, #tpu.memory_space<hbm>>
    tpu.enqueue_dma source(%dma_start3A_60 : memref<80xi32, #tpu.memory_space<hbm>>) target(%dma_start3A_58 : memref<80xi32, #tpu.memory_space<vmem>>) target_semaphore(%dma_start3A_55 : memref<!tpu.dma_semaphore, #tpu.memory_space<semaphore_mem>>)
    %add3A_61 = arith.constant 80 : i32
    %add3A_62 = arith.addi %mul3A_4, %add3A_61 : i32
    %dma_start3A_63 = arith.constant 1 : i32
    %dma_start3A_64 = arith.constant 1 : i32
    %dma_start3A_65 = arith.constant 1 : i32
    %dma_start3A_66 = arith.constant 0 : i32
    %dma_start3A_67 = tpu.memref_slice %arg7[%dma_start3A_64, %dma_start3A_66] : memref<4x80xi32, #tpu.memory_space<vmem>> -> memref<1x80xi32, #tpu.memory_space<vmem>>
    %dma_start3A_68 = tpu.memref_squeeze %dma_start3A_67 : memref<1x80xi32, #tpu.memory_space<vmem>> -> memref<80xi32, #tpu.memory_space<vmem>>
    %dma_start3A_69 = tpu.memref_slice %arg3[%dma_start3A_63, %add3A_62] : memref<2x320000xi32, #tpu.memory_space<hbm>> -> memref<1x80xi32, #tpu.memory_space<hbm>>
    %dma_start3A_70 = tpu.memref_squeeze %dma_start3A_69 : memref<1x80xi32, #tpu.memory_space<hbm>> -> memref<80xi32, #tpu.memory_space<hbm>>
    %dma_start3A_71 = tpu.memref_slice %arg10[%dma_start3A_65] : memref<4x!tpu.dma_semaphore, #tpu.memory_space<semaphore_mem>> -> memref<1x!tpu.dma_semaphore, #tpu.memory_space<semaphore_mem>>
    %dma_start3A_72 = tpu.memref_squeeze %dma_start3A_71 : memref<1x!tpu.dma_semaphore, #tpu.memory_space<semaphore_mem>> -> memref<!tpu.dma_semaphore, #tpu.memory_space<semaphore_mem>>
    %dma_start3A_73 = arith.constant 0 : i32
    %dma_start3A_74 = tpu.memref_slice %arg7[%dma_start3A_64, %dma_start3A_73] : memref<4x80xi32, #tpu.memory_space<vmem>> -> memref<1x80xi32, #tpu.memory_space<vmem>>
    %dma_start3A_75 = tpu.memref_squeeze %dma_start3A_74 : memref<1x80xi32, #tpu.memory_space<vmem>> -> memref<80xi32, #tpu.memory_space<vmem>>
    %dma_start3A_76 = tpu.memref_slice %arg3[%dma_start3A_63, %add3A_62] : memref<2x320000xi32, #tpu.memory_space<hbm>> -> memref<1x80xi32, #tpu.memory_space<hbm>>
    %dma_start3A_77 = tpu.memref_squeeze %dma_start3A_76 : memref<1x80xi32, #tpu.memory_space<hbm>> -> memref<80xi32, #tpu.memory_space<hbm>>
    tpu.enqueue_dma source(%dma_start3A_77 : memref<80xi32, #tpu.memory_space<hbm>>) target(%dma_start3A_75 : memref<80xi32, #tpu.memory_space<vmem>>) target_semaphore(%dma_start3A_72 : memref<!tpu.dma_semaphore, #tpu.memory_space<semaphore_mem>>)
    %add3A_78 = arith.constant 160 : i32
    %add3A_79 = arith.addi %mul3A_4, %add3A_78 : i32
    %dma_start3A_80 = arith.constant 0 : i32
    %dma_start3A_81 = arith.constant 2 : i32
    %dma_start3A_82 = arith.constant 2 : i32
    %dma_start3A_83 = arith.constant 0 : i32
    %dma_start3A_84 = tpu.memref_slice %arg6[%dma_start3A_81, %dma_start3A_83] : memref<4x80xi32, #tpu.memory_space<vmem>> -> memref<1x80xi32, #tpu.memory_space<vmem>>
    %dma_start3A_85 = tpu.memref_squeeze %dma_start3A_84 : memref<1x80xi32, #tpu.memory_space<vmem>> -> memref<80xi32, #tpu.memory_space<vmem>>
    %dma_start3A_86 = tpu.memref_slice %arg3[%dma_start3A_80, %add3A_79] : memref<2x320000xi32, #tpu.memory_space<hbm>> -> memref<1x80xi32, #tpu.memory_space<hbm>>
    %dma_start3A_87 = tpu.memref_squeeze %dma_start3A_86 : memref<1x80xi32, #tpu.memory_space<hbm>> -> memref<80xi32, #tpu.memory_space<hbm>>
    %dma_start3A_88 = tpu.memref_slice %arg10[%dma_start3A_82] : memref<4x!tpu.dma_semaphore, #tpu.memory_space<semaphore_mem>> -> memref<1x!tpu.dma_semaphore, #tpu.memory_space<semaphore_mem>>
    %dma_start3A_89 = tpu.memref_squeeze %dma_start3A_88 : memref<1x!tpu.dma_semaphore, #tpu.memory_space<semaphore_mem>> -> memref<!tpu.dma_semaphore, #tpu.memory_space<semaphore_mem>>
    %dma_start3A_90 = arith.constant 0 : i32
    %dma_start3A_91 = tpu.memref_slice %arg6[%dma_start3A_81, %dma_start3A_90] : memref<4x80xi32, #tpu.memory_space<vmem>> -> memref<1x80xi32, #tpu.memory_space<vmem>>
    %dma_start3A_92 = tpu.memref_squeeze %dma_start3A_91 : memref<1x80xi32, #tpu.memory_space<vmem>> -> memref<80xi32, #tpu.memory_space<vmem>>
    %dma_start3A_93 = tpu.memref_slice %arg3[%dma_start3A_80, %add3A_79] : memref<2x320000xi32, #tpu.memory_space<hbm>> -> memref<1x80xi32, #tpu.memory_space<hbm>>
    %dma_start3A_94 = tpu.memref_squeeze %dma_start3A_93 : memref<1x80xi32, #tpu.memory_space<hbm>> -> memref<80xi32, #tpu.memory_space<hbm>>
    tpu.enqueue_dma source(%dma_start3A_94 : memref<80xi32, #tpu.memory_space<hbm>>) target(%dma_start3A_92 : memref<80xi32, #tpu.memory_space<vmem>>) target_semaphore(%dma_start3A_89 : memref<!tpu.dma_semaphore, #tpu.memory_space<semaphore_mem>>)
    %add3A_95 = arith.constant 160 : i32
    %add3A_96 = arith.addi %mul3A_4, %add3A_95 : i32
    %dma_start3A_97 = arith.constant 1 : i32
    %dma_start3A_98 = arith.constant 2 : i32
    %dma_start3A_99 = arith.constant 2 : i32
    %dma_start3A_100 = arith.constant 0 : i32
    %dma_start3A_101 = tpu.memref_slice %arg7[%dma_start3A_98, %dma_start3A_100] : memref<4x80xi32, #tpu.memory_space<vmem>> -> memref<1x80xi32, #tpu.memory_space<vmem>>
    %dma_start3A_102 = tpu.memref_squeeze %dma_start3A_101 : memref<1x80xi32, #tpu.memory_space<vmem>> -> memref<80xi32, #tpu.memory_space<vmem>>
    %dma_start3A_103 = tpu.memref_slice %arg3[%dma_start3A_97, %add3A_96] : memref<2x320000xi32, #tpu.memory_space<hbm>> -> memref<1x80xi32, #tpu.memory_space<hbm>>
    %dma_start3A_104 = tpu.memref_squeeze %dma_start3A_103 : memref<1x80xi32, #tpu.memory_space<hbm>> -> memref<80xi32, #tpu.memory_space<hbm>>
    %dma_start3A_105 = tpu.memref_slice %arg10[%dma_start3A_99] : memref<4x!tpu.dma_semaphore, #tpu.memory_space<semaphore_mem>> -> memref<1x!tpu.dma_semaphore, #tpu.memory_space<semaphore_mem>>
    %dma_start3A_106 = tpu.memref_squeeze %dma_start3A_105 : memref<1x!tpu.dma_semaphore, #tpu.memory_space<semaphore_mem>> -> memref<!tpu.dma_semaphore, #tpu.memory_space<semaphore_mem>>
    %dma_start3A_107 = arith.constant 0 : i32
    %dma_start3A_108 = tpu.memref_slice %arg7[%dma_start3A_98, %dma_start3A_107] : memref<4x80xi32, #tpu.memory_space<vmem>> -> memref<1x80xi32, #tpu.memory_space<vmem>>
    %dma_start3A_109 = tpu.memref_squeeze %dma_start3A_108 : memref<1x80xi32, #tpu.memory_space<vmem>> -> memref<80xi32, #tpu.memory_space<vmem>>
    %dma_start3A_110 = tpu.memref_slice %arg3[%dma_start3A_97, %add3A_96] : memref<2x320000xi32, #tpu.memory_space<hbm>> -> memref<1x80xi32, #tpu.memory_space<hbm>>
    %dma_start3A_111 = tpu.memref_squeeze %dma_start3A_110 : memref<1x80xi32, #tpu.memory_space<hbm>> -> memref<80xi32, #tpu.memory_space<hbm>>
    tpu.enqueue_dma source(%dma_start3A_111 : memref<80xi32, #tpu.memory_space<hbm>>) target(%dma_start3A_109 : memref<80xi32, #tpu.memory_space<vmem>>) target_semaphore(%dma_start3A_106 : memref<!tpu.dma_semaphore, #tpu.memory_space<semaphore_mem>>)
    %dma_wait3A = arith.constant 0 : i32
    %dma_wait3A_112 = arith.constant 0 : i32
    %dma_wait3A_113 = arith.constant 0 : i32
    %dma_wait3A_114 = arith.constant 0 : i32
    %dma_wait3A_115 = tpu.memref_slice %arg6[%dma_wait3A_112, %dma_wait3A_114] : memref<4x80xi32, #tpu.memory_space<vmem>> -> memref<1x80xi32, #tpu.memory_space<vmem>>
    %dma_wait3A_116 = tpu.memref_squeeze %dma_wait3A_115 : memref<1x80xi32, #tpu.memory_space<vmem>> -> memref<80xi32, #tpu.memory_space<vmem>>
    %dma_wait3A_117 = arith.constant 0 : i32
    %dma_wait3A_118 = tpu.memref_slice %arg3[%dma_wait3A, %dma_wait3A_117] : memref<2x320000xi32, #tpu.memory_space<hbm>> -> memref<1x80xi32, #tpu.memory_space<hbm>>
    %dma_wait3A_119 = tpu.memref_squeeze %dma_wait3A_118 : memref<1x80xi32, #tpu.memory_space<hbm>> -> memref<80xi32, #tpu.memory_space<hbm>>
    %dma_wait3A_120 = tpu.memref_slice %arg10[%dma_wait3A_113] : memref<4x!tpu.dma_semaphore, #tpu.memory_space<semaphore_mem>> -> memref<1x!tpu.dma_semaphore, #tpu.memory_space<semaphore_mem>>
    %dma_wait3A_121 = tpu.memref_squeeze %dma_wait3A_120 : memref<1x!tpu.dma_semaphore, #tpu.memory_space<semaphore_mem>> -> memref<!tpu.dma_semaphore, #tpu.memory_space<semaphore_mem>>
    %dma_wait3A_122 = arith.constant 0 : i32
    %dma_wait3A_123 = tpu.memref_slice %arg6[%dma_wait3A_112, %dma_wait3A_122] : memref<4x80xi32, #tpu.memory_space<vmem>> -> memref<1x80xi32, #tpu.memory_space<vmem>>
    %dma_wait3A_124 = tpu.memref_squeeze %dma_wait3A_123 : memref<1x80xi32, #tpu.memory_space<vmem>> -> memref<80xi32, #tpu.memory_space<vmem>>
    %dma_wait3A_125 = arith.constant 0 : i32
    %dma_wait3A_126 = tpu.memref_slice %arg3[%dma_wait3A, %dma_wait3A_125] : memref<2x320000xi32, #tpu.memory_space<hbm>> -> memref<1x80xi32, #tpu.memory_space<hbm>>
    %dma_wait3A_127 = tpu.memref_squeeze %dma_wait3A_126 : memref<1x80xi32, #tpu.memory_space<hbm>> -> memref<80xi32, #tpu.memory_space<hbm>>
    tpu.wait_dma2 semaphore(%dma_wait3A_121 : memref<!tpu.dma_semaphore, #tpu.memory_space<semaphore_mem>>) src(%dma_wait3A_127 : memref<80xi32, #tpu.memory_space<hbm>>) dst(%dma_wait3A_124 : memref<80xi32, #tpu.memory_space<vmem>>)
    %dma_wait3A_128 = arith.constant 1 : i32
    %dma_wait3A_129 = arith.constant 0 : i32
    %dma_wait3A_130 = arith.constant 0 : i32
    %dma_wait3A_131 = arith.constant 0 : i32
    %dma_wait3A_132 = tpu.memref_slice %arg7[%dma_wait3A_129, %dma_wait3A_131] : memref<4x80xi32, #tpu.memory_space<vmem>> -> memref<1x80xi32, #tpu.memory_space<vmem>>
    %dma_wait3A_133 = tpu.memref_squeeze %dma_wait3A_132 : memref<1x80xi32, #tpu.memory_space<vmem>> -> memref<80xi32, #tpu.memory_space<vmem>>
    %dma_wait3A_134 = arith.constant 0 : i32
    %dma_wait3A_135 = tpu.memref_slice %arg3[%dma_wait3A_128, %dma_wait3A_134] : memref<2x320000xi32, #tpu.memory_space<hbm>> -> memref<1x80xi32, #tpu.memory_space<hbm>>
    %dma_wait3A_136 = tpu.memref_squeeze %dma_wait3A_135 : memref<1x80xi32, #tpu.memory_space<hbm>> -> memref<80xi32, #tpu.memory_space<hbm>>
    %dma_wait3A_137 = tpu.memref_slice %arg10[%dma_wait3A_130] : memref<4x!tpu.dma_semaphore, #tpu.memory_space<semaphore_mem>> -> memref<1x!tpu.dma_semaphore, #tpu.memory_space<semaphore_mem>>
    %dma_wait3A_138 = tpu.memref_squeeze %dma_wait3A_137 : memref<1x!tpu.dma_semaphore, #tpu.memory_space<semaphore_mem>> -> memref<!tpu.dma_semaphore, #tpu.memory_space<semaphore_mem>>
    %dma_wait3A_139 = arith.constant 0 : i32
    %dma_wait3A_140 = tpu.memref_slice %arg7[%dma_wait3A_129, %dma_wait3A_139] : memref<4x80xi32, #tpu.memory_space<vmem>> -> memref<1x80xi32, #tpu.memory_space<vmem>>
    %dma_wait3A_141 = tpu.memref_squeeze %dma_wait3A_140 : memref<1x80xi32, #tpu.memory_space<vmem>> -> memref<80xi32, #tpu.memory_space<vmem>>
    %dma_wait3A_142 = arith.constant 0 : i32
    %dma_wait3A_143 = tpu.memref_slice %arg3[%dma_wait3A_128, %dma_wait3A_142] : memref<2x320000xi32, #tpu.memory_space<hbm>> -> memref<1x80xi32, #tpu.memory_space<hbm>>
    %dma_wait3A_144 = tpu.memref_squeeze %dma_wait3A_143 : memref<1x80xi32, #tpu.memory_space<hbm>> -> memref<80xi32, #tpu.memory_space<hbm>>
    tpu.wait_dma2 semaphore(%dma_wait3A_138 : memref<!tpu.dma_semaphore, #tpu.memory_space<semaphore_mem>>) src(%dma_wait3A_144 : memref<80xi32, #tpu.memory_space<hbm>>) dst(%dma_wait3A_141 : memref<80xi32, #tpu.memory_space<vmem>>)
    %dma_start3A_145 = arith.constant 0 : i32
    %dma_start3A_146 = arith.constant 0 : i32
    %dma_start3A_147 = arith.constant 0 : i32
    %dma_start3A_148 = arith.constant 0 : i32
    %dma_start3A_149 = arith.constant 0 : i32
    %dma_start3A_150 = tpu.memref_slice %arg8[%dma_start3A_146, %dma_start3A_148, %dma_start3A_149] : memref<4x80x128xf32, #tpu.memory_space<vmem>> -> memref<1x80x128xf32, #tpu.memory_space<vmem>>
    %dma_start3A_151 = tpu.memref_squeeze %dma_start3A_150 : memref<1x80x128xf32, #tpu.memory_space<vmem>> -> memref<80x128xf32, #tpu.memory_space<vmem>>
    %dma_start3A_152 = arith.constant 0 : i32
    %dma_start3A_153 = tpu.memref_slice %arg6[%dma_start3A_145, %dma_start3A_152] : memref<4x80xi32, #tpu.memory_space<vmem>> -> memref<1x80xi32, #tpu.memory_space<vmem>>
    %dma_start3A_154 = tpu.memref_squeeze %dma_start3A_153 : memref<1x80xi32, #tpu.memory_space<vmem>> -> memref<80xi32, #tpu.memory_space<vmem>>
    %dma_start3A_155 = arith.constant 0 : i32
    %dma_start3A_156 = arith.constant 0 : i32
    %dma_start3A_157 = tpu.memref_slice %arg2[%dma_start3A_155, %dma_start3A_156] : memref<10000x128xf32, #tpu.memory_space<hbm>> -> memref<10000x128xf32, #tpu.memory_space<hbm>>
    %dma_start3A_158 = tpu.memref_slice %arg9[%dma_start3A_147] : memref<4x!tpu.dma_semaphore, #tpu.memory_space<semaphore_mem>> -> memref<1x!tpu.dma_semaphore, #tpu.memory_space<semaphore_mem>>
    %dma_start3A_159 = tpu.memref_squeeze %dma_start3A_158 : memref<1x!tpu.dma_semaphore, #tpu.memory_space<semaphore_mem>> -> memref<!tpu.dma_semaphore, #tpu.memory_space<semaphore_mem>>
    tpu.enqueue_indirect_dma source(%dma_start3A_157 : memref<10000x128xf32, #tpu.memory_space<hbm>>) target(%dma_start3A_151 : memref<80x128xf32, #tpu.memory_space<vmem>>) offsets(%dma_start3A_154 : memref<80xi32, #tpu.memory_space<vmem>>) semaphore(%dma_start3A_159 : memref<!tpu.dma_semaphore, #tpu.memory_space<semaphore_mem>>)
    %dma_wait3A_160 = arith.constant 0 : i32
    %dma_wait3A_161 = arith.constant 1 : i32
    %dma_wait3A_162 = arith.constant 1 : i32
    %dma_wait3A_163 = arith.constant 0 : i32
    %dma_wait3A_164 = tpu.memref_slice %arg6[%dma_wait3A_161, %dma_wait3A_163] : memref<4x80xi32, #tpu.memory_space<vmem>> -> memref<1x80xi32, #tpu.memory_space<vmem>>
    %dma_wait3A_165 = tpu.memref_squeeze %dma_wait3A_164 : memref<1x80xi32, #tpu.memory_space<vmem>> -> memref<80xi32, #tpu.memory_space<vmem>>
    %dma_wait3A_166 = arith.constant 0 : i32
    %dma_wait3A_167 = tpu.memref_slice %arg3[%dma_wait3A_160, %dma_wait3A_166] : memref<2x320000xi32, #tpu.memory_space<hbm>> -> memref<1x80xi32, #tpu.memory_space<hbm>>
    %dma_wait3A_168 = tpu.memref_squeeze %dma_wait3A_167 : memref<1x80xi32, #tpu.memory_space<hbm>> -> memref<80xi32, #tpu.memory_space<hbm>>
    %dma_wait3A_169 = tpu.memref_slice %arg10[%dma_wait3A_162] : memref<4x!tpu.dma_semaphore, #tpu.memory_space<semaphore_mem>> -> memref<1x!tpu.dma_semaphore, #tpu.memory_space<semaphore_mem>>
    %dma_wait3A_170 = tpu.memref_squeeze %dma_wait3A_169 : memref<1x!tpu.dma_semaphore, #tpu.memory_space<semaphore_mem>> -> memref<!tpu.dma_semaphore, #tpu.memory_space<semaphore_mem>>
    %dma_wait3A_171 = arith.constant 0 : i32
    %dma_wait3A_172 = tpu.memref_slice %arg6[%dma_wait3A_161, %dma_wait3A_171] : memref<4x80xi32, #tpu.memory_space<vmem>> -> memref<1x80xi32, #tpu.memory_space<vmem>>
    %dma_wait3A_173 = tpu.memref_squeeze %dma_wait3A_172 : memref<1x80xi32, #tpu.memory_space<vmem>> -> memref<80xi32, #tpu.memory_space<vmem>>
    %dma_wait3A_174 = arith.constant 0 : i32
    %dma_wait3A_175 = tpu.memref_slice %arg3[%dma_wait3A_160, %dma_wait3A_174] : memref<2x320000xi32, #tpu.memory_space<hbm>> -> memref<1x80xi32, #tpu.memory_space<hbm>>
    %dma_wait3A_176 = tpu.memref_squeeze %dma_wait3A_175 : memref<1x80xi32, #tpu.memory_space<hbm>> -> memref<80xi32, #tpu.memory_space<hbm>>
    tpu.wait_dma2 semaphore(%dma_wait3A_170 : memref<!tpu.dma_semaphore, #tpu.memory_space<semaphore_mem>>) src(%dma_wait3A_176 : memref<80xi32, #tpu.memory_space<hbm>>) dst(%dma_wait3A_173 : memref<80xi32, #tpu.memory_space<vmem>>)
    %dma_wait3A_177 = arith.constant 1 : i32
    %dma_wait3A_178 = arith.constant 1 : i32
    %dma_wait3A_179 = arith.constant 1 : i32
    %dma_wait3A_180 = arith.constant 0 : i32
    %dma_wait3A_181 = tpu.memref_slice %arg7[%dma_wait3A_178, %dma_wait3A_180] : memref<4x80xi32, #tpu.memory_space<vmem>> -> memref<1x80xi32, #tpu.memory_space<vmem>>
    %dma_wait3A_182 = tpu.memref_squeeze %dma_wait3A_181 : memref<1x80xi32, #tpu.memory_space<vmem>> -> memref<80xi32, #tpu.memory_space<vmem>>
    %dma_wait3A_183 = arith.constant 0 : i32
    %dma_wait3A_184 = tpu.memref_slice %arg3[%dma_wait3A_177, %dma_wait3A_183] : memref<2x320000xi32, #tpu.memory_space<hbm>> -> memref<1x80xi32, #tpu.memory_space<hbm>>
    %dma_wait3A_185 = tpu.memref_squeeze %dma_wait3A_184 : memref<1x80xi32, #tpu.memory_space<hbm>> -> memref<80xi32, #tpu.memory_space<hbm>>
    %dma_wait3A_186 = tpu.memref_slice %arg10[%dma_wait3A_179] : memref<4x!tpu.dma_semaphore, #tpu.memory_space<semaphore_mem>> -> memref<1x!tpu.dma_semaphore, #tpu.memory_space<semaphore_mem>>
    %dma_wait3A_187 = tpu.memref_squeeze %dma_wait3A_186 : memref<1x!tpu.dma_semaphore, #tpu.memory_space<semaphore_mem>> -> memref<!tpu.dma_semaphore, #tpu.memory_space<semaphore_mem>>
    %dma_wait3A_188 = arith.constant 0 : i32
    %dma_wait3A_189 = tpu.memref_slice %arg7[%dma_wait3A_178, %dma_wait3A_188] : memref<4x80xi32, #tpu.memory_space<vmem>> -> memref<1x80xi32, #tpu.memory_space<vmem>>
    %dma_wait3A_190 = tpu.memref_squeeze %dma_wait3A_189 : memref<1x80xi32, #tpu.memory_space<vmem>> -> memref<80xi32, #tpu.memory_space<vmem>>
    %dma_wait3A_191 = arith.constant 0 : i32
    %dma_wait3A_192 = tpu.memref_slice %arg3[%dma_wait3A_177, %dma_wait3A_191] : memref<2x320000xi32, #tpu.memory_space<hbm>> -> memref<1x80xi32, #tpu.memory_space<hbm>>
    %dma_wait3A_193 = tpu.memref_squeeze %dma_wait3A_192 : memref<1x80xi32, #tpu.memory_space<hbm>> -> memref<80xi32, #tpu.memory_space<hbm>>
    tpu.wait_dma2 semaphore(%dma_wait3A_187 : memref<!tpu.dma_semaphore, #tpu.memory_space<semaphore_mem>>) src(%dma_wait3A_193 : memref<80xi32, #tpu.memory_space<hbm>>) dst(%dma_wait3A_190 : memref<80xi32, #tpu.memory_space<vmem>>)
    %dma_start3A_194 = arith.constant 1 : i32
    %dma_start3A_195 = arith.constant 1 : i32
    %dma_start3A_196 = arith.constant 1 : i32
    %dma_start3A_197 = arith.constant 0 : i32
    %dma_start3A_198 = arith.constant 0 : i32
    %dma_start3A_199 = tpu.memref_slice %arg8[%dma_start3A_195, %dma_start3A_197, %dma_start3A_198] : memref<4x80x128xf32, #tpu.memory_space<vmem>> -> memref<1x80x128xf32, #tpu.memory_space<vmem>>
    %dma_start3A_200 = tpu.memref_squeeze %dma_start3A_199 : memref<1x80x128xf32, #tpu.memory_space<vmem>> -> memref<80x128xf32, #tpu.memory_space<vmem>>
    %dma_start3A_201 = arith.constant 0 : i32
    %dma_start3A_202 = tpu.memref_slice %arg6[%dma_start3A_194, %dma_start3A_201] : memref<4x80xi32, #tpu.memory_space<vmem>> -> memref<1x80xi32, #tpu.memory_space<vmem>>
    %dma_start3A_203 = tpu.memref_squeeze %dma_start3A_202 : memref<1x80xi32, #tpu.memory_space<vmem>> -> memref<80xi32, #tpu.memory_space<vmem>>
    %dma_start3A_204 = arith.constant 0 : i32
    %dma_start3A_205 = arith.constant 0 : i32
    %dma_start3A_206 = tpu.memref_slice %arg2[%dma_start3A_204, %dma_start3A_205] : memref<10000x128xf32, #tpu.memory_space<hbm>> -> memref<10000x128xf32, #tpu.memory_space<hbm>>
    %dma_start3A_207 = tpu.memref_slice %arg9[%dma_start3A_196] : memref<4x!tpu.dma_semaphore, #tpu.memory_space<semaphore_mem>> -> memref<1x!tpu.dma_semaphore, #tpu.memory_space<semaphore_mem>>
    %dma_start3A_208 = tpu.memref_squeeze %dma_start3A_207 : memref<1x!tpu.dma_semaphore, #tpu.memory_space<semaphore_mem>> -> memref<!tpu.dma_semaphore, #tpu.memory_space<semaphore_mem>>
    tpu.enqueue_indirect_dma source(%dma_start3A_206 : memref<10000x128xf32, #tpu.memory_space<hbm>>) target(%dma_start3A_200 : memref<80x128xf32, #tpu.memory_space<vmem>>) offsets(%dma_start3A_203 : memref<80xi32, #tpu.memory_space<vmem>>) semaphore(%dma_start3A_208 : memref<!tpu.dma_semaphore, #tpu.memory_space<semaphore_mem>>)
    %dma_wait3A_209 = arith.constant 0 : i32
    %dma_wait3A_210 = arith.constant 0 : i32
    %dma_wait3A_211 = arith.constant 0 : i32
    %dma_wait3A_212 = arith.constant 0 : i32
    %dma_wait3A_213 = tpu.memref_slice %arg8[%dma_wait3A_209, %dma_wait3A_211, %dma_wait3A_212] : memref<4x80x128xf32, #tpu.memory_space<vmem>> -> memref<1x80x128xf32, #tpu.memory_space<vmem>>
    %dma_wait3A_214 = tpu.memref_squeeze %dma_wait3A_213 : memref<1x80x128xf32, #tpu.memory_space<vmem>> -> memref<80x128xf32, #tpu.memory_space<vmem>>
    %dma_wait3A_215 = arith.constant 0 : i32
    %dma_wait3A_216 = arith.constant 0 : i32
    %dma_wait3A_217 = tpu.memref_slice %arg2[%dma_wait3A_215, %dma_wait3A_216] : memref<10000x128xf32, #tpu.memory_space<hbm>> -> memref<80x128xf32, #tpu.memory_space<hbm>>
    %dma_wait3A_218 = tpu.memref_slice %arg9[%dma_wait3A_210] : memref<4x!tpu.dma_semaphore, #tpu.memory_space<semaphore_mem>> -> memref<1x!tpu.dma_semaphore, #tpu.memory_space<semaphore_mem>>
    %dma_wait3A_219 = tpu.memref_squeeze %dma_wait3A_218 : memref<1x!tpu.dma_semaphore, #tpu.memory_space<semaphore_mem>> -> memref<!tpu.dma_semaphore, #tpu.memory_space<semaphore_mem>>
    %dma_wait3A_220 = arith.constant 0 : i32
    %dma_wait3A_221 = arith.constant 0 : i32
    %dma_wait3A_222 = tpu.memref_slice %arg8[%dma_wait3A_209, %dma_wait3A_220, %dma_wait3A_221] : memref<4x80x128xf32, #tpu.memory_space<vmem>> -> memref<1x80x128xf32, #tpu.memory_space<vmem>>
    %dma_wait3A_223 = tpu.memref_squeeze %dma_wait3A_222 : memref<1x80x128xf32, #tpu.memory_space<vmem>> -> memref<80x128xf32, #tpu.memory_space<vmem>>
    %dma_wait3A_224 = arith.constant 0 : i32
    %dma_wait3A_225 = arith.constant 0 : i32
    %dma_wait3A_226 = tpu.memref_slice %arg2[%dma_wait3A_224, %dma_wait3A_225] : memref<10000x128xf32, #tpu.memory_space<hbm>> -> memref<80x128xf32, #tpu.memory_space<hbm>>
    tpu.wait_dma2 semaphore(%dma_wait3A_219 : memref<!tpu.dma_semaphore, #tpu.memory_space<semaphore_mem>>) src(%dma_wait3A_226 : memref<80x128xf32, #tpu.memory_space<hbm>>) dst(%dma_wait3A_223 : memref<80x128xf32, #tpu.memory_space<vmem>>)
    %dma_start3A_227 = arith.constant 0 : i32
    %dma_start3A_228 = arith.constant 0 : i32
    %dma_start3A_229 = arith.constant 0 : i32
    %dma_start3A_230 = arith.constant 0 : i32
    %dma_start3A_231 = arith.constant 0 : i32
    %dma_start3A_232 = tpu.memref_slice %arg8[%dma_start3A_227, %dma_start3A_230, %dma_start3A_231] : memref<4x80x128xf32, #tpu.memory_space<vmem>> -> memref<1x80x128xf32, #tpu.memory_space<vmem>>
    %dma_start3A_233 = tpu.memref_squeeze %dma_start3A_232 : memref<1x80x128xf32, #tpu.memory_space<vmem>> -> memref<80x128xf32, #tpu.memory_space<vmem>>
    %dma_start3A_234 = arith.constant 0 : i32
    %dma_start3A_235 = tpu.memref_slice %arg7[%dma_start3A_228, %dma_start3A_234] : memref<4x80xi32, #tpu.memory_space<vmem>> -> memref<1x80xi32, #tpu.memory_space<vmem>>
    %dma_start3A_236 = tpu.memref_squeeze %dma_start3A_235 : memref<1x80xi32, #tpu.memory_space<vmem>> -> memref<80xi32, #tpu.memory_space<vmem>>
    %dma_start3A_237 = arith.constant 0 : i32
    %dma_start3A_238 = arith.constant 0 : i32
    %dma_start3A_239 = tpu.memref_slice %arg5[%dma_start3A_237, %dma_start3A_238] : memref<10000x128xf32, #tpu.memory_space<vmem_shared>> -> memref<10000x128xf32, #tpu.memory_space<vmem_shared>>
    %dma_start3A_240 = tpu.memref_slice %arg11[%dma_start3A_229] : memref<4x!tpu.dma_semaphore, #tpu.memory_space<semaphore_mem>> -> memref<1x!tpu.dma_semaphore, #tpu.memory_space<semaphore_mem>>
    %dma_start3A_241 = tpu.memref_squeeze %dma_start3A_240 : memref<1x!tpu.dma_semaphore, #tpu.memory_space<semaphore_mem>> -> memref<!tpu.dma_semaphore, #tpu.memory_space<semaphore_mem>>
    tpu.enqueue_indirect_dma source(%dma_start3A_233 : memref<80x128xf32, #tpu.memory_space<vmem>>) target(%dma_start3A_239 : memref<10000x128xf32, #tpu.memory_space<vmem_shared>>) offsets(%dma_start3A_236 : memref<80xi32, #tpu.memory_space<vmem>>) semaphore(%dma_start3A_241 : memref<!tpu.dma_semaphore, #tpu.memory_space<semaphore_mem>>) {add = true}
    %add3A_242 = arith.constant 240 : i32
    %add3A_243 = arith.addi %mul3A_4, %add3A_242 : i32
    %dma_start3A_244 = arith.constant 0 : i32
    %dma_start3A_245 = arith.constant 3 : i32
    %dma_start3A_246 = arith.constant 3 : i32
    %dma_start3A_247 = arith.constant 0 : i32
    %dma_start3A_248 = tpu.memref_slice %arg6[%dma_start3A_245, %dma_start3A_247] : memref<4x80xi32, #tpu.memory_space<vmem>> -> memref<1x80xi32, #tpu.memory_space<vmem>>
    %dma_start3A_249 = tpu.memref_squeeze %dma_start3A_248 : memref<1x80xi32, #tpu.memory_space<vmem>> -> memref<80xi32, #tpu.memory_space<vmem>>
    %dma_start3A_250 = tpu.memref_slice %arg3[%dma_start3A_244, %add3A_243] : memref<2x320000xi32, #tpu.memory_space<hbm>> -> memref<1x80xi32, #tpu.memory_space<hbm>>
    %dma_start3A_251 = tpu.memref_squeeze %dma_start3A_250 : memref<1x80xi32, #tpu.memory_space<hbm>> -> memref<80xi32, #tpu.memory_space<hbm>>
    %dma_start3A_252 = tpu.memref_slice %arg10[%dma_start3A_246] : memref<4x!tpu.dma_semaphore, #tpu.memory_space<semaphore_mem>> -> memref<1x!tpu.dma_semaphore, #tpu.memory_space<semaphore_mem>>
    %dma_start3A_253 = tpu.memref_squeeze %dma_start3A_252 : memref<1x!tpu.dma_semaphore, #tpu.memory_space<semaphore_mem>> -> memref<!tpu.dma_semaphore, #tpu.memory_space<semaphore_mem>>
    %dma_start3A_254 = arith.constant 0 : i32
    %dma_start3A_255 = tpu.memref_slice %arg6[%dma_start3A_245, %dma_start3A_254] : memref<4x80xi32, #tpu.memory_space<vmem>> -> memref<1x80xi32, #tpu.memory_space<vmem>>
    %dma_start3A_256 = tpu.memref_squeeze %dma_start3A_255 : memref<1x80xi32, #tpu.memory_space<vmem>> -> memref<80xi32, #tpu.memory_space<vmem>>
    %dma_start3A_257 = tpu.memref_slice %arg3[%dma_start3A_244, %add3A_243] : memref<2x320000xi32, #tpu.memory_space<hbm>> -> memref<1x80xi32, #tpu.memory_space<hbm>>
    %dma_start3A_258 = tpu.memref_squeeze %dma_start3A_257 : memref<1x80xi32, #tpu.memory_space<hbm>> -> memref<80xi32, #tpu.memory_space<hbm>>
    tpu.enqueue_dma source(%dma_start3A_258 : memref<80xi32, #tpu.memory_space<hbm>>) target(%dma_start3A_256 : memref<80xi32, #tpu.memory_space<vmem>>) target_semaphore(%dma_start3A_253 : memref<!tpu.dma_semaphore, #tpu.memory_space<semaphore_mem>>)
    %add3A_259 = arith.constant 240 : i32
    %add3A_260 = arith.addi %mul3A_4, %add3A_259 : i32
    %dma_start3A_261 = arith.constant 1 : i32
    %dma_start3A_262 = arith.constant 3 : i32
    %dma_start3A_263 = arith.constant 3 : i32
    %dma_start3A_264 = arith.constant 0 : i32
    %dma_start3A_265 = tpu.memref_slice %arg7[%dma_start3A_262, %dma_start3A_264] : memref<4x80xi32, #tpu.memory_space<vmem>> -> memref<1x80xi32, #tpu.memory_space<vmem>>
    %dma_start3A_266 = tpu.memref_squeeze %dma_start3A_265 : memref<1x80xi32, #tpu.memory_space<vmem>> -> memref<80xi32, #tpu.memory_space<vmem>>
    %dma_start3A_267 = tpu.memref_slice %arg3[%dma_start3A_261, %add3A_260] : memref<2x320000xi32, #tpu.memory_space<hbm>> -> memref<1x80xi32, #tpu.memory_space<hbm>>
    %dma_start3A_268 = tpu.memref_squeeze %dma_start3A_267 : memref<1x80xi32, #tpu.memory_space<hbm>> -> memref<80xi32, #tpu.memory_space<hbm>>
    %dma_start3A_269 = tpu.memref_slice %arg10[%dma_start3A_263] : memref<4x!tpu.dma_semaphore, #tpu.memory_space<semaphore_mem>> -> memref<1x!tpu.dma_semaphore, #tpu.memory_space<semaphore_mem>>
    %dma_start3A_270 = tpu.memref_squeeze %dma_start3A_269 : memref<1x!tpu.dma_semaphore, #tpu.memory_space<semaphore_mem>> -> memref<!tpu.dma_semaphore, #tpu.memory_space<semaphore_mem>>
    %dma_start3A_271 = arith.constant 0 : i32
    %dma_start3A_272 = tpu.memref_slice %arg7[%dma_start3A_262, %dma_start3A_271] : memref<4x80xi32, #tpu.memory_space<vmem>> -> memref<1x80xi32, #tpu.memory_space<vmem>>
    %dma_start3A_273 = tpu.memref_squeeze %dma_start3A_272 : memref<1x80xi32, #tpu.memory_space<vmem>> -> memref<80xi32, #tpu.memory_space<vmem>>
    %dma_start3A_274 = tpu.memref_slice %arg3[%dma_start3A_261, %add3A_260] : memref<2x320000xi32, #tpu.memory_space<hbm>> -> memref<1x80xi32, #tpu.memory_space<hbm>>
    %dma_start3A_275 = tpu.memref_squeeze %dma_start3A_274 : memref<1x80xi32, #tpu.memory_space<hbm>> -> memref<80xi32, #tpu.memory_space<hbm>>
    tpu.enqueue_dma source(%dma_start3A_275 : memref<80xi32, #tpu.memory_space<hbm>>) target(%dma_start3A_273 : memref<80xi32, #tpu.memory_space<vmem>>) target_semaphore(%dma_start3A_270 : memref<!tpu.dma_semaphore, #tpu.memory_space<semaphore_mem>>)
    %dma_wait3A_276 = arith.constant 0 : i32
    %dma_wait3A_277 = arith.constant 2 : i32
    %dma_wait3A_278 = arith.constant 2 : i32
    %dma_wait3A_279 = arith.constant 0 : i32
    %dma_wait3A_280 = tpu.memref_slice %arg6[%dma_wait3A_277, %dma_wait3A_279] : memref<4x80xi32, #tpu.memory_space<vmem>> -> memref<1x80xi32, #tpu.memory_space<vmem>>
    %dma_wait3A_281 = tpu.memref_squeeze %dma_wait3A_280 : memref<1x80xi32, #tpu.memory_space<vmem>> -> memref<80xi32, #tpu.memory_space<vmem>>
    %dma_wait3A_282 = arith.constant 0 : i32
    %dma_wait3A_283 = tpu.memref_slice %arg3[%dma_wait3A_276, %dma_wait3A_282] : memref<2x320000xi32, #tpu.memory_space<hbm>> -> memref<1x80xi32, #tpu.memory_space<hbm>>
    %dma_wait3A_284 = tpu.memref_squeeze %dma_wait3A_283 : memref<1x80xi32, #tpu.memory_space<hbm>> -> memref<80xi32, #tpu.memory_space<hbm>>
    %dma_wait3A_285 = tpu.memref_slice %arg10[%dma_wait3A_278] : memref<4x!tpu.dma_semaphore, #tpu.memory_space<semaphore_mem>> -> memref<1x!tpu.dma_semaphore, #tpu.memory_space<semaphore_mem>>
    %dma_wait3A_286 = tpu.memref_squeeze %dma_wait3A_285 : memref<1x!tpu.dma_semaphore, #tpu.memory_space<semaphore_mem>> -> memref<!tpu.dma_semaphore, #tpu.memory_space<semaphore_mem>>
    %dma_wait3A_287 = arith.constant 0 : i32
    %dma_wait3A_288 = tpu.memref_slice %arg6[%dma_wait3A_277, %dma_wait3A_287] : memref<4x80xi32, #tpu.memory_space<vmem>> -> memref<1x80xi32, #tpu.memory_space<vmem>>
    %dma_wait3A_289 = tpu.memref_squeeze %dma_wait3A_288 : memref<1x80xi32, #tpu.memory_space<vmem>> -> memref<80xi32, #tpu.memory_space<vmem>>
    %dma_wait3A_290 = arith.constant 0 : i32
    %dma_wait3A_291 = tpu.memref_slice %arg3[%dma_wait3A_276, %dma_wait3A_290] : memref<2x320000xi32, #tpu.memory_space<hbm>> -> memref<1x80xi32, #tpu.memory_space<hbm>>
    %dma_wait3A_292 = tpu.memref_squeeze %dma_wait3A_291 : memref<1x80xi32, #tpu.memory_space<hbm>> -> memref<80xi32, #tpu.memory_space<hbm>>
    tpu.wait_dma2 semaphore(%dma_wait3A_286 : memref<!tpu.dma_semaphore, #tpu.memory_space<semaphore_mem>>) src(%dma_wait3A_292 : memref<80xi32, #tpu.memory_space<hbm>>) dst(%dma_wait3A_289 : memref<80xi32, #tpu.memory_space<vmem>>)
    %dma_wait3A_293 = arith.constant 1 : i32
    %dma_wait3A_294 = arith.constant 2 : i32
    %dma_wait3A_295 = arith.constant 2 : i32
    %dma_wait3A_296 = arith.constant 0 : i32
    %dma_wait3A_297 = tpu.memref_slice %arg7[%dma_wait3A_294, %dma_wait3A_296] : memref<4x80xi32, #tpu.memory_space<vmem>> -> memref<1x80xi32, #tpu.memory_space<vmem>>
    %dma_wait3A_298 = tpu.memref_squeeze %dma_wait3A_297 : memref<1x80xi32, #tpu.memory_space<vmem>> -> memref<80xi32, #tpu.memory_space<vmem>>
    %dma_wait3A_299 = arith.constant 0 : i32
    %dma_wait3A_300 = tpu.memref_slice %arg3[%dma_wait3A_293, %dma_wait3A_299] : memref<2x320000xi32, #tpu.memory_space<hbm>> -> memref<1x80xi32, #tpu.memory_space<hbm>>
    %dma_wait3A_301 = tpu.memref_squeeze %dma_wait3A_300 : memref<1x80xi32, #tpu.memory_space<hbm>> -> memref<80xi32, #tpu.memory_space<hbm>>
    %dma_wait3A_302 = tpu.memref_slice %arg10[%dma_wait3A_295] : memref<4x!tpu.dma_semaphore, #tpu.memory_space<semaphore_mem>> -> memref<1x!tpu.dma_semaphore, #tpu.memory_space<semaphore_mem>>
    %dma_wait3A_303 = tpu.memref_squeeze %dma_wait3A_302 : memref<1x!tpu.dma_semaphore, #tpu.memory_space<semaphore_mem>> -> memref<!tpu.dma_semaphore, #tpu.memory_space<semaphore_mem>>
    %dma_wait3A_304 = arith.constant 0 : i32
    %dma_wait3A_305 = tpu.memref_slice %arg7[%dma_wait3A_294, %dma_wait3A_304] : memref<4x80xi32, #tpu.memory_space<vmem>> -> memref<1x80xi32, #tpu.memory_space<vmem>>
    %dma_wait3A_306 = tpu.memref_squeeze %dma_wait3A_305 : memref<1x80xi32, #tpu.memory_space<vmem>> -> memref<80xi32, #tpu.memory_space<vmem>>
    %dma_wait3A_307 = arith.constant 0 : i32
    %dma_wait3A_308 = tpu.memref_slice %arg3[%dma_wait3A_293, %dma_wait3A_307] : memref<2x320000xi32, #tpu.memory_space<hbm>> -> memref<1x80xi32, #tpu.memory_space<hbm>>
    %dma_wait3A_309 = tpu.memref_squeeze %dma_wait3A_308 : memref<1x80xi32, #tpu.memory_space<hbm>> -> memref<80xi32, #tpu.memory_space<hbm>>
    tpu.wait_dma2 semaphore(%dma_wait3A_303 : memref<!tpu.dma_semaphore, #tpu.memory_space<semaphore_mem>>) src(%dma_wait3A_309 : memref<80xi32, #tpu.memory_space<hbm>>) dst(%dma_wait3A_306 : memref<80xi32, #tpu.memory_space<vmem>>)
    %dma_start3A_310 = arith.constant 2 : i32
    %dma_start3A_311 = arith.constant 2 : i32
    %dma_start3A_312 = arith.constant 2 : i32
    %dma_start3A_313 = arith.constant 0 : i32
    %dma_start3A_314 = arith.constant 0 : i32
    %dma_start3A_315 = tpu.memref_slice %arg8[%dma_start3A_311, %dma_start3A_313, %dma_start3A_314] : memref<4x80x128xf32, #tpu.memory_space<vmem>> -> memref<1x80x128xf32, #tpu.memory_space<vmem>>
    %dma_start3A_316 = tpu.memref_squeeze %dma_start3A_315 : memref<1x80x128xf32, #tpu.memory_space<vmem>> -> memref<80x128xf32, #tpu.memory_space<vmem>>
    %dma_start3A_317 = arith.constant 0 : i32
    %dma_start3A_318 = tpu.memref_slice %arg6[%dma_start3A_310, %dma_start3A_317] : memref<4x80xi32, #tpu.memory_space<vmem>> -> memref<1x80xi32, #tpu.memory_space<vmem>>
    %dma_start3A_319 = tpu.memref_squeeze %dma_start3A_318 : memref<1x80xi32, #tpu.memory_space<vmem>> -> memref<80xi32, #tpu.memory_space<vmem>>
    %dma_start3A_320 = arith.constant 0 : i32
    %dma_start3A_321 = arith.constant 0 : i32
    %dma_start3A_322 = tpu.memref_slice %arg2[%dma_start3A_320, %dma_start3A_321] : memref<10000x128xf32, #tpu.memory_space<hbm>> -> memref<10000x128xf32, #tpu.memory_space<hbm>>
    %dma_start3A_323 = tpu.memref_slice %arg9[%dma_start3A_312] : memref<4x!tpu.dma_semaphore, #tpu.memory_space<semaphore_mem>> -> memref<1x!tpu.dma_semaphore, #tpu.memory_space<semaphore_mem>>
    %dma_start3A_324 = tpu.memref_squeeze %dma_start3A_323 : memref<1x!tpu.dma_semaphore, #tpu.memory_space<semaphore_mem>> -> memref<!tpu.dma_semaphore, #tpu.memory_space<semaphore_mem>>
    tpu.enqueue_indirect_dma source(%dma_start3A_322 : memref<10000x128xf32, #tpu.memory_space<hbm>>) target(%dma_start3A_316 : memref<80x128xf32, #tpu.memory_space<vmem>>) offsets(%dma_start3A_319 : memref<80xi32, #tpu.memory_space<vmem>>) semaphore(%dma_start3A_324 : memref<!tpu.dma_semaphore, #tpu.memory_space<semaphore_mem>>)
    %scan3A = arith.constant 0 : i32
    %scan3A_325 = arith.constant 1 : i32
    %scan3A_326 = arith.constant 121 : i32
    %scan3A_327 = arith.addi %scan3A_325, %scan3A_326 : i32
    %scan3A_328 = arith.constant 1 : i32
    %scan3A_329 = scf.for %scan3A_552 = %scan3A_325 to %scan3A_327 step %scan3A_328 iter_args(%scan3A_553 = %scan3A) -> (i32)  : i32 {
      %rem3A = arith.constant 4 : i32
      %rem3A_554 = arith.remsi %scan3A_552, %rem3A : i32
      %add3A_555 = arith.constant 3 : i32
      %add3A_556 = arith.addi %scan3A_552, %add3A_555 : i32
      %rem3A_557 = arith.constant 4 : i32
      %rem3A_558 = arith.remsi %add3A_556, %rem3A_557 : i32
      %add3A_559 = arith.constant 2 : i32
      %add3A_560 = arith.addi %scan3A_552, %add3A_559 : i32
      %rem3A_561 = arith.constant 4 : i32
      %rem3A_562 = arith.remsi %add3A_560, %rem3A_561 : i32
      %dma_wait3A_563 = arith.constant 0 : i32
      %dma_wait3A_564 = arith.constant 0 : i32
      %dma_wait3A_565 = tpu.memref_slice %arg8[%rem3A_554, %dma_wait3A_563, %dma_wait3A_564] : memref<4x80x128xf32, #tpu.memory_space<vmem>> -> memref<1x80x128xf32, #tpu.memory_space<vmem>>
      %dma_wait3A_566 = tpu.memref_squeeze %dma_wait3A_565 : memref<1x80x128xf32, #tpu.memory_space<vmem>> -> memref<80x128xf32, #tpu.memory_space<vmem>>
      %dma_wait3A_567 = arith.constant 0 : i32
      %dma_wait3A_568 = arith.constant 0 : i32
      %dma_wait3A_569 = tpu.memref_slice %arg2[%dma_wait3A_567, %dma_wait3A_568] : memref<10000x128xf32, #tpu.memory_space<hbm>> -> memref<80x128xf32, #tpu.memory_space<hbm>>
      %dma_wait3A_570 = tpu.memref_slice %arg9[%rem3A_554] : memref<4x!tpu.dma_semaphore, #tpu.memory_space<semaphore_mem>> -> memref<1x!tpu.dma_semaphore, #tpu.memory_space<semaphore_mem>>
      %dma_wait3A_571 = tpu.memref_squeeze %dma_wait3A_570 : memref<1x!tpu.dma_semaphore, #tpu.memory_space<semaphore_mem>> -> memref<!tpu.dma_semaphore, #tpu.memory_space<semaphore_mem>>
      %dma_wait3A_572 = arith.constant 0 : i32
      %dma_wait3A_573 = arith.constant 0 : i32
      %dma_wait3A_574 = tpu.memref_slice %arg8[%rem3A_554, %dma_wait3A_572, %dma_wait3A_573] : memref<4x80x128xf32, #tpu.memory_space<vmem>> -> memref<1x80x128xf32, #tpu.memory_space<vmem>>
      %dma_wait3A_575 = tpu.memref_squeeze %dma_wait3A_574 : memref<1x80x128xf32, #tpu.memory_space<vmem>> -> memref<80x128xf32, #tpu.memory_space<vmem>>
      %dma_wait3A_576 = arith.constant 0 : i32
      %dma_wait3A_577 = arith.constant 0 : i32
      %dma_wait3A_578 = tpu.memref_slice %arg2[%dma_wait3A_576, %dma_wait3A_577] : memref<10000x128xf32, #tpu.memory_space<hbm>> -> memref<80x128xf32, #tpu.memory_space<hbm>>
      tpu.wait_dma2 semaphore(%dma_wait3A_571 : memref<!tpu.dma_semaphore, #tpu.memory_space<semaphore_mem>>) src(%dma_wait3A_578 : memref<80x128xf32, #tpu.memory_space<hbm>>) dst(%dma_wait3A_575 : memref<80x128xf32, #tpu.memory_space<vmem>>)
      %dma_start3A_579 = arith.constant 0 : i32
      %dma_start3A_580 = arith.constant 0 : i32
      %dma_start3A_581 = tpu.memref_slice %arg8[%rem3A_554, %dma_start3A_579, %dma_start3A_580] : memref<4x80x128xf32, #tpu.memory_space<vmem>> -> memref<1x80x128xf32, #tpu.memory_space<vmem>>
      %dma_start3A_582 = tpu.memref_squeeze %dma_start3A_581 : memref<1x80x128xf32, #tpu.memory_space<vmem>> -> memref<80x128xf32, #tpu.memory_space<vmem>>
      %dma_start3A_583 = arith.constant 0 : i32
      %dma_start3A_584 = tpu.memref_slice %arg7[%rem3A_554, %dma_start3A_583] : memref<4x80xi32, #tpu.memory_space<vmem>> -> memref<1x80xi32, #tpu.memory_space<vmem>>
      %dma_start3A_585 = tpu.memref_squeeze %dma_start3A_584 : memref<1x80xi32, #tpu.memory_space<vmem>> -> memref<80xi32, #tpu.memory_space<vmem>>
      %dma_start3A_586 = arith.constant 0 : i32
      %dma_start3A_587 = arith.constant 0 : i32
      %dma_start3A_588 = tpu.memref_slice %arg5[%dma_start3A_586, %dma_start3A_587] : memref<10000x128xf32, #tpu.memory_space<vmem_shared>> -> memref<10000x128xf32, #tpu.memory_space<vmem_shared>>
      %dma_start3A_589 = tpu.memref_slice %arg11[%rem3A_554] : memref<4x!tpu.dma_semaphore, #tpu.memory_space<semaphore_mem>> -> memref<1x!tpu.dma_semaphore, #tpu.memory_space<semaphore_mem>>
      %dma_start3A_590 = tpu.memref_squeeze %dma_start3A_589 : memref<1x!tpu.dma_semaphore, #tpu.memory_space<semaphore_mem>> -> memref<!tpu.dma_semaphore, #tpu.memory_space<semaphore_mem>>
      tpu.enqueue_indirect_dma source(%dma_start3A_582 : memref<80x128xf32, #tpu.memory_space<vmem>>) target(%dma_start3A_588 : memref<10000x128xf32, #tpu.memory_space<vmem_shared>>) offsets(%dma_start3A_585 : memref<80xi32, #tpu.memory_space<vmem>>) semaphore(%dma_start3A_590 : memref<!tpu.dma_semaphore, #tpu.memory_space<semaphore_mem>>) {add = true}
      %dma_wait3A_591 = arith.constant 0 : i32
      %dma_wait3A_592 = arith.constant 0 : i32
      %dma_wait3A_593 = tpu.memref_slice %arg8[%rem3A_558, %dma_wait3A_591, %dma_wait3A_592] : memref<4x80x128xf32, #tpu.memory_space<vmem>> -> memref<1x80x128xf32, #tpu.memory_space<vmem>>
      %dma_wait3A_594 = tpu.memref_squeeze %dma_wait3A_593 : memref<1x80x128xf32, #tpu.memory_space<vmem>> -> memref<80x128xf32, #tpu.memory_space<vmem>>
      %dma_wait3A_595 = arith.constant 0 : i32
      %dma_wait3A_596 = arith.constant 0 : i32
      %dma_wait3A_597 = tpu.memref_slice %arg5[%dma_wait3A_595, %dma_wait3A_596] : memref<10000x128xf32, #tpu.memory_space<vmem_shared>> -> memref<80x128xf32, #tpu.memory_space<vmem_shared>>
      %dma_wait3A_598 = tpu.memref_slice %arg11[%rem3A_558] : memref<4x!tpu.dma_semaphore, #tpu.memory_space<semaphore_mem>> -> memref<1x!tpu.dma_semaphore, #tpu.memory_space<semaphore_mem>>
      %dma_wait3A_599 = tpu.memref_squeeze %dma_wait3A_598 : memref<1x!tpu.dma_semaphore, #tpu.memory_space<semaphore_mem>> -> memref<!tpu.dma_semaphore, #tpu.memory_space<semaphore_mem>>
      %dma_wait3A_600 = arith.constant 0 : i32
      %dma_wait3A_601 = arith.constant 0 : i32
      %dma_wait3A_602 = tpu.memref_slice %arg5[%dma_wait3A_600, %dma_wait3A_601] : memref<10000x128xf32, #tpu.memory_space<vmem_shared>> -> memref<80x128xf32, #tpu.memory_space<vmem_shared>>
      %dma_wait3A_603 = arith.constant 0 : i32
      %dma_wait3A_604 = arith.constant 0 : i32
      %dma_wait3A_605 = tpu.memref_slice %arg8[%rem3A_558, %dma_wait3A_603, %dma_wait3A_604] : memref<4x80x128xf32, #tpu.memory_space<vmem>> -> memref<1x80x128xf32, #tpu.memory_space<vmem>>
      %dma_wait3A_606 = tpu.memref_squeeze %dma_wait3A_605 : memref<1x80x128xf32, #tpu.memory_space<vmem>> -> memref<80x128xf32, #tpu.memory_space<vmem>>
      tpu.wait_dma2 semaphore(%dma_wait3A_599 : memref<!tpu.dma_semaphore, #tpu.memory_space<semaphore_mem>>) src(%dma_wait3A_606 : memref<80x128xf32, #tpu.memory_space<vmem>>) dst(%dma_wait3A_602 : memref<80x128xf32, #tpu.memory_space<vmem_shared>>)
      %add3A_607 = arith.constant 3 : i32
      %add3A_608 = arith.addi %scan3A_552, %add3A_607 : i32
      %mul3A_609 = arith.constant 80 : i32
      %mul3A_610 = arith.muli %add3A_608, %mul3A_609 : i32
      %add3A_611 = arith.addi %mul3A_4, %mul3A_610 : i32
      %dma_start3A_612 = arith.constant 0 : i32
      %dma_start3A_613 = arith.constant 0 : i32
      %dma_start3A_614 = tpu.memref_slice %arg6[%rem3A_558, %dma_start3A_613] : memref<4x80xi32, #tpu.memory_space<vmem>> -> memref<1x80xi32, #tpu.memory_space<vmem>>
      %dma_start3A_615 = tpu.memref_squeeze %dma_start3A_614 : memref<1x80xi32, #tpu.memory_space<vmem>> -> memref<80xi32, #tpu.memory_space<vmem>>
      %dma_start3A_616 = tpu.memref_slice %arg3[%dma_start3A_612, %add3A_611] : memref<2x320000xi32, #tpu.memory_space<hbm>> -> memref<1x80xi32, #tpu.memory_space<hbm>>
      %dma_start3A_617 = tpu.memref_squeeze %dma_start3A_616 : memref<1x80xi32, #tpu.memory_space<hbm>> -> memref<80xi32, #tpu.memory_space<hbm>>
      %dma_start3A_618 = tpu.memref_slice %arg10[%rem3A_558] : memref<4x!tpu.dma_semaphore, #tpu.memory_space<semaphore_mem>> -> memref<1x!tpu.dma_semaphore, #tpu.memory_space<semaphore_mem>>
      %dma_start3A_619 = tpu.memref_squeeze %dma_start3A_618 : memref<1x!tpu.dma_semaphore, #tpu.memory_space<semaphore_mem>> -> memref<!tpu.dma_semaphore, #tpu.memory_space<semaphore_mem>>
      %dma_start3A_620 = arith.constant 0 : i32
      %dma_start3A_621 = tpu.memref_slice %arg6[%rem3A_558, %dma_start3A_620] : memref<4x80xi32, #tpu.memory_space<vmem>> -> memref<1x80xi32, #tpu.memory_space<vmem>>
      %dma_start3A_622 = tpu.memref_squeeze %dma_start3A_621 : memref<1x80xi32, #tpu.memory_space<vmem>> -> memref<80xi32, #tpu.memory_space<vmem>>
      %dma_start3A_623 = tpu.memref_slice %arg3[%dma_start3A_612, %add3A_611] : memref<2x320000xi32, #tpu.memory_space<hbm>> -> memref<1x80xi32, #tpu.memory_space<hbm>>
      %dma_start3A_624 = tpu.memref_squeeze %dma_start3A_623 : memref<1x80xi32, #tpu.memory_space<hbm>> -> memref<80xi32, #tpu.memory_space<hbm>>
      tpu.enqueue_dma source(%dma_start3A_624 : memref<80xi32, #tpu.memory_space<hbm>>) target(%dma_start3A_622 : memref<80xi32, #tpu.memory_space<vmem>>) target_semaphore(%dma_start3A_619 : memref<!tpu.dma_semaphore, #tpu.memory_space<semaphore_mem>>)
      %mul3A_625 = arith.constant 80 : i32
      %mul3A_626 = arith.muli %add3A_608, %mul3A_625 : i32
      %add3A_627 = arith.addi %mul3A_4, %mul3A_626 : i32
      %dma_start3A_628 = arith.constant 1 : i32
      %dma_start3A_629 = arith.constant 0 : i32
      %dma_start3A_630 = tpu.memref_slice %arg7[%rem3A_558, %dma_start3A_629] : memref<4x80xi32, #tpu.memory_space<vmem>> -> memref<1x80xi32, #tpu.memory_space<vmem>>
      %dma_start3A_631 = tpu.memref_squeeze %dma_start3A_630 : memref<1x80xi32, #tpu.memory_space<vmem>> -> memref<80xi32, #tpu.memory_space<vmem>>
      %dma_start3A_632 = tpu.memref_slice %arg3[%dma_start3A_628, %add3A_627] : memref<2x320000xi32, #tpu.memory_space<hbm>> -> memref<1x80xi32, #tpu.memory_space<hbm>>
      %dma_start3A_633 = tpu.memref_squeeze %dma_start3A_632 : memref<1x80xi32, #tpu.memory_space<hbm>> -> memref<80xi32, #tpu.memory_space<hbm>>
      %dma_start3A_634 = tpu.memref_slice %arg10[%rem3A_558] : memref<4x!tpu.dma_semaphore, #tpu.memory_space<semaphore_mem>> -> memref<1x!tpu.dma_semaphore, #tpu.memory_space<semaphore_mem>>
      %dma_start3A_635 = tpu.memref_squeeze %dma_start3A_634 : memref<1x!tpu.dma_semaphore, #tpu.memory_space<semaphore_mem>> -> memref<!tpu.dma_semaphore, #tpu.memory_space<semaphore_mem>>
      %dma_start3A_636 = arith.constant 0 : i32
      %dma_start3A_637 = tpu.memref_slice %arg7[%rem3A_558, %dma_start3A_636] : memref<4x80xi32, #tpu.memory_space<vmem>> -> memref<1x80xi32, #tpu.memory_space<vmem>>
      %dma_start3A_638 = tpu.memref_squeeze %dma_start3A_637 : memref<1x80xi32, #tpu.memory_space<vmem>> -> memref<80xi32, #tpu.memory_space<vmem>>
      %dma_start3A_639 = tpu.memref_slice %arg3[%dma_start3A_628, %add3A_627] : memref<2x320000xi32, #tpu.memory_space<hbm>> -> memref<1x80xi32, #tpu.memory_space<hbm>>
      %dma_start3A_640 = tpu.memref_squeeze %dma_start3A_639 : memref<1x80xi32, #tpu.memory_space<hbm>> -> memref<80xi32, #tpu.memory_space<hbm>>
      tpu.enqueue_dma source(%dma_start3A_640 : memref<80xi32, #tpu.memory_space<hbm>>) target(%dma_start3A_638 : memref<80xi32, #tpu.memory_space<vmem>>) target_semaphore(%dma_start3A_635 : memref<!tpu.dma_semaphore, #tpu.memory_space<semaphore_mem>>)
      %dma_wait3A_641 = arith.constant 0 : i32
      %dma_wait3A_642 = arith.constant 0 : i32
      %dma_wait3A_643 = tpu.memref_slice %arg6[%rem3A_562, %dma_wait3A_642] : memref<4x80xi32, #tpu.memory_space<vmem>> -> memref<1x80xi32, #tpu.memory_space<vmem>>
      %dma_wait3A_644 = tpu.memref_squeeze %dma_wait3A_643 : memref<1x80xi32, #tpu.memory_space<vmem>> -> memref<80xi32, #tpu.memory_space<vmem>>
      %dma_wait3A_645 = arith.constant 0 : i32
      %dma_wait3A_646 = tpu.memref_slice %arg3[%dma_wait3A_641, %dma_wait3A_645] : memref<2x320000xi32, #tpu.memory_space<hbm>> -> memref<1x80xi32, #tpu.memory_space<hbm>>
      %dma_wait3A_647 = tpu.memref_squeeze %dma_wait3A_646 : memref<1x80xi32, #tpu.memory_space<hbm>> -> memref<80xi32, #tpu.memory_space<hbm>>
      %dma_wait3A_648 = tpu.memref_slice %arg10[%rem3A_562] : memref<4x!tpu.dma_semaphore, #tpu.memory_space<semaphore_mem>> -> memref<1x!tpu.dma_semaphore, #tpu.memory_space<semaphore_mem>>
      %dma_wait3A_649 = tpu.memref_squeeze %dma_wait3A_648 : memref<1x!tpu.dma_semaphore, #tpu.memory_space<semaphore_mem>> -> memref<!tpu.dma_semaphore, #tpu.memory_space<semaphore_mem>>
      %dma_wait3A_650 = arith.constant 0 : i32
      %dma_wait3A_651 = tpu.memref_slice %arg6[%rem3A_562, %dma_wait3A_650] : memref<4x80xi32, #tpu.memory_space<vmem>> -> memref<1x80xi32, #tpu.memory_space<vmem>>
      %dma_wait3A_652 = tpu.memref_squeeze %dma_wait3A_651 : memref<1x80xi32, #tpu.memory_space<vmem>> -> memref<80xi32, #tpu.memory_space<vmem>>
      %dma_wait3A_653 = arith.constant 0 : i32
      %dma_wait3A_654 = tpu.memref_slice %arg3[%dma_wait3A_641, %dma_wait3A_653] : memref<2x320000xi32, #tpu.memory_space<hbm>> -> memref<1x80xi32, #tpu.memory_space<hbm>>
      %dma_wait3A_655 = tpu.memref_squeeze %dma_wait3A_654 : memref<1x80xi32, #tpu.memory_space<hbm>> -> memref<80xi32, #tpu.memory_space<hbm>>
      tpu.wait_dma2 semaphore(%dma_wait3A_649 : memref<!tpu.dma_semaphore, #tpu.memory_space<semaphore_mem>>) src(%dma_wait3A_655 : memref<80xi32, #tpu.memory_space<hbm>>) dst(%dma_wait3A_652 : memref<80xi32, #tpu.memory_space<vmem>>)
      %dma_wait3A_656 = arith.constant 1 : i32
      %dma_wait3A_657 = arith.constant 0 : i32
      %dma_wait3A_658 = tpu.memref_slice %arg7[%rem3A_562, %dma_wait3A_657] : memref<4x80xi32, #tpu.memory_space<vmem>> -> memref<1x80xi32, #tpu.memory_space<vmem>>
      %dma_wait3A_659 = tpu.memref_squeeze %dma_wait3A_658 : memref<1x80xi32, #tpu.memory_space<vmem>> -> memref<80xi32, #tpu.memory_space<vmem>>
      %dma_wait3A_660 = arith.constant 0 : i32
      %dma_wait3A_661 = tpu.memref_slice %arg3[%dma_wait3A_656, %dma_wait3A_660] : memref<2x320000xi32, #tpu.memory_space<hbm>> -> memref<1x80xi32, #tpu.memory_space<hbm>>
      %dma_wait3A_662 = tpu.memref_squeeze %dma_wait3A_661 : memref<1x80xi32, #tpu.memory_space<hbm>> -> memref<80xi32, #tpu.memory_space<hbm>>
      %dma_wait3A_663 = tpu.memref_slice %arg10[%rem3A_562] : memref<4x!tpu.dma_semaphore, #tpu.memory_space<semaphore_mem>> -> memref<1x!tpu.dma_semaphore, #tpu.memory_space<semaphore_mem>>
      %dma_wait3A_664 = tpu.memref_squeeze %dma_wait3A_663 : memref<1x!tpu.dma_semaphore, #tpu.memory_space<semaphore_mem>> -> memref<!tpu.dma_semaphore, #tpu.memory_space<semaphore_mem>>
      %dma_wait3A_665 = arith.constant 0 : i32
      %dma_wait3A_666 = tpu.memref_slice %arg7[%rem3A_562, %dma_wait3A_665] : memref<4x80xi32, #tpu.memory_space<vmem>> -> memref<1x80xi32, #tpu.memory_space<vmem>>
      %dma_wait3A_667 = tpu.memref_squeeze %dma_wait3A_666 : memref<1x80xi32, #tpu.memory_space<vmem>> -> memref<80xi32, #tpu.memory_space<vmem>>
      %dma_wait3A_668 = arith.constant 0 : i32
      %dma_wait3A_669 = tpu.memref_slice %arg3[%dma_wait3A_656, %dma_wait3A_668] : memref<2x320000xi32, #tpu.memory_space<hbm>> -> memref<1x80xi32, #tpu.memory_space<hbm>>
      %dma_wait3A_670 = tpu.memref_squeeze %dma_wait3A_669 : memref<1x80xi32, #tpu.memory_space<hbm>> -> memref<80xi32, #tpu.memory_space<hbm>>
      tpu.wait_dma2 semaphore(%dma_wait3A_664 : memref<!tpu.dma_semaphore, #tpu.memory_space<semaphore_mem>>) src(%dma_wait3A_670 : memref<80xi32, #tpu.memory_space<hbm>>) dst(%dma_wait3A_667 : memref<80xi32, #tpu.memory_space<vmem>>)
      %add3A_671 = arith.constant 2 : i32
      %add3A_672 = arith.addi %scan3A_552, %add3A_671 : i32
      %dma_start3A_673 = arith.constant 0 : i32
      %dma_start3A_674 = arith.constant 0 : i32
      %dma_start3A_675 = tpu.memref_slice %arg8[%rem3A_562, %dma_start3A_673, %dma_start3A_674] : memref<4x80x128xf32, #tpu.memory_space<vmem>> -> memref<1x80x128xf32, #tpu.memory_space<vmem>>
      %dma_start3A_676 = tpu.memref_squeeze %dma_start3A_675 : memref<1x80x128xf32, #tpu.memory_space<vmem>> -> memref<80x128xf32, #tpu.memory_space<vmem>>
      %dma_start3A_677 = arith.constant 0 : i32
      %dma_start3A_678 = tpu.memref_slice %arg6[%rem3A_562, %dma_start3A_677] : memref<4x80xi32, #tpu.memory_space<vmem>> -> memref<1x80xi32, #tpu.memory_space<vmem>>
      %dma_start3A_679 = tpu.memref_squeeze %dma_start3A_678 : memref<1x80xi32, #tpu.memory_space<vmem>> -> memref<80xi32, #tpu.memory_space<vmem>>
      %dma_start3A_680 = arith.constant 0 : i32
      %dma_start3A_681 = arith.constant 0 : i32
      %dma_start3A_682 = tpu.memref_slice %arg2[%dma_start3A_680, %dma_start3A_681] : memref<10000x128xf32, #tpu.memory_space<hbm>> -> memref<10000x128xf32, #tpu.memory_space<hbm>>
      %dma_start3A_683 = tpu.memref_slice %arg9[%rem3A_562] : memref<4x!tpu.dma_semaphore, #tpu.memory_space<semaphore_mem>> -> memref<1x!tpu.dma_semaphore, #tpu.memory_space<semaphore_mem>>
      %dma_start3A_684 = tpu.memref_squeeze %dma_start3A_683 : memref<1x!tpu.dma_semaphore, #tpu.memory_space<semaphore_mem>> -> memref<!tpu.dma_semaphore, #tpu.memory_space<semaphore_mem>>
      tpu.enqueue_indirect_dma source(%dma_start3A_682 : memref<10000x128xf32, #tpu.memory_space<hbm>>) target(%dma_start3A_676 : memref<80x128xf32, #tpu.memory_space<vmem>>) offsets(%dma_start3A_679 : memref<80xi32, #tpu.memory_space<vmem>>) semaphore(%dma_start3A_684 : memref<!tpu.dma_semaphore, #tpu.memory_space<semaphore_mem>>)
      %scan3A_685 = arith.constant 0 : i32
      scf.yield %scan3A_685 : i32
    }
    %scan3A_330 = arith.constant 121 : i32
    %dma_wait3A_331 = arith.constant 2 : i32
    %dma_wait3A_332 = arith.constant 2 : i32
    %dma_wait3A_333 = arith.constant 0 : i32
    %dma_wait3A_334 = arith.constant 0 : i32
    %dma_wait3A_335 = tpu.memref_slice %arg8[%dma_wait3A_331, %dma_wait3A_333, %dma_wait3A_334] : memref<4x80x128xf32, #tpu.memory_space<vmem>> -> memref<1x80x128xf32, #tpu.memory_space<vmem>>
    %dma_wait3A_336 = tpu.memref_squeeze %dma_wait3A_335 : memref<1x80x128xf32, #tpu.memory_space<vmem>> -> memref<80x128xf32, #tpu.memory_space<vmem>>
    %dma_wait3A_337 = arith.constant 0 : i32
    %dma_wait3A_338 = arith.constant 0 : i32
    %dma_wait3A_339 = tpu.memref_slice %arg2[%dma_wait3A_337, %dma_wait3A_338] : memref<10000x128xf32, #tpu.memory_space<hbm>> -> memref<80x128xf32, #tpu.memory_space<hbm>>
    %dma_wait3A_340 = tpu.memref_slice %arg9[%dma_wait3A_332] : memref<4x!tpu.dma_semaphore, #tpu.memory_space<semaphore_mem>> -> memref<1x!tpu.dma_semaphore, #tpu.memory_space<semaphore_mem>>
    %dma_wait3A_341 = tpu.memref_squeeze %dma_wait3A_340 : memref<1x!tpu.dma_semaphore, #tpu.memory_space<semaphore_mem>> -> memref<!tpu.dma_semaphore, #tpu.memory_space<semaphore_mem>>
    %dma_wait3A_342 = arith.constant 0 : i32
    %dma_wait3A_343 = arith.constant 0 : i32
    %dma_wait3A_344 = tpu.memref_slice %arg8[%dma_wait3A_331, %dma_wait3A_342, %dma_wait3A_343] : memref<4x80x128xf32, #tpu.memory_space<vmem>> -> memref<1x80x128xf32, #tpu.memory_space<vmem>>
    %dma_wait3A_345 = tpu.memref_squeeze %dma_wait3A_344 : memref<1x80x128xf32, #tpu.memory_space<vmem>> -> memref<80x128xf32, #tpu.memory_space<vmem>>
    %dma_wait3A_346 = arith.constant 0 : i32
    %dma_wait3A_347 = arith.constant 0 : i32
    %dma_wait3A_348 = tpu.memref_slice %arg2[%dma_wait3A_346, %dma_wait3A_347] : memref<10000x128xf32, #tpu.memory_space<hbm>> -> memref<80x128xf32, #tpu.memory_space<hbm>>
    tpu.wait_dma2 semaphore(%dma_wait3A_341 : memref<!tpu.dma_semaphore, #tpu.memory_space<semaphore_mem>>) src(%dma_wait3A_348 : memref<80x128xf32, #tpu.memory_space<hbm>>) dst(%dma_wait3A_345 : memref<80x128xf32, #tpu.memory_space<vmem>>)
    %dma_start3A_349 = arith.constant 2 : i32
    %dma_start3A_350 = arith.constant 2 : i32
    %dma_start3A_351 = arith.constant 2 : i32
    %dma_start3A_352 = arith.constant 0 : i32
    %dma_start3A_353 = arith.constant 0 : i32
    %dma_start3A_354 = tpu.memref_slice %arg8[%dma_start3A_349, %dma_start3A_352, %dma_start3A_353] : memref<4x80x128xf32, #tpu.memory_space<vmem>> -> memref<1x80x128xf32, #tpu.memory_space<vmem>>
    %dma_start3A_355 = tpu.memref_squeeze %dma_start3A_354 : memref<1x80x128xf32, #tpu.memory_space<vmem>> -> memref<80x128xf32, #tpu.memory_space<vmem>>
    %dma_start3A_356 = arith.constant 0 : i32
    %dma_start3A_357 = tpu.memref_slice %arg7[%dma_start3A_350, %dma_start3A_356] : memref<4x80xi32, #tpu.memory_space<vmem>> -> memref<1x80xi32, #tpu.memory_space<vmem>>
    %dma_start3A_358 = tpu.memref_squeeze %dma_start3A_357 : memref<1x80xi32, #tpu.memory_space<vmem>> -> memref<80xi32, #tpu.memory_space<vmem>>
    %dma_start3A_359 = arith.constant 0 : i32
    %dma_start3A_360 = arith.constant 0 : i32
    %dma_start3A_361 = tpu.memref_slice %arg5[%dma_start3A_359, %dma_start3A_360] : memref<10000x128xf32, #tpu.memory_space<vmem_shared>> -> memref<10000x128xf32, #tpu.memory_space<vmem_shared>>
    %dma_start3A_362 = tpu.memref_slice %arg11[%dma_start3A_351] : memref<4x!tpu.dma_semaphore, #tpu.memory_space<semaphore_mem>> -> memref<1x!tpu.dma_semaphore, #tpu.memory_space<semaphore_mem>>
    %dma_start3A_363 = tpu.memref_squeeze %dma_start3A_362 : memref<1x!tpu.dma_semaphore, #tpu.memory_space<semaphore_mem>> -> memref<!tpu.dma_semaphore, #tpu.memory_space<semaphore_mem>>
    tpu.enqueue_indirect_dma source(%dma_start3A_355 : memref<80x128xf32, #tpu.memory_space<vmem>>) target(%dma_start3A_361 : memref<10000x128xf32, #tpu.memory_space<vmem_shared>>) offsets(%dma_start3A_358 : memref<80xi32, #tpu.memory_space<vmem>>) semaphore(%dma_start3A_363 : memref<!tpu.dma_semaphore, #tpu.memory_space<semaphore_mem>>) {add = true}
    %dma_wait3A_364 = arith.constant 0 : i32
    %dma_wait3A_365 = arith.constant 0 : i32
    %dma_wait3A_366 = arith.constant 0 : i32
    %dma_wait3A_367 = arith.constant 0 : i32
    %dma_wait3A_368 = tpu.memref_slice %arg6[%dma_wait3A_365, %dma_wait3A_367] : memref<4x80xi32, #tpu.memory_space<vmem>> -> memref<1x80xi32, #tpu.memory_space<vmem>>
    %dma_wait3A_369 = tpu.memref_squeeze %dma_wait3A_368 : memref<1x80xi32, #tpu.memory_space<vmem>> -> memref<80xi32, #tpu.memory_space<vmem>>
    %dma_wait3A_370 = arith.constant 0 : i32
    %dma_wait3A_371 = tpu.memref_slice %arg3[%dma_wait3A_364, %dma_wait3A_370] : memref<2x320000xi32, #tpu.memory_space<hbm>> -> memref<1x80xi32, #tpu.memory_space<hbm>>
    %dma_wait3A_372 = tpu.memref_squeeze %dma_wait3A_371 : memref<1x80xi32, #tpu.memory_space<hbm>> -> memref<80xi32, #tpu.memory_space<hbm>>
    %dma_wait3A_373 = tpu.memref_slice %arg10[%dma_wait3A_366] : memref<4x!tpu.dma_semaphore, #tpu.memory_space<semaphore_mem>> -> memref<1x!tpu.dma_semaphore, #tpu.memory_space<semaphore_mem>>
    %dma_wait3A_374 = tpu.memref_squeeze %dma_wait3A_373 : memref<1x!tpu.dma_semaphore, #tpu.memory_space<semaphore_mem>> -> memref<!tpu.dma_semaphore, #tpu.memory_space<semaphore_mem>>
    %dma_wait3A_375 = arith.constant 0 : i32
    %dma_wait3A_376 = tpu.memref_slice %arg6[%dma_wait3A_365, %dma_wait3A_375] : memref<4x80xi32, #tpu.memory_space<vmem>> -> memref<1x80xi32, #tpu.memory_space<vmem>>
    %dma_wait3A_377 = tpu.memref_squeeze %dma_wait3A_376 : memref<1x80xi32, #tpu.memory_space<vmem>> -> memref<80xi32, #tpu.memory_space<vmem>>
    %dma_wait3A_378 = arith.constant 0 : i32
    %dma_wait3A_379 = tpu.memref_slice %arg3[%dma_wait3A_364, %dma_wait3A_378] : memref<2x320000xi32, #tpu.memory_space<hbm>> -> memref<1x80xi32, #tpu.memory_space<hbm>>
    %dma_wait3A_380 = tpu.memref_squeeze %dma_wait3A_379 : memref<1x80xi32, #tpu.memory_space<hbm>> -> memref<80xi32, #tpu.memory_space<hbm>>
    tpu.wait_dma2 semaphore(%dma_wait3A_374 : memref<!tpu.dma_semaphore, #tpu.memory_space<semaphore_mem>>) src(%dma_wait3A_380 : memref<80xi32, #tpu.memory_space<hbm>>) dst(%dma_wait3A_377 : memref<80xi32, #tpu.memory_space<vmem>>)
    %dma_wait3A_381 = arith.constant 1 : i32
    %dma_wait3A_382 = arith.constant 0 : i32
    %dma_wait3A_383 = arith.constant 0 : i32
    %dma_wait3A_384 = arith.constant 0 : i32
    %dma_wait3A_385 = tpu.memref_slice %arg7[%dma_wait3A_382, %dma_wait3A_384] : memref<4x80xi32, #tpu.memory_space<vmem>> -> memref<1x80xi32, #tpu.memory_space<vmem>>
    %dma_wait3A_386 = tpu.memref_squeeze %dma_wait3A_385 : memref<1x80xi32, #tpu.memory_space<vmem>> -> memref<80xi32, #tpu.memory_space<vmem>>
    %dma_wait3A_387 = arith.constant 0 : i32
    %dma_wait3A_388 = tpu.memref_slice %arg3[%dma_wait3A_381, %dma_wait3A_387] : memref<2x320000xi32, #tpu.memory_space<hbm>> -> memref<1x80xi32, #tpu.memory_space<hbm>>
    %dma_wait3A_389 = tpu.memref_squeeze %dma_wait3A_388 : memref<1x80xi32, #tpu.memory_space<hbm>> -> memref<80xi32, #tpu.memory_space<hbm>>
    %dma_wait3A_390 = tpu.memref_slice %arg10[%dma_wait3A_383] : memref<4x!tpu.dma_semaphore, #tpu.memory_space<semaphore_mem>> -> memref<1x!tpu.dma_semaphore, #tpu.memory_space<semaphore_mem>>
    %dma_wait3A_391 = tpu.memref_squeeze %dma_wait3A_390 : memref<1x!tpu.dma_semaphore, #tpu.memory_space<semaphore_mem>> -> memref<!tpu.dma_semaphore, #tpu.memory_space<semaphore_mem>>
    %dma_wait3A_392 = arith.constant 0 : i32
    %dma_wait3A_393 = tpu.memref_slice %arg7[%dma_wait3A_382, %dma_wait3A_392] : memref<4x80xi32, #tpu.memory_space<vmem>> -> memref<1x80xi32, #tpu.memory_space<vmem>>
    %dma_wait3A_394 = tpu.memref_squeeze %dma_wait3A_393 : memref<1x80xi32, #tpu.memory_space<vmem>> -> memref<80xi32, #tpu.memory_space<vmem>>
    %dma_wait3A_395 = arith.constant 0 : i32
    %dma_wait3A_396 = tpu.memref_slice %arg3[%dma_wait3A_381, %dma_wait3A_395] : memref<2x320000xi32, #tpu.memory_space<hbm>> -> memref<1x80xi32, #tpu.memory_space<hbm>>
    %dma_wait3A_397 = tpu.memref_squeeze %dma_wait3A_396 : memref<1x80xi32, #tpu.memory_space<hbm>> -> memref<80xi32, #tpu.memory_space<hbm>>
    tpu.wait_dma2 semaphore(%dma_wait3A_391 : memref<!tpu.dma_semaphore, #tpu.memory_space<semaphore_mem>>) src(%dma_wait3A_397 : memref<80xi32, #tpu.memory_space<hbm>>) dst(%dma_wait3A_394 : memref<80xi32, #tpu.memory_space<vmem>>)
    %dma_start3A_398 = arith.constant 0 : i32
    %dma_start3A_399 = arith.constant 0 : i32
    %dma_start3A_400 = arith.constant 0 : i32
    %dma_start3A_401 = arith.constant 0 : i32
    %dma_start3A_402 = arith.constant 0 : i32
    %dma_start3A_403 = tpu.memref_slice %arg8[%dma_start3A_399, %dma_start3A_401, %dma_start3A_402] : memref<4x80x128xf32, #tpu.memory_space<vmem>> -> memref<1x80x128xf32, #tpu.memory_space<vmem>>
    %dma_start3A_404 = tpu.memref_squeeze %dma_start3A_403 : memref<1x80x128xf32, #tpu.memory_space<vmem>> -> memref<80x128xf32, #tpu.memory_space<vmem>>
    %dma_start3A_405 = arith.constant 0 : i32
    %dma_start3A_406 = tpu.memref_slice %arg6[%dma_start3A_398, %dma_start3A_405] : memref<4x80xi32, #tpu.memory_space<vmem>> -> memref<1x80xi32, #tpu.memory_space<vmem>>
    %dma_start3A_407 = tpu.memref_squeeze %dma_start3A_406 : memref<1x80xi32, #tpu.memory_space<vmem>> -> memref<80xi32, #tpu.memory_space<vmem>>
    %dma_start3A_408 = arith.constant 0 : i32
    %dma_start3A_409 = arith.constant 0 : i32
    %dma_start3A_410 = tpu.memref_slice %arg2[%dma_start3A_408, %dma_start3A_409] : memref<10000x128xf32, #tpu.memory_space<hbm>> -> memref<10000x128xf32, #tpu.memory_space<hbm>>
    %dma_start3A_411 = tpu.memref_slice %arg9[%dma_start3A_400] : memref<4x!tpu.dma_semaphore, #tpu.memory_space<semaphore_mem>> -> memref<1x!tpu.dma_semaphore, #tpu.memory_space<semaphore_mem>>
    %dma_start3A_412 = tpu.memref_squeeze %dma_start3A_411 : memref<1x!tpu.dma_semaphore, #tpu.memory_space<semaphore_mem>> -> memref<!tpu.dma_semaphore, #tpu.memory_space<semaphore_mem>>
    tpu.enqueue_indirect_dma source(%dma_start3A_410 : memref<10000x128xf32, #tpu.memory_space<hbm>>) target(%dma_start3A_404 : memref<80x128xf32, #tpu.memory_space<vmem>>) offsets(%dma_start3A_407 : memref<80xi32, #tpu.memory_space<vmem>>) semaphore(%dma_start3A_412 : memref<!tpu.dma_semaphore, #tpu.memory_space<semaphore_mem>>)
    %dma_wait3A_413 = arith.constant 3 : i32
    %dma_wait3A_414 = arith.constant 3 : i32
    %dma_wait3A_415 = arith.constant 0 : i32
    %dma_wait3A_416 = arith.constant 0 : i32
    %dma_wait3A_417 = tpu.memref_slice %arg8[%dma_wait3A_413, %dma_wait3A_415, %dma_wait3A_416] : memref<4x80x128xf32, #tpu.memory_space<vmem>> -> memref<1x80x128xf32, #tpu.memory_space<vmem>>
    %dma_wait3A_418 = tpu.memref_squeeze %dma_wait3A_417 : memref<1x80x128xf32, #tpu.memory_space<vmem>> -> memref<80x128xf32, #tpu.memory_space<vmem>>
    %dma_wait3A_419 = arith.constant 0 : i32
    %dma_wait3A_420 = arith.constant 0 : i32
    %dma_wait3A_421 = tpu.memref_slice %arg2[%dma_wait3A_419, %dma_wait3A_420] : memref<10000x128xf32, #tpu.memory_space<hbm>> -> memref<80x128xf32, #tpu.memory_space<hbm>>
    %dma_wait3A_422 = tpu.memref_slice %arg9[%dma_wait3A_414] : memref<4x!tpu.dma_semaphore, #tpu.memory_space<semaphore_mem>> -> memref<1x!tpu.dma_semaphore, #tpu.memory_space<semaphore_mem>>
    %dma_wait3A_423 = tpu.memref_squeeze %dma_wait3A_422 : memref<1x!tpu.dma_semaphore, #tpu.memory_space<semaphore_mem>> -> memref<!tpu.dma_semaphore, #tpu.memory_space<semaphore_mem>>
    %dma_wait3A_424 = arith.constant 0 : i32
    %dma_wait3A_425 = arith.constant 0 : i32
    %dma_wait3A_426 = tpu.memref_slice %arg8[%dma_wait3A_413, %dma_wait3A_424, %dma_wait3A_425] : memref<4x80x128xf32, #tpu.memory_space<vmem>> -> memref<1x80x128xf32, #tpu.memory_space<vmem>>
    %dma_wait3A_427 = tpu.memref_squeeze %dma_wait3A_426 : memref<1x80x128xf32, #tpu.memory_space<vmem>> -> memref<80x128xf32, #tpu.memory_space<vmem>>
    %dma_wait3A_428 = arith.constant 0 : i32
    %dma_wait3A_429 = arith.constant 0 : i32
    %dma_wait3A_430 = tpu.memref_slice %arg2[%dma_wait3A_428, %dma_wait3A_429] : memref<10000x128xf32, #tpu.memory_space<hbm>> -> memref<80x128xf32, #tpu.memory_space<hbm>>
    tpu.wait_dma2 semaphore(%dma_wait3A_423 : memref<!tpu.dma_semaphore, #tpu.memory_space<semaphore_mem>>) src(%dma_wait3A_430 : memref<80x128xf32, #tpu.memory_space<hbm>>) dst(%dma_wait3A_427 : memref<80x128xf32, #tpu.memory_space<vmem>>)
    %dma_start3A_431 = arith.constant 3 : i32
    %dma_start3A_432 = arith.constant 3 : i32
    %dma_start3A_433 = arith.constant 3 : i32
    %dma_start3A_434 = arith.constant 0 : i32
    %dma_start3A_435 = arith.constant 0 : i32
    %dma_start3A_436 = tpu.memref_slice %arg8[%dma_start3A_431, %dma_start3A_434, %dma_start3A_435] : memref<4x80x128xf32, #tpu.memory_space<vmem>> -> memref<1x80x128xf32, #tpu.memory_space<vmem>>
    %dma_start3A_437 = tpu.memref_squeeze %dma_start3A_436 : memref<1x80x128xf32, #tpu.memory_space<vmem>> -> memref<80x128xf32, #tpu.memory_space<vmem>>
    %dma_start3A_438 = arith.constant 0 : i32
    %dma_start3A_439 = tpu.memref_slice %arg7[%dma_start3A_432, %dma_start3A_438] : memref<4x80xi32, #tpu.memory_space<vmem>> -> memref<1x80xi32, #tpu.memory_space<vmem>>
    %dma_start3A_440 = tpu.memref_squeeze %dma_start3A_439 : memref<1x80xi32, #tpu.memory_space<vmem>> -> memref<80xi32, #tpu.memory_space<vmem>>
    %dma_start3A_441 = arith.constant 0 : i32
    %dma_start3A_442 = arith.constant 0 : i32
    %dma_start3A_443 = tpu.memref_slice %arg5[%dma_start3A_441, %dma_start3A_442] : memref<10000x128xf32, #tpu.memory_space<vmem_shared>> -> memref<10000x128xf32, #tpu.memory_space<vmem_shared>>
    %dma_start3A_444 = tpu.memref_slice %arg11[%dma_start3A_433] : memref<4x!tpu.dma_semaphore, #tpu.memory_space<semaphore_mem>> -> memref<1x!tpu.dma_semaphore, #tpu.memory_space<semaphore_mem>>
    %dma_start3A_445 = tpu.memref_squeeze %dma_start3A_444 : memref<1x!tpu.dma_semaphore, #tpu.memory_space<semaphore_mem>> -> memref<!tpu.dma_semaphore, #tpu.memory_space<semaphore_mem>>
    tpu.enqueue_indirect_dma source(%dma_start3A_437 : memref<80x128xf32, #tpu.memory_space<vmem>>) target(%dma_start3A_443 : memref<10000x128xf32, #tpu.memory_space<vmem_shared>>) offsets(%dma_start3A_440 : memref<80xi32, #tpu.memory_space<vmem>>) semaphore(%dma_start3A_445 : memref<!tpu.dma_semaphore, #tpu.memory_space<semaphore_mem>>) {add = true}
    %dma_wait3A_446 = arith.constant 0 : i32
    %dma_wait3A_447 = arith.constant 0 : i32
    %dma_wait3A_448 = arith.constant 0 : i32
    %dma_wait3A_449 = arith.constant 0 : i32
    %dma_wait3A_450 = tpu.memref_slice %arg8[%dma_wait3A_446, %dma_wait3A_448, %dma_wait3A_449] : memref<4x80x128xf32, #tpu.memory_space<vmem>> -> memref<1x80x128xf32, #tpu.memory_space<vmem>>
    %dma_wait3A_451 = tpu.memref_squeeze %dma_wait3A_450 : memref<1x80x128xf32, #tpu.memory_space<vmem>> -> memref<80x128xf32, #tpu.memory_space<vmem>>
    %dma_wait3A_452 = arith.constant 0 : i32
    %dma_wait3A_453 = arith.constant 0 : i32
    %dma_wait3A_454 = tpu.memref_slice %arg2[%dma_wait3A_452, %dma_wait3A_453] : memref<10000x128xf32, #tpu.memory_space<hbm>> -> memref<80x128xf32, #tpu.memory_space<hbm>>
    %dma_wait3A_455 = tpu.memref_slice %arg9[%dma_wait3A_447] : memref<4x!tpu.dma_semaphore, #tpu.memory_space<semaphore_mem>> -> memref<1x!tpu.dma_semaphore, #tpu.memory_space<semaphore_mem>>
    %dma_wait3A_456 = tpu.memref_squeeze %dma_wait3A_455 : memref<1x!tpu.dma_semaphore, #tpu.memory_space<semaphore_mem>> -> memref<!tpu.dma_semaphore, #tpu.memory_space<semaphore_mem>>
    %dma_wait3A_457 = arith.constant 0 : i32
    %dma_wait3A_458 = arith.constant 0 : i32
    %dma_wait3A_459 = tpu.memref_slice %arg8[%dma_wait3A_446, %dma_wait3A_457, %dma_wait3A_458] : memref<4x80x128xf32, #tpu.memory_space<vmem>> -> memref<1x80x128xf32, #tpu.memory_space<vmem>>
    %dma_wait3A_460 = tpu.memref_squeeze %dma_wait3A_459 : memref<1x80x128xf32, #tpu.memory_space<vmem>> -> memref<80x128xf32, #tpu.memory_space<vmem>>
    %dma_wait3A_461 = arith.constant 0 : i32
    %dma_wait3A_462 = arith.constant 0 : i32
    %dma_wait3A_463 = tpu.memref_slice %arg2[%dma_wait3A_461, %dma_wait3A_462] : memref<10000x128xf32, #tpu.memory_space<hbm>> -> memref<80x128xf32, #tpu.memory_space<hbm>>
    tpu.wait_dma2 semaphore(%dma_wait3A_456 : memref<!tpu.dma_semaphore, #tpu.memory_space<semaphore_mem>>) src(%dma_wait3A_463 : memref<80x128xf32, #tpu.memory_space<hbm>>) dst(%dma_wait3A_460 : memref<80x128xf32, #tpu.memory_space<vmem>>)
    %dma_start3A_464 = arith.constant 0 : i32
    %dma_start3A_465 = arith.constant 0 : i32
    %dma_start3A_466 = arith.constant 0 : i32
    %dma_start3A_467 = arith.constant 0 : i32
    %dma_start3A_468 = arith.constant 0 : i32
    %dma_start3A_469 = tpu.memref_slice %arg8[%dma_start3A_464, %dma_start3A_467, %dma_start3A_468] : memref<4x80x128xf32, #tpu.memory_space<vmem>> -> memref<1x80x128xf32, #tpu.memory_space<vmem>>
    %dma_start3A_470 = tpu.memref_squeeze %dma_start3A_469 : memref<1x80x128xf32, #tpu.memory_space<vmem>> -> memref<80x128xf32, #tpu.memory_space<vmem>>
    %dma_start3A_471 = arith.constant 0 : i32
    %dma_start3A_472 = tpu.memref_slice %arg7[%dma_start3A_465, %dma_start3A_471] : memref<4x80xi32, #tpu.memory_space<vmem>> -> memref<1x80xi32, #tpu.memory_space<vmem>>
    %dma_start3A_473 = tpu.memref_squeeze %dma_start3A_472 : memref<1x80xi32, #tpu.memory_space<vmem>> -> memref<80xi32, #tpu.memory_space<vmem>>
    %dma_start3A_474 = arith.constant 0 : i32
    %dma_start3A_475 = arith.constant 0 : i32
    %dma_start3A_476 = tpu.memref_slice %arg5[%dma_start3A_474, %dma_start3A_475] : memref<10000x128xf32, #tpu.memory_space<vmem_shared>> -> memref<10000x128xf32, #tpu.memory_space<vmem_shared>>
    %dma_start3A_477 = tpu.memref_slice %arg11[%dma_start3A_466] : memref<4x!tpu.dma_semaphore, #tpu.memory_space<semaphore_mem>> -> memref<1x!tpu.dma_semaphore, #tpu.memory_space<semaphore_mem>>
    %dma_start3A_478 = tpu.memref_squeeze %dma_start3A_477 : memref<1x!tpu.dma_semaphore, #tpu.memory_space<semaphore_mem>> -> memref<!tpu.dma_semaphore, #tpu.memory_space<semaphore_mem>>
    tpu.enqueue_indirect_dma source(%dma_start3A_470 : memref<80x128xf32, #tpu.memory_space<vmem>>) target(%dma_start3A_476 : memref<10000x128xf32, #tpu.memory_space<vmem_shared>>) offsets(%dma_start3A_473 : memref<80xi32, #tpu.memory_space<vmem>>) semaphore(%dma_start3A_478 : memref<!tpu.dma_semaphore, #tpu.memory_space<semaphore_mem>>) {add = true}
    %dma_wait3A_479 = arith.constant 1 : i32
    %dma_wait3A_480 = arith.constant 1 : i32
    %dma_wait3A_481 = arith.constant 0 : i32
    %dma_wait3A_482 = arith.constant 0 : i32
    %dma_wait3A_483 = tpu.memref_slice %arg8[%dma_wait3A_479, %dma_wait3A_481, %dma_wait3A_482] : memref<4x80x128xf32, #tpu.memory_space<vmem>> -> memref<1x80x128xf32, #tpu.memory_space<vmem>>
    %dma_wait3A_484 = tpu.memref_squeeze %dma_wait3A_483 : memref<1x80x128xf32, #tpu.memory_space<vmem>> -> memref<80x128xf32, #tpu.memory_space<vmem>>
    %dma_wait3A_485 = arith.constant 0 : i32
    %dma_wait3A_486 = arith.constant 0 : i32
    %dma_wait3A_487 = tpu.memref_slice %arg5[%dma_wait3A_485, %dma_wait3A_486] : memref<10000x128xf32, #tpu.memory_space<vmem_shared>> -> memref<80x128xf32, #tpu.memory_space<vmem_shared>>
    %dma_wait3A_488 = tpu.memref_slice %arg11[%dma_wait3A_480] : memref<4x!tpu.dma_semaphore, #tpu.memory_space<semaphore_mem>> -> memref<1x!tpu.dma_semaphore, #tpu.memory_space<semaphore_mem>>
    %dma_wait3A_489 = tpu.memref_squeeze %dma_wait3A_488 : memref<1x!tpu.dma_semaphore, #tpu.memory_space<semaphore_mem>> -> memref<!tpu.dma_semaphore, #tpu.memory_space<semaphore_mem>>
    %dma_wait3A_490 = arith.constant 0 : i32
    %dma_wait3A_491 = arith.constant 0 : i32
    %dma_wait3A_492 = tpu.memref_slice %arg5[%dma_wait3A_490, %dma_wait3A_491] : memref<10000x128xf32, #tpu.memory_space<vmem_shared>> -> memref<80x128xf32, #tpu.memory_space<vmem_shared>>
    %dma_wait3A_493 = arith.constant 0 : i32
    %dma_wait3A_494 = arith.constant 0 : i32
    %dma_wait3A_495 = tpu.memref_slice %arg8[%dma_wait3A_479, %dma_wait3A_493, %dma_wait3A_494] : memref<4x80x128xf32, #tpu.memory_space<vmem>> -> memref<1x80x128xf32, #tpu.memory_space<vmem>>
    %dma_wait3A_496 = tpu.memref_squeeze %dma_wait3A_495 : memref<1x80x128xf32, #tpu.memory_space<vmem>> -> memref<80x128xf32, #tpu.memory_space<vmem>>
    tpu.wait_dma2 semaphore(%dma_wait3A_489 : memref<!tpu.dma_semaphore, #tpu.memory_space<semaphore_mem>>) src(%dma_wait3A_496 : memref<80x128xf32, #tpu.memory_space<vmem>>) dst(%dma_wait3A_492 : memref<80x128xf32, #tpu.memory_space<vmem_shared>>)
    %dma_wait3A_497 = arith.constant 2 : i32
    %dma_wait3A_498 = arith.constant 2 : i32
    %dma_wait3A_499 = arith.constant 0 : i32
    %dma_wait3A_500 = arith.constant 0 : i32
    %dma_wait3A_501 = tpu.memref_slice %arg8[%dma_wait3A_497, %dma_wait3A_499, %dma_wait3A_500] : memref<4x80x128xf32, #tpu.memory_space<vmem>> -> memref<1x80x128xf32, #tpu.memory_space<vmem>>
    %dma_wait3A_502 = tpu.memref_squeeze %dma_wait3A_501 : memref<1x80x128xf32, #tpu.memory_space<vmem>> -> memref<80x128xf32, #tpu.memory_space<vmem>>
    %dma_wait3A_503 = arith.constant 0 : i32
    %dma_wait3A_504 = arith.constant 0 : i32
    %dma_wait3A_505 = tpu.memref_slice %arg5[%dma_wait3A_503, %dma_wait3A_504] : memref<10000x128xf32, #tpu.memory_space<vmem_shared>> -> memref<80x128xf32, #tpu.memory_space<vmem_shared>>
    %dma_wait3A_506 = tpu.memref_slice %arg11[%dma_wait3A_498] : memref<4x!tpu.dma_semaphore, #tpu.memory_space<semaphore_mem>> -> memref<1x!tpu.dma_semaphore, #tpu.memory_space<semaphore_mem>>
    %dma_wait3A_507 = tpu.memref_squeeze %dma_wait3A_506 : memref<1x!tpu.dma_semaphore, #tpu.memory_space<semaphore_mem>> -> memref<!tpu.dma_semaphore, #tpu.memory_space<semaphore_mem>>
    %dma_wait3A_508 = arith.constant 0 : i32
    %dma_wait3A_509 = arith.constant 0 : i32
    %dma_wait3A_510 = tpu.memref_slice %arg5[%dma_wait3A_508, %dma_wait3A_509] : memref<10000x128xf32, #tpu.memory_space<vmem_shared>> -> memref<80x128xf32, #tpu.memory_space<vmem_shared>>
    %dma_wait3A_511 = arith.constant 0 : i32
    %dma_wait3A_512 = arith.constant 0 : i32
    %dma_wait3A_513 = tpu.memref_slice %arg8[%dma_wait3A_497, %dma_wait3A_511, %dma_wait3A_512] : memref<4x80x128xf32, #tpu.memory_space<vmem>> -> memref<1x80x128xf32, #tpu.memory_space<vmem>>
    %dma_wait3A_514 = tpu.memref_squeeze %dma_wait3A_513 : memref<1x80x128xf32, #tpu.memory_space<vmem>> -> memref<80x128xf32, #tpu.memory_space<vmem>>
    tpu.wait_dma2 semaphore(%dma_wait3A_507 : memref<!tpu.dma_semaphore, #tpu.memory_space<semaphore_mem>>) src(%dma_wait3A_514 : memref<80x128xf32, #tpu.memory_space<vmem>>) dst(%dma_wait3A_510 : memref<80x128xf32, #tpu.memory_space<vmem_shared>>)
    %dma_wait3A_515 = arith.constant 3 : i32
    %dma_wait3A_516 = arith.constant 3 : i32
    %dma_wait3A_517 = arith.constant 0 : i32
    %dma_wait3A_518 = arith.constant 0 : i32
    %dma_wait3A_519 = tpu.memref_slice %arg8[%dma_wait3A_515, %dma_wait3A_517, %dma_wait3A_518] : memref<4x80x128xf32, #tpu.memory_space<vmem>> -> memref<1x80x128xf32, #tpu.memory_space<vmem>>
    %dma_wait3A_520 = tpu.memref_squeeze %dma_wait3A_519 : memref<1x80x128xf32, #tpu.memory_space<vmem>> -> memref<80x128xf32, #tpu.memory_space<vmem>>
    %dma_wait3A_521 = arith.constant 0 : i32
    %dma_wait3A_522 = arith.constant 0 : i32
    %dma_wait3A_523 = tpu.memref_slice %arg5[%dma_wait3A_521, %dma_wait3A_522] : memref<10000x128xf32, #tpu.memory_space<vmem_shared>> -> memref<80x128xf32, #tpu.memory_space<vmem_shared>>
    %dma_wait3A_524 = tpu.memref_slice %arg11[%dma_wait3A_516] : memref<4x!tpu.dma_semaphore, #tpu.memory_space<semaphore_mem>> -> memref<1x!tpu.dma_semaphore, #tpu.memory_space<semaphore_mem>>
    %dma_wait3A_525 = tpu.memref_squeeze %dma_wait3A_524 : memref<1x!tpu.dma_semaphore, #tpu.memory_space<semaphore_mem>> -> memref<!tpu.dma_semaphore, #tpu.memory_space<semaphore_mem>>
    %dma_wait3A_526 = arith.constant 0 : i32
    %dma_wait3A_527 = arith.constant 0 : i32
    %dma_wait3A_528 = tpu.memref_slice %arg5[%dma_wait3A_526, %dma_wait3A_527] : memref<10000x128xf32, #tpu.memory_space<vmem_shared>> -> memref<80x128xf32, #tpu.memory_space<vmem_shared>>
    %dma_wait3A_529 = arith.constant 0 : i32
    %dma_wait3A_530 = arith.constant 0 : i32
    %dma_wait3A_531 = tpu.memref_slice %arg8[%dma_wait3A_515, %dma_wait3A_529, %dma_wait3A_530] : memref<4x80x128xf32, #tpu.memory_space<vmem>> -> memref<1x80x128xf32, #tpu.memory_space<vmem>>
    %dma_wait3A_532 = tpu.memref_squeeze %dma_wait3A_531 : memref<1x80x128xf32, #tpu.memory_space<vmem>> -> memref<80x128xf32, #tpu.memory_space<vmem>>
    tpu.wait_dma2 semaphore(%dma_wait3A_525 : memref<!tpu.dma_semaphore, #tpu.memory_space<semaphore_mem>>) src(%dma_wait3A_532 : memref<80x128xf32, #tpu.memory_space<vmem>>) dst(%dma_wait3A_528 : memref<80x128xf32, #tpu.memory_space<vmem_shared>>)
    %dma_wait3A_533 = arith.constant 0 : i32
    %dma_wait3A_534 = arith.constant 0 : i32
    %dma_wait3A_535 = arith.constant 0 : i32
    %dma_wait3A_536 = arith.constant 0 : i32
    %dma_wait3A_537 = tpu.memref_slice %arg8[%dma_wait3A_533, %dma_wait3A_535, %dma_wait3A_536] : memref<4x80x128xf32, #tpu.memory_space<vmem>> -> memref<1x80x128xf32, #tpu.memory_space<vmem>>
    %dma_wait3A_538 = tpu.memref_squeeze %dma_wait3A_537 : memref<1x80x128xf32, #tpu.memory_space<vmem>> -> memref<80x128xf32, #tpu.memory_space<vmem>>
    %dma_wait3A_539 = arith.constant 0 : i32
    %dma_wait3A_540 = arith.constant 0 : i32
    %dma_wait3A_541 = tpu.memref_slice %arg5[%dma_wait3A_539, %dma_wait3A_540] : memref<10000x128xf32, #tpu.memory_space<vmem_shared>> -> memref<80x128xf32, #tpu.memory_space<vmem_shared>>
    %dma_wait3A_542 = tpu.memref_slice %arg11[%dma_wait3A_534] : memref<4x!tpu.dma_semaphore, #tpu.memory_space<semaphore_mem>> -> memref<1x!tpu.dma_semaphore, #tpu.memory_space<semaphore_mem>>
    %dma_wait3A_543 = tpu.memref_squeeze %dma_wait3A_542 : memref<1x!tpu.dma_semaphore, #tpu.memory_space<semaphore_mem>> -> memref<!tpu.dma_semaphore, #tpu.memory_space<semaphore_mem>>
    %dma_wait3A_544 = arith.constant 0 : i32
    %dma_wait3A_545 = arith.constant 0 : i32
    %dma_wait3A_546 = tpu.memref_slice %arg5[%dma_wait3A_544, %dma_wait3A_545] : memref<10000x128xf32, #tpu.memory_space<vmem_shared>> -> memref<80x128xf32, #tpu.memory_space<vmem_shared>>
    %dma_wait3A_547 = arith.constant 0 : i32
    %dma_wait3A_548 = arith.constant 0 : i32
    %dma_wait3A_549 = tpu.memref_slice %arg8[%dma_wait3A_533, %dma_wait3A_547, %dma_wait3A_548] : memref<4x80x128xf32, #tpu.memory_space<vmem>> -> memref<1x80x128xf32, #tpu.memory_space<vmem>>
    %dma_wait3A_550 = tpu.memref_squeeze %dma_wait3A_549 : memref<1x80x128xf32, #tpu.memory_space<vmem>> -> memref<80x128xf32, #tpu.memory_space<vmem>>
    tpu.wait_dma2 semaphore(%dma_wait3A_543 : memref<!tpu.dma_semaphore, #tpu.memory_space<semaphore_mem>>) src(%dma_wait3A_550 : memref<80x128xf32, #tpu.memory_space<vmem>>) dst(%dma_wait3A_546 : memref<80x128xf32, #tpu.memory_space<vmem_shared>>)
    %barrier3A_551 = arith.constant 0 : index
    tpu.barrier barrier_id(%barrier3A_551)
    "tpu.region"() ({
      %run_scoped3A = tpu.sem_alloc : memref<!tpu.dma_semaphore, #tpu.memory_space<semaphore_mem>>
      %dma_start3A_552 = arith.constant 0 : i32
      %dma_start3A_553 = tpu.memref_slice %arg4[%arg0, %mul3A_0, %dma_start3A_552] : memref<2x10000x128xf32, #tpu.memory_space<hbm>> -> memref<1x625x128xf32, #tpu.memory_space<hbm>>
      %dma_start3A_554 = tpu.memref_squeeze %dma_start3A_553 : memref<1x625x128xf32, #tpu.memory_space<hbm>> -> memref<625x128xf32, #tpu.memory_space<hbm>>
      %dma_start3A_555 = arith.constant 0 : i32
      %dma_start3A_556 = tpu.memref_slice %arg5[%mul3A_0, %dma_start3A_555] : memref<10000x128xf32, #tpu.memory_space<vmem_shared>> -> memref<625x128xf32, #tpu.memory_space<vmem_shared>>
      tpu.enqueue_dma source(%dma_start3A_556 : memref<625x128xf32, #tpu.memory_space<vmem_shared>>) target(%dma_start3A_554 : memref<625x128xf32, #tpu.memory_space<hbm>>) target_semaphore(%run_scoped3A : memref<!tpu.dma_semaphore, #tpu.memory_space<semaphore_mem>>)
      %dma_wait3A_557 = arith.constant 0 : i32
      %dma_wait3A_558 = tpu.memref_slice %arg4[%arg0, %mul3A_0, %dma_wait3A_557] : memref<2x10000x128xf32, #tpu.memory_space<hbm>> -> memref<1x625x128xf32, #tpu.memory_space<hbm>>
      %dma_wait3A_559 = tpu.memref_squeeze %dma_wait3A_558 : memref<1x625x128xf32, #tpu.memory_space<hbm>> -> memref<625x128xf32, #tpu.memory_space<hbm>>
      %dma_wait3A_560 = arith.constant 0 : i32
      %dma_wait3A_561 = tpu.memref_slice %arg5[%mul3A_0, %dma_wait3A_560] : memref<10000x128xf32, #tpu.memory_space<vmem_shared>> -> memref<625x128xf32, #tpu.memory_space<vmem_shared>>
      tpu.wait_dma2 semaphore(%run_scoped3A : memref<!tpu.dma_semaphore, #tpu.memory_space<semaphore_mem>>) src(%dma_wait3A_561 : memref<625x128xf32, #tpu.memory_space<vmem_shared>>) dst(%dma_wait3A_559 : memref<625x128xf32, #tpu.memory_space<hbm>>)
      tpu.yield
    }) : () -> ()
    return
  }
}

module attributes {stable_mosaic.version = 14 : i64} {
  func.func @_mlp_block(%arg0: i32, %arg1: memref<2x2000x128xf32, #tpu.memory_space<vmem>>, %arg2: memref<128x128xf32, #tpu.memory_space<vmem>>, %arg3: memref<1x128xf32, #tpu.memory_space<vmem>>, %arg4: memref<1x128xf32, #tpu.memory_space<vmem>>, %arg5: memref<1x128xf32, #tpu.memory_space<vmem>>, %arg6: memref<128x128xf32, #tpu.memory_space<vmem>>, %arg7: memref<1x128xf32, #tpu.memory_space<vmem>>, %arg8: memref<1x128xf32, #tpu.memory_space<vmem>>, %arg9: memref<1x128xf32, #tpu.memory_space<vmem>>, %arg10: memref<2000x128xf32, #tpu.memory_space<vmem>>) attributes {dimension_semantics = [#tpu.dimension_semantics<arbitrary>], iteration_bounds = array<i64: 5>, scalar_prefetch = 0 : i64, scratch_operands = 0 : i64, tpu.core_type = #tpu.core_type<tc>, window_params = [{transform_indices = @transform_0, window_bounds = array<i64: 2, 2000, 128>}, {pipeline_mode = #tpu.pipeline_mode<synchronous>, transform_indices = @transform_1, window_bounds = array<i64: 128, 128>}, {pipeline_mode = #tpu.pipeline_mode<synchronous>, transform_indices = @transform_2, window_bounds = array<i64: 1, 128>}, {pipeline_mode = #tpu.pipeline_mode<synchronous>, transform_indices = @transform_3, window_bounds = array<i64: 1, 128>}, {pipeline_mode = #tpu.pipeline_mode<synchronous>, transform_indices = @transform_4, window_bounds = array<i64: 1, 128>}, {pipeline_mode = #tpu.pipeline_mode<synchronous>, transform_indices = @transform_5, window_bounds = array<i64: 128, 128>}, {pipeline_mode = #tpu.pipeline_mode<synchronous>, transform_indices = @transform_6, window_bounds = array<i64: 1, 128>}, {pipeline_mode = #tpu.pipeline_mode<synchronous>, transform_indices = @transform_7, window_bounds = array<i64: 1, 128>}, {pipeline_mode = #tpu.pipeline_mode<synchronous>, transform_indices = @transform_8, window_bounds = array<i64: 1, 128>}, {transform_indices = @transform_9, window_bounds = array<i64: 2000, 128>}]} {
    %sqrt3A = arith.constant 1.000010e+00 : f32
    %sqrt3A_0 = math.sqrt %sqrt3A : f32
    %div3A = arith.constant 1.000000e+00 : f32
    %div3A_1 = arith.divf %div3A, %sqrt3A_0 : f32
    %get3A = arith.constant 0 : index
    %get3A_2 = arith.constant 0 : index
    %get3A_3 = arith.constant 0 : index
    %get3A_4 = vector.load %arg1[%get3A, %get3A_2, %get3A_3] : memref<2x2000x128xf32, #tpu.memory_space<vmem>>, vector<1x2000x128xf32>
    %get3A_5 = vector.shape_cast %get3A_4 : vector<1x2000x128xf32> to vector<2000x128xf32>
    %get3A_6 = arith.constant 1 : index
    %get3A_7 = arith.constant 0 : index
    %get3A_8 = arith.constant 0 : index
    %get3A_9 = vector.load %arg1[%get3A_6, %get3A_7, %get3A_8] : memref<2x2000x128xf32, #tpu.memory_space<vmem>>, vector<1x2000x128xf32>
    %get3A_10 = vector.shape_cast %get3A_9 : vector<1x2000x128xf32> to vector<2000x128xf32>
    %add3A = arith.addf %get3A_5, %get3A_10 : vector<2000x128xf32>
    %get3A_11 = arith.constant 0 : index
    %get3A_12 = arith.constant 0 : index
    %get3A_13 = vector.load %arg3[%get3A_11, %get3A_12] : memref<1x128xf32, #tpu.memory_space<vmem>>, vector<1x128xf32>
    %mul3A = vector.broadcast %div3A_1 : f32 to vector<1x128xf32>
    %mul3A_14 = arith.mulf %get3A_13, %mul3A : vector<1x128xf32>
    %get3A_15 = arith.constant 0 : index
    %get3A_16 = arith.constant 0 : index
    %get3A_17 = vector.load %arg2[%get3A_15, %get3A_16] : memref<128x128xf32, #tpu.memory_space<vmem>>, vector<128x128xf32>
    %dot_general3A = arith.constant dense<0.000000e+00> : vector<2000x128xf32>
    %dot_general3A_18 = tpu.matmul %add3A, %get3A_17, %dot_general3A {dimension_numbers = #tpu.dot_dimension_numbers<[1], [0], [0], [1], [0, 0, 1, 1], [], []>, transpose_lhs_hint = false} : vector<2000x128xf32>, vector<128x128xf32>, vector<2000x128xf32> -> vector<2000x128xf32>
    %mul3A_19 = vector.broadcast %mul3A_14 : vector<1x128xf32> to vector<2000x128xf32>
    %mul3A_20 = arith.mulf %dot_general3A_18, %mul3A_19 : vector<2000x128xf32>
    %get3A_21 = arith.constant 0 : index
    %get3A_22 = arith.constant 0 : index
    %get3A_23 = vector.load %arg4[%get3A_21, %get3A_22] : memref<1x128xf32, #tpu.memory_space<vmem>>, vector<1x128xf32>
    %mul3A_24 = arith.mulf %get3A_23, %mul3A_14 : vector<1x128xf32>
    %get3A_25 = arith.constant 0 : index
    %get3A_26 = arith.constant 0 : index
    %get3A_27 = vector.load %arg5[%get3A_25, %get3A_26] : memref<1x128xf32, #tpu.memory_space<vmem>>, vector<1x128xf32>
    %add3A_28 = arith.addf %mul3A_24, %get3A_27 : vector<1x128xf32>
    %add3A_29 = vector.broadcast %add3A_28 : vector<1x128xf32> to vector<2000x128xf32>
    %add3A_30 = arith.addf %mul3A_20, %add3A_29 : vector<2000x128xf32>
    %max3A = arith.constant 0.000000e+00 : f32
    %max3A_31 = vector.broadcast %max3A : f32 to vector<2000x128xf32>
    %max3A_32 = arith.maximumf %add3A_30, %max3A_31 : vector<2000x128xf32>
    %get3A_33 = arith.constant 0 : index
    %get3A_34 = arith.constant 0 : index
    %get3A_35 = vector.load %arg7[%get3A_33, %get3A_34] : memref<1x128xf32, #tpu.memory_space<vmem>>, vector<1x128xf32>
    %mul3A_36 = vector.broadcast %div3A_1 : f32 to vector<1x128xf32>
    %mul3A_37 = arith.mulf %get3A_35, %mul3A_36 : vector<1x128xf32>
    %get3A_38 = arith.constant 0 : index
    %get3A_39 = arith.constant 0 : index
    %get3A_40 = vector.load %arg6[%get3A_38, %get3A_39] : memref<128x128xf32, #tpu.memory_space<vmem>>, vector<128x128xf32>
    %dot_general3A_41 = arith.constant dense<0.000000e+00> : vector<2000x128xf32>
    %dot_general3A_42 = tpu.matmul %max3A_32, %get3A_40, %dot_general3A_41 {dimension_numbers = #tpu.dot_dimension_numbers<[1], [0], [0], [1], [0, 0, 1, 1], [], []>, transpose_lhs_hint = false} : vector<2000x128xf32>, vector<128x128xf32>, vector<2000x128xf32> -> vector<2000x128xf32>
    %mul3A_43 = vector.broadcast %mul3A_37 : vector<1x128xf32> to vector<2000x128xf32>
    %mul3A_44 = arith.mulf %dot_general3A_42, %mul3A_43 : vector<2000x128xf32>
    %get3A_45 = arith.constant 0 : index
    %get3A_46 = arith.constant 0 : index
    %get3A_47 = vector.load %arg8[%get3A_45, %get3A_46] : memref<1x128xf32, #tpu.memory_space<vmem>>, vector<1x128xf32>
    %mul3A_48 = arith.mulf %get3A_47, %mul3A_37 : vector<1x128xf32>
    %get3A_49 = arith.constant 0 : index
    %get3A_50 = arith.constant 0 : index
    %get3A_51 = vector.load %arg9[%get3A_49, %get3A_50] : memref<1x128xf32, #tpu.memory_space<vmem>>, vector<1x128xf32>
    %add3A_52 = arith.addf %mul3A_48, %get3A_51 : vector<1x128xf32>
    %add3A_53 = vector.broadcast %add3A_52 : vector<1x128xf32> to vector<2000x128xf32>
    %add3A_54 = arith.addf %mul3A_44, %add3A_53 : vector<2000x128xf32>
    %max3A_55 = arith.constant 0.000000e+00 : f32
    %max3A_56 = vector.broadcast %max3A_55 : f32 to vector<2000x128xf32>
    %max3A_57 = arith.maximumf %add3A_54, %max3A_56 : vector<2000x128xf32>
    %swap3A = arith.constant 0 : index
    %swap3A_58 = arith.constant 0 : index
    %swap3A_59 = vector.load %arg10[%swap3A, %swap3A_58] : memref<2000x128xf32, #tpu.memory_space<vmem>>, vector<2000x128xf32>
    tpu.vector_store %arg10[%swap3A, %swap3A_58], %max3A_57 {strides = array<i32>} : memref<2000x128xf32, #tpu.memory_space<vmem>>, vector<2000x128xf32>,
    return
  }
  func.func @transform_0(%arg0: i32) -> (i32, i32, i32) {
    %c0_i32 = arith.constant 0 : i32
    %c0_i32_0 = arith.constant 0 : i32
    %c0_i32_1 = arith.constant 0 : i32
    return %c0_i32, %arg0, %c0_i32_0 : i32, i32, i32
  }
  func.func @transform_1(%arg0: i32) -> (i32, i32) {
    %c0_i32 = arith.constant 0 : i32
    %c0_i32_0 = arith.constant 0 : i32
    %c0_i32_1 = arith.constant 0 : i32
    return %c0_i32, %c0_i32_0 : i32, i32
  }
  func.func @transform_2(%arg0: i32) -> (i32, i32) {
    %c0_i32 = arith.constant 0 : i32
    %c0_i32_0 = arith.constant 0 : i32
    %c0_i32_1 = arith.constant 0 : i32
    return %c0_i32, %c0_i32_0 : i32, i32
  }
  func.func @transform_3(%arg0: i32) -> (i32, i32) {
    %c0_i32 = arith.constant 0 : i32
    %c0_i32_0 = arith.constant 0 : i32
    %c0_i32_1 = arith.constant 0 : i32
    return %c0_i32, %c0_i32_0 : i32, i32
  }
  func.func @transform_4(%arg0: i32) -> (i32, i32) {
    %c0_i32 = arith.constant 0 : i32
    %c0_i32_0 = arith.constant 0 : i32
    %c0_i32_1 = arith.constant 0 : i32
    return %c0_i32, %c0_i32_0 : i32, i32
  }
  func.func @transform_5(%arg0: i32) -> (i32, i32) {
    %c0_i32 = arith.constant 0 : i32
    %c0_i32_0 = arith.constant 0 : i32
    %c0_i32_1 = arith.constant 0 : i32
    return %c0_i32, %c0_i32_0 : i32, i32
  }
  func.func @transform_6(%arg0: i32) -> (i32, i32) {
    %c0_i32 = arith.constant 0 : i32
    %c0_i32_0 = arith.constant 0 : i32
    %c0_i32_1 = arith.constant 0 : i32
    return %c0_i32, %c0_i32_0 : i32, i32
  }
  func.func @transform_7(%arg0: i32) -> (i32, i32) {
    %c0_i32 = arith.constant 0 : i32
    %c0_i32_0 = arith.constant 0 : i32
    %c0_i32_1 = arith.constant 0 : i32
    return %c0_i32, %c0_i32_0 : i32, i32
  }
  func.func @transform_8(%arg0: i32) -> (i32, i32) {
    %c0_i32 = arith.constant 0 : i32
    %c0_i32_0 = arith.constant 0 : i32
    %c0_i32_1 = arith.constant 0 : i32
    return %c0_i32, %c0_i32_0 : i32, i32
  }
  func.func @transform_9(%arg0: i32) -> (i32, i32) {
    %c0_i32 = arith.constant 0 : i32
    %c0_i32_0 = arith.constant 0 : i32
    return %arg0, %c0_i32 : i32, i32
  }
}

module attributes {stable_mosaic.version = 14 : i64} {
  func.func @_mlp_block(%arg0: i32, %arg1: memref<2x2000x128xf32, #tpu.memory_space<vmem>>, %arg2: memref<128x128xf32, #tpu.memory_space<vmem>>, %arg3: memref<1x128xf32, #tpu.memory_space<vmem>>, %arg4: memref<1x128xf32, #tpu.memory_space<vmem>>, %arg5: memref<1x128xf32, #tpu.memory_space<vmem>>, %arg6: memref<128x128xf32, #tpu.memory_space<vmem>>, %arg7: memref<1x128xf32, #tpu.memory_space<vmem>>, %arg8: memref<1x128xf32, #tpu.memory_space<vmem>>, %arg9: memref<1x128xf32, #tpu.memory_space<vmem>>, %arg10: memref<2000x128xf32, #tpu.memory_space<vmem>>) attributes {dimension_semantics = [#tpu.dimension_semantics<arbitrary>], iteration_bounds = array<i64: 5>, scalar_prefetch = 0 : i64, scratch_operands = 0 : i64, tpu.core_type = #tpu.core_type<tc>, window_params = [{transform_indices = @transform_0, window_bounds = array<i64: 2, 2000, 128>}, {pipeline_mode = #tpu.pipeline_mode<synchronous>, transform_indices = @transform_1, window_bounds = array<i64: 128, 128>}, {pipeline_mode = #tpu.pipeline_mode<synchronous>, transform_indices = @transform_2, window_bounds = array<i64: 1, 128>}, {pipeline_mode = #tpu.pipeline_mode<synchronous>, transform_indices = @transform_3, window_bounds = array<i64: 1, 128>}, {pipeline_mode = #tpu.pipeline_mode<synchronous>, transform_indices = @transform_4, window_bounds = array<i64: 1, 128>}, {pipeline_mode = #tpu.pipeline_mode<synchronous>, transform_indices = @transform_5, window_bounds = array<i64: 128, 128>}, {pipeline_mode = #tpu.pipeline_mode<synchronous>, transform_indices = @transform_6, window_bounds = array<i64: 1, 128>}, {pipeline_mode = #tpu.pipeline_mode<synchronous>, transform_indices = @transform_7, window_bounds = array<i64: 1, 128>}, {pipeline_mode = #tpu.pipeline_mode<synchronous>, transform_indices = @transform_8, window_bounds = array<i64: 1, 128>}, {transform_indices = @transform_9, window_bounds = array<i64: 2000, 128>}]} {
    %sqrt3A = arith.constant 1.000010e+00 : f32
    %sqrt3A_0 = math.sqrt %sqrt3A : f32
    %div3A = arith.constant 1.000000e+00 : f32
    %div3A_1 = arith.divf %div3A, %sqrt3A_0 : f32
    %get3A = arith.constant 0 : index
    %get3A_2 = arith.constant 0 : index
    %get3A_3 = arith.constant 0 : index
    %get3A_4 = vector.load %arg1[%get3A, %get3A_2, %get3A_3] : memref<2x2000x128xf32, #tpu.memory_space<vmem>>, vector<1x2000x128xf32>
    %get3A_5 = vector.shape_cast %get3A_4 : vector<1x2000x128xf32> to vector<2000x128xf32>
    %get3A_6 = arith.constant 1 : index
    %get3A_7 = arith.constant 0 : index
    %get3A_8 = arith.constant 0 : index
    %get3A_9 = vector.load %arg1[%get3A_6, %get3A_7, %get3A_8] : memref<2x2000x128xf32, #tpu.memory_space<vmem>>, vector<1x2000x128xf32>
    %get3A_10 = vector.shape_cast %get3A_9 : vector<1x2000x128xf32> to vector<2000x128xf32>
    %add3A = arith.addf %get3A_5, %get3A_10 : vector<2000x128xf32>
    %get3A_11 = arith.constant 0 : index
    %get3A_12 = arith.constant 0 : index
    %get3A_13 = vector.load %arg3[%get3A_11, %get3A_12] : memref<1x128xf32, #tpu.memory_space<vmem>>, vector<1x128xf32>
    %mul3A = vector.broadcast %div3A_1 : f32 to vector<1x128xf32>
    %mul3A_14 = arith.mulf %get3A_13, %mul3A : vector<1x128xf32>
    %get3A_15 = arith.constant 0 : index
    %get3A_16 = arith.constant 0 : index
    %get3A_17 = vector.load %arg2[%get3A_15, %get3A_16] : memref<128x128xf32, #tpu.memory_space<vmem>>, vector<128x128xf32>
    %dot_general3A = arith.constant dense<0.000000e+00> : vector<2000x128xf32>
    %dot_general3A_18 = tpu.matmul %add3A, %get3A_17, %dot_general3A {dimension_numbers = #tpu.dot_dimension_numbers<[1], [0], [0], [1], [0, 0, 1, 1], [], []>, transpose_lhs_hint = false} : vector<2000x128xf32>, vector<128x128xf32>, vector<2000x128xf32> -> vector<2000x128xf32>
    %mul3A_19 = vector.broadcast %mul3A_14 : vector<1x128xf32> to vector<2000x128xf32>
    %mul3A_20 = arith.mulf %dot_general3A_18, %mul3A_19 : vector<2000x128xf32>
    %get3A_21 = arith.constant 0 : index
    %get3A_22 = arith.constant 0 : index
    %get3A_23 = vector.load %arg4[%get3A_21, %get3A_22] : memref<1x128xf32, #tpu.memory_space<vmem>>, vector<1x128xf32>
    %mul3A_24 = arith.mulf %get3A_23, %mul3A_14 : vector<1x128xf32>
    %get3A_25 = arith.constant 0 : index
    %get3A_26 = arith.constant 0 : index
    %get3A_27 = vector.load %arg5[%get3A_25, %get3A_26] : memref<1x128xf32, #tpu.memory_space<vmem>>, vector<1x128xf32>
    %add3A_28 = arith.addf %mul3A_24, %get3A_27 : vector<1x128xf32>
    %add3A_29 = vector.broadcast %add3A_28 : vector<1x128xf32> to vector<2000x128xf32>
    %add3A_30 = arith.addf %mul3A_20, %add3A_29 : vector<2000x128xf32>
    %max3A = arith.constant 0.000000e+00 : f32
    %max3A_31 = vector.broadcast %max3A : f32 to vector<2000x128xf32>
    %max3A_32 = arith.maximumf %add3A_30, %max3A_31 : vector<2000x128xf32>
    %get3A_33 = arith.constant 0 : index
    %get3A_34 = arith.constant 0 : index
    %get3A_35 = vector.load %arg7[%get3A_33, %get3A_34] : memref<1x128xf32, #tpu.memory_space<vmem>>, vector<1x128xf32>
    %mul3A_36 = vector.broadcast %div3A_1 : f32 to vector<1x128xf32>
    %mul3A_37 = arith.mulf %get3A_35, %mul3A_36 : vector<1x128xf32>
    %get3A_38 = arith.constant 0 : index
    %get3A_39 = arith.constant 0 : index
    %get3A_40 = vector.load %arg6[%get3A_38, %get3A_39] : memref<128x128xf32, #tpu.memory_space<vmem>>, vector<128x128xf32>
    %dot_general3A_41 = arith.constant dense<0.000000e+00> : vector<2000x128xf32>
    %dot_general3A_42 = tpu.matmul %max3A_32, %get3A_40, %dot_general3A_41 {dimension_numbers = #tpu.dot_dimension_numbers<[1], [0], [0], [1], [0, 0, 1, 1], [], []>, transpose_lhs_hint = false} : vector<2000x128xf32>, vector<128x128xf32>, vector<2000x128xf32> -> vector<2000x128xf32>
    %mul3A_43 = vector.broadcast %mul3A_37 : vector<1x128xf32> to vector<2000x128xf32>
    %mul3A_44 = arith.mulf %dot_general3A_42, %mul3A_43 : vector<2000x128xf32>
    %get3A_45 = arith.constant 0 : index
    %get3A_46 = arith.constant 0 : index
    %get3A_47 = vector.load %arg8[%get3A_45, %get3A_46] : memref<1x128xf32, #tpu.memory_space<vmem>>, vector<1x128xf32>
    %mul3A_48 = arith.mulf %get3A_47, %mul3A_37 : vector<1x128xf32>
    %get3A_49 = arith.constant 0 : index
    %get3A_50 = arith.constant 0 : index
    %get3A_51 = vector.load %arg9[%get3A_49, %get3A_50] : memref<1x128xf32, #tpu.memory_space<vmem>>, vector<1x128xf32>
    %add3A_52 = arith.addf %mul3A_48, %get3A_51 : vector<1x128xf32>
    %add3A_53 = vector.broadcast %add3A_52 : vector<1x128xf32> to vector<2000x128xf32>
    %add3A_54 = arith.addf %mul3A_44, %add3A_53 : vector<2000x128xf32>
    %max3A_55 = arith.constant 0.000000e+00 : f32
    %max3A_56 = vector.broadcast %max3A_55 : f32 to vector<2000x128xf32>
    %max3A_57 = arith.maximumf %add3A_54, %max3A_56 : vector<2000x128xf32>
    %swap3A = arith.constant 0 : index
    %swap3A_58 = arith.constant 0 : index
    %swap3A_59 = vector.load %arg10[%swap3A, %swap3A_58] : memref<2000x128xf32, #tpu.memory_space<vmem>>, vector<2000x128xf32>
    tpu.vector_store %arg10[%swap3A, %swap3A_58], %max3A_57 {strides = array<i32>} : memref<2000x128xf32, #tpu.memory_space<vmem>>, vector<2000x128xf32>,
    return
  }
  func.func @transform_0(%arg0: i32) -> (i32, i32, i32) {
    %c0_i32 = arith.constant 0 : i32
    %c0_i32_0 = arith.constant 0 : i32
    %c0_i32_1 = arith.constant 0 : i32
    return %c0_i32, %arg0, %c0_i32_0 : i32, i32, i32
  }
  func.func @transform_1(%arg0: i32) -> (i32, i32) {
    %c0_i32 = arith.constant 0 : i32
    %c0_i32_0 = arith.constant 0 : i32
    %c0_i32_1 = arith.constant 0 : i32
    return %c0_i32, %c0_i32_0 : i32, i32
  }
  func.func @transform_2(%arg0: i32) -> (i32, i32) {
    %c0_i32 = arith.constant 0 : i32
    %c0_i32_0 = arith.constant 0 : i32
    %c0_i32_1 = arith.constant 0 : i32
    return %c0_i32, %c0_i32_0 : i32, i32
  }
  func.func @transform_3(%arg0: i32) -> (i32, i32) {
    %c0_i32 = arith.constant 0 : i32
    %c0_i32_0 = arith.constant 0 : i32
    %c0_i32_1 = arith.constant 0 : i32
    return %c0_i32, %c0_i32_0 : i32, i32
  }
  func.func @transform_4(%arg0: i32) -> (i32, i32) {
    %c0_i32 = arith.constant 0 : i32
    %c0_i32_0 = arith.constant 0 : i32
    %c0_i32_1 = arith.constant 0 : i32
    return %c0_i32, %c0_i32_0 : i32, i32
  }
  func.func @transform_5(%arg0: i32) -> (i32, i32) {
    %c0_i32 = arith.constant 0 : i32
    %c0_i32_0 = arith.constant 0 : i32
    %c0_i32_1 = arith.constant 0 : i32
    return %c0_i32, %c0_i32_0 : i32, i32
  }
  func.func @transform_6(%arg0: i32) -> (i32, i32) {
    %c0_i32 = arith.constant 0 : i32
    %c0_i32_0 = arith.constant 0 : i32
    %c0_i32_1 = arith.constant 0 : i32
    return %c0_i32, %c0_i32_0 : i32, i32
  }
  func.func @transform_7(%arg0: i32) -> (i32, i32) {
    %c0_i32 = arith.constant 0 : i32
    %c0_i32_0 = arith.constant 0 : i32
    %c0_i32_1 = arith.constant 0 : i32
    return %c0_i32, %c0_i32_0 : i32, i32
  }
  func.func @transform_8(%arg0: i32) -> (i32, i32) {
    %c0_i32 = arith.constant 0 : i32
    %c0_i32_0 = arith.constant 0 : i32
    %c0_i32_1 = arith.constant 0 : i32
    return %c0_i32, %c0_i32_0 : i32, i32
  }
  func.func @transform_9(%arg0: i32) -> (i32, i32) {
    %c0_i32 = arith.constant 0 : i32
    %c0_i32_0 = arith.constant 0 : i32
    return %arg0, %c0_i32 : i32, i32
  }
}

</mosaic_0001>

<sc_bundles>
// kernel: kernel.11.cloned.1.call-start
scs
__scs_entry_jumppad:
0x0: {  	(pc) =	sbr.rel $0x88, $3  }
0x1: {  	(tag) =	ssettag $0x0;
	lr =	simm.s32 $0x1  }
0x2: {  	[smem:$0x3F87] =	sst lr;
	_ =	strace $0xD0000000  }
0x3: {  	_ = 	snop  }
0x4: {  	_ = 	snop  }
0x5: {  	_ = 	snop  }
0x6: {  	_ = 	snop  }
0x7: {  	_ = 	snop  }
__scs_overlays_trampoline_lowered:
0x8: {  	[smem:$0x3F96] =	sst s0  }
0x9: {  	[smem:$0x3F97] =	sst s1  }
0xa: {  	[smem:$0x3F98] =	sst s2  }
0xb: {  	[smem:$0x3F99] =	sst s3  }
0xc: {  	[smem:$0x3F9A] =	sst s4  }
0xd: {  	[smem:$0x3F9B] =	sst s5  }
0xe: {  	[smem:$0x3F9C] =	sst s6  }
0xf: {  	[smem:$0x3F9D] =	sst s7  }
0x10: {  	[smem:$0x3F9E] =	sst s8  }
0x11: {  	[smem:$0x3F9F] =	sst s9;
	s0 =	simm.s32 @!p0 $0x0  }
0x12: {  	s1 =	sld [smem:$0x3F85];
	s0 =	simm.s32 @p0 $0x1  }
0x13: {  	[smem:$0x3FA0] =	sst s0;
	s0 =	simm.s32 @!p1 $0x0  }
0x14: {  	s2 =	sld [smem:$0x3F84];
	s0 =	simm.s32 @p1 $0x1  }
0x15: {  	[smem:$0x3FA1] =	sst s0;
	s0 =	simm.s32 @!p2 $0x0  }
0x16: {  	s3 =	sld [smem:$0x3FDB];
	s0 =	simm.s32 @p2 $0x1  }
0x17: {  	s4 =	simm.s32 $0x1BF5;
	[smem:$0x3FA3] =	sst s0  }
0x18: {  	s0 =	sld [smem:$0x3F86];
	_ =	swait.ge [sflag:s4], $0x0  }
0x19: {  	s7 =	sld [smem:$0x3F87]  }
0x1a: {  	s8 =	sadd.s32 $0xFFFFE003, lr  }
0x1b: {  	s9 =	sadd.s32 $0xFFFFFEF7, lr;
	s5 =	simm.s32 $0xFFFFFFFF;
	p2 =	slt.u32 s8, $0xFFFFF086  }
0x1c: {  	p1 =	slt.u32 s9, $0xF7A;
	s5 =	simm.s32 @!p2 $0x0  }
0x1d: {  	s5 =	simm.s32 @p1 $0x1;
	p0 =	seq.s32 s7, s2  }
0x1e: {  	s7 =	smul.u32 @!p0 $0xF7A, s2;
	p2 =	seq.s32 @!p0 s5, $0x0  }
0x1f: {  	s9 =	smul.u32 $0xF7A, s1;
	s8 =	simm.s32 @!p0 $0x1BF5;
	p2 =	por !p2, p0  }
0x20: {  	[sflag:s8] =	ssyncset.s32 @!p0 $0xFFFFF086;
	s6 =	sadd.s32 @!p0 s3, s7;
	s7 =	simm.s32 @!p0 $0x108  }
0x21: {  	s3 =	sadd.s32 s3, s9;
	s6 =	sadd.s32 @!p0 $0x88, s6;
	s7 =	simm.s32 @p2 $0x1082  }
0x22: {  	[simem:s7], [sflag:s8] =	dma.local @!p0 [hbm:s6], $0xF7A  }
0x23: {  	s9 =	sor.u32 $0xD0000000, s2;
	s6 =	simm.s32 $0x108;
	_ =	swait.ge @!p0 [sflag:s8], $0x0  }
0x24: {  	s3 =	sadd.s32 $0x88, s3;
	s6 =	simm.s32 @!p1 $0x1082;
	[sflag:s4] =	ssyncset.s32 $0xFFFFF086  }
0x25: {  	[simem:s6], [sflag:s4] =	dma.local [hbm:s3], $0xF7A  }
0x26: {  	[smem:$0x3F87] =	sst s1;
	(tag) =	ssettag s2;
	_ =	strace s9  }
0x27: {  	s1 =	sld [smem:$0x3F97]  }
0x28: {  	s2 =	sld [smem:$0x3F98]  }
0x29: {  	s4 =	sld [smem:$0x3F9A]  }
0x2a: {  	p0 =	seq.s32 s5, $0x0;
	s5 =	sld [smem:$0x3F9B]  }
0x2b: {  	s6 =	sld [smem:$0x3F9C]  }
0x2c: {  	s7 =	sld [smem:$0x3F9D]  }
0x2d: {  	s3 =	simm.s32 $0x108;
	s8 =	sld [smem:$0x3F9E]  }
0x2e: {  	s3 =	simm.s32 @!p0 $0x1082;
	s9 =	sld [smem:$0x3F9F]  }
0x2f: {  	lr =	sadd.s32 s0, s3;
	s0 =	sld [smem:$0x3F96]  }
0x30: {  	s3 =	sld [smem:$0x3F99]  }
0x31: {  	[smem:$0x3FA2] =	sst s10  }
0x32: {  	s10 =	sld [smem:$0x3FA0];
	_ =	sdelay $0x3  }
0x33: {  	p0 =	seq.s32 s10, $0x1;
	s10 =	sld [smem:$0x3FA2];
	_ =	sdelay $0x3  }
0x34: {  	[smem:$0x3FA2] =	sst s10  }
0x35: {  	s10 =	sld [smem:$0x3FA1];
	_ =	sdelay $0x3  }
0x36: {  	p1 =	seq.s32 s10, $0x1;
	s10 =	sld [smem:$0x3FA2];
	_ =	sdelay $0x3  }
0x37: {  	[smem:$0x3FA2] =	sst s10  }
0x38: {  	s10 =	sld [smem:$0x3FA3]  }
0x39: {  	_ = 	snop;
	(pc) =	sbr.ind lr, $3  }
0x3a: {  	_ = 	snop  }
0x3b: {  	_ = 	snop  }
0x3c: {  	p2 =	seq.s32 s10, $0x1;
	s10 =	sld [smem:$0x3FA2]  }
0x3d: {  	_ =	shalt  }
0x3e: {  	_ =	shalt  }
0x3f: {  	_ =	shalt  }
0x40: {  	_ =	shalt  }
0x41: {  	_ =	shalt  }
0x42: {  	_ =	shalt  }
0x43: {  	_ =	shalt  }
0x44: {  	_ =	shalt  }
0x45: {  	_ =	shalt  }
0x46: {  	_ =	shalt  }
0x47: {  	_ =	shalt  }
0x48: {  	_ =	shalt  }
0x49: {  	_ =	shalt  }
0x4a: {  	_ =	shalt  }
0x4b: {  	_ =	shalt  }
0x4c: {  	_ =	shalt  }
0x4d: {  	_ =	shalt  }
0x4e: {  	_ =	shalt  }
0x4f: {  	_ =	shalt  }
0x50: {  	_ =	shalt  }
0x51: {  	_ =	shalt  }
0x52: {  	_ =	shalt  }
0x53: {  	_ =	shalt  }
0x54: {  	_ =	shalt  }
0x55: {  	_ =	shalt  }
0x56: {  	_ =	shalt  }
0x57: {  	_ =	shalt  }
0x58: {  	_ =	shalt  }
0x59: {  	_ =	shalt  }
0x5a: {  	_ =	shalt  }
0x5b: {  	_ =	shalt  }
0x5c: {  	_ =	shalt  }
0x5d: {  	_ =	shalt  }
0x5e: {  	_ =	shalt  }
0x5f: {  	_ =	shalt  }
0x60: {  	_ =	shalt  }
0x61: {  	_ =	shalt  }
0x62: {  	_ =	shalt  }
0x63: {  	_ =	shalt  }
0x64: {  	_ =	shalt  }
0x65: {  	_ =	shalt  }
0x66: {  	_ =	shalt  }
0x67: {  	_ =	shalt  }
0x68: {  	_ =	shalt  }
0x69: {  	_ =	shalt  }
0x6a: {  	_ =	shalt  }
0x6b: {  	_ =	shalt  }
0x6c: {  	_ =	shalt  }
0x6d: {  	_ =	shalt  }
0x6e: {  	_ =	shalt  }
0x6f: {  	_ =	shalt  }
0x70: {  	_ =	shalt  }
0x71: {  	_ =	shalt  }
0x72: {  	_ =	shalt  }
0x73: {  	_ =	shalt  }
0x74: {  	_ =	shalt  }
0x75: {  	_ =	shalt  }
0x76: {  	_ =	shalt  }
0x77: {  	_ =	shalt  }
0x78: {  	_ =	shalt  }
0x79: {  	_ =	shalt  }
0x7a: {  	_ =	shalt  }
0x7b: {  	_ =	shalt  }
0x7c: {  	_ =	shalt  }
0x7d: {  	_ =	shalt  }
0x7e: {  	_ =	shalt  }
0x7f: {  	_ =	shalt  }
0x80: {  	_ =	shalt  }
0x81: {  	_ =	shalt  }
0x82: {  	_ =	shalt  }
0x83: {  	_ =	shalt  }
0x84: {  	_ =	shalt  }
0x85: {  	_ =	shalt  }
0x86: {  	_ =	shalt  }
0x87: {  	_ =	shalt  }
.Lfunc_end0:
.L_simem_size_0:
called_computation.1_lowered:
.L_overlay_start_0:
0x88: {  	s2 =	sld [smem:$0x3FD9]  }
0x89: {  	s3 =	sld [smem:$0x3FFE];
	_ =	sdelay $0x1  }
0x8a: {  	s1 =	srdreg.scid  }
0x8b: {  	s0 =	sand.u32 $0x1, s1  }
0x8c: {  	s17 =	sshll.u32 s0, $0xA;
	s2 =	sadd.s32 s3, s2  }
0x8d: {  	s2 =	sadd.s32 s2, s17  }
0x8e: {  	[smem:$0x3FAE] =	sst s2  }
0x8f: {  	_ = 	snop  }
0x90: {  	s2 =	sld [smem:$0x3FD0];
	(tm) =	ssettm $0x1  }
0x91: {  	s18 =	sld [smem:$0x3FFB];
	_ =	sdelay $0x3  }
0x92: {  	_ =	strace s18  }
0x93: {  	s3 =	sld [smem:$0x3FFC];
	_ =	sdelay $0x3  }
0x94: {  	_ =	strace s3  }
0x95: {  	s3 =	sld [smem:$0x3FFD];
	_ =	sdelay $0x3  }
0x96: {  	_ =	strace s3  }
0x97: {  	_ =	strace $0x8FFFFFFF  }
0x98: {  	s19 =	sld [smem:$0x3FDB];
	_ =	sdelay $0x1  }
0x99: {  	s4 =	simm.s32 $_scs_section_size  }
0x9a: {  	s5 =	simm.s32 $_size__tile_overlayer_lowered;
	s6 =	simm.s32 $_tile_overlayer_lowered  }
0x9b: {  	s22 =	simm.s32 $0x1BFF;
	s21 =	sshll.u32 s6, $0x1;
	s3 =	sadd.s32 s4, s19  }
0x9c: {  	s7 =	simm.s32 $0x0;
	s20 =	sshll.u32 s5, $0x1;
	s5 =	sadd.s32 s21, s3  }
0x9d: {  	[timem:s7], [sflag:s22] =	dma.local [hbm:s5], s20  }
0x9e: {  	_ =	swait.ge [sflag:s22], s20  }
0x9f: {  	s4 =	ssub.s32 $0x0, s20;
	[sflag:s22] =	ssyncset.done $0x0  }
0xa0: {  	[sflag:s22] =	ssyncadd.s32 s4;
	_ =	sdelay $0x1  }
0xa1: {  	s23 =	simm.s32 $0x1B8B  }
0xa2: {  	_ =	swait.ge [sflag:s23], $0x1  }
0xa3: {  	[sflag:s23] =	ssyncset.done $0x0  }
0xa4: {  	s25 =	simm.s32 $0x1B8E;
	s24 =	sld [smem:$0x3FFE];
	[sflag:s23] =	ssyncadd.s32 $0xFFFFFFFF  }
0xa5: {  	s26 =	simm.s32 $execute0_lowered;
	[smem:$0x3FD2] =	sst s25  }
0xa6: {  	s5 =	sshll.u32 s26, $0x1;
	_ =	strace $0x80000049;
	[dreg:$0x1] =	wrdreg $0xFFFFFFFF  }
0xa7: {  	s28 =	simm.s32 $_size_execute0_lowered;
	s3 =	sadd.s32 s3, s5;
	[dreg:$0x0] =	wrdreg $0x0  }
0xa8: {  	s5 =	sshll.u32 s28, $0x1;
	[dreg:$0x2] =	wrdreg s3  }
0xa9: {  	[dreg:$0x3] =	wrdreg s5  }
0xaa: {  	[dreg:$0x4] =	wrdreg $0xC0  }
0xab: {  	_ =	task [dreg:s7], $0x5FFFF  }
0xac: {  	[dreg:$0x1] =	wrdreg $0xFFFFFFFF  }
0xad: {  	[dreg:$0x0] =	wrdreg $0x60  }
0xae: {  	[dreg:$0x2] =	wrdreg s2  }
0xaf: {  	[dreg:$0x3] =	wrdreg s24  }
0xb0: {  	[dreg:$0x4] =	wrdreg $0x0  }
0xb1: {  	[dreg:$0x5] =	wrdreg $0x9  }
0xb2: {  	_ =	task.clear_ibuf [dreg:s7], $0x6FFFF;
	_ =	strace $0x90000049  }
0xb3: {  	s29 =	simm.s32 $0x9;
	_ =	strace $0x8000004B  }
0xb4: {  	_ =	swait.ge [sflag:s29], $0x1  }
0xb5: {  	[sflag:s29] =	ssyncadd.s32 $0xFFFFFFFF  }
0xb6: {  	_ =	strace $0x9000004B  }
0xb7: {  	_ =	sfence  }
0xb8: {  	s30 =	sld [smem:$0x0];
	_ =	sdelay $0x2  }
0xb9: {  	s31 =	sshll.u32 s1, $0xD;
	s1 =	sshrl.u32 s1, $0x2  }
0xba: {  	s3 =	sand.u32 $0x4000, s31;
	s1 =	sadd.s32 s1, s30  }
0xbb: {  	s0 =	sor.u32 s3, s0;
	s1 =	sshll.u32 s1, $0x11  }
0xbc: {  	s0 =	sor.u32 s1, s0  }
0xbd: {  	s0 =	sadd.s32 $0x8F2B, s0  }
0xbe: {  	[sflag:s0] =	ssyncadd.remote.s32 $0x1  }
0xbf: {  	_ =	sfence.sel $0xFFFF  }
0xc0: {  	[dreg:$0x0] =	wrdreg $0xFFFFFFFF;
	(pc) =	sbr.abs _section_cstart, $3  }
0xc1: {  	[dreg:$0x1] =	wrdreg $0xFFFFFFFF  }
0xc2: {  	_ =	task.clear_ibuf [dreg:s7], $0x2FFFF;
	_ =	strace $0x9FFFFFFF  }
0xc3: {  	(tm) =	ssettm $0x7FFFFFFF  }
tec
execute0_lowered:
.L_overlay_start_1:
0x0: {  	(tag) =	ssettag $0x1  }
0x1: {  	s1 =	rddreg [dreg:$0x0]  }
0x2: {  	s0 =	srdreg.scid;
	s2 =	rddreg [dreg:$0x1]  }
0x3: {  	s11 =	stileid.u32;
	s3 =	rddreg [dreg:$0x2];
	s4 =	simm.s32 $0x0  }
0x4: {  	s28 =	simm.s32 $0xD;
	s0 =	sand.u32 $0x1, s0;
	s5 =	smul.u32 $0x13880, s11  }
0x5: {  	[smem:$0x7FF] =	sst s4;
	s7 =	smul.u32 $0x4E200, s11;
	s8 =	sadd.s32 $0x4600, s2  }
0x6: {  	s6 =	smul.u32 $0x138800, s0;
	_ =	strace $0x8000004A;
	s23 =	ssub.s32 $0x2, s0  }
0x7: {  	s10 =	sshll.u32 s0, $0x4;
	s16 =	smul.u32 $0x27100, s0;
	p0 =	sne.s32 s0, $0x0  }
0x8: {  	s9 =	sshrl.u32 s23, $0x1;
	s7 =	sshrl.u32 s7, $0x2;
	s24 =	sor.u32 s11, s10  }
0x9: {  	s17 =	sshrl.u32 s5, $0x3;
	s11 =	smul.u32 $0x2710, s11;
	s25 =	sadd.s32 s7, s3  }
0xa: {  	s6 =	sadd.s32 s5, s6;
	s5 =	sadd.s32 s5, s3;
	[dreg:$0x4] =	wrdreg s25  }
0xb: {  	s10 =	simm.s32 $0x13B00;
	s18 =	sadd.s32 s1, s17;
	[dreg:$0xc] =	wrdreg s5  }
0xc: {  	s26 =	smul.u32 $0x2710, s24;
	s29 =	sadd.s32 $0x2800, s25;
	[dreg:$0xd] =	wrdreg s18  }
0xd: {  	s17 =	simm.s32 $0x18B00;
	s30 =	sadd.s32 $0x5000, s25;
	[dreg:$0x5] =	wrdreg s29  }
0xe: {  	s6 =	sshrl.u32 s6, $0x3;
	s31 =	sadd.s32 $0x7800, s25;
	[dreg:$0x6] =	wrdreg s30  }
0xf: {  	s12 =	sadd.s32 $0xA000, s25;
	s13 =	sadd.s32 $0xC800, s25;
	[dreg:$0x7] =	wrdreg s31  }
0x10: {  	s14 =	sadd.s32 $0xF000, s25;
	s15 =	sadd.s32 $0x11800, s25;
	[dreg:$0x8] =	wrdreg s12  }
0x11: {  	s22 =	sadd.s32 s11, s16;
	s11 =	simm.s32 $0x6;
	[dreg:$0x9] =	wrdreg s13  }
0x12: {  	s16 =	simm.s32 $0x13AB0;
	s18 =	simm.s32 $0xC;
	[dreg:$0xa] =	wrdreg s14  }
0x13: {  	s2 =	sadd.s32 s6, s2;
	s6 =	ssub.s32 s23, s9;
	[dreg:$0xb] =	wrdreg s15  }
0x14: {  	s7 =	sshrl.u32 s26, $0x3;
	s23 =	sadd.s32 $0x140, s22;
	s29 =	sadd.s32 $0x18000, s2  }
0x15: {  	s5 =	sadd.s32 $0x4E340, s22;
	s30 =	smax.u32 s6, $0x1;
	[dreg:$0x15] =	wrdreg s29  }
0x16: {  	s13 =	simm.s32 $0x139C0;
	s19 =	sadd.s32 s8, s7;
	[dreg:$0x16] =	wrdreg s30  }
0x17: {  	s15 =	simm.s32 $0x13A60;
	s20 =	sadd.s32 $0x9C40, s19;
	[dreg:$0xe] =	wrdreg s19  }
0x18: {  	s9 =	simm.s32 $0x50;
	s21 =	sadd.s32 $0xA, s19;
	[dreg:$0xf] =	wrdreg s20  }
0x19: {  	s14 =	simm.s32 $0x1;
	s7 =	sadd.s32 $0x9C4A, s19;
	[dreg:$0x10] =	wrdreg s21  }
0x1a: {  	s12 =	simm.s32 $0x7;
	s24 =	sadd.s32 $0x14, s19;
	[dreg:$0x11] =	wrdreg s7  }
0x1b: {  	s22 =	simm.s32 $0x0;
	s25 =	sadd.s32 $0x9C54, s19;
	[dreg:$0x12] =	wrdreg s24  }
0x1c: {  	s5 =	sshrl.u32 s5, $0x3;
	s26 =	sadd.s32 $0x1E, s19;
	[dreg:$0x13] =	wrdreg s25  }
0x1d: {  	s31 =	sadd.s32 $0x9C5E, s19;
	s19 =	simm.s32 $0x9;
	[dreg:$0x14] =	wrdreg s26  }
0x1e: {  	s7 =	sshrl.u32 s23, $0x3;
	s21 =	sadd.s32 s5, s8;
	[dreg:$0x17] =	wrdreg s31  }
0x1f: {  	v0 =	vimm.f32 $0.0e+00;
	s5 =	simm.s32 $0x13880;
	s20 =	sadd.s32 s7, s8;
	s8 =	simm.s32 $0x5  }
.LBB2_1:
.Ltmp0:
0x20: {  	(pc) =	sbr.rel @p0 .LBB2_3-.Ltmp0, $4  }
0x21: {  	_ = 	snop  }
0x22: {  	s0 =	stileid.u32  }
0x23: {  	s2 =	rddreg [dreg:$0xc];
	s0 =	sshll.u32 s0, $0x6  }
0x24: {  	s23 =	sshrl.u32 s2, $0x3;
	s24 =	sor.u32 $0x1C0D, s0  }
.Ltmp1:
0x25: {  	s0 =	rddreg [dreg:$0xd];
	(pc) =	sbr.rel .LBB2_6-.Ltmp1, $4  }
0x26: {  	[spmem:s23], [sflag:s24] =	dma.local [hbm:s0], $0x2710  }
0x27: {  	_ =	swait.ge [sflag:s28], $0x2710  }
0x28: {  	[sflag:s28] =	ssyncset.done $0x0  }
0x29: {  	[sflag:s28] =	ssyncadd.s32 $0xFFFFD8F0  }
.LBB2_3:
0x2a: {  	s0 =	sand.u32 $0xFE00, s4  }
0x2b: {  	s2 =	sand.u32 $0x70, s4;
	s6 =	sshrl.u32 s0, $0x2  }
0x2c: {  	s0 =	simm.s32 $0x40;
	s6 =	sor.u32 s2, s6;
	s2 =	simm.s32 $0x0  }
.LBB2_4:
0x2d: {  	p1 =	sne.s32 s0, $0x9FC0  }
0x2e: {  	[tilespmem:s6+$0x13B00] =	vst v0;
	s2 =	sadd.s32 $0x10, s2;
	s6 =	smov.u32 s0;
	s0 =	sadd.s32 $0x40, s0  }
.Ltmp2:
0x2f: {  	(pc) =	sbr.rel @p1 .LBB2_4-.Ltmp2, $4  }
0x30: {  	_ = 	snop  }
0x31: {  	s6 =	sand.u32 $0xFE00, s6  }
0x32: {  	s7 =	sand.u32 $0x70, s2;
	s6 =	sshrl.u32 s6, $0x2  }
0x33: {  	s6 =	sor.u32 s7, s6  }
0x34: {  	[tilespmem:s6+$0x13B00] =	vst v0;
	s0 =	rddreg [dreg:$0x4]  }
0x35: {  	[spmem:s0] =	stream.linear.scatter [tilespmem:s10], [sflag:$0xD], $0x2800, $0x38;
	[tilespmem:$0x1DB00] =	vst v63  }
0x36: {  	_ =	swait.ge [sflag:s28], $0x2800  }
0x37: {  	[sflag:s28] =	ssyncset.done $0x0  }
0x38: {  	s6 =	rddreg [dreg:$0x5];
	[sflag:s28] =	ssyncadd.s32 $0xFFFFD800  }
0x39: {  	[spmem:s6] =	stream.linear.scatter [tilespmem:s10], [sflag:$0xD], $0x2800, $0x38;
	[tilespmem:$0x1DB00] =	vst v63  }
0x3a: {  	_ =	swait.ge [sflag:s28], $0x2800  }
0x3b: {  	[sflag:s28] =	ssyncset.done $0x0  }
0x3c: {  	s7 =	rddreg [dreg:$0x6];
	[sflag:s28] =	ssyncadd.s32 $0xFFFFD800  }
0x3d: {  	[spmem:s7] =	stream.linear.scatter [tilespmem:s10], [sflag:$0xD], $0x2800, $0x38;
	[tilespmem:$0x1DB00] =	vst v63  }
0x3e: {  	_ =	swait.ge [sflag:s28], $0x2800  }
0x3f: {  	[sflag:s28] =	ssyncset.done $0x0  }
0x40: {  	s25 =	rddreg [dreg:$0x7];
	[sflag:s28] =	ssyncadd.s32 $0xFFFFD800  }
0x41: {  	[spmem:s25] =	stream.linear.scatter [tilespmem:s10], [sflag:$0xD], $0x2800, $0x38;
	[tilespmem:$0x1DB00] =	vst v63  }
0x42: {  	_ =	swait.ge [sflag:s28], $0x2800  }
0x43: {  	[sflag:s28] =	ssyncset.done $0x0  }
0x44: {  	s26 =	rddreg [dreg:$0x8];
	[sflag:s28] =	ssyncadd.s32 $0xFFFFD800  }
0x45: {  	[spmem:s26] =	stream.linear.scatter [tilespmem:s10], [sflag:$0xD], $0x2800, $0x38;
	[tilespmem:$0x1DB00] =	vst v63  }
0x46: {  	_ =	swait.ge [sflag:s28], $0x2800  }
0x47: {  	[sflag:s28] =	ssyncset.done $0x0  }
0x48: {  	s29 =	rddreg [dreg:$0x9];
	[sflag:s28] =	ssyncadd.s32 $0xFFFFD800  }
0x49: {  	[spmem:s29] =	stream.linear.scatter [tilespmem:s10], [sflag:$0xD], $0x2800, $0x38;
	[tilespmem:$0x1DB00] =	vst v63  }
0x4a: {  	_ =	swait.ge [sflag:s28], $0x2800  }
0x4b: {  	[sflag:s28] =	ssyncset.done $0x0  }
0x4c: {  	s30 =	rddreg [dreg:$0xa];
	[sflag:s28] =	ssyncadd.s32 $0xFFFFD800  }
0x4d: {  	[spmem:s30] =	stream.linear.scatter [tilespmem:s10], [sflag:$0xD], $0x2800, $0x38;
	[tilespmem:$0x1DB00] =	vst v63  }
0x4e: {  	_ =	swait.ge [sflag:s28], $0x2800  }
0x4f: {  	[sflag:s28] =	ssyncset.done $0x0  }
0x50: {  	s31 =	rddreg [dreg:$0xb];
	[sflag:s28] =	ssyncadd.s32 $0xFFFFD800  }
0x51: {  	[spmem:s31] =	stream.linear.scatter [tilespmem:s10], [sflag:$0xD], $0x2080, $0x38;
	[tilespmem:$0x1DB00] =	vst v63  }
0x52: {  	_ =	swait.ge [sflag:s28], $0x2080  }
0x53: {  	[sflag:s28] =	ssyncset.done $0x0  }
0x54: {  	[sflag:s28] =	ssyncadd.s32 $0xFFFFDF80  }
.LBB2_6:
0x55: {  	[bflag:$0x0] =	sbarrier.arrive $0xFFFF  }
0x56: {  	s0 =	rddreg [dreg:$0xe]  }
0x57: {  	[tilespmem:s5], [sflag:$0x5] =	stream.linear.gather [hbm4b:s0+s4], $0x50, $0x38;
	[tilespmem:$0x1DB00] =	vst v63  }
0x58: {  	s2 =	rddreg [dreg:$0xf]  }
0x59: {  	[tilespmem:s13], [sflag:$0x5] =	stream.linear.gather [hbm4b:s2+s4], $0x50, $0x38;
	[tilespmem:$0x1DB00] =	vst v63  }
0x5a: {  	s6 =	rddreg [dreg:$0x10];
	s2 =	simm.s32 $0x138D0  }
0x5b: {  	[tilespmem:s2], [sflag:$0x6] =	stream.linear.gather [hbm4b:s6+s4], $0x50, $0x38;
	[tilespmem:$0x1DB00] =	vst v63  }
0x5c: {  	s7 =	rddreg [dreg:$0x11];
	s6 =	simm.s32 $0x13A10  }
0x5d: {  	[tilespmem:s6], [sflag:$0x6] =	stream.linear.gather [hbm4b:s7+s4], $0x50, $0x38;
	[tilespmem:$0x1DB00] =	vst v63  }
0x5e: {  	s26 =	simm.s32 $0x13920;
	s25 =	rddreg [dreg:$0x12]  }
0x5f: {  	[tilespmem:s26], [sflag:$0x7] =	stream.linear.gather [hbm4b:s25+s4], $0x50, $0x38;
	[tilespmem:$0x1DB00] =	vst v63  }
0x60: {  	s30 =	rddreg [dreg:$0x13]  }
0x61: {  	[tilespmem:s15], [sflag:$0x7] =	stream.linear.gather [hbm4b:s30+s4], $0x50, $0x38;
	[tilespmem:$0x1DB00] =	vst v63  }
0x62: {  	_ =	swait.ge [sflag:s8], $0x50  }
0x63: {  	[sflag:s8] =	ssyncset.done $0x0  }
0x64: {  	[sflag:s8] =	ssyncadd.s32 $0xFFFFFFB0  }
0x65: {  	_ =	swait.ge [sflag:s8], $0x50  }
0x66: {  	[sflag:s8] =	ssyncset.done $0x0  }
0x67: {  	[sflag:s8] =	ssyncadd.s32 $0xFFFFFFB0  }
0x68: {  	[tilespmem:s10], [sflag:$0x1] =	stream.indirect.gather [hbm4b:s1+s9], $0x80, s5, s9, $0xb8;
	[tilespmem:$0x1DB00] =	vst v63  }
0x69: {  	_ =	swait.ge [sflag:s11], $0x50  }
0x6a: {  	[sflag:s11] =	ssyncset.done $0x0  }
0x6b: {  	[sflag:s11] =	ssyncadd.s32 $0xFFFFFFB0  }
0x6c: {  	_ =	swait.ge [sflag:s11], $0x50  }
0x6d: {  	[sflag:s11] =	ssyncset.done $0x0  }
0x6e: {  	s5 =	simm.s32 $0x16300;
	[sflag:s11] =	ssyncadd.s32 $0xFFFFFFB0  }
0x6f: {  	[tilespmem:s5], [sflag:$0x2] =	stream.indirect.gather [hbm4b:s1+s9], $0x80, s2, s9, $0xb8;
	[tilespmem:$0x1DB00] =	vst v63  }
0x70: {  	_ =	swait.ge [sflag:s14], $0x2800  }
0x71: {  	[sflag:s14] =	ssyncset.done $0x0  }
0x72: {  	[sflag:s14] =	ssyncadd.s32 $0xFFFFD800  }
0x73: {  	[spmem:s3] =	stream.indirect.scatter.add.f32 [tilespmem:s10], [sflag:$0x9], $0x80, s13, s9, $0xb8;
	[tilespmem:$0x1DB00] =	vst v63  }
0x74: {  	s7 =	rddreg [dreg:$0x14];
	s13 =	simm.s32 $0x13970  }
0x75: {  	[tilespmem:s13], [sflag:$0x8] =	stream.linear.gather [hbm4b:s7+s4], $0x50, $0x38;
	[tilespmem:$0x1DB00] =	vst v63  }
0x76: {  	s15 =	rddreg [dreg:$0x17]  }
0x77: {  	[tilespmem:s16], [sflag:$0x8] =	stream.linear.gather [hbm4b:s15+s4], $0x50, $0x38;
	[tilespmem:$0x1DB00] =	vst v63  }
0x78: {  	_ =	swait.ge [sflag:s12], $0x50  }
0x79: {  	[sflag:s12] =	ssyncset.done $0x0  }
0x7a: {  	[sflag:s12] =	ssyncadd.s32 $0xFFFFFFB0  }
0x7b: {  	_ =	swait.ge [sflag:s12], $0x50  }
0x7c: {  	[sflag:s12] =	ssyncset.done $0x0  }
0x7d: {  	[sflag:s12] =	ssyncadd.s32 $0xFFFFFFB0  }
0x7e: {  	[tilespmem:s17], [sflag:$0x3] =	stream.indirect.gather [hbm4b:s1+s9], $0x80, s26, s9, $0xb8;
	[tilespmem:$0x1DB00] =	vst v63  }
0x7f: {  	s17 =	simm.s32 $0x1  }
0x80: {  	s0 =	sand.u32 $0x3, s17  }
0x81: {  	s25 =	simm.s32 $0x4;
	s26 =	smul.u32 $0xA000, s0  }
0x82: {  	s2 =	sand.u32 $0x3, s25;
	s7 =	sadd.s32 $0x1, s0;
	s30 =	smul.u32 $0x140, s0  }
0x83: {  	s25 =	sadd.s32 $0x9, s2;
	s13 =	sadd.s32 $0x9, s0;
	_ =	swait.ge [sflag:s7], $0x2800  }
0x84: {  	s6 =	sshrl.u32 s26, $0x2;
	[sflag:s7] =	ssyncset.done $0x0;
	s15 =	sshrl.u32 s30, $0x2  }
0x85: {  	s6 =	sadd.s32 $0x13B00, s6;
	[sflag:s7] =	ssyncadd.s32 $0xFFFFD800;
	s5 =	sadd.s32 $0x139C0, s15  }
0x86: {  	[spmem:s3] =	stream.indirect.scatter.add.f32 [tilespmem:s6], [sflag:s13], $0x80, s5, s9, $0xb8;
	[tilespmem:$0x1DB00] =	vst v63  }
0x87: {  	s16 =	sxor.u32 $0x2, s0;
	s15 =	smul.u32 $0x50, s2;
	_ =	swait.ge [sflag:s25], $0x2800  }
0x88: {  	s31 =	sadd.s32 $0xA, s21;
	s17 =	smul.u32 $0x140, s16;
	[sflag:s25] =	ssyncset.done $0x0  }
0x89: {  	s2 =	sadd.s32 $0x5, s2;
	[sflag:s25] =	ssyncadd.s32 $0xFFFFD800;
	s25 =	sadd.s32 $0x13880, s15  }
0x8a: {  	[tilespmem:s25], [sflag:s2] =	stream.linear.gather [hbm4b:s20+s4], $0x50, $0x38;
	[tilespmem:$0x1DB00] =	vst v63  }
0x8b: {  	s0 =	sadd.s32 $0x5, s16;
	s30 =	smul.u32 $0xA000, s16;
	s6 =	sadd.s32 $0x139C0, s15  }
0x8c: {  	[tilespmem:s6], [sflag:s2] =	stream.linear.gather [hbm4b:s21+s4], $0x50, $0x38;
	[tilespmem:$0x1DB00] =	vst v63  }
0x8d: {  	s26 =	simm.s32 $0x5;
	s29 =	sshrl.u32 s30, $0x2;
	_ =	swait.ge [sflag:s0], $0x50  }
0x8e: {  	s7 =	sand.u32 $0x3, s26;
	s29 =	sadd.s32 $0x13B00, s29;
	[sflag:s0] =	ssyncset.done $0x0  }
0x8f: {  	s15 =	sadd.s32 $0x1, s16;
	s25 =	sadd.s32 $0xA, s20;
	[sflag:s0] =	ssyncadd.s32 $0xFFFFFFB0  }
0x90: {  	s2 =	sshrl.u32 s17, $0x2;
	s6 =	simm.s32 $0x6;
	_ =	swait.ge [sflag:s0], $0x50  }
.LBB2_7:
0x91: {  	s30 =	sadd.s32 $0xFFFFFFFD, s26  }
0x92: {  	s5 =	sadd.s32 $0x9, s7;
	s13 =	smul.u32 $0x50, s7;
	s26 =	smov.u32 s6  }
0x93: {  	s2 =	sadd.s32 $0x13880, s2;
	s30 =	sand.u32 $0x3, s30;
	[sflag:s0] =	ssyncset.done $0x0  }
0x94: {  	s16 =	sadd.s32 $0x1, s30;
	s17 =	smul.u32 $0xA000, s30;
	[sflag:s0] =	ssyncadd.s32 $0xFFFFFFB0  }
0x95: {  	[tilespmem:s29], [sflag:s15] =	stream.indirect.gather [hbm4b:s1+s9], $0x80, s2, s9, $0xb8;
	[tilespmem:$0x1DB00] =	vst v63  }
0x96: {  	s15 =	sxor.u32 $0x2, s30;
	s2 =	smul.u32 $0x140, s30;
	s0 =	sshrl.u32 s17, $0x2  }
0x97: {  	s17 =	smul.u32 $0x140, s15;
	s0 =	sadd.s32 $0x13B00, s0;
	_ =	swait.ge [sflag:s16], $0x2800  }
0x98: {  	s29 =	smul.u32 $0xA000, s15;
	s2 =	sshrl.u32 s2, $0x2;
	[sflag:s16] =	ssyncset.done $0x0  }
0x99: {  	s2 =	sadd.s32 $0x139C0, s2;
	[sflag:s16] =	ssyncadd.s32 $0xFFFFD800;
	s16 =	sadd.s32 $0x9, s30  }
0x9a: {  	[spmem:s3] =	stream.indirect.scatter.add.f32 [tilespmem:s0], [sflag:s16], $0x80, s2, s9, $0xb8;
	[tilespmem:$0x1DB00] =	vst v63  }
0x9b: {  	s2 =	sshrl.u32 s17, $0x2;
	s16 =	sshrl.u32 s29, $0x2;
	_ =	swait.ge [sflag:s5], $0x2800  }
0x9c: {  	p1 =	sne.s32 s6, $0x7C;
	s6 =	sadd.s32 $0x1, s6;
	[sflag:s5] =	ssyncset.done $0x0  }
0x9d: {  	s0 =	sadd.s32 $0x13880, s13;
	[sflag:s5] =	ssyncadd.s32 $0xFFFFD800;
	s5 =	sadd.s32 $0x5, s7  }
0x9e: {  	[tilespmem:s0], [sflag:s5] =	stream.linear.gather [hbm4b:s25+s4], $0x50, $0x38;
	[tilespmem:$0x1DB00] =	vst v63  }
0x9f: {  	s7 =	sadd.s32 $0x139C0, s13;
	s0 =	sadd.s32 $0x5, s15  }
0xa0: {  	[tilespmem:s7], [sflag:s5] =	stream.linear.gather [hbm4b:s31+s4], $0x50, $0x38;
	[tilespmem:$0x1DB00] =	vst v63  }
.Ltmp3:
0xa1: {  	_ = 	snop;
	(pc) =	sbr.rel @p1 .LBB2_7-.Ltmp3, $4  }
0xa2: {  	_ =	swait.ge [sflag:s0], $0x50  }
0xa3: {  	s31 =	sadd.s32 $0xA, s31;
	[sflag:s0] =	ssyncset.done $0x0  }
0xa4: {  	s15 =	sadd.s32 $0x1, s15;
	s25 =	sadd.s32 $0xA, s25;
	[sflag:s0] =	ssyncadd.s32 $0xFFFFFFB0  }
0xa5: {  	s29 =	sadd.s32 $0x13B00, s16;
	s7 =	sand.u32 $0x3, s26;
	_ =	swait.ge [sflag:s0], $0x50  }
0xa6: {  	s5 =	sadd.s32 $0xFFFFFFFD, s26;
	[sflag:s0] =	ssyncset.done $0x0  }
0xa7: {  	s2 =	sadd.s32 $0x13880, s2;
	[sflag:s0] =	ssyncadd.s32 $0xFFFFFFB0;
	s0 =	sand.u32 $0x3, s5  }
0xa8: {  	[tilespmem:s29], [sflag:s15] =	stream.indirect.gather [hbm4b:s1+s9], $0x80, s2, s9, $0xb8;
	[tilespmem:$0x1DB00] =	vst v63  }
0xa9: {  	s30 =	smul.u32 $0xA000, s0  }
0xaa: {  	s5 =	sadd.s32 $0x1, s0;
	s6 =	smul.u32 $0x140, s0  }
0xab: {  	s13 =	sadd.s32 $0x9, s0;
	s15 =	sadd.s32 $0x9, s7;
	_ =	swait.ge [sflag:s5], $0x2800  }
0xac: {  	s2 =	sshrl.u32 s30, $0x2;
	[sflag:s5] =	ssyncset.done $0x0;
	s6 =	sshrl.u32 s6, $0x2  }
0xad: {  	s2 =	sadd.s32 $0x13B00, s2;
	[sflag:s5] =	ssyncadd.s32 $0xFFFFD800;
	s6 =	sadd.s32 $0x139C0, s6  }
0xae: {  	[spmem:s3] =	stream.indirect.scatter.add.f32 [tilespmem:s2], [sflag:s13], $0x80, s6, s9, $0xb8;
	[tilespmem:$0x1DB00] =	vst v63  }
0xaf: {  	s16 =	smul.u32 $0x50, s7;
	_ =	swait.ge [sflag:s15], $0x2800  }
0xb0: {  	s17 =	sadd.s32 $0x5, s7;
	[sflag:s15] =	ssyncset.done $0x0  }
0xb1: {  	s26 =	sadd.s32 $0x13880, s16;
	s0 =	sxor.u32 $0x2, s0;
	[sflag:s15] =	ssyncadd.s32 $0xFFFFD800  }
0xb2: {  	[tilespmem:s26], [sflag:s17] =	stream.linear.gather [hbm4b:s25+s4], $0x50, $0x38;
	[tilespmem:$0x1DB00] =	vst v63  }
0xb3: {  	s29 =	sadd.s32 $0x5, s0;
	s5 =	sadd.s32 $0x139C0, s16  }
0xb4: {  	[tilespmem:s5], [sflag:s17] =	stream.linear.gather [hbm4b:s31+s4], $0x50, $0x38;
	[tilespmem:$0x1DB00] =	vst v63  }
0xb5: {  	s30 =	smul.u32 $0x140, s0;
	_ =	swait.ge [sflag:s29], $0x50  }
0xb6: {  	[sflag:s29] =	ssyncset.done $0x0  }
0xb7: {  	s7 =	sshrl.u32 s30, $0x2;
	s31 =	smul.u32 $0xA000, s0;
	[sflag:s29] =	ssyncadd.s32 $0xFFFFFFB0  }
0xb8: {  	s2 =	sadd.s32 $0x13880, s7;
	_ =	swait.ge [sflag:s29], $0x50  }
0xb9: {  	s15 =	simm.s32 $0x3;
	s13 =	sshrl.u32 s31, $0x2;
	[sflag:s29] =	ssyncset.done $0x0  }
0xba: {  	s0 =	sadd.s32 $0x1, s0;
	s5 =	sadd.s32 $0x13B00, s13;
	[sflag:s29] =	ssyncadd.s32 $0xFFFFFFB0  }
0xbb: {  	[tilespmem:s5], [sflag:s0] =	stream.indirect.gather [hbm4b:s1+s9], $0x80, s2, s9, $0xb8;
	[tilespmem:$0x1DB00] =	vst v63  }
0xbc: {  	_ =	swait.ge [sflag:s15], $0x2800  }
0xbd: {  	[sflag:s15] =	ssyncset.done $0x0  }
0xbe: {  	s17 =	simm.s32 $0x18B00;
	[sflag:s15] =	ssyncadd.s32 $0xFFFFD800;
	s15 =	simm.s32 $0x13A60  }
0xbf: {  	[spmem:s3] =	stream.indirect.scatter.add.f32 [tilespmem:s17], [sflag:$0xB], $0x80, s15, s9, $0xb8;
	[tilespmem:$0x1DB00] =	vst v63  }
0xc0: {  	_ =	swait.ge [sflag:s8], $0x50  }
0xc1: {  	[sflag:s8] =	ssyncset.done $0x0  }
0xc2: {  	[sflag:s8] =	ssyncadd.s32 $0xFFFFFFB0  }
0xc3: {  	_ =	swait.ge [sflag:s8], $0x50  }
0xc4: {  	[sflag:s8] =	ssyncset.done $0x0  }
0xc5: {  	s16 =	simm.s32 $0x4;
	s5 =	simm.s32 $0x13880;
	[sflag:s8] =	ssyncadd.s32 $0xFFFFFFB0  }
0xc6: {  	[tilespmem:s10], [sflag:$0x1] =	stream.indirect.gather [hbm4b:s1+s9], $0x80, s5, s9, $0xb8;
	[tilespmem:$0x1DB00] =	vst v63  }
0xc7: {  	_ =	swait.ge [sflag:s16], $0x2800  }
0xc8: {  	[sflag:s16] =	ssyncset.done $0x0  }
0xc9: {  	s25 =	simm.s32 $0x1B300;
	[sflag:s16] =	ssyncadd.s32 $0xFFFFD800;
	s16 =	simm.s32 $0x13AB0  }
0xca: {  	[spmem:s3] =	stream.indirect.scatter.add.f32 [tilespmem:s25], [sflag:$0xC], $0x80, s16, s9, $0xb8;
	[tilespmem:$0x1DB00] =	vst v63  }
0xcb: {  	_ =	swait.ge [sflag:s14], $0x2800  }
0xcc: {  	[sflag:s14] =	ssyncset.done $0x0  }
0xcd: {  	s26 =	simm.s32 $0xA;
	s13 =	simm.s32 $0x139C0;
	[sflag:s14] =	ssyncadd.s32 $0xFFFFD800  }
0xce: {  	[spmem:s3] =	stream.indirect.scatter.add.f32 [tilespmem:s10], [sflag:$0x9], $0x80, s13, s9, $0xb8;
	[tilespmem:$0x1DB00] =	vst v63  }
0xcf: {  	_ =	swait.ge [sflag:s26], $0x2800  }
0xd0: {  	[sflag:s26] =	ssyncset.done $0x0  }
0xd1: {  	s29 =	simm.s32 $0xB;
	[sflag:s26] =	ssyncadd.s32 $0xFFFFD800  }
0xd2: {  	_ =	swait.ge [sflag:s29], $0x2800  }
0xd3: {  	[sflag:s29] =	ssyncset.done $0x0  }
0xd4: {  	[sflag:s29] =	ssyncadd.s32 $0xFFFFD800  }
0xd5: {  	_ =	swait.ge [sflag:s18], $0x2800  }
0xd6: {  	[sflag:s18] =	ssyncset.done $0x0  }
0xd7: {  	[sflag:s18] =	ssyncadd.s32 $0xFFFFD800  }
0xd8: {  	_ =	swait.ge [sflag:s19], $0x2800  }
0xd9: {  	[sflag:s19] =	ssyncset.done $0x0  }
0xda: {  	[sflag:s19] =	ssyncadd.s32 $0xFFFFD800  }
0xdb: {  	[bflag:$0x0] =	sbarrier.arrive $0xFFFF  }
0xdc: {  	s30 =	rddreg [dreg:$0x15]  }
0xdd: {  	[hbm:s30], [sflag:s24] =	dma.local [spmem:s23], $0x2710  }
0xde: {  	_ =	swait.ge [sflag:s28], $0x2710  }
0xdf: {  	s22 =	sadd.s32 $0x1, s22;
	s31 =	rddreg [dreg:$0x16]  }
0xe0: {  	p1 =	sne.s32 s22, s31  }
.Ltmp4:
0xe1: {  	_ = 	snop;
	(pc) =	sbr.rel @p1 .LBB2_1-.Ltmp4, $3  }
0xe2: {  	_ =	sdelay $0x1  }
0xe3: {  	[sflag:s28] =	ssyncset.done $0x0  }
0xe4: {  	[sflag:s28] =	ssyncadd.s32 $0xFFFFD8F0  }
0xe5: {  	_ =	sfence.sel $0x180000  }
0xe6: {  	[bflag:$0x0] =	sbarrier.arrive $0xFFFF  }
0xe7: {  	_ =	strace $0x9000004A  }
0xe8: {  	s0 =	stileid.u32;
	[bflag:$0x2] =	sbarrier.arrive $0xFFFF  }
0xe9: {  	p0 =	sne.s32 s0, $0x0;
	s0 =	rddreg [dreg:$0x3]  }
0xea: {  	s0 =	sadd.s32 @!p0 $0x100000, s0  }
0xeb: {  	[sflag:s0] =	ssyncadd.tile.s32 @!p0 $0x1;
	_ =	shalt  }
.Lfunc_end2:
_tile_overlayer_lowered:
.L_overlay_start_2:
0xec: {  	(tag) =	ssettag $0x2  }
0xed: {  	s0 =	rddreg [dreg:$0x0];
	s2 =	stileid.u32  }
0xee: {  	s1 =	rddreg [dreg:$0x1];
	p0 =	sne.s32 s2, $0x0  }
0xef: {  	s3 =	rddreg [dreg:$0x2];
	[bflag:$0x3] =	sbarrier.arrive $0xFFFF;
	s2 =	simm.s32 @!p0 $0x1C0D  }
0xf0: {  	[timem:s3], [sflag:s2] =	dma.local @!p0 [hbm:s0], s1  }
0xf1: {  	s0 =	simm.s32 @!p0 $0xD  }
0xf2: {  	_ =	swait.ge @!p0 [sflag:s0], s1  }
0xf3: {  	s1 =	ssub.s32 @!p0 $0x0, s1;
	[sflag:s0] =	ssyncset.done @!p0 $0x0  }
0xf4: {  	[sflag:s0] =	ssyncadd.s32 @!p0 s1  }
0xf5: {  	[bflag:$0x3] =	sbarrier.arrive $0xFFFF  }
0xf6: {  	_ =	shalt  }

// kernel: kernel.14.cloned.1.call-start
scs
__scs_entry_jumppad:
0x0: {  	(pc) =	sbr.rel $0x88, $3  }
0x1: {  	(tag) =	ssettag $0x0;
	lr =	simm.s32 $0x1  }
0x2: {  	[smem:$0x3F87] =	sst lr;
	_ =	strace $0xD0000000  }
0x3: {  	_ = 	snop  }
0x4: {  	_ = 	snop  }
0x5: {  	_ = 	snop  }
0x6: {  	_ = 	snop  }
0x7: {  	_ = 	snop  }
__scs_overlays_trampoline_lowered:
0x8: {  	[smem:$0x3F96] =	sst s0  }
0x9: {  	[smem:$0x3F97] =	sst s1  }
0xa: {  	[smem:$0x3F98] =	sst s2  }
0xb: {  	[smem:$0x3F99] =	sst s3  }
0xc: {  	[smem:$0x3F9A] =	sst s4  }
0xd: {  	[smem:$0x3F9B] =	sst s5  }
0xe: {  	[smem:$0x3F9C] =	sst s6  }
0xf: {  	[smem:$0x3F9D] =	sst s7  }
0x10: {  	[smem:$0x3F9E] =	sst s8  }
0x11: {  	[smem:$0x3F9F] =	sst s9;
	s0 =	simm.s32 @!p0 $0x0  }
0x12: {  	s1 =	sld [smem:$0x3F85];
	s0 =	simm.s32 @p0 $0x1  }
0x13: {  	[smem:$0x3FA0] =	sst s0;
	s0 =	simm.s32 @!p1 $0x0  }
0x14: {  	s2 =	sld [smem:$0x3F84];
	s0 =	simm.s32 @p1 $0x1  }
0x15: {  	[smem:$0x3FA1] =	sst s0;
	s0 =	simm.s32 @!p2 $0x0  }
0x16: {  	s3 =	sld [smem:$0x3FDB];
	s0 =	simm.s32 @p2 $0x1  }
0x17: {  	s4 =	simm.s32 $0x1BF5;
	[smem:$0x3FA3] =	sst s0  }
0x18: {  	s0 =	sld [smem:$0x3F86];
	_ =	swait.ge [sflag:s4], $0x0  }
0x19: {  	s7 =	sld [smem:$0x3F87]  }
0x1a: {  	s8 =	sadd.s32 $0xFFFFE003, lr  }
0x1b: {  	s9 =	sadd.s32 $0xFFFFFEF7, lr;
	s5 =	simm.s32 $0xFFFFFFFF;
	p2 =	slt.u32 s8, $0xFFFFF086  }
0x1c: {  	p1 =	slt.u32 s9, $0xF7A;
	s5 =	simm.s32 @!p2 $0x0  }
0x1d: {  	s5 =	simm.s32 @p1 $0x1;
	p0 =	seq.s32 s7, s2  }
0x1e: {  	s7 =	smul.u32 @!p0 $0xF7A, s2;
	p2 =	seq.s32 @!p0 s5, $0x0  }
0x1f: {  	s9 =	smul.u32 $0xF7A, s1;
	s8 =	simm.s32 @!p0 $0x1BF5;
	p2 =	por !p2, p0  }
0x20: {  	[sflag:s8] =	ssyncset.s32 @!p0 $0xFFFFF086;
	s6 =	sadd.s32 @!p0 s3, s7;
	s7 =	simm.s32 @!p0 $0x108  }
0x21: {  	s3 =	sadd.s32 s3, s9;
	s6 =	sadd.s32 @!p0 $0x88, s6;
	s7 =	simm.s32 @p2 $0x1082  }
0x22: {  	[simem:s7], [sflag:s8] =	dma.local @!p0 [hbm:s6], $0xF7A  }
0x23: {  	s9 =	sor.u32 $0xD0000000, s2;
	s6 =	simm.s32 $0x108;
	_ =	swait.ge @!p0 [sflag:s8], $0x0  }
0x24: {  	s3 =	sadd.s32 $0x88, s3;
	s6 =	simm.s32 @!p1 $0x1082;
	[sflag:s4] =	ssyncset.s32 $0xFFFFF086  }
0x25: {  	[simem:s6], [sflag:s4] =	dma.local [hbm:s3], $0xF7A  }
0x26: {  	[smem:$0x3F87] =	sst s1;
	(tag) =	ssettag s2;
	_ =	strace s9  }
0x27: {  	s1 =	sld [smem:$0x3F97]  }
0x28: {  	s2 =	sld [smem:$0x3F98]  }
0x29: {  	s4 =	sld [smem:$0x3F9A]  }
0x2a: {  	p0 =	seq.s32 s5, $0x0;
	s5 =	sld [smem:$0x3F9B]  }
0x2b: {  	s6 =	sld [smem:$0x3F9C]  }
0x2c: {  	s7 =	sld [smem:$0x3F9D]  }
0x2d: {  	s3 =	simm.s32 $0x108;
	s8 =	sld [smem:$0x3F9E]  }
0x2e: {  	s3 =	simm.s32 @!p0 $0x1082;
	s9 =	sld [smem:$0x3F9F]  }
0x2f: {  	lr =	sadd.s32 s0, s3;
	s0 =	sld [smem:$0x3F96]  }
0x30: {  	s3 =	sld [smem:$0x3F99]  }
0x31: {  	[smem:$0x3FA2] =	sst s10  }
0x32: {  	s10 =	sld [smem:$0x3FA0];
	_ =	sdelay $0x3  }
0x33: {  	p0 =	seq.s32 s10, $0x1;
	s10 =	sld [smem:$0x3FA2];
	_ =	sdelay $0x3  }
0x34: {  	[smem:$0x3FA2] =	sst s10  }
0x35: {  	s10 =	sld [smem:$0x3FA1];
	_ =	sdelay $0x3  }
0x36: {  	p1 =	seq.s32 s10, $0x1;
	s10 =	sld [smem:$0x3FA2];
	_ =	sdelay $0x3  }
0x37: {  	[smem:$0x3FA2] =	sst s10  }
0x38: {  	s10 =	sld [smem:$0x3FA3]  }
0x39: {  	_ = 	snop;
	(pc) =	sbr.ind lr, $3  }
0x3a: {  	_ = 	snop  }
0x3b: {  	_ = 	snop  }
0x3c: {  	p2 =	seq.s32 s10, $0x1;
	s10 =	sld [smem:$0x3FA2]  }
0x3d: {  	_ =	shalt  }
0x3e: {  	_ =	shalt  }
0x3f: {  	_ =	shalt  }
0x40: {  	_ =	shalt  }
0x41: {  	_ =	shalt  }
0x42: {  	_ =	shalt  }
0x43: {  	_ =	shalt  }
0x44: {  	_ =	shalt  }
0x45: {  	_ =	shalt  }
0x46: {  	_ =	shalt  }
0x47: {  	_ =	shalt  }
0x48: {  	_ =	shalt  }
0x49: {  	_ =	shalt  }
0x4a: {  	_ =	shalt  }
0x4b: {  	_ =	shalt  }
0x4c: {  	_ =	shalt  }
0x4d: {  	_ =	shalt  }
0x4e: {  	_ =	shalt  }
0x4f: {  	_ =	shalt  }
0x50: {  	_ =	shalt  }
0x51: {  	_ =	shalt  }
0x52: {  	_ =	shalt  }
0x53: {  	_ =	shalt  }
0x54: {  	_ =	shalt  }
0x55: {  	_ =	shalt  }
0x56: {  	_ =	shalt  }
0x57: {  	_ =	shalt  }
0x58: {  	_ =	shalt  }
0x59: {  	_ =	shalt  }
0x5a: {  	_ =	shalt  }
0x5b: {  	_ =	shalt  }
0x5c: {  	_ =	shalt  }
0x5d: {  	_ =	shalt  }
0x5e: {  	_ =	shalt  }
0x5f: {  	_ =	shalt  }
0x60: {  	_ =	shalt  }
0x61: {  	_ =	shalt  }
0x62: {  	_ =	shalt  }
0x63: {  	_ =	shalt  }
0x64: {  	_ =	shalt  }
0x65: {  	_ =	shalt  }
0x66: {  	_ =	shalt  }
0x67: {  	_ =	shalt  }
0x68: {  	_ =	shalt  }
0x69: {  	_ =	shalt  }
0x6a: {  	_ =	shalt  }
0x6b: {  	_ =	shalt  }
0x6c: {  	_ =	shalt  }
0x6d: {  	_ =	shalt  }
0x6e: {  	_ =	shalt  }
0x6f: {  	_ =	shalt  }
0x70: {  	_ =	shalt  }
0x71: {  	_ =	shalt  }
0x72: {  	_ =	shalt  }
0x73: {  	_ =	shalt  }
0x74: {  	_ =	shalt  }
0x75: {  	_ =	shalt  }
0x76: {  	_ =	shalt  }
0x77: {  	_ =	shalt  }
0x78: {  	_ =	shalt  }
0x79: {  	_ =	shalt  }
0x7a: {  	_ =	shalt  }
0x7b: {  	_ =	shalt  }
0x7c: {  	_ =	shalt  }
0x7d: {  	_ =	shalt  }
0x7e: {  	_ =	shalt  }
0x7f: {  	_ =	shalt  }
0x80: {  	_ =	shalt  }
0x81: {  	_ =	shalt  }
0x82: {  	_ =	shalt  }
0x83: {  	_ =	shalt  }
0x84: {  	_ =	shalt  }
0x85: {  	_ =	shalt  }
0x86: {  	_ =	shalt  }
0x87: {  	_ =	shalt  }
.Lfunc_end0:
.L_simem_size_0:
called_computation.2_lowered:
.L_overlay_start_0:
0x88: {  	s2 =	sld [smem:$0x3FD9]  }
0x89: {  	s3 =	sld [smem:$0x3FFE];
	_ =	sdelay $0x1  }
0x8a: {  	s1 =	srdreg.scid  }
0x8b: {  	s0 =	sand.u32 $0x1, s1  }
0x8c: {  	s17 =	sshll.u32 s0, $0xA;
	s2 =	sadd.s32 s3, s2  }
0x8d: {  	s2 =	sadd.s32 s2, s17  }
0x8e: {  	[smem:$0x3FAE] =	sst s2  }
0x8f: {  	_ = 	snop  }
0x90: {  	s2 =	sld [smem:$0x3FD0];
	(tm) =	ssettm $0x1  }
0x91: {  	s18 =	sld [smem:$0x3FFB];
	_ =	sdelay $0x3  }
0x92: {  	_ =	strace s18  }
0x93: {  	s3 =	sld [smem:$0x3FFC];
	_ =	sdelay $0x3  }
0x94: {  	_ =	strace s3  }
0x95: {  	s3 =	sld [smem:$0x3FFD];
	_ =	sdelay $0x3  }
0x96: {  	_ =	strace s3  }
0x97: {  	_ =	strace $0x8FFFFFFF  }
0x98: {  	s19 =	sld [smem:$0x3FDB];
	_ =	sdelay $0x1  }
0x99: {  	s4 =	simm.s32 $_scs_section_size  }
0x9a: {  	s5 =	simm.s32 $_size__tile_overlayer_lowered;
	s6 =	simm.s32 $_tile_overlayer_lowered  }
0x9b: {  	s22 =	simm.s32 $0x1BFF;
	s21 =	sshll.u32 s6, $0x1;
	s3 =	sadd.s32 s4, s19  }
0x9c: {  	s7 =	simm.s32 $0x0;
	s20 =	sshll.u32 s5, $0x1;
	s5 =	sadd.s32 s21, s3  }
0x9d: {  	[timem:s7], [sflag:s22] =	dma.local [hbm:s5], s20  }
0x9e: {  	_ =	swait.ge [sflag:s22], s20  }
0x9f: {  	s4 =	ssub.s32 $0x0, s20;
	[sflag:s22] =	ssyncset.done $0x0  }
0xa0: {  	[sflag:s22] =	ssyncadd.s32 s4;
	_ =	sdelay $0x1  }
0xa1: {  	s23 =	simm.s32 $0x1B8B  }
0xa2: {  	_ =	swait.ge [sflag:s23], $0x1  }
0xa3: {  	[sflag:s23] =	ssyncset.done $0x0  }
0xa4: {  	s25 =	simm.s32 $0x1B8E;
	s24 =	sld [smem:$0x3FFE];
	[sflag:s23] =	ssyncadd.s32 $0xFFFFFFFF  }
0xa5: {  	s26 =	simm.s32 $execute0_lowered;
	[smem:$0x3FD2] =	sst s25  }
0xa6: {  	s5 =	sshll.u32 s26, $0x1;
	_ =	strace $0x8000004C;
	[dreg:$0x1] =	wrdreg $0xFFFFFFFF  }
0xa7: {  	s28 =	simm.s32 $_size_execute0_lowered;
	s3 =	sadd.s32 s3, s5;
	[dreg:$0x0] =	wrdreg $0x0  }
0xa8: {  	s5 =	sshll.u32 s28, $0x1;
	[dreg:$0x2] =	wrdreg s3  }
0xa9: {  	[dreg:$0x3] =	wrdreg s5  }
0xaa: {  	[dreg:$0x4] =	wrdreg $0xC0  }
0xab: {  	_ =	task [dreg:s7], $0x5FFFF  }
0xac: {  	[dreg:$0x1] =	wrdreg $0xFFFFFFFF  }
0xad: {  	[dreg:$0x0] =	wrdreg $0x60  }
0xae: {  	[dreg:$0x2] =	wrdreg s2  }
0xaf: {  	[dreg:$0x3] =	wrdreg s24  }
0xb0: {  	[dreg:$0x4] =	wrdreg $0x0  }
0xb1: {  	[dreg:$0x5] =	wrdreg $0x9  }
0xb2: {  	_ =	task.clear_ibuf [dreg:s7], $0x6FFFF;
	_ =	strace $0x9000004C  }
0xb3: {  	s29 =	simm.s32 $0x9;
	_ =	strace $0x8000004E  }
0xb4: {  	_ =	swait.ge [sflag:s29], $0x1  }
0xb5: {  	[sflag:s29] =	ssyncadd.s32 $0xFFFFFFFF  }
0xb6: {  	_ =	strace $0x9000004E  }
0xb7: {  	_ =	sfence  }
0xb8: {  	s30 =	sld [smem:$0x0];
	_ =	sdelay $0x2  }
0xb9: {  	s31 =	sshll.u32 s1, $0xD;
	s1 =	sshrl.u32 s1, $0x2  }
0xba: {  	s3 =	sand.u32 $0x4000, s31;
	s1 =	sadd.s32 s1, s30  }
0xbb: {  	s0 =	sor.u32 s3, s0;
	s1 =	sshll.u32 s1, $0x11  }
0xbc: {  	s0 =	sor.u32 s1, s0  }
0xbd: {  	s0 =	sadd.s32 $0x8F2B, s0  }
0xbe: {  	[sflag:s0] =	ssyncadd.remote.s32 $0x1  }
0xbf: {  	_ =	sfence.sel $0xFFFF  }
0xc0: {  	[dreg:$0x0] =	wrdreg $0xFFFFFFFF;
	(pc) =	sbr.abs _section_cstart, $3  }
0xc1: {  	[dreg:$0x1] =	wrdreg $0xFFFFFFFF  }
0xc2: {  	_ =	task.clear_ibuf [dreg:s7], $0x2FFFF;
	_ =	strace $0x9FFFFFFF  }
0xc3: {  	(tm) =	ssettm $0x7FFFFFFF  }
tec
execute0_lowered:
.L_overlay_start_1:
0x0: {  	(tag) =	ssettag $0x1  }
0x1: {  	s1 =	rddreg [dreg:$0x0]  }
0x2: {  	s0 =	srdreg.scid;
	s2 =	rddreg [dreg:$0x1]  }
0x3: {  	s11 =	stileid.u32;
	s3 =	rddreg [dreg:$0x2];
	s4 =	simm.s32 $0x0  }
0x4: {  	s28 =	simm.s32 $0xD;
	s0 =	sand.u32 $0x1, s0;
	s5 =	smul.u32 $0x13880, s11  }
0x5: {  	[smem:$0x7FF] =	sst s4;
	s7 =	smul.u32 $0x4E200, s11;
	s8 =	sadd.s32 $0x4600, s2  }
0x6: {  	s6 =	smul.u32 $0x138800, s0;
	_ =	strace $0x8000004D;
	s23 =	ssub.s32 $0x2, s0  }
0x7: {  	s10 =	sshll.u32 s0, $0x4;
	s16 =	smul.u32 $0x27100, s0;
	p0 =	sne.s32 s0, $0x0  }
0x8: {  	s9 =	sshrl.u32 s23, $0x1;
	s7 =	sshrl.u32 s7, $0x2;
	s24 =	sor.u32 s11, s10  }
0x9: {  	s17 =	sshrl.u32 s5, $0x3;
	s11 =	smul.u32 $0x2710, s11;
	s25 =	sadd.s32 s7, s3  }
0xa: {  	s6 =	sadd.s32 s5, s6;
	s5 =	sadd.s32 s5, s3;
	[dreg:$0x4] =	wrdreg s25  }
0xb: {  	s10 =	simm.s32 $0x13B00;
	s18 =	sadd.s32 s1, s17;
	[dreg:$0xc] =	wrdreg s5  }
0xc: {  	s26 =	smul.u32 $0x2710, s24;
	s29 =	sadd.s32 $0x2800, s25;
	[dreg:$0xd] =	wrdreg s18  }
0xd: {  	s17 =	simm.s32 $0x18B00;
	s30 =	sadd.s32 $0x5000, s25;
	[dreg:$0x5] =	wrdreg s29  }
0xe: {  	s6 =	sshrl.u32 s6, $0x3;
	s31 =	sadd.s32 $0x7800, s25;
	[dreg:$0x6] =	wrdreg s30  }
0xf: {  	s12 =	sadd.s32 $0xA000, s25;
	s13 =	sadd.s32 $0xC800, s25;
	[dreg:$0x7] =	wrdreg s31  }
0x10: {  	s14 =	sadd.s32 $0xF000, s25;
	s15 =	sadd.s32 $0x11800, s25;
	[dreg:$0x8] =	wrdreg s12  }
0x11: {  	s22 =	sadd.s32 s11, s16;
	s11 =	simm.s32 $0x6;
	[dreg:$0x9] =	wrdreg s13  }
0x12: {  	s16 =	simm.s32 $0x13AB0;
	s18 =	simm.s32 $0xC;
	[dreg:$0xa] =	wrdreg s14  }
0x13: {  	s2 =	sadd.s32 s6, s2;
	s6 =	ssub.s32 s23, s9;
	[dreg:$0xb] =	wrdreg s15  }
0x14: {  	s7 =	sshrl.u32 s26, $0x3;
	s23 =	sadd.s32 $0x140, s22;
	s29 =	sadd.s32 $0x18000, s2  }
0x15: {  	s5 =	sadd.s32 $0x4E340, s22;
	s30 =	smax.u32 s6, $0x1;
	[dreg:$0x15] =	wrdreg s29  }
0x16: {  	s13 =	simm.s32 $0x139C0;
	s19 =	sadd.s32 s8, s7;
	[dreg:$0x16] =	wrdreg s30  }
0x17: {  	s15 =	simm.s32 $0x13A60;
	s20 =	sadd.s32 $0x9C40, s19;
	[dreg:$0xe] =	wrdreg s19  }
0x18: {  	s9 =	simm.s32 $0x50;
	s21 =	sadd.s32 $0xA, s19;
	[dreg:$0xf] =	wrdreg s20  }
0x19: {  	s14 =	simm.s32 $0x1;
	s7 =	sadd.s32 $0x9C4A, s19;
	[dreg:$0x10] =	wrdreg s21  }
0x1a: {  	s12 =	simm.s32 $0x7;
	s24 =	sadd.s32 $0x14, s19;
	[dreg:$0x11] =	wrdreg s7  }
0x1b: {  	s22 =	simm.s32 $0x0;
	s25 =	sadd.s32 $0x9C54, s19;
	[dreg:$0x12] =	wrdreg s24  }
0x1c: {  	s5 =	sshrl.u32 s5, $0x3;
	s26 =	sadd.s32 $0x1E, s19;
	[dreg:$0x13] =	wrdreg s25  }
0x1d: {  	s31 =	sadd.s32 $0x9C5E, s19;
	s19 =	simm.s32 $0x9;
	[dreg:$0x14] =	wrdreg s26  }
0x1e: {  	s7 =	sshrl.u32 s23, $0x3;
	s21 =	sadd.s32 s5, s8;
	[dreg:$0x17] =	wrdreg s31  }
0x1f: {  	v0 =	vimm.f32 $0.0e+00;
	s5 =	simm.s32 $0x13880;
	s20 =	sadd.s32 s7, s8;
	s8 =	simm.s32 $0x5  }
.LBB2_1:
.Ltmp0:
0x20: {  	(pc) =	sbr.rel @p0 .LBB2_3-.Ltmp0, $4  }
0x21: {  	_ = 	snop  }
0x22: {  	s0 =	stileid.u32  }
0x23: {  	s2 =	rddreg [dreg:$0xc];
	s0 =	sshll.u32 s0, $0x6  }
0x24: {  	s23 =	sshrl.u32 s2, $0x3;
	s24 =	sor.u32 $0x1C0D, s0  }
.Ltmp1:
0x25: {  	s0 =	rddreg [dreg:$0xd];
	(pc) =	sbr.rel .LBB2_6-.Ltmp1, $4  }
0x26: {  	[spmem:s23], [sflag:s24] =	dma.local [hbm:s0], $0x2710  }
0x27: {  	_ =	swait.ge [sflag:s28], $0x2710  }
0x28: {  	[sflag:s28] =	ssyncset.done $0x0  }
0x29: {  	[sflag:s28] =	ssyncadd.s32 $0xFFFFD8F0  }
.LBB2_3:
0x2a: {  	s0 =	sand.u32 $0xFE00, s4  }
0x2b: {  	s2 =	sand.u32 $0x70, s4;
	s6 =	sshrl.u32 s0, $0x2  }
0x2c: {  	s0 =	simm.s32 $0x40;
	s6 =	sor.u32 s2, s6;
	s2 =	simm.s32 $0x0  }
.LBB2_4:
0x2d: {  	p1 =	sne.s32 s0, $0x9FC0  }
0x2e: {  	[tilespmem:s6+$0x13B00] =	vst v0;
	s2 =	sadd.s32 $0x10, s2;
	s6 =	smov.u32 s0;
	s0 =	sadd.s32 $0x40, s0  }
.Ltmp2:
0x2f: {  	(pc) =	sbr.rel @p1 .LBB2_4-.Ltmp2, $4  }
0x30: {  	_ = 	snop  }
0x31: {  	s6 =	sand.u32 $0xFE00, s6  }
0x32: {  	s7 =	sand.u32 $0x70, s2;
	s6 =	sshrl.u32 s6, $0x2  }
0x33: {  	s6 =	sor.u32 s7, s6  }
0x34: {  	[tilespmem:s6+$0x13B00] =	vst v0;
	s0 =	rddreg [dreg:$0x4]  }
0x35: {  	[spmem:s0] =	stream.linear.scatter [tilespmem:s10], [sflag:$0xD], $0x2800, $0x38;
	[tilespmem:$0x1DB00] =	vst v63  }
0x36: {  	_ =	swait.ge [sflag:s28], $0x2800  }
0x37: {  	[sflag:s28] =	ssyncset.done $0x0  }
0x38: {  	s6 =	rddreg [dreg:$0x5];
	[sflag:s28] =	ssyncadd.s32 $0xFFFFD800  }
0x39: {  	[spmem:s6] =	stream.linear.scatter [tilespmem:s10], [sflag:$0xD], $0x2800, $0x38;
	[tilespmem:$0x1DB00] =	vst v63  }
0x3a: {  	_ =	swait.ge [sflag:s28], $0x2800  }
0x3b: {  	[sflag:s28] =	ssyncset.done $0x0  }
0x3c: {  	s7 =	rddreg [dreg:$0x6];
	[sflag:s28] =	ssyncadd.s32 $0xFFFFD800  }
0x3d: {  	[spmem:s7] =	stream.linear.scatter [tilespmem:s10], [sflag:$0xD], $0x2800, $0x38;
	[tilespmem:$0x1DB00] =	vst v63  }
0x3e: {  	_ =	swait.ge [sflag:s28], $0x2800  }
0x3f: {  	[sflag:s28] =	ssyncset.done $0x0  }
0x40: {  	s25 =	rddreg [dreg:$0x7];
	[sflag:s28] =	ssyncadd.s32 $0xFFFFD800  }
0x41: {  	[spmem:s25] =	stream.linear.scatter [tilespmem:s10], [sflag:$0xD], $0x2800, $0x38;
	[tilespmem:$0x1DB00] =	vst v63  }
0x42: {  	_ =	swait.ge [sflag:s28], $0x2800  }
0x43: {  	[sflag:s28] =	ssyncset.done $0x0  }
0x44: {  	s26 =	rddreg [dreg:$0x8];
	[sflag:s28] =	ssyncadd.s32 $0xFFFFD800  }
0x45: {  	[spmem:s26] =	stream.linear.scatter [tilespmem:s10], [sflag:$0xD], $0x2800, $0x38;
	[tilespmem:$0x1DB00] =	vst v63  }
0x46: {  	_ =	swait.ge [sflag:s28], $0x2800  }
0x47: {  	[sflag:s28] =	ssyncset.done $0x0  }
0x48: {  	s29 =	rddreg [dreg:$0x9];
	[sflag:s28] =	ssyncadd.s32 $0xFFFFD800  }
0x49: {  	[spmem:s29] =	stream.linear.scatter [tilespmem:s10], [sflag:$0xD], $0x2800, $0x38;
	[tilespmem:$0x1DB00] =	vst v63  }
0x4a: {  	_ =	swait.ge [sflag:s28], $0x2800  }
0x4b: {  	[sflag:s28] =	ssyncset.done $0x0  }
0x4c: {  	s30 =	rddreg [dreg:$0xa];
	[sflag:s28] =	ssyncadd.s32 $0xFFFFD800  }
0x4d: {  	[spmem:s30] =	stream.linear.scatter [tilespmem:s10], [sflag:$0xD], $0x2800, $0x38;
	[tilespmem:$0x1DB00] =	vst v63  }
0x4e: {  	_ =	swait.ge [sflag:s28], $0x2800  }
0x4f: {  	[sflag:s28] =	ssyncset.done $0x0  }
0x50: {  	s31 =	rddreg [dreg:$0xb];
	[sflag:s28] =	ssyncadd.s32 $0xFFFFD800  }
0x51: {  	[spmem:s31] =	stream.linear.scatter [tilespmem:s10], [sflag:$0xD], $0x2080, $0x38;
	[tilespmem:$0x1DB00] =	vst v63  }
0x52: {  	_ =	swait.ge [sflag:s28], $0x2080  }
0x53: {  	[sflag:s28] =	ssyncset.done $0x0  }
0x54: {  	[sflag:s28] =	ssyncadd.s32 $0xFFFFDF80  }
.LBB2_6:
0x55: {  	[bflag:$0x0] =	sbarrier.arrive $0xFFFF  }
0x56: {  	s0 =	rddreg [dreg:$0xe]  }
0x57: {  	[tilespmem:s5], [sflag:$0x5] =	stream.linear.gather [hbm4b:s0+s4], $0x50, $0x38;
	[tilespmem:$0x1DB00] =	vst v63  }
0x58: {  	s2 =	rddreg [dreg:$0xf]  }
0x59: {  	[tilespmem:s13], [sflag:$0x5] =	stream.linear.gather [hbm4b:s2+s4], $0x50, $0x38;
	[tilespmem:$0x1DB00] =	vst v63  }
0x5a: {  	s6 =	rddreg [dreg:$0x10];
	s2 =	simm.s32 $0x138D0  }
0x5b: {  	[tilespmem:s2], [sflag:$0x6] =	stream.linear.gather [hbm4b:s6+s4], $0x50, $0x38;
	[tilespmem:$0x1DB00] =	vst v63  }
0x5c: {  	s7 =	rddreg [dreg:$0x11];
	s6 =	simm.s32 $0x13A10  }
0x5d: {  	[tilespmem:s6], [sflag:$0x6] =	stream.linear.gather [hbm4b:s7+s4], $0x50, $0x38;
	[tilespmem:$0x1DB00] =	vst v63  }
0x5e: {  	s26 =	simm.s32 $0x13920;
	s25 =	rddreg [dreg:$0x12]  }
0x5f: {  	[tilespmem:s26], [sflag:$0x7] =	stream.linear.gather [hbm4b:s25+s4], $0x50, $0x38;
	[tilespmem:$0x1DB00] =	vst v63  }
0x60: {  	s30 =	rddreg [dreg:$0x13]  }
0x61: {  	[tilespmem:s15], [sflag:$0x7] =	stream.linear.gather [hbm4b:s30+s4], $0x50, $0x38;
	[tilespmem:$0x1DB00] =	vst v63  }
0x62: {  	_ =	swait.ge [sflag:s8], $0x50  }
0x63: {  	[sflag:s8] =	ssyncset.done $0x0  }
0x64: {  	[sflag:s8] =	ssyncadd.s32 $0xFFFFFFB0  }
0x65: {  	_ =	swait.ge [sflag:s8], $0x50  }
0x66: {  	[sflag:s8] =	ssyncset.done $0x0  }
0x67: {  	[sflag:s8] =	ssyncadd.s32 $0xFFFFFFB0  }
0x68: {  	[tilespmem:s10], [sflag:$0x1] =	stream.indirect.gather [hbm4b:s1+s9], $0x80, s5, s9, $0xb8;
	[tilespmem:$0x1DB00] =	vst v63  }
0x69: {  	_ =	swait.ge [sflag:s11], $0x50  }
0x6a: {  	[sflag:s11] =	ssyncset.done $0x0  }
0x6b: {  	[sflag:s11] =	ssyncadd.s32 $0xFFFFFFB0  }
0x6c: {  	_ =	swait.ge [sflag:s11], $0x50  }
0x6d: {  	[sflag:s11] =	ssyncset.done $0x0  }
0x6e: {  	s5 =	simm.s32 $0x16300;
	[sflag:s11] =	ssyncadd.s32 $0xFFFFFFB0  }
0x6f: {  	[tilespmem:s5], [sflag:$0x2] =	stream.indirect.gather [hbm4b:s1+s9], $0x80, s2, s9, $0xb8;
	[tilespmem:$0x1DB00] =	vst v63  }
0x70: {  	_ =	swait.ge [sflag:s14], $0x2800  }
0x71: {  	[sflag:s14] =	ssyncset.done $0x0  }
0x72: {  	[sflag:s14] =	ssyncadd.s32 $0xFFFFD800  }
0x73: {  	[spmem:s3] =	stream.indirect.scatter.add.f32 [tilespmem:s10], [sflag:$0x9], $0x80, s13, s9, $0xb8;
	[tilespmem:$0x1DB00] =	vst v63  }
0x74: {  	s7 =	rddreg [dreg:$0x14];
	s13 =	simm.s32 $0x13970  }
0x75: {  	[tilespmem:s13], [sflag:$0x8] =	stream.linear.gather [hbm4b:s7+s4], $0x50, $0x38;
	[tilespmem:$0x1DB00] =	vst v63  }
0x76: {  	s15 =	rddreg [dreg:$0x17]  }
0x77: {  	[tilespmem:s16], [sflag:$0x8] =	stream.linear.gather [hbm4b:s15+s4], $0x50, $0x38;
	[tilespmem:$0x1DB00] =	vst v63  }
0x78: {  	_ =	swait.ge [sflag:s12], $0x50  }
0x79: {  	[sflag:s12] =	ssyncset.done $0x0  }
0x7a: {  	[sflag:s12] =	ssyncadd.s32 $0xFFFFFFB0  }
0x7b: {  	_ =	swait.ge [sflag:s12], $0x50  }
0x7c: {  	[sflag:s12] =	ssyncset.done $0x0  }
0x7d: {  	[sflag:s12] =	ssyncadd.s32 $0xFFFFFFB0  }
0x7e: {  	[tilespmem:s17], [sflag:$0x3] =	stream.indirect.gather [hbm4b:s1+s9], $0x80, s26, s9, $0xb8;
	[tilespmem:$0x1DB00] =	vst v63  }
0x7f: {  	s17 =	simm.s32 $0x1  }
0x80: {  	s0 =	sand.u32 $0x3, s17  }
0x81: {  	s25 =	simm.s32 $0x4;
	s26 =	smul.u32 $0xA000, s0  }
0x82: {  	s2 =	sand.u32 $0x3, s25;
	s7 =	sadd.s32 $0x1, s0;
	s30 =	smul.u32 $0x140, s0  }
0x83: {  	s25 =	sadd.s32 $0x9, s2;
	s13 =	sadd.s32 $0x9, s0;
	_ =	swait.ge [sflag:s7], $0x2800  }
0x84: {  	s6 =	sshrl.u32 s26, $0x2;
	[sflag:s7] =	ssyncset.done $0x0;
	s15 =	sshrl.u32 s30, $0x2  }
0x85: {  	s6 =	sadd.s32 $0x13B00, s6;
	[sflag:s7] =	ssyncadd.s32 $0xFFFFD800;
	s5 =	sadd.s32 $0x139C0, s15  }
0x86: {  	[spmem:s3] =	stream.indirect.scatter.add.f32 [tilespmem:s6], [sflag:s13], $0x80, s5, s9, $0xb8;
	[tilespmem:$0x1DB00] =	vst v63  }
0x87: {  	s16 =	sxor.u32 $0x2, s0;
	s15 =	smul.u32 $0x50, s2;
	_ =	swait.ge [sflag:s25], $0x2800  }
0x88: {  	s31 =	sadd.s32 $0xA, s21;
	s17 =	smul.u32 $0x140, s16;
	[sflag:s25] =	ssyncset.done $0x0  }
0x89: {  	s2 =	sadd.s32 $0x5, s2;
	[sflag:s25] =	ssyncadd.s32 $0xFFFFD800;
	s25 =	sadd.s32 $0x13880, s15  }
0x8a: {  	[tilespmem:s25], [sflag:s2] =	stream.linear.gather [hbm4b:s20+s4], $0x50, $0x38;
	[tilespmem:$0x1DB00] =	vst v63  }
0x8b: {  	s0 =	sadd.s32 $0x5, s16;
	s30 =	smul.u32 $0xA000, s16;
	s6 =	sadd.s32 $0x139C0, s15  }
0x8c: {  	[tilespmem:s6], [sflag:s2] =	stream.linear.gather [hbm4b:s21+s4], $0x50, $0x38;
	[tilespmem:$0x1DB00] =	vst v63  }
0x8d: {  	s26 =	simm.s32 $0x5;
	s29 =	sshrl.u32 s30, $0x2;
	_ =	swait.ge [sflag:s0], $0x50  }
0x8e: {  	s7 =	sand.u32 $0x3, s26;
	s29 =	sadd.s32 $0x13B00, s29;
	[sflag:s0] =	ssyncset.done $0x0  }
0x8f: {  	s15 =	sadd.s32 $0x1, s16;
	s25 =	sadd.s32 $0xA, s20;
	[sflag:s0] =	ssyncadd.s32 $0xFFFFFFB0  }
0x90: {  	s2 =	sshrl.u32 s17, $0x2;
	s6 =	simm.s32 $0x6;
	_ =	swait.ge [sflag:s0], $0x50  }
.LBB2_7:
0x91: {  	s30 =	sadd.s32 $0xFFFFFFFD, s26  }
0x92: {  	s5 =	sadd.s32 $0x9, s7;
	s13 =	smul.u32 $0x50, s7;
	s26 =	smov.u32 s6  }
0x93: {  	s2 =	sadd.s32 $0x13880, s2;
	s30 =	sand.u32 $0x3, s30;
	[sflag:s0] =	ssyncset.done $0x0  }
0x94: {  	s16 =	sadd.s32 $0x1, s30;
	s17 =	smul.u32 $0xA000, s30;
	[sflag:s0] =	ssyncadd.s32 $0xFFFFFFB0  }
0x95: {  	[tilespmem:s29], [sflag:s15] =	stream.indirect.gather [hbm4b:s1+s9], $0x80, s2, s9, $0xb8;
	[tilespmem:$0x1DB00] =	vst v63  }
0x96: {  	s15 =	sxor.u32 $0x2, s30;
	s2 =	smul.u32 $0x140, s30;
	s0 =	sshrl.u32 s17, $0x2  }
0x97: {  	s17 =	smul.u32 $0x140, s15;
	s0 =	sadd.s32 $0x13B00, s0;
	_ =	swait.ge [sflag:s16], $0x2800  }
0x98: {  	s29 =	smul.u32 $0xA000, s15;
	s2 =	sshrl.u32 s2, $0x2;
	[sflag:s16] =	ssyncset.done $0x0  }
0x99: {  	s2 =	sadd.s32 $0x139C0, s2;
	[sflag:s16] =	ssyncadd.s32 $0xFFFFD800;
	s16 =	sadd.s32 $0x9, s30  }
0x9a: {  	[spmem:s3] =	stream.indirect.scatter.add.f32 [tilespmem:s0], [sflag:s16], $0x80, s2, s9, $0xb8;
	[tilespmem:$0x1DB00] =	vst v63  }
0x9b: {  	s2 =	sshrl.u32 s17, $0x2;
	s16 =	sshrl.u32 s29, $0x2;
	_ =	swait.ge [sflag:s5], $0x2800  }
0x9c: {  	p1 =	sne.s32 s6, $0x7C;
	s6 =	sadd.s32 $0x1, s6;
	[sflag:s5] =	ssyncset.done $0x0  }
0x9d: {  	s0 =	sadd.s32 $0x13880, s13;
	[sflag:s5] =	ssyncadd.s32 $0xFFFFD800;
	s5 =	sadd.s32 $0x5, s7  }
0x9e: {  	[tilespmem:s0], [sflag:s5] =	stream.linear.gather [hbm4b:s25+s4], $0x50, $0x38;
	[tilespmem:$0x1DB00] =	vst v63  }
0x9f: {  	s7 =	sadd.s32 $0x139C0, s13;
	s0 =	sadd.s32 $0x5, s15  }
0xa0: {  	[tilespmem:s7], [sflag:s5] =	stream.linear.gather [hbm4b:s31+s4], $0x50, $0x38;
	[tilespmem:$0x1DB00] =	vst v63  }
.Ltmp3:
0xa1: {  	_ = 	snop;
	(pc) =	sbr.rel @p1 .LBB2_7-.Ltmp3, $4  }
0xa2: {  	_ =	swait.ge [sflag:s0], $0x50  }
0xa3: {  	s31 =	sadd.s32 $0xA, s31;
	[sflag:s0] =	ssyncset.done $0x0  }
0xa4: {  	s15 =	sadd.s32 $0x1, s15;
	s25 =	sadd.s32 $0xA, s25;
	[sflag:s0] =	ssyncadd.s32 $0xFFFFFFB0  }
0xa5: {  	s29 =	sadd.s32 $0x13B00, s16;
	s7 =	sand.u32 $0x3, s26;
	_ =	swait.ge [sflag:s0], $0x50  }
0xa6: {  	s5 =	sadd.s32 $0xFFFFFFFD, s26;
	[sflag:s0] =	ssyncset.done $0x0  }
0xa7: {  	s2 =	sadd.s32 $0x13880, s2;
	[sflag:s0] =	ssyncadd.s32 $0xFFFFFFB0;
	s0 =	sand.u32 $0x3, s5  }
0xa8: {  	[tilespmem:s29], [sflag:s15] =	stream.indirect.gather [hbm4b:s1+s9], $0x80, s2, s9, $0xb8;
	[tilespmem:$0x1DB00] =	vst v63  }
0xa9: {  	s30 =	smul.u32 $0xA000, s0  }
0xaa: {  	s5 =	sadd.s32 $0x1, s0;
	s6 =	smul.u32 $0x140, s0  }
0xab: {  	s13 =	sadd.s32 $0x9, s0;
	s15 =	sadd.s32 $0x9, s7;
	_ =	swait.ge [sflag:s5], $0x2800  }
0xac: {  	s2 =	sshrl.u32 s30, $0x2;
	[sflag:s5] =	ssyncset.done $0x0;
	s6 =	sshrl.u32 s6, $0x2  }
0xad: {  	s2 =	sadd.s32 $0x13B00, s2;
	[sflag:s5] =	ssyncadd.s32 $0xFFFFD800;
	s6 =	sadd.s32 $0x139C0, s6  }
0xae: {  	[spmem:s3] =	stream.indirect.scatter.add.f32 [tilespmem:s2], [sflag:s13], $0x80, s6, s9, $0xb8;
	[tilespmem:$0x1DB00] =	vst v63  }
0xaf: {  	s16 =	smul.u32 $0x50, s7;
	_ =	swait.ge [sflag:s15], $0x2800  }
0xb0: {  	s17 =	sadd.s32 $0x5, s7;
	[sflag:s15] =	ssyncset.done $0x0  }
0xb1: {  	s26 =	sadd.s32 $0x13880, s16;
	s0 =	sxor.u32 $0x2, s0;
	[sflag:s15] =	ssyncadd.s32 $0xFFFFD800  }
0xb2: {  	[tilespmem:s26], [sflag:s17] =	stream.linear.gather [hbm4b:s25+s4], $0x50, $0x38;
	[tilespmem:$0x1DB00] =	vst v63  }
0xb3: {  	s29 =	sadd.s32 $0x5, s0;
	s5 =	sadd.s32 $0x139C0, s16  }
0xb4: {  	[tilespmem:s5], [sflag:s17] =	stream.linear.gather [hbm4b:s31+s4], $0x50, $0x38;
	[tilespmem:$0x1DB00] =	vst v63  }
0xb5: {  	s30 =	smul.u32 $0x140, s0;
	_ =	swait.ge [sflag:s29], $0x50  }
0xb6: {  	[sflag:s29] =	ssyncset.done $0x0  }
0xb7: {  	s7 =	sshrl.u32 s30, $0x2;
	s31 =	smul.u32 $0xA000, s0;
	[sflag:s29] =	ssyncadd.s32 $0xFFFFFFB0  }
0xb8: {  	s2 =	sadd.s32 $0x13880, s7;
	_ =	swait.ge [sflag:s29], $0x50  }
0xb9: {  	s15 =	simm.s32 $0x3;
	s13 =	sshrl.u32 s31, $0x2;
	[sflag:s29] =	ssyncset.done $0x0  }
0xba: {  	s0 =	sadd.s32 $0x1, s0;
	s5 =	sadd.s32 $0x13B00, s13;
	[sflag:s29] =	ssyncadd.s32 $0xFFFFFFB0  }
0xbb: {  	[tilespmem:s5], [sflag:s0] =	stream.indirect.gather [hbm4b:s1+s9], $0x80, s2, s9, $0xb8;
	[tilespmem:$0x1DB00] =	vst v63  }
0xbc: {  	_ =	swait.ge [sflag:s15], $0x2800  }
0xbd: {  	[sflag:s15] =	ssyncset.done $0x0  }
0xbe: {  	s17 =	simm.s32 $0x18B00;
	[sflag:s15] =	ssyncadd.s32 $0xFFFFD800;
	s15 =	simm.s32 $0x13A60  }
0xbf: {  	[spmem:s3] =	stream.indirect.scatter.add.f32 [tilespmem:s17], [sflag:$0xB], $0x80, s15, s9, $0xb8;
	[tilespmem:$0x1DB00] =	vst v63  }
0xc0: {  	_ =	swait.ge [sflag:s8], $0x50  }
0xc1: {  	[sflag:s8] =	ssyncset.done $0x0  }
0xc2: {  	[sflag:s8] =	ssyncadd.s32 $0xFFFFFFB0  }
0xc3: {  	_ =	swait.ge [sflag:s8], $0x50  }
0xc4: {  	[sflag:s8] =	ssyncset.done $0x0  }
0xc5: {  	s16 =	simm.s32 $0x4;
	s5 =	simm.s32 $0x13880;
	[sflag:s8] =	ssyncadd.s32 $0xFFFFFFB0  }
0xc6: {  	[tilespmem:s10], [sflag:$0x1] =	stream.indirect.gather [hbm4b:s1+s9], $0x80, s5, s9, $0xb8;
	[tilespmem:$0x1DB00] =	vst v63  }
0xc7: {  	_ =	swait.ge [sflag:s16], $0x2800  }
0xc8: {  	[sflag:s16] =	ssyncset.done $0x0  }
0xc9: {  	s25 =	simm.s32 $0x1B300;
	[sflag:s16] =	ssyncadd.s32 $0xFFFFD800;
	s16 =	simm.s32 $0x13AB0  }
0xca: {  	[spmem:s3] =	stream.indirect.scatter.add.f32 [tilespmem:s25], [sflag:$0xC], $0x80, s16, s9, $0xb8;
	[tilespmem:$0x1DB00] =	vst v63  }
0xcb: {  	_ =	swait.ge [sflag:s14], $0x2800  }
0xcc: {  	[sflag:s14] =	ssyncset.done $0x0  }
0xcd: {  	s26 =	simm.s32 $0xA;
	s13 =	simm.s32 $0x139C0;
	[sflag:s14] =	ssyncadd.s32 $0xFFFFD800  }
0xce: {  	[spmem:s3] =	stream.indirect.scatter.add.f32 [tilespmem:s10], [sflag:$0x9], $0x80, s13, s9, $0xb8;
	[tilespmem:$0x1DB00] =	vst v63  }
0xcf: {  	_ =	swait.ge [sflag:s26], $0x2800  }
0xd0: {  	[sflag:s26] =	ssyncset.done $0x0  }
0xd1: {  	s29 =	simm.s32 $0xB;
	[sflag:s26] =	ssyncadd.s32 $0xFFFFD800  }
0xd2: {  	_ =	swait.ge [sflag:s29], $0x2800  }
0xd3: {  	[sflag:s29] =	ssyncset.done $0x0  }
0xd4: {  	[sflag:s29] =	ssyncadd.s32 $0xFFFFD800  }
0xd5: {  	_ =	swait.ge [sflag:s18], $0x2800  }
0xd6: {  	[sflag:s18] =	ssyncset.done $0x0  }
0xd7: {  	[sflag:s18] =	ssyncadd.s32 $0xFFFFD800  }
0xd8: {  	_ =	swait.ge [sflag:s19], $0x2800  }
0xd9: {  	[sflag:s19] =	ssyncset.done $0x0  }
0xda: {  	[sflag:s19] =	ssyncadd.s32 $0xFFFFD800  }
0xdb: {  	[bflag:$0x0] =	sbarrier.arrive $0xFFFF  }
0xdc: {  	s30 =	rddreg [dreg:$0x15]  }
0xdd: {  	[hbm:s30], [sflag:s24] =	dma.local [spmem:s23], $0x2710  }
0xde: {  	_ =	swait.ge [sflag:s28], $0x2710  }
0xdf: {  	s22 =	sadd.s32 $0x1, s22;
	s31 =	rddreg [dreg:$0x16]  }
0xe0: {  	p1 =	sne.s32 s22, s31  }
.Ltmp4:
0xe1: {  	_ = 	snop;
	(pc) =	sbr.rel @p1 .LBB2_1-.Ltmp4, $3  }
0xe2: {  	_ =	sdelay $0x1  }
0xe3: {  	[sflag:s28] =	ssyncset.done $0x0  }
0xe4: {  	[sflag:s28] =	ssyncadd.s32 $0xFFFFD8F0  }
0xe5: {  	_ =	sfence.sel $0x180000  }
0xe6: {  	[bflag:$0x0] =	sbarrier.arrive $0xFFFF  }
0xe7: {  	_ =	strace $0x9000004D  }
0xe8: {  	s0 =	stileid.u32;
	[bflag:$0x2] =	sbarrier.arrive $0xFFFF  }
0xe9: {  	p0 =	sne.s32 s0, $0x0;
	s0 =	rddreg [dreg:$0x3]  }
0xea: {  	s0 =	sadd.s32 @!p0 $0x100000, s0  }
0xeb: {  	[sflag:s0] =	ssyncadd.tile.s32 @!p0 $0x1;
	_ =	shalt  }
.Lfunc_end2:
_tile_overlayer_lowered:
.L_overlay_start_2:
0xec: {  	(tag) =	ssettag $0x2  }
0xed: {  	s0 =	rddreg [dreg:$0x0];
	s2 =	stileid.u32  }
0xee: {  	s1 =	rddreg [dreg:$0x1];
	p0 =	sne.s32 s2, $0x0  }
0xef: {  	s3 =	rddreg [dreg:$0x2];
	[bflag:$0x3] =	sbarrier.arrive $0xFFFF;
	s2 =	simm.s32 @!p0 $0x1C0D  }
0xf0: {  	[timem:s3], [sflag:s2] =	dma.local @!p0 [hbm:s0], s1  }
0xf1: {  	s0 =	simm.s32 @!p0 $0xD  }
0xf2: {  	_ =	swait.ge @!p0 [sflag:s0], s1  }
0xf3: {  	s1 =	ssub.s32 @!p0 $0x0, s1;
	[sflag:s0] =	ssyncset.done @!p0 $0x0  }
0xf4: {  	[sflag:s0] =	ssyncadd.s32 @!p0 s1  }
0xf5: {  	[bflag:$0x3] =	sbarrier.arrive $0xFFFF  }
0xf6: {  	_ =	shalt  }

// kernel: kernel.8.cloned.1.call-start
scs
__scs_entry_jumppad:
0x0: {  	(pc) =	sbr.rel $0x88, $3  }
0x1: {  	(tag) =	ssettag $0x0;
	lr =	simm.s32 $0x1  }
0x2: {  	[smem:$0x3F87] =	sst lr;
	_ =	strace $0xD0000000  }
0x3: {  	_ = 	snop  }
0x4: {  	_ = 	snop  }
0x5: {  	_ = 	snop  }
0x6: {  	_ = 	snop  }
0x7: {  	_ = 	snop  }
__scs_overlays_trampoline_lowered:
0x8: {  	[smem:$0x3F96] =	sst s0  }
0x9: {  	[smem:$0x3F97] =	sst s1  }
0xa: {  	[smem:$0x3F98] =	sst s2  }
0xb: {  	[smem:$0x3F99] =	sst s3  }
0xc: {  	[smem:$0x3F9A] =	sst s4  }
0xd: {  	[smem:$0x3F9B] =	sst s5  }
0xe: {  	[smem:$0x3F9C] =	sst s6  }
0xf: {  	[smem:$0x3F9D] =	sst s7  }
0x10: {  	[smem:$0x3F9E] =	sst s8  }
0x11: {  	[smem:$0x3F9F] =	sst s9;
	s0 =	simm.s32 @!p0 $0x0  }
0x12: {  	s1 =	sld [smem:$0x3F85];
	s0 =	simm.s32 @p0 $0x1  }
0x13: {  	[smem:$0x3FA0] =	sst s0;
	s0 =	simm.s32 @!p1 $0x0  }
0x14: {  	s2 =	sld [smem:$0x3F84];
	s0 =	simm.s32 @p1 $0x1  }
0x15: {  	[smem:$0x3FA1] =	sst s0;
	s0 =	simm.s32 @!p2 $0x0  }
0x16: {  	s3 =	sld [smem:$0x3FDB];
	s0 =	simm.s32 @p2 $0x1  }
0x17: {  	s4 =	simm.s32 $0x1BF5;
	[smem:$0x3FA3] =	sst s0  }
0x18: {  	s0 =	sld [smem:$0x3F86];
	_ =	swait.ge [sflag:s4], $0x0  }
0x19: {  	s7 =	sld [smem:$0x3F87]  }
0x1a: {  	s8 =	sadd.s32 $0xFFFFE003, lr  }
0x1b: {  	s9 =	sadd.s32 $0xFFFFFEF7, lr;
	s5 =	simm.s32 $0xFFFFFFFF;
	p2 =	slt.u32 s8, $0xFFFFF086  }
0x1c: {  	p1 =	slt.u32 s9, $0xF7A;
	s5 =	simm.s32 @!p2 $0x0  }
0x1d: {  	s5 =	simm.s32 @p1 $0x1;
	p0 =	seq.s32 s7, s2  }
0x1e: {  	s7 =	smul.u32 @!p0 $0xF7A, s2;
	p2 =	seq.s32 @!p0 s5, $0x0  }
0x1f: {  	s9 =	smul.u32 $0xF7A, s1;
	s8 =	simm.s32 @!p0 $0x1BF5;
	p2 =	por !p2, p0  }
0x20: {  	[sflag:s8] =	ssyncset.s32 @!p0 $0xFFFFF086;
	s6 =	sadd.s32 @!p0 s3, s7;
	s7 =	simm.s32 @!p0 $0x108  }
0x21: {  	s3 =	sadd.s32 s3, s9;
	s6 =	sadd.s32 @!p0 $0x88, s6;
	s7 =	simm.s32 @p2 $0x1082  }
0x22: {  	[simem:s7], [sflag:s8] =	dma.local @!p0 [hbm:s6], $0xF7A  }
0x23: {  	s9 =	sor.u32 $0xD0000000, s2;
	s6 =	simm.s32 $0x108;
	_ =	swait.ge @!p0 [sflag:s8], $0x0  }
0x24: {  	s3 =	sadd.s32 $0x88, s3;
	s6 =	simm.s32 @!p1 $0x1082;
	[sflag:s4] =	ssyncset.s32 $0xFFFFF086  }
0x25: {  	[simem:s6], [sflag:s4] =	dma.local [hbm:s3], $0xF7A  }
0x26: {  	[smem:$0x3F87] =	sst s1;
	(tag) =	ssettag s2;
	_ =	strace s9  }
0x27: {  	s1 =	sld [smem:$0x3F97]  }
0x28: {  	s2 =	sld [smem:$0x3F98]  }
0x29: {  	s4 =	sld [smem:$0x3F9A]  }
0x2a: {  	p0 =	seq.s32 s5, $0x0;
	s5 =	sld [smem:$0x3F9B]  }
0x2b: {  	s6 =	sld [smem:$0x3F9C]  }
0x2c: {  	s7 =	sld [smem:$0x3F9D]  }
0x2d: {  	s3 =	simm.s32 $0x108;
	s8 =	sld [smem:$0x3F9E]  }
0x2e: {  	s3 =	simm.s32 @!p0 $0x1082;
	s9 =	sld [smem:$0x3F9F]  }
0x2f: {  	lr =	sadd.s32 s0, s3;
	s0 =	sld [smem:$0x3F96]  }
0x30: {  	s3 =	sld [smem:$0x3F99]  }
0x31: {  	[smem:$0x3FA2] =	sst s10  }
0x32: {  	s10 =	sld [smem:$0x3FA0];
	_ =	sdelay $0x3  }
0x33: {  	p0 =	seq.s32 s10, $0x1;
	s10 =	sld [smem:$0x3FA2];
	_ =	sdelay $0x3  }
0x34: {  	[smem:$0x3FA2] =	sst s10  }
0x35: {  	s10 =	sld [smem:$0x3FA1];
	_ =	sdelay $0x3  }
0x36: {  	p1 =	seq.s32 s10, $0x1;
	s10 =	sld [smem:$0x3FA2];
	_ =	sdelay $0x3  }
0x37: {  	[smem:$0x3FA2] =	sst s10  }
0x38: {  	s10 =	sld [smem:$0x3FA3]  }
0x39: {  	_ = 	snop;
	(pc) =	sbr.ind lr, $3  }
0x3a: {  	_ = 	snop  }
0x3b: {  	_ = 	snop  }
0x3c: {  	p2 =	seq.s32 s10, $0x1;
	s10 =	sld [smem:$0x3FA2]  }
0x3d: {  	_ =	shalt  }
0x3e: {  	_ =	shalt  }
0x3f: {  	_ =	shalt  }
0x40: {  	_ =	shalt  }
0x41: {  	_ =	shalt  }
0x42: {  	_ =	shalt  }
0x43: {  	_ =	shalt  }
0x44: {  	_ =	shalt  }
0x45: {  	_ =	shalt  }
0x46: {  	_ =	shalt  }
0x47: {  	_ =	shalt  }
0x48: {  	_ =	shalt  }
0x49: {  	_ =	shalt  }
0x4a: {  	_ =	shalt  }
0x4b: {  	_ =	shalt  }
0x4c: {  	_ =	shalt  }
0x4d: {  	_ =	shalt  }
0x4e: {  	_ =	shalt  }
0x4f: {  	_ =	shalt  }
0x50: {  	_ =	shalt  }
0x51: {  	_ =	shalt  }
0x52: {  	_ =	shalt  }
0x53: {  	_ =	shalt  }
0x54: {  	_ =	shalt  }
0x55: {  	_ =	shalt  }
0x56: {  	_ =	shalt  }
0x57: {  	_ =	shalt  }
0x58: {  	_ =	shalt  }
0x59: {  	_ =	shalt  }
0x5a: {  	_ =	shalt  }
0x5b: {  	_ =	shalt  }
0x5c: {  	_ =	shalt  }
0x5d: {  	_ =	shalt  }
0x5e: {  	_ =	shalt  }
0x5f: {  	_ =	shalt  }
0x60: {  	_ =	shalt  }
0x61: {  	_ =	shalt  }
0x62: {  	_ =	shalt  }
0x63: {  	_ =	shalt  }
0x64: {  	_ =	shalt  }
0x65: {  	_ =	shalt  }
0x66: {  	_ =	shalt  }
0x67: {  	_ =	shalt  }
0x68: {  	_ =	shalt  }
0x69: {  	_ =	shalt  }
0x6a: {  	_ =	shalt  }
0x6b: {  	_ =	shalt  }
0x6c: {  	_ =	shalt  }
0x6d: {  	_ =	shalt  }
0x6e: {  	_ =	shalt  }
0x6f: {  	_ =	shalt  }
0x70: {  	_ =	shalt  }
0x71: {  	_ =	shalt  }
0x72: {  	_ =	shalt  }
0x73: {  	_ =	shalt  }
0x74: {  	_ =	shalt  }
0x75: {  	_ =	shalt  }
0x76: {  	_ =	shalt  }
0x77: {  	_ =	shalt  }
0x78: {  	_ =	shalt  }
0x79: {  	_ =	shalt  }
0x7a: {  	_ =	shalt  }
0x7b: {  	_ =	shalt  }
0x7c: {  	_ =	shalt  }
0x7d: {  	_ =	shalt  }
0x7e: {  	_ =	shalt  }
0x7f: {  	_ =	shalt  }
0x80: {  	_ =	shalt  }
0x81: {  	_ =	shalt  }
0x82: {  	_ =	shalt  }
0x83: {  	_ =	shalt  }
0x84: {  	_ =	shalt  }
0x85: {  	_ =	shalt  }
0x86: {  	_ =	shalt  }
0x87: {  	_ =	shalt  }
.Lfunc_end0:
.L_simem_size_0:
called_computation_lowered:
.L_overlay_start_0:
0x88: {  	s2 =	sld [smem:$0x3FD9]  }
0x89: {  	s3 =	sld [smem:$0x3FFE];
	_ =	sdelay $0x1  }
0x8a: {  	s1 =	srdreg.scid  }
0x8b: {  	s0 =	sand.u32 $0x1, s1  }
0x8c: {  	s17 =	sshll.u32 s0, $0xA;
	s2 =	sadd.s32 s3, s2  }
0x8d: {  	s2 =	sadd.s32 s2, s17  }
0x8e: {  	[smem:$0x3FAE] =	sst s2  }
0x8f: {  	_ = 	snop  }
0x90: {  	s2 =	sld [smem:$0x3FC9];
	(tm) =	ssettm $0x1  }
0x91: {  	s18 =	sld [smem:$0x3FFB];
	_ =	sdelay $0x3  }
0x92: {  	_ =	strace s18  }
0x93: {  	s3 =	sld [smem:$0x3FFC];
	_ =	sdelay $0x3  }
0x94: {  	_ =	strace s3  }
0x95: {  	s3 =	sld [smem:$0x3FFD];
	_ =	sdelay $0x3  }
0x96: {  	_ =	strace s3  }
0x97: {  	_ =	strace $0x8FFFFFFF  }
0x98: {  	s19 =	sld [smem:$0x3FDB];
	_ =	sdelay $0x1  }
0x99: {  	s4 =	simm.s32 $_scs_section_size  }
0x9a: {  	s5 =	simm.s32 $_size__tile_overlayer_lowered;
	s6 =	simm.s32 $_tile_overlayer_lowered  }
0x9b: {  	s22 =	simm.s32 $0x1BFF;
	s21 =	sshll.u32 s6, $0x1;
	s3 =	sadd.s32 s4, s19  }
0x9c: {  	s7 =	simm.s32 $0x0;
	s20 =	sshll.u32 s5, $0x1;
	s5 =	sadd.s32 s21, s3  }
0x9d: {  	[timem:s7], [sflag:s22] =	dma.local [hbm:s5], s20  }
0x9e: {  	_ =	swait.ge [sflag:s22], s20  }
0x9f: {  	s4 =	ssub.s32 $0x0, s20;
	[sflag:s22] =	ssyncset.done $0x0  }
0xa0: {  	[sflag:s22] =	ssyncadd.s32 s4;
	_ =	sdelay $0x1  }
0xa1: {  	s23 =	simm.s32 $0x1B8B  }
0xa2: {  	_ =	swait.ge [sflag:s23], $0x1  }
0xa3: {  	[sflag:s23] =	ssyncset.done $0x0  }
0xa4: {  	s25 =	simm.s32 $0x1B8E;
	s24 =	sld [smem:$0x3FFE];
	[sflag:s23] =	ssyncadd.s32 $0xFFFFFFFF  }
0xa5: {  	s26 =	simm.s32 $execute0_lowered;
	[smem:$0x3FD2] =	sst s25  }
0xa6: {  	s5 =	sshll.u32 s26, $0x1;
	_ =	strace $0x80000046;
	[dreg:$0x1] =	wrdreg $0xFFFFFFFF  }
0xa7: {  	s28 =	simm.s32 $_size_execute0_lowered;
	s3 =	sadd.s32 s3, s5;
	[dreg:$0x0] =	wrdreg $0x0  }
0xa8: {  	s5 =	sshll.u32 s28, $0x1;
	[dreg:$0x2] =	wrdreg s3  }
0xa9: {  	[dreg:$0x3] =	wrdreg s5  }
0xaa: {  	[dreg:$0x4] =	wrdreg $0xC0  }
0xab: {  	_ =	task [dreg:s7], $0x5FFFF  }
0xac: {  	[dreg:$0x1] =	wrdreg $0xFFFFFFFF  }
0xad: {  	[dreg:$0x0] =	wrdreg $0x60  }
0xae: {  	[dreg:$0x2] =	wrdreg s2  }
0xaf: {  	[dreg:$0x3] =	wrdreg s24  }
0xb0: {  	[dreg:$0x4] =	wrdreg $0x0  }
0xb1: {  	[dreg:$0x5] =	wrdreg $0x9  }
0xb2: {  	_ =	task.clear_ibuf [dreg:s7], $0x6FFFF;
	_ =	strace $0x90000046  }
0xb3: {  	s29 =	simm.s32 $0x9;
	_ =	strace $0x80000048  }
0xb4: {  	_ =	swait.ge [sflag:s29], $0x1  }
0xb5: {  	[sflag:s29] =	ssyncadd.s32 $0xFFFFFFFF  }
0xb6: {  	_ =	strace $0x90000048  }
0xb7: {  	_ =	sfence  }
0xb8: {  	s30 =	sld [smem:$0x0];
	_ =	sdelay $0x2  }
0xb9: {  	s31 =	sshll.u32 s1, $0xD;
	s1 =	sshrl.u32 s1, $0x2  }
0xba: {  	s3 =	sand.u32 $0x4000, s31;
	s1 =	sadd.s32 s1, s30  }
0xbb: {  	s0 =	sor.u32 s3, s0;
	s1 =	sshll.u32 s1, $0x11  }
0xbc: {  	s0 =	sor.u32 s1, s0  }
0xbd: {  	s0 =	sadd.s32 $0x8F2B, s0  }
0xbe: {  	[sflag:s0] =	ssyncadd.remote.s32 $0x1  }
0xbf: {  	_ =	sfence.sel $0xFFFF  }
0xc0: {  	[dreg:$0x0] =	wrdreg $0xFFFFFFFF;
	(pc) =	sbr.abs _section_cstart, $3  }
0xc1: {  	[dreg:$0x1] =	wrdreg $0xFFFFFFFF  }
0xc2: {  	_ =	task.clear_ibuf [dreg:s7], $0x2FFFF;
	_ =	strace $0x9FFFFFFF  }
0xc3: {  	(tm) =	ssettm $0x7FFFFFFF  }
tec
execute0_lowered:
.L_overlay_start_1:
0x0: {  	(tag) =	ssettag $0x1  }
0x1: {  	s1 =	rddreg [dreg:$0x0]  }
0x2: {  	s0 =	srdreg.scid;
	s2 =	rddreg [dreg:$0x1]  }
0x3: {  	s11 =	stileid.u32;
	s3 =	rddreg [dreg:$0x2];
	s4 =	simm.s32 $0x0  }
0x4: {  	s28 =	simm.s32 $0xD;
	s0 =	sand.u32 $0x1, s0;
	s5 =	smul.u32 $0x13880, s11  }
0x5: {  	[smem:$0x7FF] =	sst s4;
	s7 =	smul.u32 $0x4E200, s11;
	s8 =	sadd.s32 $0x4600, s2  }
0x6: {  	s6 =	smul.u32 $0x138800, s0;
	_ =	strace $0x80000047;
	s23 =	ssub.s32 $0x2, s0  }
0x7: {  	s10 =	sshll.u32 s0, $0x4;
	s16 =	smul.u32 $0x27100, s0;
	p0 =	sne.s32 s0, $0x0  }
0x8: {  	s9 =	sshrl.u32 s23, $0x1;
	s7 =	sshrl.u32 s7, $0x2;
	s24 =	sor.u32 s11, s10  }
0x9: {  	s17 =	sshrl.u32 s5, $0x3;
	s11 =	smul.u32 $0x2710, s11;
	s25 =	sadd.s32 s7, s3  }
0xa: {  	s6 =	sadd.s32 s5, s6;
	s5 =	sadd.s32 s5, s3;
	[dreg:$0x4] =	wrdreg s25  }
0xb: {  	s10 =	simm.s32 $0x13B00;
	s18 =	sadd.s32 s1, s17;
	[dreg:$0xc] =	wrdreg s5  }
0xc: {  	s26 =	smul.u32 $0x2710, s24;
	s29 =	sadd.s32 $0x2800, s25;
	[dreg:$0xd] =	wrdreg s18  }
0xd: {  	s17 =	simm.s32 $0x18B00;
	s30 =	sadd.s32 $0x5000, s25;
	[dreg:$0x5] =	wrdreg s29  }
0xe: {  	s6 =	sshrl.u32 s6, $0x3;
	s31 =	sadd.s32 $0x7800, s25;
	[dreg:$0x6] =	wrdreg s30  }
0xf: {  	s12 =	sadd.s32 $0xA000, s25;
	s13 =	sadd.s32 $0xC800, s25;
	[dreg:$0x7] =	wrdreg s31  }
0x10: {  	s14 =	sadd.s32 $0xF000, s25;
	s15 =	sadd.s32 $0x11800, s25;
	[dreg:$0x8] =	wrdreg s12  }
0x11: {  	s22 =	sadd.s32 s11, s16;
	s11 =	simm.s32 $0x6;
	[dreg:$0x9] =	wrdreg s13  }
0x12: {  	s16 =	simm.s32 $0x13AB0;
	s18 =	simm.s32 $0xC;
	[dreg:$0xa] =	wrdreg s14  }
0x13: {  	s2 =	sadd.s32 s6, s2;
	s6 =	ssub.s32 s23, s9;
	[dreg:$0xb] =	wrdreg s15  }
0x14: {  	s7 =	sshrl.u32 s26, $0x3;
	s23 =	sadd.s32 $0x140, s22;
	s29 =	sadd.s32 $0x18000, s2  }
0x15: {  	s5 =	sadd.s32 $0x4E340, s22;
	s30 =	smax.u32 s6, $0x1;
	[dreg:$0x15] =	wrdreg s29  }
0x16: {  	s13 =	simm.s32 $0x139C0;
	s19 =	sadd.s32 s8, s7;
	[dreg:$0x16] =	wrdreg s30  }
0x17: {  	s15 =	simm.s32 $0x13A60;
	s20 =	sadd.s32 $0x9C40, s19;
	[dreg:$0xe] =	wrdreg s19  }
0x18: {  	s9 =	simm.s32 $0x50;
	s21 =	sadd.s32 $0xA, s19;
	[dreg:$0xf] =	wrdreg s20  }
0x19: {  	s14 =	simm.s32 $0x1;
	s7 =	sadd.s32 $0x9C4A, s19;
	[dreg:$0x10] =	wrdreg s21  }
0x1a: {  	s12 =	simm.s32 $0x7;
	s24 =	sadd.s32 $0x14, s19;
	[dreg:$0x11] =	wrdreg s7  }
0x1b: {  	s22 =	simm.s32 $0x0;
	s25 =	sadd.s32 $0x9C54, s19;
	[dreg:$0x12] =	wrdreg s24  }
0x1c: {  	s5 =	sshrl.u32 s5, $0x3;
	s26 =	sadd.s32 $0x1E, s19;
	[dreg:$0x13] =	wrdreg s25  }
0x1d: {  	s31 =	sadd.s32 $0x9C5E, s19;
	s19 =	simm.s32 $0x9;
	[dreg:$0x14] =	wrdreg s26  }
0x1e: {  	s7 =	sshrl.u32 s23, $0x3;
	s21 =	sadd.s32 s5, s8;
	[dreg:$0x17] =	wrdreg s31  }
0x1f: {  	v0 =	vimm.f32 $0.0e+00;
	s5 =	simm.s32 $0x13880;
	s20 =	sadd.s32 s7, s8;
	s8 =	simm.s32 $0x5  }
.LBB2_1:
.Ltmp0:
0x20: {  	(pc) =	sbr.rel @p0 .LBB2_3-.Ltmp0, $4  }
0x21: {  	_ = 	snop  }
0x22: {  	s0 =	stileid.u32  }
0x23: {  	s2 =	rddreg [dreg:$0xc];
	s0 =	sshll.u32 s0, $0x6  }
0x24: {  	s23 =	sshrl.u32 s2, $0x3;
	s24 =	sor.u32 $0x1C0D, s0  }
.Ltmp1:
0x25: {  	s0 =	rddreg [dreg:$0xd];
	(pc) =	sbr.rel .LBB2_6-.Ltmp1, $4  }
0x26: {  	[spmem:s23], [sflag:s24] =	dma.local [hbm:s0], $0x2710  }
0x27: {  	_ =	swait.ge [sflag:s28], $0x2710  }
0x28: {  	[sflag:s28] =	ssyncset.done $0x0  }
0x29: {  	[sflag:s28] =	ssyncadd.s32 $0xFFFFD8F0  }
.LBB2_3:
0x2a: {  	s0 =	sand.u32 $0xFE00, s4  }
0x2b: {  	s2 =	sand.u32 $0x70, s4;
	s6 =	sshrl.u32 s0, $0x2  }
0x2c: {  	s0 =	simm.s32 $0x40;
	s6 =	sor.u32 s2, s6;
	s2 =	simm.s32 $0x0  }
.LBB2_4:
0x2d: {  	p1 =	sne.s32 s0, $0x9FC0  }
0x2e: {  	[tilespmem:s6+$0x13B00] =	vst v0;
	s2 =	sadd.s32 $0x10, s2;
	s6 =	smov.u32 s0;
	s0 =	sadd.s32 $0x40, s0  }
.Ltmp2:
0x2f: {  	(pc) =	sbr.rel @p1 .LBB2_4-.Ltmp2, $4  }
0x30: {  	_ = 	snop  }
0x31: {  	s6 =	sand.u32 $0xFE00, s6  }
0x32: {  	s7 =	sand.u32 $0x70, s2;
	s6 =	sshrl.u32 s6, $0x2  }
0x33: {  	s6 =	sor.u32 s7, s6  }
0x34: {  	[tilespmem:s6+$0x13B00] =	vst v0;
	s0 =	rddreg [dreg:$0x4]  }
0x35: {  	[spmem:s0] =	stream.linear.scatter [tilespmem:s10], [sflag:$0xD], $0x2800, $0x38;
	[tilespmem:$0x1DB00] =	vst v63  }
0x36: {  	_ =	swait.ge [sflag:s28], $0x2800  }
0x37: {  	[sflag:s28] =	ssyncset.done $0x0  }
0x38: {  	s6 =	rddreg [dreg:$0x5];
	[sflag:s28] =	ssyncadd.s32 $0xFFFFD800  }
0x39: {  	[spmem:s6] =	stream.linear.scatter [tilespmem:s10], [sflag:$0xD], $0x2800, $0x38;
	[tilespmem:$0x1DB00] =	vst v63  }
0x3a: {  	_ =	swait.ge [sflag:s28], $0x2800  }
0x3b: {  	[sflag:s28] =	ssyncset.done $0x0  }
0x3c: {  	s7 =	rddreg [dreg:$0x6];
	[sflag:s28] =	ssyncadd.s32 $0xFFFFD800  }
0x3d: {  	[spmem:s7] =	stream.linear.scatter [tilespmem:s10], [sflag:$0xD], $0x2800, $0x38;
	[tilespmem:$0x1DB00] =	vst v63  }
0x3e: {  	_ =	swait.ge [sflag:s28], $0x2800  }
0x3f: {  	[sflag:s28] =	ssyncset.done $0x0  }
0x40: {  	s25 =	rddreg [dreg:$0x7];
	[sflag:s28] =	ssyncadd.s32 $0xFFFFD800  }
0x41: {  	[spmem:s25] =	stream.linear.scatter [tilespmem:s10], [sflag:$0xD], $0x2800, $0x38;
	[tilespmem:$0x1DB00] =	vst v63  }
0x42: {  	_ =	swait.ge [sflag:s28], $0x2800  }
0x43: {  	[sflag:s28] =	ssyncset.done $0x0  }
0x44: {  	s26 =	rddreg [dreg:$0x8];
	[sflag:s28] =	ssyncadd.s32 $0xFFFFD800  }
0x45: {  	[spmem:s26] =	stream.linear.scatter [tilespmem:s10], [sflag:$0xD], $0x2800, $0x38;
	[tilespmem:$0x1DB00] =	vst v63  }
0x46: {  	_ =	swait.ge [sflag:s28], $0x2800  }
0x47: {  	[sflag:s28] =	ssyncset.done $0x0  }
0x48: {  	s29 =	rddreg [dreg:$0x9];
	[sflag:s28] =	ssyncadd.s32 $0xFFFFD800  }
0x49: {  	[spmem:s29] =	stream.linear.scatter [tilespmem:s10], [sflag:$0xD], $0x2800, $0x38;
	[tilespmem:$0x1DB00] =	vst v63  }
0x4a: {  	_ =	swait.ge [sflag:s28], $0x2800  }
0x4b: {  	[sflag:s28] =	ssyncset.done $0x0  }
0x4c: {  	s30 =	rddreg [dreg:$0xa];
	[sflag:s28] =	ssyncadd.s32 $0xFFFFD800  }
0x4d: {  	[spmem:s30] =	stream.linear.scatter [tilespmem:s10], [sflag:$0xD], $0x2800, $0x38;
	[tilespmem:$0x1DB00] =	vst v63  }
0x4e: {  	_ =	swait.ge [sflag:s28], $0x2800  }
0x4f: {  	[sflag:s28] =	ssyncset.done $0x0  }
0x50: {  	s31 =	rddreg [dreg:$0xb];
	[sflag:s28] =	ssyncadd.s32 $0xFFFFD800  }
0x51: {  	[spmem:s31] =	stream.linear.scatter [tilespmem:s10], [sflag:$0xD], $0x2080, $0x38;
	[tilespmem:$0x1DB00] =	vst v63  }
0x52: {  	_ =	swait.ge [sflag:s28], $0x2080  }
0x53: {  	[sflag:s28] =	ssyncset.done $0x0  }
0x54: {  	[sflag:s28] =	ssyncadd.s32 $0xFFFFDF80  }
.LBB2_6:
0x55: {  	[bflag:$0x0] =	sbarrier.arrive $0xFFFF  }
0x56: {  	s0 =	rddreg [dreg:$0xe]  }
0x57: {  	[tilespmem:s5], [sflag:$0x5] =	stream.linear.gather [hbm4b:s0+s4], $0x50, $0x38;
	[tilespmem:$0x1DB00] =	vst v63  }
0x58: {  	s2 =	rddreg [dreg:$0xf]  }
0x59: {  	[tilespmem:s13], [sflag:$0x5] =	stream.linear.gather [hbm4b:s2+s4], $0x50, $0x38;
	[tilespmem:$0x1DB00] =	vst v63  }
0x5a: {  	s6 =	rddreg [dreg:$0x10];
	s2 =	simm.s32 $0x138D0  }
0x5b: {  	[tilespmem:s2], [sflag:$0x6] =	stream.linear.gather [hbm4b:s6+s4], $0x50, $0x38;
	[tilespmem:$0x1DB00] =	vst v63  }
0x5c: {  	s7 =	rddreg [dreg:$0x11];
	s6 =	simm.s32 $0x13A10  }
0x5d: {  	[tilespmem:s6], [sflag:$0x6] =	stream.linear.gather [hbm4b:s7+s4], $0x50, $0x38;
	[tilespmem:$0x1DB00] =	vst v63  }
0x5e: {  	s26 =	simm.s32 $0x13920;
	s25 =	rddreg [dreg:$0x12]  }
0x5f: {  	[tilespmem:s26], [sflag:$0x7] =	stream.linear.gather [hbm4b:s25+s4], $0x50, $0x38;
	[tilespmem:$0x1DB00] =	vst v63  }
0x60: {  	s30 =	rddreg [dreg:$0x13]  }
0x61: {  	[tilespmem:s15], [sflag:$0x7] =	stream.linear.gather [hbm4b:s30+s4], $0x50, $0x38;
	[tilespmem:$0x1DB00] =	vst v63  }
0x62: {  	_ =	swait.ge [sflag:s8], $0x50  }
0x63: {  	[sflag:s8] =	ssyncset.done $0x0  }
0x64: {  	[sflag:s8] =	ssyncadd.s32 $0xFFFFFFB0  }
0x65: {  	_ =	swait.ge [sflag:s8], $0x50  }
0x66: {  	[sflag:s8] =	ssyncset.done $0x0  }
0x67: {  	[sflag:s8] =	ssyncadd.s32 $0xFFFFFFB0  }
0x68: {  	[tilespmem:s10], [sflag:$0x1] =	stream.indirect.gather [hbm4b:s1+s9], $0x80, s5, s9, $0xb8;
	[tilespmem:$0x1DB00] =	vst v63  }
0x69: {  	_ =	swait.ge [sflag:s11], $0x50  }
0x6a: {  	[sflag:s11] =	ssyncset.done $0x0  }
0x6b: {  	[sflag:s11] =	ssyncadd.s32 $0xFFFFFFB0  }
0x6c: {  	_ =	swait.ge [sflag:s11], $0x50  }
0x6d: {  	[sflag:s11] =	ssyncset.done $0x0  }
0x6e: {  	s5 =	simm.s32 $0x16300;
	[sflag:s11] =	ssyncadd.s32 $0xFFFFFFB0  }
0x6f: {  	[tilespmem:s5], [sflag:$0x2] =	stream.indirect.gather [hbm4b:s1+s9], $0x80, s2, s9, $0xb8;
	[tilespmem:$0x1DB00] =	vst v63  }
0x70: {  	_ =	swait.ge [sflag:s14], $0x2800  }
0x71: {  	[sflag:s14] =	ssyncset.done $0x0  }
0x72: {  	[sflag:s14] =	ssyncadd.s32 $0xFFFFD800  }
0x73: {  	[spmem:s3] =	stream.indirect.scatter.add.f32 [tilespmem:s10], [sflag:$0x9], $0x80, s13, s9, $0xb8;
	[tilespmem:$0x1DB00] =	vst v63  }
0x74: {  	s7 =	rddreg [dreg:$0x14];
	s13 =	simm.s32 $0x13970  }
0x75: {  	[tilespmem:s13], [sflag:$0x8] =	stream.linear.gather [hbm4b:s7+s4], $0x50, $0x38;
	[tilespmem:$0x1DB00] =	vst v63  }
0x76: {  	s15 =	rddreg [dreg:$0x17]  }
0x77: {  	[tilespmem:s16], [sflag:$0x8] =	stream.linear.gather [hbm4b:s15+s4], $0x50, $0x38;
	[tilespmem:$0x1DB00] =	vst v63  }
0x78: {  	_ =	swait.ge [sflag:s12], $0x50  }
0x79: {  	[sflag:s12] =	ssyncset.done $0x0  }
0x7a: {  	[sflag:s12] =	ssyncadd.s32 $0xFFFFFFB0  }
0x7b: {  	_ =	swait.ge [sflag:s12], $0x50  }
0x7c: {  	[sflag:s12] =	ssyncset.done $0x0  }
0x7d: {  	[sflag:s12] =	ssyncadd.s32 $0xFFFFFFB0  }
0x7e: {  	[tilespmem:s17], [sflag:$0x3] =	stream.indirect.gather [hbm4b:s1+s9], $0x80, s26, s9, $0xb8;
	[tilespmem:$0x1DB00] =	vst v63  }
0x7f: {  	s17 =	simm.s32 $0x1  }
0x80: {  	s0 =	sand.u32 $0x3, s17  }
0x81: {  	s25 =	simm.s32 $0x4;
	s26 =	smul.u32 $0xA000, s0  }
0x82: {  	s2 =	sand.u32 $0x3, s25;
	s7 =	sadd.s32 $0x1, s0;
	s30 =	smul.u32 $0x140, s0  }
0x83: {  	s25 =	sadd.s32 $0x9, s2;
	s13 =	sadd.s32 $0x9, s0;
	_ =	swait.ge [sflag:s7], $0x2800  }
0x84: {  	s6 =	sshrl.u32 s26, $0x2;
	[sflag:s7] =	ssyncset.done $0x0;
	s15 =	sshrl.u32 s30, $0x2  }
0x85: {  	s6 =	sadd.s32 $0x13B00, s6;
	[sflag:s7] =	ssyncadd.s32 $0xFFFFD800;
	s5 =	sadd.s32 $0x139C0, s15  }
0x86: {  	[spmem:s3] =	stream.indirect.scatter.add.f32 [tilespmem:s6], [sflag:s13], $0x80, s5, s9, $0xb8;
	[tilespmem:$0x1DB00] =	vst v63  }
0x87: {  	s16 =	sxor.u32 $0x2, s0;
	s15 =	smul.u32 $0x50, s2;
	_ =	swait.ge [sflag:s25], $0x2800  }
0x88: {  	s31 =	sadd.s32 $0xA, s21;
	s17 =	smul.u32 $0x140, s16;
	[sflag:s25] =	ssyncset.done $0x0  }
0x89: {  	s2 =	sadd.s32 $0x5, s2;
	[sflag:s25] =	ssyncadd.s32 $0xFFFFD800;
	s25 =	sadd.s32 $0x13880, s15  }
0x8a: {  	[tilespmem:s25], [sflag:s2] =	stream.linear.gather [hbm4b:s20+s4], $0x50, $0x38;
	[tilespmem:$0x1DB00] =	vst v63  }
0x8b: {  	s0 =	sadd.s32 $0x5, s16;
	s30 =	smul.u32 $0xA000, s16;
	s6 =	sadd.s32 $0x139C0, s15  }
0x8c: {  	[tilespmem:s6], [sflag:s2] =	stream.linear.gather [hbm4b:s21+s4], $0x50, $0x38;
	[tilespmem:$0x1DB00] =	vst v63  }
0x8d: {  	s26 =	simm.s32 $0x5;
	s29 =	sshrl.u32 s30, $0x2;
	_ =	swait.ge [sflag:s0], $0x50  }
0x8e: {  	s7 =	sand.u32 $0x3, s26;
	s29 =	sadd.s32 $0x13B00, s29;
	[sflag:s0] =	ssyncset.done $0x0  }
0x8f: {  	s15 =	sadd.s32 $0x1, s16;
	s25 =	sadd.s32 $0xA, s20;
	[sflag:s0] =	ssyncadd.s32 $0xFFFFFFB0  }
0x90: {  	s2 =	sshrl.u32 s17, $0x2;
	s6 =	simm.s32 $0x6;
	_ =	swait.ge [sflag:s0], $0x50  }
.LBB2_7:
0x91: {  	s30 =	sadd.s32 $0xFFFFFFFD, s26  }
0x92: {  	s5 =	sadd.s32 $0x9, s7;
	s13 =	smul.u32 $0x50, s7;
	s26 =	smov.u32 s6  }
0x93: {  	s2 =	sadd.s32 $0x13880, s2;
	s30 =	sand.u32 $0x3, s30;
	[sflag:s0] =	ssyncset.done $0x0  }
0x94: {  	s16 =	sadd.s32 $0x1, s30;
	s17 =	smul.u32 $0xA000, s30;
	[sflag:s0] =	ssyncadd.s32 $0xFFFFFFB0  }
0x95: {  	[tilespmem:s29], [sflag:s15] =	stream.indirect.gather [hbm4b:s1+s9], $0x80, s2, s9, $0xb8;
	[tilespmem:$0x1DB00] =	vst v63  }
0x96: {  	s15 =	sxor.u32 $0x2, s30;
	s2 =	smul.u32 $0x140, s30;
	s0 =	sshrl.u32 s17, $0x2  }
0x97: {  	s17 =	smul.u32 $0x140, s15;
	s0 =	sadd.s32 $0x13B00, s0;
	_ =	swait.ge [sflag:s16], $0x2800  }
0x98: {  	s29 =	smul.u32 $0xA000, s15;
	s2 =	sshrl.u32 s2, $0x2;
	[sflag:s16] =	ssyncset.done $0x0  }
0x99: {  	s2 =	sadd.s32 $0x139C0, s2;
	[sflag:s16] =	ssyncadd.s32 $0xFFFFD800;
	s16 =	sadd.s32 $0x9, s30  }
0x9a: {  	[spmem:s3] =	stream.indirect.scatter.add.f32 [tilespmem:s0], [sflag:s16], $0x80, s2, s9, $0xb8;
	[tilespmem:$0x1DB00] =	vst v63  }
0x9b: {  	s2 =	sshrl.u32 s17, $0x2;
	s16 =	sshrl.u32 s29, $0x2;
	_ =	swait.ge [sflag:s5], $0x2800  }
0x9c: {  	p1 =	sne.s32 s6, $0x7C;
	s6 =	sadd.s32 $0x1, s6;
	[sflag:s5] =	ssyncset.done $0x0  }
0x9d: {  	s0 =	sadd.s32 $0x13880, s13;
	[sflag:s5] =	ssyncadd.s32 $0xFFFFD800;
	s5 =	sadd.s32 $0x5, s7  }
0x9e: {  	[tilespmem:s0], [sflag:s5] =	stream.linear.gather [hbm4b:s25+s4], $0x50, $0x38;
	[tilespmem:$0x1DB00] =	vst v63  }
0x9f: {  	s7 =	sadd.s32 $0x139C0, s13;
	s0 =	sadd.s32 $0x5, s15  }
0xa0: {  	[tilespmem:s7], [sflag:s5] =	stream.linear.gather [hbm4b:s31+s4], $0x50, $0x38;
	[tilespmem:$0x1DB00] =	vst v63  }
.Ltmp3:
0xa1: {  	_ = 	snop;
	(pc) =	sbr.rel @p1 .LBB2_7-.Ltmp3, $4  }
0xa2: {  	_ =	swait.ge [sflag:s0], $0x50  }
0xa3: {  	s31 =	sadd.s32 $0xA, s31;
	[sflag:s0] =	ssyncset.done $0x0  }
0xa4: {  	s15 =	sadd.s32 $0x1, s15;
	s25 =	sadd.s32 $0xA, s25;
	[sflag:s0] =	ssyncadd.s32 $0xFFFFFFB0  }
0xa5: {  	s29 =	sadd.s32 $0x13B00, s16;
	s7 =	sand.u32 $0x3, s26;
	_ =	swait.ge [sflag:s0], $0x50  }
0xa6: {  	s5 =	sadd.s32 $0xFFFFFFFD, s26;
	[sflag:s0] =	ssyncset.done $0x0  }
0xa7: {  	s2 =	sadd.s32 $0x13880, s2;
	[sflag:s0] =	ssyncadd.s32 $0xFFFFFFB0;
	s0 =	sand.u32 $0x3, s5  }
0xa8: {  	[tilespmem:s29], [sflag:s15] =	stream.indirect.gather [hbm4b:s1+s9], $0x80, s2, s9, $0xb8;
	[tilespmem:$0x1DB00] =	vst v63  }
0xa9: {  	s30 =	smul.u32 $0xA000, s0  }
0xaa: {  	s5 =	sadd.s32 $0x1, s0;
	s6 =	smul.u32 $0x140, s0  }
0xab: {  	s13 =	sadd.s32 $0x9, s0;
	s15 =	sadd.s32 $0x9, s7;
	_ =	swait.ge [sflag:s5], $0x2800  }
0xac: {  	s2 =	sshrl.u32 s30, $0x2;
	[sflag:s5] =	ssyncset.done $0x0;
	s6 =	sshrl.u32 s6, $0x2  }
0xad: {  	s2 =	sadd.s32 $0x13B00, s2;
	[sflag:s5] =	ssyncadd.s32 $0xFFFFD800;
	s6 =	sadd.s32 $0x139C0, s6  }
0xae: {  	[spmem:s3] =	stream.indirect.scatter.add.f32 [tilespmem:s2], [sflag:s13], $0x80, s6, s9, $0xb8;
	[tilespmem:$0x1DB00] =	vst v63  }
0xaf: {  	s16 =	smul.u32 $0x50, s7;
	_ =	swait.ge [sflag:s15], $0x2800  }
0xb0: {  	s17 =	sadd.s32 $0x5, s7;
	[sflag:s15] =	ssyncset.done $0x0  }
0xb1: {  	s26 =	sadd.s32 $0x13880, s16;
	s0 =	sxor.u32 $0x2, s0;
	[sflag:s15] =	ssyncadd.s32 $0xFFFFD800  }
0xb2: {  	[tilespmem:s26], [sflag:s17] =	stream.linear.gather [hbm4b:s25+s4], $0x50, $0x38;
	[tilespmem:$0x1DB00] =	vst v63  }
0xb3: {  	s29 =	sadd.s32 $0x5, s0;
	s5 =	sadd.s32 $0x139C0, s16  }
0xb4: {  	[tilespmem:s5], [sflag:s17] =	stream.linear.gather [hbm4b:s31+s4], $0x50, $0x38;
	[tilespmem:$0x1DB00] =	vst v63  }
0xb5: {  	s30 =	smul.u32 $0x140, s0;
	_ =	swait.ge [sflag:s29], $0x50  }
0xb6: {  	[sflag:s29] =	ssyncset.done $0x0  }
0xb7: {  	s7 =	sshrl.u32 s30, $0x2;
	s31 =	smul.u32 $0xA000, s0;
	[sflag:s29] =	ssyncadd.s32 $0xFFFFFFB0  }
0xb8: {  	s2 =	sadd.s32 $0x13880, s7;
	_ =	swait.ge [sflag:s29], $0x50  }
0xb9: {  	s15 =	simm.s32 $0x3;
	s13 =	sshrl.u32 s31, $0x2;
	[sflag:s29] =	ssyncset.done $0x0  }
0xba: {  	s0 =	sadd.s32 $0x1, s0;
	s5 =	sadd.s32 $0x13B00, s13;
	[sflag:s29] =	ssyncadd.s32 $0xFFFFFFB0  }
0xbb: {  	[tilespmem:s5], [sflag:s0] =	stream.indirect.gather [hbm4b:s1+s9], $0x80, s2, s9, $0xb8;
	[tilespmem:$0x1DB00] =	vst v63  }
0xbc: {  	_ =	swait.ge [sflag:s15], $0x2800  }
0xbd: {  	[sflag:s15] =	ssyncset.done $0x0  }
0xbe: {  	s17 =	simm.s32 $0x18B00;
	[sflag:s15] =	ssyncadd.s32 $0xFFFFD800;
	s15 =	simm.s32 $0x13A60  }
0xbf: {  	[spmem:s3] =	stream.indirect.scatter.add.f32 [tilespmem:s17], [sflag:$0xB], $0x80, s15, s9, $0xb8;
	[tilespmem:$0x1DB00] =	vst v63  }
0xc0: {  	_ =	swait.ge [sflag:s8], $0x50  }
0xc1: {  	[sflag:s8] =	ssyncset.done $0x0  }
0xc2: {  	[sflag:s8] =	ssyncadd.s32 $0xFFFFFFB0  }
0xc3: {  	_ =	swait.ge [sflag:s8], $0x50  }
0xc4: {  	[sflag:s8] =	ssyncset.done $0x0  }
0xc5: {  	s16 =	simm.s32 $0x4;
	s5 =	simm.s32 $0x13880;
	[sflag:s8] =	ssyncadd.s32 $0xFFFFFFB0  }
0xc6: {  	[tilespmem:s10], [sflag:$0x1] =	stream.indirect.gather [hbm4b:s1+s9], $0x80, s5, s9, $0xb8;
	[tilespmem:$0x1DB00] =	vst v63  }
0xc7: {  	_ =	swait.ge [sflag:s16], $0x2800  }
0xc8: {  	[sflag:s16] =	ssyncset.done $0x0  }
0xc9: {  	s25 =	simm.s32 $0x1B300;
	[sflag:s16] =	ssyncadd.s32 $0xFFFFD800;
	s16 =	simm.s32 $0x13AB0  }
0xca: {  	[spmem:s3] =	stream.indirect.scatter.add.f32 [tilespmem:s25], [sflag:$0xC], $0x80, s16, s9, $0xb8;
	[tilespmem:$0x1DB00] =	vst v63  }
0xcb: {  	_ =	swait.ge [sflag:s14], $0x2800  }
0xcc: {  	[sflag:s14] =	ssyncset.done $0x0  }
0xcd: {  	s26 =	simm.s32 $0xA;
	s13 =	simm.s32 $0x139C0;
	[sflag:s14] =	ssyncadd.s32 $0xFFFFD800  }
0xce: {  	[spmem:s3] =	stream.indirect.scatter.add.f32 [tilespmem:s10], [sflag:$0x9], $0x80, s13, s9, $0xb8;
	[tilespmem:$0x1DB00] =	vst v63  }
0xcf: {  	_ =	swait.ge [sflag:s26], $0x2800  }
0xd0: {  	[sflag:s26] =	ssyncset.done $0x0  }
0xd1: {  	s29 =	simm.s32 $0xB;
	[sflag:s26] =	ssyncadd.s32 $0xFFFFD800  }
0xd2: {  	_ =	swait.ge [sflag:s29], $0x2800  }
0xd3: {  	[sflag:s29] =	ssyncset.done $0x0  }
0xd4: {  	[sflag:s29] =	ssyncadd.s32 $0xFFFFD800  }
0xd5: {  	_ =	swait.ge [sflag:s18], $0x2800  }
0xd6: {  	[sflag:s18] =	ssyncset.done $0x0  }
0xd7: {  	[sflag:s18] =	ssyncadd.s32 $0xFFFFD800  }
0xd8: {  	_ =	swait.ge [sflag:s19], $0x2800  }
0xd9: {  	[sflag:s19] =	ssyncset.done $0x0  }
0xda: {  	[sflag:s19] =	ssyncadd.s32 $0xFFFFD800  }
0xdb: {  	[bflag:$0x0] =	sbarrier.arrive $0xFFFF  }
0xdc: {  	s30 =	rddreg [dreg:$0x15]  }
0xdd: {  	[hbm:s30], [sflag:s24] =	dma.local [spmem:s23], $0x2710  }
0xde: {  	_ =	swait.ge [sflag:s28], $0x2710  }
0xdf: {  	s22 =	sadd.s32 $0x1, s22;
	s31 =	rddreg [dreg:$0x16]  }
0xe0: {  	p1 =	sne.s32 s22, s31  }
.Ltmp4:
0xe1: {  	_ = 	snop;
	(pc) =	sbr.rel @p1 .LBB2_1-.Ltmp4, $3  }
0xe2: {  	_ =	sdelay $0x1  }
0xe3: {  	[sflag:s28] =	ssyncset.done $0x0  }
0xe4: {  	[sflag:s28] =	ssyncadd.s32 $0xFFFFD8F0  }
0xe5: {  	_ =	sfence.sel $0x180000  }
0xe6: {  	[bflag:$0x0] =	sbarrier.arrive $0xFFFF  }
0xe7: {  	_ =	strace $0x90000047  }
0xe8: {  	s0 =	stileid.u32;
	[bflag:$0x2] =	sbarrier.arrive $0xFFFF  }
0xe9: {  	p0 =	sne.s32 s0, $0x0;
	s0 =	rddreg [dreg:$0x3]  }
0xea: {  	s0 =	sadd.s32 @!p0 $0x100000, s0  }
0xeb: {  	[sflag:s0] =	ssyncadd.tile.s32 @!p0 $0x1;
	_ =	shalt  }
.Lfunc_end2:
_tile_overlayer_lowered:
.L_overlay_start_2:
0xec: {  	(tag) =	ssettag $0x2  }
0xed: {  	s0 =	rddreg [dreg:$0x0];
	s2 =	stileid.u32  }
0xee: {  	s1 =	rddreg [dreg:$0x1];
	p0 =	sne.s32 s2, $0x0  }
0xef: {  	s3 =	rddreg [dreg:$0x2];
	[bflag:$0x3] =	sbarrier.arrive $0xFFFF;
	s2 =	simm.s32 @!p0 $0x1C0D  }
0xf0: {  	[timem:s3], [sflag:s2] =	dma.local @!p0 [hbm:s0], s1  }
0xf1: {  	s0 =	simm.s32 @!p0 $0xD  }
0xf2: {  	_ =	swait.ge @!p0 [sflag:s0], s1  }
0xf3: {  	s1 =	ssub.s32 @!p0 $0x0, s1;
	[sflag:s0] =	ssyncset.done @!p0 $0x0  }
0xf4: {  	[sflag:s0] =	ssyncadd.s32 @!p0 s1  }
0xf5: {  	[bflag:$0x3] =	sbarrier.arrive $0xFFFF  }
0xf6: {  	_ =	shalt  }

</sc_bundles>
